<compile_context>
chip_gen: v7x
topology: tpu7x:2x2x1
jax: 0.10.2.dev20260603
libtpu: 0.0.44.dev20260713+nightly
codegen_flags: <defaults>
</compile_context>

<pallas_src>
import jax
import jax.numpy as jnp
from jax import lax
from jax.experimental import pallas as pl
from jax.experimental.pallas import tpu as pltpu
from jax.experimental.pallas import tpu_sc as plsc

_NC = 2
_NS = 16
_NW = _NC * _NS


def _sc_mesh():
    return plsc.VectorSubcoreMesh(core_axis_name="c", subcore_axis_name="s",
                                  num_cores=_NC, num_subcores=_NS)


def _reduce_groups(rows, CHN, DEG, NV, outv, out_base, D):
    zero = jnp.zeros((16,), jnp.float32)

    def jbody(j, accs):
        return tuple(
            accs[g * NV + v] + rows[g * DEG + j, pl.ds(v * 16, 16)]
            for g in range(CHN) for v in range(NV))

    accs = lax.fori_loop(0, DEG, jbody, (zero,) * (CHN * NV))
    for g in range(CHN):
        for v in range(NV):
            outv[pl.ds(out_base + g * D + v * 16, 16)] = accs[g * NV + v]


def _make_agg_all(N, D, DEG, NP):
    CHI = 128
    CHN = CHI // DEG
    R = NP // _NW
    NCH = (R * DEG) // CHI
    NV = D // 16

    NBUF = 2

    RS = -(-(N // _NS) // 8) * 8
    RS_LAST = N - (_NS - 1) * RS

    def body(adj_hbm, feat_hbm, out_hbm, adjv, rows0, rows1, oc0, oc1,
             shared, sem0, sem1, semo0, semo1):
        c = lax.axis_index("c")
        s = lax.axis_index("s")
        wid = s * _NC + c
        bufs = ((rows0, sem0, oc0, semo0), (rows1, sem1, oc1, semo1))

        @pl.when(s < _NS - 1)
        def _():
            pltpu.sync_copy(feat_hbm.at[pl.ds(s * RS, RS)],
                            shared.at[pl.ds(s * RS, RS)])

        @pl.when(s == _NS - 1)
        def _():
            pltpu.sync_copy(feat_hbm.at[pl.ds((_NS - 1) * RS, RS_LAST)],
                            shared.at[pl.ds((_NS - 1) * RS, RS_LAST)])
        pltpu.sync_copy(adj_hbm.at[wid], adjv)
        plsc.subcore_barrier()

        def out_slice(cc):
            return out_hbm.at[pl.ds((wid * R + cc * CHN) * D, CHN * D)]

        for b, (rows, sem, _oc, _semo) in enumerate(bufs):
            pltpu.async_copy(shared.at[adjv.at[b]], rows, sem)

        def chunk_group(i, _):
            for b, (rows, sem, oc, semo) in enumerate(bufs):
                cc = i * NBUF + b
                pltpu.make_async_copy(
                    shared.at[adjv.at[cc]], rows, sem).wait()
                @pl.when(cc >= NBUF)
                def _():
                    pltpu.make_async_copy(oc, out_slice(cc - NBUF), semo).wait()
                _reduce_groups(rows, CHN, DEG, NV, oc, 0, D)
                pltpu.async_copy(oc, out_slice(cc), semo)
                @pl.when(cc + NBUF < NCH)
                def _():
                    pltpu.async_copy(
                        shared.at[adjv.at[cc + NBUF]], rows, sem)
            return 0

        lax.fori_loop(0, NCH // NBUF, chunk_group, 0)
        for b, (rows, sem, oc, semo) in enumerate(bufs):
            pltpu.make_async_copy(oc, out_slice(NCH - NBUF + b), semo).wait()

    kern = pl.kernel(
        body,
        out_type=jax.ShapeDtypeStruct((NP * D,), jnp.float32),
        mesh=_sc_mesh(),
        scratch_types=[
            pltpu.VMEM((NCH, CHI), jnp.int32),
            pltpu.VMEM((CHI, D), jnp.float32),
            pltpu.VMEM((CHI, D), jnp.float32),
            pltpu.VMEM((CHN * D,), jnp.float32),
            pltpu.VMEM((CHN * D,), jnp.float32),
            pltpu.VMEM_SHARED((N, D), jnp.float32),
            pltpu.SemaphoreType.DMA,
            pltpu.SemaphoreType.DMA,
            pltpu.SemaphoreType.DMA,
            pltpu.SemaphoreType.DMA,
        ],
    )
    return kern


def _make_seed_agg(N, H, DEG, B):
    SB = B // _NW
    NV = H // 16
    CHI = 128
    CHN = CHI // DEG
    NCH = (SB * DEG) // CHI

    NBUF = 2

    def body(nodes_hbm, adj_hbm, h1_hbm, self_hbm, agg_hbm,
             nodesv, qrow, adjrows, idxv, selfv, neigh0, neigh1, aggv,
             sem0, sem1, sem_self):
        c = lax.axis_index("c")
        s = lax.axis_index("s")
        wid = s * _NC + c
        base = wid * SB
        bufs = ((neigh0, sem0), (neigh1, sem1))[:NBUF]

        pltpu.sync_copy(nodes_hbm.at[pl.ds(base, SB)], nodesv)
        QR = 128 // DEG
        qsh = QR.bit_length() - 1
        for k in range(SB // 16):
            qrow[pl.ds(k * 16, 16)] = nodesv[pl.ds(k * 16, 16)] >> qsh
        pltpu.async_copy(adj_hbm.at[qrow], adjrows, sem0).wait()
        cp_self = pltpu.async_copy(h1_hbm.at[nodesv], selfv, sem_self)

        for blk16 in range(SB // 16):
            qvec = (nodesv[pl.ds(blk16 * 16, 16)] & (QR - 1)) * DEG
            for m in range(16):
                si = blk16 * 16 + m
                start = qvec[m]
                for k in range(DEG // 16):
                    flat = si * DEG + k * 16
                    idxv[flat // CHI, pl.ds(flat % CHI, 16)] = (
                        adjrows[si, pl.ds(start + k * 16, 16)])

        for b, (neigh, sem) in enumerate(bufs):
            pltpu.async_copy(h1_hbm.at[idxv.at[b]], neigh, sem)

        def chunk_group(i, _):
            for b, (neigh, sem) in enumerate(bufs):
                cc = i * NBUF + b
                pltpu.make_async_copy(
                    h1_hbm.at[idxv.at[cc]], neigh, sem).wait()
                _reduce_groups(neigh, CHN, DEG, NV, aggv, cc * CHN * H, H)
                @pl.when(cc + NBUF < NCH)
                def _():
                    pltpu.async_copy(
                        h1_hbm.at[idxv.at[cc + NBUF]], neigh, sem)
            return 0

        lax.fori_loop(0, NCH // NBUF, chunk_group, 0)
        cp_self.wait()
        pltpu.sync_copy(selfv, self_hbm.at[pl.ds(base, SB)])
        pltpu.sync_copy(aggv, agg_hbm.at[pl.ds(base * H, SB * H)])

    kern = pl.kernel(
        body,
        out_type=(
            jax.ShapeDtypeStruct((B, H), jnp.float32),
            jax.ShapeDtypeStruct((B * H,), jnp.float32),
        ),
        mesh=_sc_mesh(),
        scratch_types=[
            pltpu.VMEM((SB,), jnp.int32),
            pltpu.VMEM((SB,), jnp.int32),
            pltpu.VMEM((SB, 128), jnp.int32),
            pltpu.VMEM((NCH, CHI), jnp.int32),
            pltpu.VMEM((SB, H), jnp.float32),
            pltpu.VMEM((CHI, H), jnp.float32),
            pltpu.VMEM((CHI, H), jnp.float32),
            pltpu.VMEM((SB * H,), jnp.float32),
            pltpu.SemaphoreType.DMA,
            pltpu.SemaphoreType.DMA,
            pltpu.SemaphoreType.DMA,
        ],
    )
    return kern


def _layer1_matmul(x, agg, w1aT, w1bT, DEG, blk):
    M, D = x.shape
    H = w1aT.shape[1]
    inv = 1.0 / DEG

    def body(x_ref, g_ref, wa_ref, wb_ref, o_ref):
        h = jnp.dot(x_ref[...], wa_ref[...], preferred_element_type=jnp.float32)
        h = h + jnp.dot(g_ref[...] * inv, wb_ref[...],
                        preferred_element_type=jnp.float32)
        o_ref[...] = jnp.maximum(h, 0.0)

    return pl.pallas_call(
        body,
        grid=(M // blk,),
        in_specs=[
            pl.BlockSpec((blk, D), lambda i: (i, 0)),
            pl.BlockSpec((blk, D), lambda i: (i, 0)),
            pl.BlockSpec((D, H), lambda i: (0, 0)),
            pl.BlockSpec((D, H), lambda i: (0, 0)),
        ],
        out_specs=pl.BlockSpec((blk, H), lambda i: (i, 0)),
        out_shape=jax.ShapeDtypeStruct((M, H), jnp.float32),
    )(x, agg, w1aT, w1bT)


def _layer2_matmul(self_emb, agg2, w2aT, w2bT, cw, DEG):
    B, H = self_emb.shape
    OUT = cw.shape[1]
    inv = 1.0 / DEG

    def body(s_ref, g_ref, wa_ref, wb_ref, cw_ref, o_ref):
        h = jnp.dot(s_ref[...], wa_ref[...], preferred_element_type=jnp.float32)
        h = h + jnp.dot(g_ref[...] * inv, wb_ref[...],
                        preferred_element_type=jnp.float32)
        h = jnp.maximum(h, 0.0)
        o_ref[...] = jnp.dot(h, cw_ref[...], preferred_element_type=jnp.float32)

    return pl.pallas_call(
        body,
        out_shape=jax.ShapeDtypeStruct((B, OUT), jnp.float32),
    )(self_emb, agg2, w2aT, w2bT, cw)


def kernel(nodes, adj, features, w1, w2, cw):
    N, D = features.shape
    DEG = adj.shape[1]
    B = nodes.shape[0]
    H = w1.shape[0]

    CHN = 128 // DEG
    step = _NW * CHN * 4
    NP = ((N + step - 1) // step) * step
    adj_p = jnp.pad(adj, ((0, NP - N), (0, 0)))
    adj3 = adj_p.reshape(_NW, (NP // _NW * DEG) // 128, 128)

    agg_flat = _make_agg_all(N, D, DEG, NP)(adj3, features)
    agg1 = agg_flat.reshape(NP, D)

    w1aT = w1[:, :D].T
    w1bT = w1[:, D:].T
    h1 = _layer1_matmul(features, agg1, w1aT, w1bT, DEG, blk=N // 10)

    adj4 = adj_p.reshape((NP * DEG) // 128, 128)
    self_emb, agg2_flat = _make_seed_agg(N, H, DEG, B)(nodes, adj4, h1)
    agg2 = agg2_flat.reshape(B, H)

    w2aT = w2[:, :H].T
    w2bT = w2[:, H:].T
    return _layer2_matmul(self_emb, agg2, w2aT, w2bT, cw, DEG)

# --- scband reference (transcript-rebuilt; emitter-appended) ---
"""Pipeline reference for scband-graph-sage-58420145160634 (READ-ONLY COPY).

The authoritative reference and input builder live on the scoring server;
editing this copy changes nothing except your own understanding.
"""

import jax, jax.numpy as jnp
import numpy as np

N = 10000      # n_nodes
DEG = 32       # avg_degree (regular graph: every node has exactly DEG neighbors)
D = 128        # feat_dim
H = 128        # hidden_dim
OUT = 64       # out_dim
B = 1024       # batch of seed nodes


def _xavier_uniform(key, shape):
    fan_in, fan_out = shape[1], shape[0]
    a = float(np.sqrt(6.0 / (fan_in + fan_out)))
    return jax.random.uniform(key, shape, minval=-a, maxval=a, dtype=jnp.float32)


def setup_inputs(seed: int = 0) -> dict:
    key = jax.random.key(seed)
    k1, k2, k3, k4, k5, k6 = jax.random.split(key, 6)
    features = jax.random.normal(k1, (N, D), dtype=jnp.float32)
    # adjacency as fixed-degree neighbor lists (dense representation of the sparse adj_mtx rows)
    adj = jax.random.randint(k2, (N, DEG), 0, N, dtype=jnp.int32)
    nodes = jax.random.randint(k3, (B,), 0, N, dtype=jnp.int32)
    w1 = _xavier_uniform(k4, (H, D + D))      # [hidden, feat+feat]
    w2 = _xavier_uniform(k5, (H, H + H))      # [hidden, hidden+hidden]
    cw = _xavier_uniform(k6, (H, OUT))        # [hidden, out]
    return {"nodes": nodes, "adj": adj, "features": features, "w1": w1, "w2": w2, "cw": cw}


def reference(nodes, adj, features, w1, w2, cw):
    # layer1_forward: for each node, mean-aggregate neighbor features, concat with self feature,
    # then relu(w1 @ X^T)^T  == relu(X @ w1^T)
    def layer1(ns):
        neigh = adj[ns]                       # [M, DEG]
        neigh_feat = features[neigh]          # [M, DEG, D] (gather)
        agg = neigh_feat.sum(axis=1) / DEG    # mean aggregation
        h = jnp.concatenate([features[ns], agg], axis=1)   # [M, 2D]
        return jax.nn.relu(h @ w1.T)          # [M, H]

    # layer2_forward: per seed node, layer1 embeds of (neighbors ++ self),
    # mean-aggregate neighbor embeds, concat with self embed, relu(w2 @ .)
    neigh = adj[nodes]                                        # [B, DEG]
    l1_nodes = jnp.concatenate([neigh, nodes[:, None].astype(adj.dtype)], axis=1)  # [B, DEG+1]
    Bn = nodes.shape[0]
    embeds = layer1(l1_nodes.reshape(-1)).reshape(Bn, DEG + 1, H)
    agg2 = embeds[:, :-1].sum(axis=1) / DEG                   # [B, H]
    self_emb = embeds[:, -1]                                  # [B, H]
    h2 = jnp.concatenate([self_emb, agg2], axis=1)            # [B, 2H]
    layer2_out = jax.nn.relu(h2 @ w2.T)                       # [B, H]
    return layer2_out @ cw                                    # [B, OUT]

if __name__ == "__main__":
    import jax
    _d = setup_inputs()
    print(jax.jit(kernel)(*tuple(_d.values())))

</pallas_src>

<mosaic_0001>
#map = affine_map<(d0, d1) -> (0)>
#map1 = affine_map<(d0, d1) -> (0, 0)>
module attributes {stable_mosaic.version = 14 : i64} {
  func.func @body(%arg0: i32, %arg1: i32, %arg2: memref<1024xi32, #tpu.memory_space<hbm>>, %arg3: memref<2560x128xi32, #tpu.memory_space<hbm>>, %arg4: memref<10000x128xf32, #tpu.memory_space<hbm>>, %arg5: memref<1024x128xf32, #tpu.memory_space<hbm>>, %arg6: memref<131072xf32, #tpu.memory_space<hbm>>, %arg7: memref<32xi32, #tpu.memory_space<vmem>>, %arg8: memref<32xi32, #tpu.memory_space<vmem>>, %arg9: memref<32x128xi32, #tpu.memory_space<vmem>>, %arg10: memref<8x128xi32, #tpu.memory_space<vmem>>, %arg11: memref<32x128xf32, #tpu.memory_space<vmem>>, %arg12: memref<128x128xf32, #tpu.memory_space<vmem>>, %arg13: memref<128x128xf32, #tpu.memory_space<vmem>>, %arg14: memref<4096xf32, #tpu.memory_space<vmem>>, %arg15: memref<!tpu.dma_semaphore, #tpu.memory_space<semaphore_mem>>, %arg16: memref<!tpu.dma_semaphore, #tpu.memory_space<semaphore_mem>>, %arg17: memref<!tpu.dma_semaphore, #tpu.memory_space<semaphore_mem>>) attributes {dimension_semantics = [#tpu.dimension_semantics<core_parallel>, #tpu.dimension_semantics<subcore_parallel>], iteration_bounds = array<i64: 2, 16>, scalar_prefetch = 0 : i64, scratch_operands = 11 : i64, tpu.core_type = #tpu.core_type<sc_vector_subcore>, window_params = [{transform_indices = #map}, {transform_indices = #map1}, {transform_indices = #map1}, {transform_indices = #map1}, {transform_indices = #map}]} {
    %mul3A = arith.constant 2 : i32
    %mul3A_0 = arith.muli %arg1, %mul3A : i32
    %add3A = arith.addi %mul3A_0, %arg0 : i32
    %mul3A_1 = arith.constant 32 : i32
    %mul3A_2 = arith.muli %add3A, %mul3A_1 : i32
    "tpu.region"() ({
      %run_scoped3A = tpu.sem_alloc : memref<!tpu.dma_semaphore, #tpu.memory_space<semaphore_mem>>
      %dma_start3A_963 = tpu.memref_slice %arg2[%mul3A_2] : memref<1024xi32, #tpu.memory_space<hbm>> -> memref<32xi32, #tpu.memory_space<hbm>>
      %dma_start3A_964 = tpu.memref_slice %arg2[%mul3A_2] : memref<1024xi32, #tpu.memory_space<hbm>> -> memref<32xi32, #tpu.memory_space<hbm>>
      tpu.enqueue_dma source(%dma_start3A_964 : memref<32xi32, #tpu.memory_space<hbm>>) target(%arg7 : memref<32xi32, #tpu.memory_space<vmem>>) target_semaphore(%run_scoped3A : memref<!tpu.dma_semaphore, #tpu.memory_space<semaphore_mem>>)
      %dma_wait3A_965 = tpu.memref_slice %arg2[%mul3A_2] : memref<1024xi32, #tpu.memory_space<hbm>> -> memref<32xi32, #tpu.memory_space<hbm>>
      %dma_wait3A_966 = tpu.memref_slice %arg2[%mul3A_2] : memref<1024xi32, #tpu.memory_space<hbm>> -> memref<32xi32, #tpu.memory_space<hbm>>
      tpu.wait_dma2 semaphore(%run_scoped3A : memref<!tpu.dma_semaphore, #tpu.memory_space<semaphore_mem>>) src(%dma_wait3A_966 : memref<32xi32, #tpu.memory_space<hbm>>) dst(%arg7 : memref<32xi32, #tpu.memory_space<vmem>>)
      tpu.yield
    }) : () -> ()
    %get3A = arith.constant 0 : index
    %get3A_3 = tpu.vector_load %arg7[%get3A] {strides = array<i32>} : memref<32xi32, #tpu.memory_space<vmem>>, vector<16xi32>,
    %get3A_4 = vector.shape_cast %get3A_3 : vector<16xi32> to vector<16xi32>
    %shift_right_arithmetic3A = arith.constant 2 : i32
    %shift_right_arithmetic3A_5 = vector.broadcast %shift_right_arithmetic3A : i32 to vector<16xi32>
    %shift_right_arithmetic3A_6 = arith.shrsi %get3A_4, %shift_right_arithmetic3A_5 : vector<16xi32>
    %swap3A = arith.constant 0 : index
    %swap3A_7 = tpu.vector_load %arg8[%swap3A] {strides = array<i32>} : memref<32xi32, #tpu.memory_space<vmem>>, vector<16xi32>,
    %swap3A_8 = vector.shape_cast %swap3A_7 : vector<16xi32> to vector<16xi32>
    %swap3A_9 = vector.shape_cast %shift_right_arithmetic3A_6 : vector<16xi32> to vector<16xi32>
    tpu.vector_store %arg8[%swap3A], %swap3A_9 {strides = array<i32>} : memref<32xi32, #tpu.memory_space<vmem>>, vector<16xi32>,
    %get3A_10 = arith.constant 16 : index
    %get3A_11 = tpu.vector_load %arg7[%get3A_10] {strides = array<i32>} : memref<32xi32, #tpu.memory_space<vmem>>, vector<16xi32>,
    %get3A_12 = vector.shape_cast %get3A_11 : vector<16xi32> to vector<16xi32>
    %shift_right_arithmetic3A_13 = arith.constant 2 : i32
    %shift_right_arithmetic3A_14 = vector.broadcast %shift_right_arithmetic3A_13 : i32 to vector<16xi32>
    %shift_right_arithmetic3A_15 = arith.shrsi %get3A_12, %shift_right_arithmetic3A_14 : vector<16xi32>
    %swap3A_16 = arith.constant 16 : index
    %swap3A_17 = tpu.vector_load %arg8[%swap3A_16] {strides = array<i32>} : memref<32xi32, #tpu.memory_space<vmem>>, vector<16xi32>,
    %swap3A_18 = vector.shape_cast %swap3A_17 : vector<16xi32> to vector<16xi32>
    %swap3A_19 = vector.shape_cast %shift_right_arithmetic3A_15 : vector<16xi32> to vector<16xi32>
    tpu.vector_store %arg8[%swap3A_16], %swap3A_19 {strides = array<i32>} : memref<32xi32, #tpu.memory_space<vmem>>, vector<16xi32>,
    %dma_start3A = arith.constant 0 : i32
    %dma_start3A_20 = arith.constant 0 : i32
    %dma_start3A_21 = tpu.memref_slice %arg3[%dma_start3A, %dma_start3A_20] : memref<2560x128xi32, #tpu.memory_space<hbm>> -> memref<2560x128xi32, #tpu.memory_space<hbm>>
    tpu.enqueue_indirect_dma source(%dma_start3A_21 : memref<2560x128xi32, #tpu.memory_space<hbm>>) target(%arg9 : memref<32x128xi32, #tpu.memory_space<vmem>>) offsets(%arg8 : memref<32xi32, #tpu.memory_space<vmem>>) semaphore(%arg15 : memref<!tpu.dma_semaphore, #tpu.memory_space<semaphore_mem>>)
    %dma_wait3A = arith.constant 0 : i32
    %dma_wait3A_22 = arith.constant 0 : i32
    %dma_wait3A_23 = tpu.memref_slice %arg3[%dma_wait3A, %dma_wait3A_22] : memref<2560x128xi32, #tpu.memory_space<hbm>> -> memref<2560x128xi32, #tpu.memory_space<hbm>>
    tpu.wait_indirect_dma semaphore(%arg15 : memref<!tpu.dma_semaphore, #tpu.memory_space<semaphore_mem>>) src(%dma_wait3A_23 : memref<2560x128xi32, #tpu.memory_space<hbm>>) dst(%arg9 : memref<32x128xi32, #tpu.memory_space<vmem>>)
    %dma_start3A_24 = arith.constant 0 : i32
    %dma_start3A_25 = arith.constant 0 : i32
    %dma_start3A_26 = tpu.memref_slice %arg4[%dma_start3A_24, %dma_start3A_25] : memref<10000x128xf32, #tpu.memory_space<hbm>> -> memref<10000x128xf32, #tpu.memory_space<hbm>>
    tpu.enqueue_indirect_dma source(%dma_start3A_26 : memref<10000x128xf32, #tpu.memory_space<hbm>>) target(%arg11 : memref<32x128xf32, #tpu.memory_space<vmem>>) offsets(%arg7 : memref<32xi32, #tpu.memory_space<vmem>>) semaphore(%arg17 : memref<!tpu.dma_semaphore, #tpu.memory_space<semaphore_mem>>)
    %get3A_27 = arith.constant 0 : index
    %get3A_28 = tpu.vector_load %arg7[%get3A_27] {strides = array<i32>} : memref<32xi32, #tpu.memory_space<vmem>>, vector<16xi32>,
    %get3A_29 = vector.shape_cast %get3A_28 : vector<16xi32> to vector<16xi32>
    %and3A = arith.constant 3 : i32
    %and3A_30 = vector.broadcast %and3A : i32 to vector<16xi32>
    %and3A_31 = arith.andi %get3A_29, %and3A_30 : vector<16xi32>
    %mul3A_32 = arith.constant 32 : i32
    %mul3A_33 = vector.broadcast %mul3A_32 : i32 to vector<16xi32>
    %mul3A_34 = arith.muli %and3A_31, %mul3A_33 : vector<16xi32>
    %slice3A = vector.extract_strided_slice %mul3A_34 {offsets = [0], sizes = [1], strides = [1]} : vector<16xi32> to vector<1xi32>
    %squeeze3A = vector.extract %slice3A[0] : i32 from vector<1xi32>
    %add3A_35 = arith.constant 0 : i32
    %add3A_36 = arith.addi %squeeze3A, %add3A_35 : i32
    %get3A_37 = arith.constant 0 : i32
    %get3A_38 = arith.index_cast %get3A_37 : i32 to index
    %get3A_39 = arith.index_cast %add3A_36 : i32 to index
    %get3A_40 = tpu.vector_load %arg9[%get3A_38, %get3A_39] {strides = array<i32>} : memref<32x128xi32, #tpu.memory_space<vmem>>, vector<1x16xi32>,
    %get3A_41 = vector.shape_cast %get3A_40 : vector<1x16xi32> to vector<16xi32>
    %swap3A_42 = arith.constant 0 : i32
    %swap3A_43 = arith.index_cast %swap3A_42 : i32 to index
    %swap3A_44 = arith.constant 0 : index
    %swap3A_45 = tpu.vector_load %arg10[%swap3A_43, %swap3A_44] {strides = array<i32>} : memref<8x128xi32, #tpu.memory_space<vmem>>, vector<1x16xi32>,
    %swap3A_46 = vector.shape_cast %swap3A_45 : vector<1x16xi32> to vector<16xi32>
    %swap3A_47 = vector.shape_cast %get3A_41 : vector<16xi32> to vector<1x16xi32>
    tpu.vector_store %arg10[%swap3A_43, %swap3A_44], %swap3A_47 {strides = array<i32>} : memref<8x128xi32, #tpu.memory_space<vmem>>, vector<1x16xi32>,
    %add3A_48 = arith.constant 16 : i32
    %add3A_49 = arith.addi %squeeze3A, %add3A_48 : i32
    %get3A_50 = arith.constant 0 : i32
    %get3A_51 = arith.index_cast %get3A_50 : i32 to index
    %get3A_52 = arith.index_cast %add3A_49 : i32 to index
    %get3A_53 = tpu.vector_load %arg9[%get3A_51, %get3A_52] {strides = array<i32>} : memref<32x128xi32, #tpu.memory_space<vmem>>, vector<1x16xi32>,
    %get3A_54 = vector.shape_cast %get3A_53 : vector<1x16xi32> to vector<16xi32>
    %swap3A_55 = arith.constant 0 : i32
    %swap3A_56 = arith.index_cast %swap3A_55 : i32 to index
    %swap3A_57 = arith.constant 16 : index
    %swap3A_58 = tpu.vector_load %arg10[%swap3A_56, %swap3A_57] {strides = array<i32>} : memref<8x128xi32, #tpu.memory_space<vmem>>, vector<1x16xi32>,
    %swap3A_59 = vector.shape_cast %swap3A_58 : vector<1x16xi32> to vector<16xi32>
    %swap3A_60 = vector.shape_cast %get3A_54 : vector<16xi32> to vector<1x16xi32>
    tpu.vector_store %arg10[%swap3A_56, %swap3A_57], %swap3A_60 {strides = array<i32>} : memref<8x128xi32, #tpu.memory_space<vmem>>, vector<1x16xi32>,
    %slice3A_61 = vector.extract_strided_slice %mul3A_34 {offsets = [1], sizes = [1], strides = [1]} : vector<16xi32> to vector<1xi32>
    %squeeze3A_62 = vector.extract %slice3A_61[0] : i32 from vector<1xi32>
    %add3A_63 = arith.constant 0 : i32
    %add3A_64 = arith.addi %squeeze3A_62, %add3A_63 : i32
    %get3A_65 = arith.constant 1 : i32
    %get3A_66 = arith.index_cast %get3A_65 : i32 to index
    %get3A_67 = arith.index_cast %add3A_64 : i32 to index
    %get3A_68 = tpu.vector_load %arg9[%get3A_66, %get3A_67] {strides = array<i32>} : memref<32x128xi32, #tpu.memory_space<vmem>>, vector<1x16xi32>,
    %get3A_69 = vector.shape_cast %get3A_68 : vector<1x16xi32> to vector<16xi32>
    %swap3A_70 = arith.constant 0 : i32
    %swap3A_71 = arith.index_cast %swap3A_70 : i32 to index
    %swap3A_72 = arith.constant 32 : index
    %swap3A_73 = tpu.vector_load %arg10[%swap3A_71, %swap3A_72] {strides = array<i32>} : memref<8x128xi32, #tpu.memory_space<vmem>>, vector<1x16xi32>,
    %swap3A_74 = vector.shape_cast %swap3A_73 : vector<1x16xi32> to vector<16xi32>
    %swap3A_75 = vector.shape_cast %get3A_69 : vector<16xi32> to vector<1x16xi32>
    tpu.vector_store %arg10[%swap3A_71, %swap3A_72], %swap3A_75 {strides = array<i32>} : memref<8x128xi32, #tpu.memory_space<vmem>>, vector<1x16xi32>,
    %add3A_76 = arith.constant 16 : i32
    %add3A_77 = arith.addi %squeeze3A_62, %add3A_76 : i32
    %get3A_78 = arith.constant 1 : i32
    %get3A_79 = arith.index_cast %get3A_78 : i32 to index
    %get3A_80 = arith.index_cast %add3A_77 : i32 to index
    %get3A_81 = tpu.vector_load %arg9[%get3A_79, %get3A_80] {strides = array<i32>} : memref<32x128xi32, #tpu.memory_space<vmem>>, vector<1x16xi32>,
    %get3A_82 = vector.shape_cast %get3A_81 : vector<1x16xi32> to vector<16xi32>
    %swap3A_83 = arith.constant 0 : i32
    %swap3A_84 = arith.index_cast %swap3A_83 : i32 to index
    %swap3A_85 = arith.constant 48 : index
    %swap3A_86 = tpu.vector_load %arg10[%swap3A_84, %swap3A_85] {strides = array<i32>} : memref<8x128xi32, #tpu.memory_space<vmem>>, vector<1x16xi32>,
    %swap3A_87 = vector.shape_cast %swap3A_86 : vector<1x16xi32> to vector<16xi32>
    %swap3A_88 = vector.shape_cast %get3A_82 : vector<16xi32> to vector<1x16xi32>
    tpu.vector_store %arg10[%swap3A_84, %swap3A_85], %swap3A_88 {strides = array<i32>} : memref<8x128xi32, #tpu.memory_space<vmem>>, vector<1x16xi32>,
    %slice3A_89 = vector.extract_strided_slice %mul3A_34 {offsets = [2], sizes = [1], strides = [1]} : vector<16xi32> to vector<1xi32>
    %squeeze3A_90 = vector.extract %slice3A_89[0] : i32 from vector<1xi32>
    %add3A_91 = arith.constant 0 : i32
    %add3A_92 = arith.addi %squeeze3A_90, %add3A_91 : i32
    %get3A_93 = arith.constant 2 : i32
    %get3A_94 = arith.index_cast %get3A_93 : i32 to index
    %get3A_95 = arith.index_cast %add3A_92 : i32 to index
    %get3A_96 = tpu.vector_load %arg9[%get3A_94, %get3A_95] {strides = array<i32>} : memref<32x128xi32, #tpu.memory_space<vmem>>, vector<1x16xi32>,
    %get3A_97 = vector.shape_cast %get3A_96 : vector<1x16xi32> to vector<16xi32>
    %swap3A_98 = arith.constant 0 : i32
    %swap3A_99 = arith.index_cast %swap3A_98 : i32 to index
    %swap3A_100 = arith.constant 64 : index
    %swap3A_101 = tpu.vector_load %arg10[%swap3A_99, %swap3A_100] {strides = array<i32>} : memref<8x128xi32, #tpu.memory_space<vmem>>, vector<1x16xi32>,
    %swap3A_102 = vector.shape_cast %swap3A_101 : vector<1x16xi32> to vector<16xi32>
    %swap3A_103 = vector.shape_cast %get3A_97 : vector<16xi32> to vector<1x16xi32>
    tpu.vector_store %arg10[%swap3A_99, %swap3A_100], %swap3A_103 {strides = array<i32>} : memref<8x128xi32, #tpu.memory_space<vmem>>, vector<1x16xi32>,
    %add3A_104 = arith.constant 16 : i32
    %add3A_105 = arith.addi %squeeze3A_90, %add3A_104 : i32
    %get3A_106 = arith.constant 2 : i32
    %get3A_107 = arith.index_cast %get3A_106 : i32 to index
    %get3A_108 = arith.index_cast %add3A_105 : i32 to index
    %get3A_109 = tpu.vector_load %arg9[%get3A_107, %get3A_108] {strides = array<i32>} : memref<32x128xi32, #tpu.memory_space<vmem>>, vector<1x16xi32>,
    %get3A_110 = vector.shape_cast %get3A_109 : vector<1x16xi32> to vector<16xi32>
    %swap3A_111 = arith.constant 0 : i32
    %swap3A_112 = arith.index_cast %swap3A_111 : i32 to index
    %swap3A_113 = arith.constant 80 : index
    %swap3A_114 = tpu.vector_load %arg10[%swap3A_112, %swap3A_113] {strides = array<i32>} : memref<8x128xi32, #tpu.memory_space<vmem>>, vector<1x16xi32>,
    %swap3A_115 = vector.shape_cast %swap3A_114 : vector<1x16xi32> to vector<16xi32>
    %swap3A_116 = vector.shape_cast %get3A_110 : vector<16xi32> to vector<1x16xi32>
    tpu.vector_store %arg10[%swap3A_112, %swap3A_113], %swap3A_116 {strides = array<i32>} : memref<8x128xi32, #tpu.memory_space<vmem>>, vector<1x16xi32>,
    %slice3A_117 = vector.extract_strided_slice %mul3A_34 {offsets = [3], sizes = [1], strides = [1]} : vector<16xi32> to vector<1xi32>
    %squeeze3A_118 = vector.extract %slice3A_117[0] : i32 from vector<1xi32>
    %add3A_119 = arith.constant 0 : i32
    %add3A_120 = arith.addi %squeeze3A_118, %add3A_119 : i32
    %get3A_121 = arith.constant 3 : i32
    %get3A_122 = arith.index_cast %get3A_121 : i32 to index
    %get3A_123 = arith.index_cast %add3A_120 : i32 to index
    %get3A_124 = tpu.vector_load %arg9[%get3A_122, %get3A_123] {strides = array<i32>} : memref<32x128xi32, #tpu.memory_space<vmem>>, vector<1x16xi32>,
    %get3A_125 = vector.shape_cast %get3A_124 : vector<1x16xi32> to vector<16xi32>
    %swap3A_126 = arith.constant 0 : i32
    %swap3A_127 = arith.index_cast %swap3A_126 : i32 to index
    %swap3A_128 = arith.constant 96 : index
    %swap3A_129 = tpu.vector_load %arg10[%swap3A_127, %swap3A_128] {strides = array<i32>} : memref<8x128xi32, #tpu.memory_space<vmem>>, vector<1x16xi32>,
    %swap3A_130 = vector.shape_cast %swap3A_129 : vector<1x16xi32> to vector<16xi32>
    %swap3A_131 = vector.shape_cast %get3A_125 : vector<16xi32> to vector<1x16xi32>
    tpu.vector_store %arg10[%swap3A_127, %swap3A_128], %swap3A_131 {strides = array<i32>} : memref<8x128xi32, #tpu.memory_space<vmem>>, vector<1x16xi32>,
    %add3A_132 = arith.constant 16 : i32
    %add3A_133 = arith.addi %squeeze3A_118, %add3A_132 : i32
    %get3A_134 = arith.constant 3 : i32
    %get3A_135 = arith.index_cast %get3A_134 : i32 to index
    %get3A_136 = arith.index_cast %add3A_133 : i32 to index
    %get3A_137 = tpu.vector_load %arg9[%get3A_135, %get3A_136] {strides = array<i32>} : memref<32x128xi32, #tpu.memory_space<vmem>>, vector<1x16xi32>,
    %get3A_138 = vector.shape_cast %get3A_137 : vector<1x16xi32> to vector<16xi32>
    %swap3A_139 = arith.constant 0 : i32
    %swap3A_140 = arith.index_cast %swap3A_139 : i32 to index
    %swap3A_141 = arith.constant 112 : index
    %swap3A_142 = tpu.vector_load %arg10[%swap3A_140, %swap3A_141] {strides = array<i32>} : memref<8x128xi32, #tpu.memory_space<vmem>>, vector<1x16xi32>,
    %swap3A_143 = vector.shape_cast %swap3A_142 : vector<1x16xi32> to vector<16xi32>
    %swap3A_144 = vector.shape_cast %get3A_138 : vector<16xi32> to vector<1x16xi32>
    tpu.vector_store %arg10[%swap3A_140, %swap3A_141], %swap3A_144 {strides = array<i32>} : memref<8x128xi32, #tpu.memory_space<vmem>>, vector<1x16xi32>,
    %slice3A_145 = vector.extract_strided_slice %mul3A_34 {offsets = [4], sizes = [1], strides = [1]} : vector<16xi32> to vector<1xi32>
    %squeeze3A_146 = vector.extract %slice3A_145[0] : i32 from vector<1xi32>
    %add3A_147 = arith.constant 0 : i32
    %add3A_148 = arith.addi %squeeze3A_146, %add3A_147 : i32
    %get3A_149 = arith.constant 4 : i32
    %get3A_150 = arith.index_cast %get3A_149 : i32 to index
    %get3A_151 = arith.index_cast %add3A_148 : i32 to index
    %get3A_152 = tpu.vector_load %arg9[%get3A_150, %get3A_151] {strides = array<i32>} : memref<32x128xi32, #tpu.memory_space<vmem>>, vector<1x16xi32>,
    %get3A_153 = vector.shape_cast %get3A_152 : vector<1x16xi32> to vector<16xi32>
    %swap3A_154 = arith.constant 1 : i32
    %swap3A_155 = arith.index_cast %swap3A_154 : i32 to index
    %swap3A_156 = arith.constant 0 : index
    %swap3A_157 = tpu.vector_load %arg10[%swap3A_155, %swap3A_156] {strides = array<i32>} : memref<8x128xi32, #tpu.memory_space<vmem>>, vector<1x16xi32>,
    %swap3A_158 = vector.shape_cast %swap3A_157 : vector<1x16xi32> to vector<16xi32>
    %swap3A_159 = vector.shape_cast %get3A_153 : vector<16xi32> to vector<1x16xi32>
    tpu.vector_store %arg10[%swap3A_155, %swap3A_156], %swap3A_159 {strides = array<i32>} : memref<8x128xi32, #tpu.memory_space<vmem>>, vector<1x16xi32>,
    %add3A_160 = arith.constant 16 : i32
    %add3A_161 = arith.addi %squeeze3A_146, %add3A_160 : i32
    %get3A_162 = arith.constant 4 : i32
    %get3A_163 = arith.index_cast %get3A_162 : i32 to index
    %get3A_164 = arith.index_cast %add3A_161 : i32 to index
    %get3A_165 = tpu.vector_load %arg9[%get3A_163, %get3A_164] {strides = array<i32>} : memref<32x128xi32, #tpu.memory_space<vmem>>, vector<1x16xi32>,
    %get3A_166 = vector.shape_cast %get3A_165 : vector<1x16xi32> to vector<16xi32>
    %swap3A_167 = arith.constant 1 : i32
    %swap3A_168 = arith.index_cast %swap3A_167 : i32 to index
    %swap3A_169 = arith.constant 16 : index
    %swap3A_170 = tpu.vector_load %arg10[%swap3A_168, %swap3A_169] {strides = array<i32>} : memref<8x128xi32, #tpu.memory_space<vmem>>, vector<1x16xi32>,
    %swap3A_171 = vector.shape_cast %swap3A_170 : vector<1x16xi32> to vector<16xi32>
    %swap3A_172 = vector.shape_cast %get3A_166 : vector<16xi32> to vector<1x16xi32>
    tpu.vector_store %arg10[%swap3A_168, %swap3A_169], %swap3A_172 {strides = array<i32>} : memref<8x128xi32, #tpu.memory_space<vmem>>, vector<1x16xi32>,
    %slice3A_173 = vector.extract_strided_slice %mul3A_34 {offsets = [5], sizes = [1], strides = [1]} : vector<16xi32> to vector<1xi32>
    %squeeze3A_174 = vector.extract %slice3A_173[0] : i32 from vector<1xi32>
    %add3A_175 = arith.constant 0 : i32
    %add3A_176 = arith.addi %squeeze3A_174, %add3A_175 : i32
    %get3A_177 = arith.constant 5 : i32
    %get3A_178 = arith.index_cast %get3A_177 : i32 to index
    %get3A_179 = arith.index_cast %add3A_176 : i32 to index
    %get3A_180 = tpu.vector_load %arg9[%get3A_178, %get3A_179] {strides = array<i32>} : memref<32x128xi32, #tpu.memory_space<vmem>>, vector<1x16xi32>,
    %get3A_181 = vector.shape_cast %get3A_180 : vector<1x16xi32> to vector<16xi32>
    %swap3A_182 = arith.constant 1 : i32
    %swap3A_183 = arith.index_cast %swap3A_182 : i32 to index
    %swap3A_184 = arith.constant 32 : index
    %swap3A_185 = tpu.vector_load %arg10[%swap3A_183, %swap3A_184] {strides = array<i32>} : memref<8x128xi32, #tpu.memory_space<vmem>>, vector<1x16xi32>,
    %swap3A_186 = vector.shape_cast %swap3A_185 : vector<1x16xi32> to vector<16xi32>
    %swap3A_187 = vector.shape_cast %get3A_181 : vector<16xi32> to vector<1x16xi32>
    tpu.vector_store %arg10[%swap3A_183, %swap3A_184], %swap3A_187 {strides = array<i32>} : memref<8x128xi32, #tpu.memory_space<vmem>>, vector<1x16xi32>,
    %add3A_188 = arith.constant 16 : i32
    %add3A_189 = arith.addi %squeeze3A_174, %add3A_188 : i32
    %get3A_190 = arith.constant 5 : i32
    %get3A_191 = arith.index_cast %get3A_190 : i32 to index
    %get3A_192 = arith.index_cast %add3A_189 : i32 to index
    %get3A_193 = tpu.vector_load %arg9[%get3A_191, %get3A_192] {strides = array<i32>} : memref<32x128xi32, #tpu.memory_space<vmem>>, vector<1x16xi32>,
    %get3A_194 = vector.shape_cast %get3A_193 : vector<1x16xi32> to vector<16xi32>
    %swap3A_195 = arith.constant 1 : i32
    %swap3A_196 = arith.index_cast %swap3A_195 : i32 to index
    %swap3A_197 = arith.constant 48 : index
    %swap3A_198 = tpu.vector_load %arg10[%swap3A_196, %swap3A_197] {strides = array<i32>} : memref<8x128xi32, #tpu.memory_space<vmem>>, vector<1x16xi32>,
    %swap3A_199 = vector.shape_cast %swap3A_198 : vector<1x16xi32> to vector<16xi32>
    %swap3A_200 = vector.shape_cast %get3A_194 : vector<16xi32> to vector<1x16xi32>
    tpu.vector_store %arg10[%swap3A_196, %swap3A_197], %swap3A_200 {strides = array<i32>} : memref<8x128xi32, #tpu.memory_space<vmem>>, vector<1x16xi32>,
    %slice3A_201 = vector.extract_strided_slice %mul3A_34 {offsets = [6], sizes = [1], strides = [1]} : vector<16xi32> to vector<1xi32>
    %squeeze3A_202 = vector.extract %slice3A_201[0] : i32 from vector<1xi32>
    %add3A_203 = arith.constant 0 : i32
    %add3A_204 = arith.addi %squeeze3A_202, %add3A_203 : i32
    %get3A_205 = arith.constant 6 : i32
    %get3A_206 = arith.index_cast %get3A_205 : i32 to index
    %get3A_207 = arith.index_cast %add3A_204 : i32 to index
    %get3A_208 = tpu.vector_load %arg9[%get3A_206, %get3A_207] {strides = array<i32>} : memref<32x128xi32, #tpu.memory_space<vmem>>, vector<1x16xi32>,
    %get3A_209 = vector.shape_cast %get3A_208 : vector<1x16xi32> to vector<16xi32>
    %swap3A_210 = arith.constant 1 : i32
    %swap3A_211 = arith.index_cast %swap3A_210 : i32 to index
    %swap3A_212 = arith.constant 64 : index
    %swap3A_213 = tpu.vector_load %arg10[%swap3A_211, %swap3A_212] {strides = array<i32>} : memref<8x128xi32, #tpu.memory_space<vmem>>, vector<1x16xi32>,
    %swap3A_214 = vector.shape_cast %swap3A_213 : vector<1x16xi32> to vector<16xi32>
    %swap3A_215 = vector.shape_cast %get3A_209 : vector<16xi32> to vector<1x16xi32>
    tpu.vector_store %arg10[%swap3A_211, %swap3A_212], %swap3A_215 {strides = array<i32>} : memref<8x128xi32, #tpu.memory_space<vmem>>, vector<1x16xi32>,
    %add3A_216 = arith.constant 16 : i32
    %add3A_217 = arith.addi %squeeze3A_202, %add3A_216 : i32
    %get3A_218 = arith.constant 6 : i32
    %get3A_219 = arith.index_cast %get3A_218 : i32 to index
    %get3A_220 = arith.index_cast %add3A_217 : i32 to index
    %get3A_221 = tpu.vector_load %arg9[%get3A_219, %get3A_220] {strides = array<i32>} : memref<32x128xi32, #tpu.memory_space<vmem>>, vector<1x16xi32>,
    %get3A_222 = vector.shape_cast %get3A_221 : vector<1x16xi32> to vector<16xi32>
    %swap3A_223 = arith.constant 1 : i32
    %swap3A_224 = arith.index_cast %swap3A_223 : i32 to index
    %swap3A_225 = arith.constant 80 : index
    %swap3A_226 = tpu.vector_load %arg10[%swap3A_224, %swap3A_225] {strides = array<i32>} : memref<8x128xi32, #tpu.memory_space<vmem>>, vector<1x16xi32>,
    %swap3A_227 = vector.shape_cast %swap3A_226 : vector<1x16xi32> to vector<16xi32>
    %swap3A_228 = vector.shape_cast %get3A_222 : vector<16xi32> to vector<1x16xi32>
    tpu.vector_store %arg10[%swap3A_224, %swap3A_225], %swap3A_228 {strides = array<i32>} : memref<8x128xi32, #tpu.memory_space<vmem>>, vector<1x16xi32>,
    %slice3A_229 = vector.extract_strided_slice %mul3A_34 {offsets = [7], sizes = [1], strides = [1]} : vector<16xi32> to vector<1xi32>
    %squeeze3A_230 = vector.extract %slice3A_229[0] : i32 from vector<1xi32>
    %add3A_231 = arith.constant 0 : i32
    %add3A_232 = arith.addi %squeeze3A_230, %add3A_231 : i32
    %get3A_233 = arith.constant 7 : i32
    %get3A_234 = arith.index_cast %get3A_233 : i32 to index
    %get3A_235 = arith.index_cast %add3A_232 : i32 to index
    %get3A_236 = tpu.vector_load %arg9[%get3A_234, %get3A_235] {strides = array<i32>} : memref<32x128xi32, #tpu.memory_space<vmem>>, vector<1x16xi32>,
    %get3A_237 = vector.shape_cast %get3A_236 : vector<1x16xi32> to vector<16xi32>
    %swap3A_238 = arith.constant 1 : i32
    %swap3A_239 = arith.index_cast %swap3A_238 : i32 to index
    %swap3A_240 = arith.constant 96 : index
    %swap3A_241 = tpu.vector_load %arg10[%swap3A_239, %swap3A_240] {strides = array<i32>} : memref<8x128xi32, #tpu.memory_space<vmem>>, vector<1x16xi32>,
    %swap3A_242 = vector.shape_cast %swap3A_241 : vector<1x16xi32> to vector<16xi32>
    %swap3A_243 = vector.shape_cast %get3A_237 : vector<16xi32> to vector<1x16xi32>
    tpu.vector_store %arg10[%swap3A_239, %swap3A_240], %swap3A_243 {strides = array<i32>} : memref<8x128xi32, #tpu.memory_space<vmem>>, vector<1x16xi32>,
    %add3A_244 = arith.constant 16 : i32
    %add3A_245 = arith.addi %squeeze3A_230, %add3A_244 : i32
    %get3A_246 = arith.constant 7 : i32
    %get3A_247 = arith.index_cast %get3A_246 : i32 to index
    %get3A_248 = arith.index_cast %add3A_245 : i32 to index
    %get3A_249 = tpu.vector_load %arg9[%get3A_247, %get3A_248] {strides = array<i32>} : memref<32x128xi32, #tpu.memory_space<vmem>>, vector<1x16xi32>,
    %get3A_250 = vector.shape_cast %get3A_249 : vector<1x16xi32> to vector<16xi32>
    %swap3A_251 = arith.constant 1 : i32
    %swap3A_252 = arith.index_cast %swap3A_251 : i32 to index
    %swap3A_253 = arith.constant 112 : index
    %swap3A_254 = tpu.vector_load %arg10[%swap3A_252, %swap3A_253] {strides = array<i32>} : memref<8x128xi32, #tpu.memory_space<vmem>>, vector<1x16xi32>,
    %swap3A_255 = vector.shape_cast %swap3A_254 : vector<1x16xi32> to vector<16xi32>
    %swap3A_256 = vector.shape_cast %get3A_250 : vector<16xi32> to vector<1x16xi32>
    tpu.vector_store %arg10[%swap3A_252, %swap3A_253], %swap3A_256 {strides = array<i32>} : memref<8x128xi32, #tpu.memory_space<vmem>>, vector<1x16xi32>,
    %slice3A_257 = vector.extract_strided_slice %mul3A_34 {offsets = [8], sizes = [1], strides = [1]} : vector<16xi32> to vector<1xi32>
    %squeeze3A_258 = vector.extract %slice3A_257[0] : i32 from vector<1xi32>
    %add3A_259 = arith.constant 0 : i32
    %add3A_260 = arith.addi %squeeze3A_258, %add3A_259 : i32
    %get3A_261 = arith.constant 8 : i32
    %get3A_262 = arith.index_cast %get3A_261 : i32 to index
    %get3A_263 = arith.index_cast %add3A_260 : i32 to index
    %get3A_264 = tpu.vector_load %arg9[%get3A_262, %get3A_263] {strides = array<i32>} : memref<32x128xi32, #tpu.memory_space<vmem>>, vector<1x16xi32>,
    %get3A_265 = vector.shape_cast %get3A_264 : vector<1x16xi32> to vector<16xi32>
    %swap3A_266 = arith.constant 2 : i32
    %swap3A_267 = arith.index_cast %swap3A_266 : i32 to index
    %swap3A_268 = arith.constant 0 : index
    %swap3A_269 = tpu.vector_load %arg10[%swap3A_267, %swap3A_268] {strides = array<i32>} : memref<8x128xi32, #tpu.memory_space<vmem>>, vector<1x16xi32>,
    %swap3A_270 = vector.shape_cast %swap3A_269 : vector<1x16xi32> to vector<16xi32>
    %swap3A_271 = vector.shape_cast %get3A_265 : vector<16xi32> to vector<1x16xi32>
    tpu.vector_store %arg10[%swap3A_267, %swap3A_268], %swap3A_271 {strides = array<i32>} : memref<8x128xi32, #tpu.memory_space<vmem>>, vector<1x16xi32>,
    %add3A_272 = arith.constant 16 : i32
    %add3A_273 = arith.addi %squeeze3A_258, %add3A_272 : i32
    %get3A_274 = arith.constant 8 : i32
    %get3A_275 = arith.index_cast %get3A_274 : i32 to index
    %get3A_276 = arith.index_cast %add3A_273 : i32 to index
    %get3A_277 = tpu.vector_load %arg9[%get3A_275, %get3A_276] {strides = array<i32>} : memref<32x128xi32, #tpu.memory_space<vmem>>, vector<1x16xi32>,
    %get3A_278 = vector.shape_cast %get3A_277 : vector<1x16xi32> to vector<16xi32>
    %swap3A_279 = arith.constant 2 : i32
    %swap3A_280 = arith.index_cast %swap3A_279 : i32 to index
    %swap3A_281 = arith.constant 16 : index
    %swap3A_282 = tpu.vector_load %arg10[%swap3A_280, %swap3A_281] {strides = array<i32>} : memref<8x128xi32, #tpu.memory_space<vmem>>, vector<1x16xi32>,
    %swap3A_283 = vector.shape_cast %swap3A_282 : vector<1x16xi32> to vector<16xi32>
    %swap3A_284 = vector.shape_cast %get3A_278 : vector<16xi32> to vector<1x16xi32>
    tpu.vector_store %arg10[%swap3A_280, %swap3A_281], %swap3A_284 {strides = array<i32>} : memref<8x128xi32, #tpu.memory_space<vmem>>, vector<1x16xi32>,
    %slice3A_285 = vector.extract_strided_slice %mul3A_34 {offsets = [9], sizes = [1], strides = [1]} : vector<16xi32> to vector<1xi32>
    %squeeze3A_286 = vector.extract %slice3A_285[0] : i32 from vector<1xi32>
    %add3A_287 = arith.constant 0 : i32
    %add3A_288 = arith.addi %squeeze3A_286, %add3A_287 : i32
    %get3A_289 = arith.constant 9 : i32
    %get3A_290 = arith.index_cast %get3A_289 : i32 to index
    %get3A_291 = arith.index_cast %add3A_288 : i32 to index
    %get3A_292 = tpu.vector_load %arg9[%get3A_290, %get3A_291] {strides = array<i32>} : memref<32x128xi32, #tpu.memory_space<vmem>>, vector<1x16xi32>,
    %get3A_293 = vector.shape_cast %get3A_292 : vector<1x16xi32> to vector<16xi32>
    %swap3A_294 = arith.constant 2 : i32
    %swap3A_295 = arith.index_cast %swap3A_294 : i32 to index
    %swap3A_296 = arith.constant 32 : index
    %swap3A_297 = tpu.vector_load %arg10[%swap3A_295, %swap3A_296] {strides = array<i32>} : memref<8x128xi32, #tpu.memory_space<vmem>>, vector<1x16xi32>,
    %swap3A_298 = vector.shape_cast %swap3A_297 : vector<1x16xi32> to vector<16xi32>
    %swap3A_299 = vector.shape_cast %get3A_293 : vector<16xi32> to vector<1x16xi32>
    tpu.vector_store %arg10[%swap3A_295, %swap3A_296], %swap3A_299 {strides = array<i32>} : memref<8x128xi32, #tpu.memory_space<vmem>>, vector<1x16xi32>,
    %add3A_300 = arith.constant 16 : i32
    %add3A_301 = arith.addi %squeeze3A_286, %add3A_300 : i32
    %get3A_302 = arith.constant 9 : i32
    %get3A_303 = arith.index_cast %get3A_302 : i32 to index
    %get3A_304 = arith.index_cast %add3A_301 : i32 to index
    %get3A_305 = tpu.vector_load %arg9[%get3A_303, %get3A_304] {strides = array<i32>} : memref<32x128xi32, #tpu.memory_space<vmem>>, vector<1x16xi32>,
    %get3A_306 = vector.shape_cast %get3A_305 : vector<1x16xi32> to vector<16xi32>
    %swap3A_307 = arith.constant 2 : i32
    %swap3A_308 = arith.index_cast %swap3A_307 : i32 to index
    %swap3A_309 = arith.constant 48 : index
    %swap3A_310 = tpu.vector_load %arg10[%swap3A_308, %swap3A_309] {strides = array<i32>} : memref<8x128xi32, #tpu.memory_space<vmem>>, vector<1x16xi32>,
    %swap3A_311 = vector.shape_cast %swap3A_310 : vector<1x16xi32> to vector<16xi32>
    %swap3A_312 = vector.shape_cast %get3A_306 : vector<16xi32> to vector<1x16xi32>
    tpu.vector_store %arg10[%swap3A_308, %swap3A_309], %swap3A_312 {strides = array<i32>} : memref<8x128xi32, #tpu.memory_space<vmem>>, vector<1x16xi32>,
    %slice3A_313 = vector.extract_strided_slice %mul3A_34 {offsets = [10], sizes = [1], strides = [1]} : vector<16xi32> to vector<1xi32>
    %squeeze3A_314 = vector.extract %slice3A_313[0] : i32 from vector<1xi32>
    %add3A_315 = arith.constant 0 : i32
    %add3A_316 = arith.addi %squeeze3A_314, %add3A_315 : i32
    %get3A_317 = arith.constant 10 : i32
    %get3A_318 = arith.index_cast %get3A_317 : i32 to index
    %get3A_319 = arith.index_cast %add3A_316 : i32 to index
    %get3A_320 = tpu.vector_load %arg9[%get3A_318, %get3A_319] {strides = array<i32>} : memref<32x128xi32, #tpu.memory_space<vmem>>, vector<1x16xi32>,
    %get3A_321 = vector.shape_cast %get3A_320 : vector<1x16xi32> to vector<16xi32>
    %swap3A_322 = arith.constant 2 : i32
    %swap3A_323 = arith.index_cast %swap3A_322 : i32 to index
    %swap3A_324 = arith.constant 64 : index
    %swap3A_325 = tpu.vector_load %arg10[%swap3A_323, %swap3A_324] {strides = array<i32>} : memref<8x128xi32, #tpu.memory_space<vmem>>, vector<1x16xi32>,
    %swap3A_326 = vector.shape_cast %swap3A_325 : vector<1x16xi32> to vector<16xi32>
    %swap3A_327 = vector.shape_cast %get3A_321 : vector<16xi32> to vector<1x16xi32>
    tpu.vector_store %arg10[%swap3A_323, %swap3A_324], %swap3A_327 {strides = array<i32>} : memref<8x128xi32, #tpu.memory_space<vmem>>, vector<1x16xi32>,
    %add3A_328 = arith.constant 16 : i32
    %add3A_329 = arith.addi %squeeze3A_314, %add3A_328 : i32
    %get3A_330 = arith.constant 10 : i32
    %get3A_331 = arith.index_cast %get3A_330 : i32 to index
    %get3A_332 = arith.index_cast %add3A_329 : i32 to index
    %get3A_333 = tpu.vector_load %arg9[%get3A_331, %get3A_332] {strides = array<i32>} : memref<32x128xi32, #tpu.memory_space<vmem>>, vector<1x16xi32>,
    %get3A_334 = vector.shape_cast %get3A_333 : vector<1x16xi32> to vector<16xi32>
    %swap3A_335 = arith.constant 2 : i32
    %swap3A_336 = arith.index_cast %swap3A_335 : i32 to index
    %swap3A_337 = arith.constant 80 : index
    %swap3A_338 = tpu.vector_load %arg10[%swap3A_336, %swap3A_337] {strides = array<i32>} : memref<8x128xi32, #tpu.memory_space<vmem>>, vector<1x16xi32>,
    %swap3A_339 = vector.shape_cast %swap3A_338 : vector<1x16xi32> to vector<16xi32>
    %swap3A_340 = vector.shape_cast %get3A_334 : vector<16xi32> to vector<1x16xi32>
    tpu.vector_store %arg10[%swap3A_336, %swap3A_337], %swap3A_340 {strides = array<i32>} : memref<8x128xi32, #tpu.memory_space<vmem>>, vector<1x16xi32>,
    %slice3A_341 = vector.extract_strided_slice %mul3A_34 {offsets = [11], sizes = [1], strides = [1]} : vector<16xi32> to vector<1xi32>
    %squeeze3A_342 = vector.extract %slice3A_341[0] : i32 from vector<1xi32>
    %add3A_343 = arith.constant 0 : i32
    %add3A_344 = arith.addi %squeeze3A_342, %add3A_343 : i32
    %get3A_345 = arith.constant 11 : i32
    %get3A_346 = arith.index_cast %get3A_345 : i32 to index
    %get3A_347 = arith.index_cast %add3A_344 : i32 to index
    %get3A_348 = tpu.vector_load %arg9[%get3A_346, %get3A_347] {strides = array<i32>} : memref<32x128xi32, #tpu.memory_space<vmem>>, vector<1x16xi32>,
    %get3A_349 = vector.shape_cast %get3A_348 : vector<1x16xi32> to vector<16xi32>
    %swap3A_350 = arith.constant 2 : i32
    %swap3A_351 = arith.index_cast %swap3A_350 : i32 to index
    %swap3A_352 = arith.constant 96 : index
    %swap3A_353 = tpu.vector_load %arg10[%swap3A_351, %swap3A_352] {strides = array<i32>} : memref<8x128xi32, #tpu.memory_space<vmem>>, vector<1x16xi32>,
    %swap3A_354 = vector.shape_cast %swap3A_353 : vector<1x16xi32> to vector<16xi32>
    %swap3A_355 = vector.shape_cast %get3A_349 : vector<16xi32> to vector<1x16xi32>
    tpu.vector_store %arg10[%swap3A_351, %swap3A_352], %swap3A_355 {strides = array<i32>} : memref<8x128xi32, #tpu.memory_space<vmem>>, vector<1x16xi32>,
    %add3A_356 = arith.constant 16 : i32
    %add3A_357 = arith.addi %squeeze3A_342, %add3A_356 : i32
    %get3A_358 = arith.constant 11 : i32
    %get3A_359 = arith.index_cast %get3A_358 : i32 to index
    %get3A_360 = arith.index_cast %add3A_357 : i32 to index
    %get3A_361 = tpu.vector_load %arg9[%get3A_359, %get3A_360] {strides = array<i32>} : memref<32x128xi32, #tpu.memory_space<vmem>>, vector<1x16xi32>,
    %get3A_362 = vector.shape_cast %get3A_361 : vector<1x16xi32> to vector<16xi32>
    %swap3A_363 = arith.constant 2 : i32
    %swap3A_364 = arith.index_cast %swap3A_363 : i32 to index
    %swap3A_365 = arith.constant 112 : index
    %swap3A_366 = tpu.vector_load %arg10[%swap3A_364, %swap3A_365] {strides = array<i32>} : memref<8x128xi32, #tpu.memory_space<vmem>>, vector<1x16xi32>,
    %swap3A_367 = vector.shape_cast %swap3A_366 : vector<1x16xi32> to vector<16xi32>
    %swap3A_368 = vector.shape_cast %get3A_362 : vector<16xi32> to vector<1x16xi32>
    tpu.vector_store %arg10[%swap3A_364, %swap3A_365], %swap3A_368 {strides = array<i32>} : memref<8x128xi32, #tpu.memory_space<vmem>>, vector<1x16xi32>,
    %slice3A_369 = vector.extract_strided_slice %mul3A_34 {offsets = [12], sizes = [1], strides = [1]} : vector<16xi32> to vector<1xi32>
    %squeeze3A_370 = vector.extract %slice3A_369[0] : i32 from vector<1xi32>
    %add3A_371 = arith.constant 0 : i32
    %add3A_372 = arith.addi %squeeze3A_370, %add3A_371 : i32
    %get3A_373 = arith.constant 12 : i32
    %get3A_374 = arith.index_cast %get3A_373 : i32 to index
    %get3A_375 = arith.index_cast %add3A_372 : i32 to index
    %get3A_376 = tpu.vector_load %arg9[%get3A_374, %get3A_375] {strides = array<i32>} : memref<32x128xi32, #tpu.memory_space<vmem>>, vector<1x16xi32>,
    %get3A_377 = vector.shape_cast %get3A_376 : vector<1x16xi32> to vector<16xi32>
    %swap3A_378 = arith.constant 3 : i32
    %swap3A_379 = arith.index_cast %swap3A_378 : i32 to index
    %swap3A_380 = arith.constant 0 : index
    %swap3A_381 = tpu.vector_load %arg10[%swap3A_379, %swap3A_380] {strides = array<i32>} : memref<8x128xi32, #tpu.memory_space<vmem>>, vector<1x16xi32>,
    %swap3A_382 = vector.shape_cast %swap3A_381 : vector<1x16xi32> to vector<16xi32>
    %swap3A_383 = vector.shape_cast %get3A_377 : vector<16xi32> to vector<1x16xi32>
    tpu.vector_store %arg10[%swap3A_379, %swap3A_380], %swap3A_383 {strides = array<i32>} : memref<8x128xi32, #tpu.memory_space<vmem>>, vector<1x16xi32>,
    %add3A_384 = arith.constant 16 : i32
    %add3A_385 = arith.addi %squeeze3A_370, %add3A_384 : i32
    %get3A_386 = arith.constant 12 : i32
    %get3A_387 = arith.index_cast %get3A_386 : i32 to index
    %get3A_388 = arith.index_cast %add3A_385 : i32 to index
    %get3A_389 = tpu.vector_load %arg9[%get3A_387, %get3A_388] {strides = array<i32>} : memref<32x128xi32, #tpu.memory_space<vmem>>, vector<1x16xi32>,
    %get3A_390 = vector.shape_cast %get3A_389 : vector<1x16xi32> to vector<16xi32>
    %swap3A_391 = arith.constant 3 : i32
    %swap3A_392 = arith.index_cast %swap3A_391 : i32 to index
    %swap3A_393 = arith.constant 16 : index
    %swap3A_394 = tpu.vector_load %arg10[%swap3A_392, %swap3A_393] {strides = array<i32>} : memref<8x128xi32, #tpu.memory_space<vmem>>, vector<1x16xi32>,
    %swap3A_395 = vector.shape_cast %swap3A_394 : vector<1x16xi32> to vector<16xi32>
    %swap3A_396 = vector.shape_cast %get3A_390 : vector<16xi32> to vector<1x16xi32>
    tpu.vector_store %arg10[%swap3A_392, %swap3A_393], %swap3A_396 {strides = array<i32>} : memref<8x128xi32, #tpu.memory_space<vmem>>, vector<1x16xi32>,
    %slice3A_397 = vector.extract_strided_slice %mul3A_34 {offsets = [13], sizes = [1], strides = [1]} : vector<16xi32> to vector<1xi32>
    %squeeze3A_398 = vector.extract %slice3A_397[0] : i32 from vector<1xi32>
    %add3A_399 = arith.constant 0 : i32
    %add3A_400 = arith.addi %squeeze3A_398, %add3A_399 : i32
    %get3A_401 = arith.constant 13 : i32
    %get3A_402 = arith.index_cast %get3A_401 : i32 to index
    %get3A_403 = arith.index_cast %add3A_400 : i32 to index
    %get3A_404 = tpu.vector_load %arg9[%get3A_402, %get3A_403] {strides = array<i32>} : memref<32x128xi32, #tpu.memory_space<vmem>>, vector<1x16xi32>,
    %get3A_405 = vector.shape_cast %get3A_404 : vector<1x16xi32> to vector<16xi32>
    %swap3A_406 = arith.constant 3 : i32
    %swap3A_407 = arith.index_cast %swap3A_406 : i32 to index
    %swap3A_408 = arith.constant 32 : index
    %swap3A_409 = tpu.vector_load %arg10[%swap3A_407, %swap3A_408] {strides = array<i32>} : memref<8x128xi32, #tpu.memory_space<vmem>>, vector<1x16xi32>,
    %swap3A_410 = vector.shape_cast %swap3A_409 : vector<1x16xi32> to vector<16xi32>
    %swap3A_411 = vector.shape_cast %get3A_405 : vector<16xi32> to vector<1x16xi32>
    tpu.vector_store %arg10[%swap3A_407, %swap3A_408], %swap3A_411 {strides = array<i32>} : memref<8x128xi32, #tpu.memory_space<vmem>>, vector<1x16xi32>,
    %add3A_412 = arith.constant 16 : i32
    %add3A_413 = arith.addi %squeeze3A_398, %add3A_412 : i32
    %get3A_414 = arith.constant 13 : i32
    %get3A_415 = arith.index_cast %get3A_414 : i32 to index
    %get3A_416 = arith.index_cast %add3A_413 : i32 to index
    %get3A_417 = tpu.vector_load %arg9[%get3A_415, %get3A_416] {strides = array<i32>} : memref<32x128xi32, #tpu.memory_space<vmem>>, vector<1x16xi32>,
    %get3A_418 = vector.shape_cast %get3A_417 : vector<1x16xi32> to vector<16xi32>
    %swap3A_419 = arith.constant 3 : i32
    %swap3A_420 = arith.index_cast %swap3A_419 : i32 to index
    %swap3A_421 = arith.constant 48 : index
    %swap3A_422 = tpu.vector_load %arg10[%swap3A_420, %swap3A_421] {strides = array<i32>} : memref<8x128xi32, #tpu.memory_space<vmem>>, vector<1x16xi32>,
    %swap3A_423 = vector.shape_cast %swap3A_422 : vector<1x16xi32> to vector<16xi32>
    %swap3A_424 = vector.shape_cast %get3A_418 : vector<16xi32> to vector<1x16xi32>
    tpu.vector_store %arg10[%swap3A_420, %swap3A_421], %swap3A_424 {strides = array<i32>} : memref<8x128xi32, #tpu.memory_space<vmem>>, vector<1x16xi32>,
    %slice3A_425 = vector.extract_strided_slice %mul3A_34 {offsets = [14], sizes = [1], strides = [1]} : vector<16xi32> to vector<1xi32>
    %squeeze3A_426 = vector.extract %slice3A_425[0] : i32 from vector<1xi32>
    %add3A_427 = arith.constant 0 : i32
    %add3A_428 = arith.addi %squeeze3A_426, %add3A_427 : i32
    %get3A_429 = arith.constant 14 : i32
    %get3A_430 = arith.index_cast %get3A_429 : i32 to index
    %get3A_431 = arith.index_cast %add3A_428 : i32 to index
    %get3A_432 = tpu.vector_load %arg9[%get3A_430, %get3A_431] {strides = array<i32>} : memref<32x128xi32, #tpu.memory_space<vmem>>, vector<1x16xi32>,
    %get3A_433 = vector.shape_cast %get3A_432 : vector<1x16xi32> to vector<16xi32>
    %swap3A_434 = arith.constant 3 : i32
    %swap3A_435 = arith.index_cast %swap3A_434 : i32 to index
    %swap3A_436 = arith.constant 64 : index
    %swap3A_437 = tpu.vector_load %arg10[%swap3A_435, %swap3A_436] {strides = array<i32>} : memref<8x128xi32, #tpu.memory_space<vmem>>, vector<1x16xi32>,
    %swap3A_438 = vector.shape_cast %swap3A_437 : vector<1x16xi32> to vector<16xi32>
    %swap3A_439 = vector.shape_cast %get3A_433 : vector<16xi32> to vector<1x16xi32>
    tpu.vector_store %arg10[%swap3A_435, %swap3A_436], %swap3A_439 {strides = array<i32>} : memref<8x128xi32, #tpu.memory_space<vmem>>, vector<1x16xi32>,
    %add3A_440 = arith.constant 16 : i32
    %add3A_441 = arith.addi %squeeze3A_426, %add3A_440 : i32
    %get3A_442 = arith.constant 14 : i32
    %get3A_443 = arith.index_cast %get3A_442 : i32 to index
    %get3A_444 = arith.index_cast %add3A_441 : i32 to index
    %get3A_445 = tpu.vector_load %arg9[%get3A_443, %get3A_444] {strides = array<i32>} : memref<32x128xi32, #tpu.memory_space<vmem>>, vector<1x16xi32>,
    %get3A_446 = vector.shape_cast %get3A_445 : vector<1x16xi32> to vector<16xi32>
    %swap3A_447 = arith.constant 3 : i32
    %swap3A_448 = arith.index_cast %swap3A_447 : i32 to index
    %swap3A_449 = arith.constant 80 : index
    %swap3A_450 = tpu.vector_load %arg10[%swap3A_448, %swap3A_449] {strides = array<i32>} : memref<8x128xi32, #tpu.memory_space<vmem>>, vector<1x16xi32>,
    %swap3A_451 = vector.shape_cast %swap3A_450 : vector<1x16xi32> to vector<16xi32>
    %swap3A_452 = vector.shape_cast %get3A_446 : vector<16xi32> to vector<1x16xi32>
    tpu.vector_store %arg10[%swap3A_448, %swap3A_449], %swap3A_452 {strides = array<i32>} : memref<8x128xi32, #tpu.memory_space<vmem>>, vector<1x16xi32>,
    %slice3A_453 = vector.extract_strided_slice %mul3A_34 {offsets = [15], sizes = [1], strides = [1]} : vector<16xi32> to vector<1xi32>
    %squeeze3A_454 = vector.extract %slice3A_453[0] : i32 from vector<1xi32>
    %add3A_455 = arith.constant 0 : i32
    %add3A_456 = arith.addi %squeeze3A_454, %add3A_455 : i32
    %get3A_457 = arith.constant 15 : i32
    %get3A_458 = arith.index_cast %get3A_457 : i32 to index
    %get3A_459 = arith.index_cast %add3A_456 : i32 to index
    %get3A_460 = tpu.vector_load %arg9[%get3A_458, %get3A_459] {strides = array<i32>} : memref<32x128xi32, #tpu.memory_space<vmem>>, vector<1x16xi32>,
    %get3A_461 = vector.shape_cast %get3A_460 : vector<1x16xi32> to vector<16xi32>
    %swap3A_462 = arith.constant 3 : i32
    %swap3A_463 = arith.index_cast %swap3A_462 : i32 to index
    %swap3A_464 = arith.constant 96 : index
    %swap3A_465 = tpu.vector_load %arg10[%swap3A_463, %swap3A_464] {strides = array<i32>} : memref<8x128xi32, #tpu.memory_space<vmem>>, vector<1x16xi32>,
    %swap3A_466 = vector.shape_cast %swap3A_465 : vector<1x16xi32> to vector<16xi32>
    %swap3A_467 = vector.shape_cast %get3A_461 : vector<16xi32> to vector<1x16xi32>
    tpu.vector_store %arg10[%swap3A_463, %swap3A_464], %swap3A_467 {strides = array<i32>} : memref<8x128xi32, #tpu.memory_space<vmem>>, vector<1x16xi32>,
    %add3A_468 = arith.constant 16 : i32
    %add3A_469 = arith.addi %squeeze3A_454, %add3A_468 : i32
    %get3A_470 = arith.constant 15 : i32
    %get3A_471 = arith.index_cast %get3A_470 : i32 to index
    %get3A_472 = arith.index_cast %add3A_469 : i32 to index
    %get3A_473 = tpu.vector_load %arg9[%get3A_471, %get3A_472] {strides = array<i32>} : memref<32x128xi32, #tpu.memory_space<vmem>>, vector<1x16xi32>,
    %get3A_474 = vector.shape_cast %get3A_473 : vector<1x16xi32> to vector<16xi32>
    %swap3A_475 = arith.constant 3 : i32
    %swap3A_476 = arith.index_cast %swap3A_475 : i32 to index
    %swap3A_477 = arith.constant 112 : index
    %swap3A_478 = tpu.vector_load %arg10[%swap3A_476, %swap3A_477] {strides = array<i32>} : memref<8x128xi32, #tpu.memory_space<vmem>>, vector<1x16xi32>,
    %swap3A_479 = vector.shape_cast %swap3A_478 : vector<1x16xi32> to vector<16xi32>
    %swap3A_480 = vector.shape_cast %get3A_474 : vector<16xi32> to vector<1x16xi32>
    tpu.vector_store %arg10[%swap3A_476, %swap3A_477], %swap3A_480 {strides = array<i32>} : memref<8x128xi32, #tpu.memory_space<vmem>>, vector<1x16xi32>,
    %get3A_481 = arith.constant 16 : index
    %get3A_482 = tpu.vector_load %arg7[%get3A_481] {strides = array<i32>} : memref<32xi32, #tpu.memory_space<vmem>>, vector<16xi32>,
    %get3A_483 = vector.shape_cast %get3A_482 : vector<16xi32> to vector<16xi32>
    %and3A_484 = arith.constant 3 : i32
    %and3A_485 = vector.broadcast %and3A_484 : i32 to vector<16xi32>
    %and3A_486 = arith.andi %get3A_483, %and3A_485 : vector<16xi32>
    %mul3A_487 = arith.constant 32 : i32
    %mul3A_488 = vector.broadcast %mul3A_487 : i32 to vector<16xi32>
    %mul3A_489 = arith.muli %and3A_486, %mul3A_488 : vector<16xi32>
    %slice3A_490 = vector.extract_strided_slice %mul3A_489 {offsets = [0], sizes = [1], strides = [1]} : vector<16xi32> to vector<1xi32>
    %squeeze3A_491 = vector.extract %slice3A_490[0] : i32 from vector<1xi32>
    %add3A_492 = arith.constant 0 : i32
    %add3A_493 = arith.addi %squeeze3A_491, %add3A_492 : i32
    %get3A_494 = arith.constant 16 : i32
    %get3A_495 = arith.index_cast %get3A_494 : i32 to index
    %get3A_496 = arith.index_cast %add3A_493 : i32 to index
    %get3A_497 = tpu.vector_load %arg9[%get3A_495, %get3A_496] {strides = array<i32>} : memref<32x128xi32, #tpu.memory_space<vmem>>, vector<1x16xi32>,
    %get3A_498 = vector.shape_cast %get3A_497 : vector<1x16xi32> to vector<16xi32>
    %swap3A_499 = arith.constant 4 : i32
    %swap3A_500 = arith.index_cast %swap3A_499 : i32 to index
    %swap3A_501 = arith.constant 0 : index
    %swap3A_502 = tpu.vector_load %arg10[%swap3A_500, %swap3A_501] {strides = array<i32>} : memref<8x128xi32, #tpu.memory_space<vmem>>, vector<1x16xi32>,
    %swap3A_503 = vector.shape_cast %swap3A_502 : vector<1x16xi32> to vector<16xi32>
    %swap3A_504 = vector.shape_cast %get3A_498 : vector<16xi32> to vector<1x16xi32>
    tpu.vector_store %arg10[%swap3A_500, %swap3A_501], %swap3A_504 {strides = array<i32>} : memref<8x128xi32, #tpu.memory_space<vmem>>, vector<1x16xi32>,
    %add3A_505 = arith.constant 16 : i32
    %add3A_506 = arith.addi %squeeze3A_491, %add3A_505 : i32
    %get3A_507 = arith.constant 16 : i32
    %get3A_508 = arith.index_cast %get3A_507 : i32 to index
    %get3A_509 = arith.index_cast %add3A_506 : i32 to index
    %get3A_510 = tpu.vector_load %arg9[%get3A_508, %get3A_509] {strides = array<i32>} : memref<32x128xi32, #tpu.memory_space<vmem>>, vector<1x16xi32>,
    %get3A_511 = vector.shape_cast %get3A_510 : vector<1x16xi32> to vector<16xi32>
    %swap3A_512 = arith.constant 4 : i32
    %swap3A_513 = arith.index_cast %swap3A_512 : i32 to index
    %swap3A_514 = arith.constant 16 : index
    %swap3A_515 = tpu.vector_load %arg10[%swap3A_513, %swap3A_514] {strides = array<i32>} : memref<8x128xi32, #tpu.memory_space<vmem>>, vector<1x16xi32>,
    %swap3A_516 = vector.shape_cast %swap3A_515 : vector<1x16xi32> to vector<16xi32>
    %swap3A_517 = vector.shape_cast %get3A_511 : vector<16xi32> to vector<1x16xi32>
    tpu.vector_store %arg10[%swap3A_513, %swap3A_514], %swap3A_517 {strides = array<i32>} : memref<8x128xi32, #tpu.memory_space<vmem>>, vector<1x16xi32>,
    %slice3A_518 = vector.extract_strided_slice %mul3A_489 {offsets = [1], sizes = [1], strides = [1]} : vector<16xi32> to vector<1xi32>
    %squeeze3A_519 = vector.extract %slice3A_518[0] : i32 from vector<1xi32>
    %add3A_520 = arith.constant 0 : i32
    %add3A_521 = arith.addi %squeeze3A_519, %add3A_520 : i32
    %get3A_522 = arith.constant 17 : i32
    %get3A_523 = arith.index_cast %get3A_522 : i32 to index
    %get3A_524 = arith.index_cast %add3A_521 : i32 to index
    %get3A_525 = tpu.vector_load %arg9[%get3A_523, %get3A_524] {strides = array<i32>} : memref<32x128xi32, #tpu.memory_space<vmem>>, vector<1x16xi32>,
    %get3A_526 = vector.shape_cast %get3A_525 : vector<1x16xi32> to vector<16xi32>
    %swap3A_527 = arith.constant 4 : i32
    %swap3A_528 = arith.index_cast %swap3A_527 : i32 to index
    %swap3A_529 = arith.constant 32 : index
    %swap3A_530 = tpu.vector_load %arg10[%swap3A_528, %swap3A_529] {strides = array<i32>} : memref<8x128xi32, #tpu.memory_space<vmem>>, vector<1x16xi32>,
    %swap3A_531 = vector.shape_cast %swap3A_530 : vector<1x16xi32> to vector<16xi32>
    %swap3A_532 = vector.shape_cast %get3A_526 : vector<16xi32> to vector<1x16xi32>
    tpu.vector_store %arg10[%swap3A_528, %swap3A_529], %swap3A_532 {strides = array<i32>} : memref<8x128xi32, #tpu.memory_space<vmem>>, vector<1x16xi32>,
    %add3A_533 = arith.constant 16 : i32
    %add3A_534 = arith.addi %squeeze3A_519, %add3A_533 : i32
    %get3A_535 = arith.constant 17 : i32
    %get3A_536 = arith.index_cast %get3A_535 : i32 to index
    %get3A_537 = arith.index_cast %add3A_534 : i32 to index
    %get3A_538 = tpu.vector_load %arg9[%get3A_536, %get3A_537] {strides = array<i32>} : memref<32x128xi32, #tpu.memory_space<vmem>>, vector<1x16xi32>,
    %get3A_539 = vector.shape_cast %get3A_538 : vector<1x16xi32> to vector<16xi32>
    %swap3A_540 = arith.constant 4 : i32
    %swap3A_541 = arith.index_cast %swap3A_540 : i32 to index
    %swap3A_542 = arith.constant 48 : index
    %swap3A_543 = tpu.vector_load %arg10[%swap3A_541, %swap3A_542] {strides = array<i32>} : memref<8x128xi32, #tpu.memory_space<vmem>>, vector<1x16xi32>,
    %swap3A_544 = vector.shape_cast %swap3A_543 : vector<1x16xi32> to vector<16xi32>
    %swap3A_545 = vector.shape_cast %get3A_539 : vector<16xi32> to vector<1x16xi32>
    tpu.vector_store %arg10[%swap3A_541, %swap3A_542], %swap3A_545 {strides = array<i32>} : memref<8x128xi32, #tpu.memory_space<vmem>>, vector<1x16xi32>,
    %slice3A_546 = vector.extract_strided_slice %mul3A_489 {offsets = [2], sizes = [1], strides = [1]} : vector<16xi32> to vector<1xi32>
    %squeeze3A_547 = vector.extract %slice3A_546[0] : i32 from vector<1xi32>
    %add3A_548 = arith.constant 0 : i32
    %add3A_549 = arith.addi %squeeze3A_547, %add3A_548 : i32
    %get3A_550 = arith.constant 18 : i32
    %get3A_551 = arith.index_cast %get3A_550 : i32 to index
    %get3A_552 = arith.index_cast %add3A_549 : i32 to index
    %get3A_553 = tpu.vector_load %arg9[%get3A_551, %get3A_552] {strides = array<i32>} : memref<32x128xi32, #tpu.memory_space<vmem>>, vector<1x16xi32>,
    %get3A_554 = vector.shape_cast %get3A_553 : vector<1x16xi32> to vector<16xi32>
    %swap3A_555 = arith.constant 4 : i32
    %swap3A_556 = arith.index_cast %swap3A_555 : i32 to index
    %swap3A_557 = arith.constant 64 : index
    %swap3A_558 = tpu.vector_load %arg10[%swap3A_556, %swap3A_557] {strides = array<i32>} : memref<8x128xi32, #tpu.memory_space<vmem>>, vector<1x16xi32>,
    %swap3A_559 = vector.shape_cast %swap3A_558 : vector<1x16xi32> to vector<16xi32>
    %swap3A_560 = vector.shape_cast %get3A_554 : vector<16xi32> to vector<1x16xi32>
    tpu.vector_store %arg10[%swap3A_556, %swap3A_557], %swap3A_560 {strides = array<i32>} : memref<8x128xi32, #tpu.memory_space<vmem>>, vector<1x16xi32>,
    %add3A_561 = arith.constant 16 : i32
    %add3A_562 = arith.addi %squeeze3A_547, %add3A_561 : i32
    %get3A_563 = arith.constant 18 : i32
    %get3A_564 = arith.index_cast %get3A_563 : i32 to index
    %get3A_565 = arith.index_cast %add3A_562 : i32 to index
    %get3A_566 = tpu.vector_load %arg9[%get3A_564, %get3A_565] {strides = array<i32>} : memref<32x128xi32, #tpu.memory_space<vmem>>, vector<1x16xi32>,
    %get3A_567 = vector.shape_cast %get3A_566 : vector<1x16xi32> to vector<16xi32>
    %swap3A_568 = arith.constant 4 : i32
    %swap3A_569 = arith.index_cast %swap3A_568 : i32 to index
    %swap3A_570 = arith.constant 80 : index
    %swap3A_571 = tpu.vector_load %arg10[%swap3A_569, %swap3A_570] {strides = array<i32>} : memref<8x128xi32, #tpu.memory_space<vmem>>, vector<1x16xi32>,
    %swap3A_572 = vector.shape_cast %swap3A_571 : vector<1x16xi32> to vector<16xi32>
    %swap3A_573 = vector.shape_cast %get3A_567 : vector<16xi32> to vector<1x16xi32>
    tpu.vector_store %arg10[%swap3A_569, %swap3A_570], %swap3A_573 {strides = array<i32>} : memref<8x128xi32, #tpu.memory_space<vmem>>, vector<1x16xi32>,
    %slice3A_574 = vector.extract_strided_slice %mul3A_489 {offsets = [3], sizes = [1], strides = [1]} : vector<16xi32> to vector<1xi32>
    %squeeze3A_575 = vector.extract %slice3A_574[0] : i32 from vector<1xi32>
    %add3A_576 = arith.constant 0 : i32
    %add3A_577 = arith.addi %squeeze3A_575, %add3A_576 : i32
    %get3A_578 = arith.constant 19 : i32
    %get3A_579 = arith.index_cast %get3A_578 : i32 to index
    %get3A_580 = arith.index_cast %add3A_577 : i32 to index
    %get3A_581 = tpu.vector_load %arg9[%get3A_579, %get3A_580] {strides = array<i32>} : memref<32x128xi32, #tpu.memory_space<vmem>>, vector<1x16xi32>,
    %get3A_582 = vector.shape_cast %get3A_581 : vector<1x16xi32> to vector<16xi32>
    %swap3A_583 = arith.constant 4 : i32
    %swap3A_584 = arith.index_cast %swap3A_583 : i32 to index
    %swap3A_585 = arith.constant 96 : index
    %swap3A_586 = tpu.vector_load %arg10[%swap3A_584, %swap3A_585] {strides = array<i32>} : memref<8x128xi32, #tpu.memory_space<vmem>>, vector<1x16xi32>,
    %swap3A_587 = vector.shape_cast %swap3A_586 : vector<1x16xi32> to vector<16xi32>
    %swap3A_588 = vector.shape_cast %get3A_582 : vector<16xi32> to vector<1x16xi32>
    tpu.vector_store %arg10[%swap3A_584, %swap3A_585], %swap3A_588 {strides = array<i32>} : memref<8x128xi32, #tpu.memory_space<vmem>>, vector<1x16xi32>,
    %add3A_589 = arith.constant 16 : i32
    %add3A_590 = arith.addi %squeeze3A_575, %add3A_589 : i32
    %get3A_591 = arith.constant 19 : i32
    %get3A_592 = arith.index_cast %get3A_591 : i32 to index
    %get3A_593 = arith.index_cast %add3A_590 : i32 to index
    %get3A_594 = tpu.vector_load %arg9[%get3A_592, %get3A_593] {strides = array<i32>} : memref<32x128xi32, #tpu.memory_space<vmem>>, vector<1x16xi32>,
    %get3A_595 = vector.shape_cast %get3A_594 : vector<1x16xi32> to vector<16xi32>
    %swap3A_596 = arith.constant 4 : i32
    %swap3A_597 = arith.index_cast %swap3A_596 : i32 to index
    %swap3A_598 = arith.constant 112 : index
    %swap3A_599 = tpu.vector_load %arg10[%swap3A_597, %swap3A_598] {strides = array<i32>} : memref<8x128xi32, #tpu.memory_space<vmem>>, vector<1x16xi32>,
    %swap3A_600 = vector.shape_cast %swap3A_599 : vector<1x16xi32> to vector<16xi32>
    %swap3A_601 = vector.shape_cast %get3A_595 : vector<16xi32> to vector<1x16xi32>
    tpu.vector_store %arg10[%swap3A_597, %swap3A_598], %swap3A_601 {strides = array<i32>} : memref<8x128xi32, #tpu.memory_space<vmem>>, vector<1x16xi32>,
    %slice3A_602 = vector.extract_strided_slice %mul3A_489 {offsets = [4], sizes = [1], strides = [1]} : vector<16xi32> to vector<1xi32>
    %squeeze3A_603 = vector.extract %slice3A_602[0] : i32 from vector<1xi32>
    %add3A_604 = arith.constant 0 : i32
    %add3A_605 = arith.addi %squeeze3A_603, %add3A_604 : i32
    %get3A_606 = arith.constant 20 : i32
    %get3A_607 = arith.index_cast %get3A_606 : i32 to index
    %get3A_608 = arith.index_cast %add3A_605 : i32 to index
    %get3A_609 = tpu.vector_load %arg9[%get3A_607, %get3A_608] {strides = array<i32>} : memref<32x128xi32, #tpu.memory_space<vmem>>, vector<1x16xi32>,
    %get3A_610 = vector.shape_cast %get3A_609 : vector<1x16xi32> to vector<16xi32>
    %swap3A_611 = arith.constant 5 : i32
    %swap3A_612 = arith.index_cast %swap3A_611 : i32 to index
    %swap3A_613 = arith.constant 0 : index
    %swap3A_614 = tpu.vector_load %arg10[%swap3A_612, %swap3A_613] {strides = array<i32>} : memref<8x128xi32, #tpu.memory_space<vmem>>, vector<1x16xi32>,
    %swap3A_615 = vector.shape_cast %swap3A_614 : vector<1x16xi32> to vector<16xi32>
    %swap3A_616 = vector.shape_cast %get3A_610 : vector<16xi32> to vector<1x16xi32>
    tpu.vector_store %arg10[%swap3A_612, %swap3A_613], %swap3A_616 {strides = array<i32>} : memref<8x128xi32, #tpu.memory_space<vmem>>, vector<1x16xi32>,
    %add3A_617 = arith.constant 16 : i32
    %add3A_618 = arith.addi %squeeze3A_603, %add3A_617 : i32
    %get3A_619 = arith.constant 20 : i32
    %get3A_620 = arith.index_cast %get3A_619 : i32 to index
    %get3A_621 = arith.index_cast %add3A_618 : i32 to index
    %get3A_622 = tpu.vector_load %arg9[%get3A_620, %get3A_621] {strides = array<i32>} : memref<32x128xi32, #tpu.memory_space<vmem>>, vector<1x16xi32>,
    %get3A_623 = vector.shape_cast %get3A_622 : vector<1x16xi32> to vector<16xi32>
    %swap3A_624 = arith.constant 5 : i32
    %swap3A_625 = arith.index_cast %swap3A_624 : i32 to index
    %swap3A_626 = arith.constant 16 : index
    %swap3A_627 = tpu.vector_load %arg10[%swap3A_625, %swap3A_626] {strides = array<i32>} : memref<8x128xi32, #tpu.memory_space<vmem>>, vector<1x16xi32>,
    %swap3A_628 = vector.shape_cast %swap3A_627 : vector<1x16xi32> to vector<16xi32>
    %swap3A_629 = vector.shape_cast %get3A_623 : vector<16xi32> to vector<1x16xi32>
    tpu.vector_store %arg10[%swap3A_625, %swap3A_626], %swap3A_629 {strides = array<i32>} : memref<8x128xi32, #tpu.memory_space<vmem>>, vector<1x16xi32>,
    %slice3A_630 = vector.extract_strided_slice %mul3A_489 {offsets = [5], sizes = [1], strides = [1]} : vector<16xi32> to vector<1xi32>
    %squeeze3A_631 = vector.extract %slice3A_630[0] : i32 from vector<1xi32>
    %add3A_632 = arith.constant 0 : i32
    %add3A_633 = arith.addi %squeeze3A_631, %add3A_632 : i32
    %get3A_634 = arith.constant 21 : i32
    %get3A_635 = arith.index_cast %get3A_634 : i32 to index
    %get3A_636 = arith.index_cast %add3A_633 : i32 to index
    %get3A_637 = tpu.vector_load %arg9[%get3A_635, %get3A_636] {strides = array<i32>} : memref<32x128xi32, #tpu.memory_space<vmem>>, vector<1x16xi32>,
    %get3A_638 = vector.shape_cast %get3A_637 : vector<1x16xi32> to vector<16xi32>
    %swap3A_639 = arith.constant 5 : i32
    %swap3A_640 = arith.index_cast %swap3A_639 : i32 to index
    %swap3A_641 = arith.constant 32 : index
    %swap3A_642 = tpu.vector_load %arg10[%swap3A_640, %swap3A_641] {strides = array<i32>} : memref<8x128xi32, #tpu.memory_space<vmem>>, vector<1x16xi32>,
    %swap3A_643 = vector.shape_cast %swap3A_642 : vector<1x16xi32> to vector<16xi32>
    %swap3A_644 = vector.shape_cast %get3A_638 : vector<16xi32> to vector<1x16xi32>
    tpu.vector_store %arg10[%swap3A_640, %swap3A_641], %swap3A_644 {strides = array<i32>} : memref<8x128xi32, #tpu.memory_space<vmem>>, vector<1x16xi32>,
    %add3A_645 = arith.constant 16 : i32
    %add3A_646 = arith.addi %squeeze3A_631, %add3A_645 : i32
    %get3A_647 = arith.constant 21 : i32
    %get3A_648 = arith.index_cast %get3A_647 : i32 to index
    %get3A_649 = arith.index_cast %add3A_646 : i32 to index
    %get3A_650 = tpu.vector_load %arg9[%get3A_648, %get3A_649] {strides = array<i32>} : memref<32x128xi32, #tpu.memory_space<vmem>>, vector<1x16xi32>,
    %get3A_651 = vector.shape_cast %get3A_650 : vector<1x16xi32> to vector<16xi32>
    %swap3A_652 = arith.constant 5 : i32
    %swap3A_653 = arith.index_cast %swap3A_652 : i32 to index
    %swap3A_654 = arith.constant 48 : index
    %swap3A_655 = tpu.vector_load %arg10[%swap3A_653, %swap3A_654] {strides = array<i32>} : memref<8x128xi32, #tpu.memory_space<vmem>>, vector<1x16xi32>,
    %swap3A_656 = vector.shape_cast %swap3A_655 : vector<1x16xi32> to vector<16xi32>
    %swap3A_657 = vector.shape_cast %get3A_651 : vector<16xi32> to vector<1x16xi32>
    tpu.vector_store %arg10[%swap3A_653, %swap3A_654], %swap3A_657 {strides = array<i32>} : memref<8x128xi32, #tpu.memory_space<vmem>>, vector<1x16xi32>,
    %slice3A_658 = vector.extract_strided_slice %mul3A_489 {offsets = [6], sizes = [1], strides = [1]} : vector<16xi32> to vector<1xi32>
    %squeeze3A_659 = vector.extract %slice3A_658[0] : i32 from vector<1xi32>
    %add3A_660 = arith.constant 0 : i32
    %add3A_661 = arith.addi %squeeze3A_659, %add3A_660 : i32
    %get3A_662 = arith.constant 22 : i32
    %get3A_663 = arith.index_cast %get3A_662 : i32 to index
    %get3A_664 = arith.index_cast %add3A_661 : i32 to index
    %get3A_665 = tpu.vector_load %arg9[%get3A_663, %get3A_664] {strides = array<i32>} : memref<32x128xi32, #tpu.memory_space<vmem>>, vector<1x16xi32>,
    %get3A_666 = vector.shape_cast %get3A_665 : vector<1x16xi32> to vector<16xi32>
    %swap3A_667 = arith.constant 5 : i32
    %swap3A_668 = arith.index_cast %swap3A_667 : i32 to index
    %swap3A_669 = arith.constant 64 : index
    %swap3A_670 = tpu.vector_load %arg10[%swap3A_668, %swap3A_669] {strides = array<i32>} : memref<8x128xi32, #tpu.memory_space<vmem>>, vector<1x16xi32>,
    %swap3A_671 = vector.shape_cast %swap3A_670 : vector<1x16xi32> to vector<16xi32>
    %swap3A_672 = vector.shape_cast %get3A_666 : vector<16xi32> to vector<1x16xi32>
    tpu.vector_store %arg10[%swap3A_668, %swap3A_669], %swap3A_672 {strides = array<i32>} : memref<8x128xi32, #tpu.memory_space<vmem>>, vector<1x16xi32>,
    %add3A_673 = arith.constant 16 : i32
    %add3A_674 = arith.addi %squeeze3A_659, %add3A_673 : i32
    %get3A_675 = arith.constant 22 : i32
    %get3A_676 = arith.index_cast %get3A_675 : i32 to index
    %get3A_677 = arith.index_cast %add3A_674 : i32 to index
    %get3A_678 = tpu.vector_load %arg9[%get3A_676, %get3A_677] {strides = array<i32>} : memref<32x128xi32, #tpu.memory_space<vmem>>, vector<1x16xi32>,
    %get3A_679 = vector.shape_cast %get3A_678 : vector<1x16xi32> to vector<16xi32>
    %swap3A_680 = arith.constant 5 : i32
    %swap3A_681 = arith.index_cast %swap3A_680 : i32 to index
    %swap3A_682 = arith.constant 80 : index
    %swap3A_683 = tpu.vector_load %arg10[%swap3A_681, %swap3A_682] {strides = array<i32>} : memref<8x128xi32, #tpu.memory_space<vmem>>, vector<1x16xi32>,
    %swap3A_684 = vector.shape_cast %swap3A_683 : vector<1x16xi32> to vector<16xi32>
    %swap3A_685 = vector.shape_cast %get3A_679 : vector<16xi32> to vector<1x16xi32>
    tpu.vector_store %arg10[%swap3A_681, %swap3A_682], %swap3A_685 {strides = array<i32>} : memref<8x128xi32, #tpu.memory_space<vmem>>, vector<1x16xi32>,
    %slice3A_686 = vector.extract_strided_slice %mul3A_489 {offsets = [7], sizes = [1], strides = [1]} : vector<16xi32> to vector<1xi32>
    %squeeze3A_687 = vector.extract %slice3A_686[0] : i32 from vector<1xi32>
    %add3A_688 = arith.constant 0 : i32
    %add3A_689 = arith.addi %squeeze3A_687, %add3A_688 : i32
    %get3A_690 = arith.constant 23 : i32
    %get3A_691 = arith.index_cast %get3A_690 : i32 to index
    %get3A_692 = arith.index_cast %add3A_689 : i32 to index
    %get3A_693 = tpu.vector_load %arg9[%get3A_691, %get3A_692] {strides = array<i32>} : memref<32x128xi32, #tpu.memory_space<vmem>>, vector<1x16xi32>,
    %get3A_694 = vector.shape_cast %get3A_693 : vector<1x16xi32> to vector<16xi32>
    %swap3A_695 = arith.constant 5 : i32
    %swap3A_696 = arith.index_cast %swap3A_695 : i32 to index
    %swap3A_697 = arith.constant 96 : index
    %swap3A_698 = tpu.vector_load %arg10[%swap3A_696, %swap3A_697] {strides = array<i32>} : memref<8x128xi32, #tpu.memory_space<vmem>>, vector<1x16xi32>,
    %swap3A_699 = vector.shape_cast %swap3A_698 : vector<1x16xi32> to vector<16xi32>
    %swap3A_700 = vector.shape_cast %get3A_694 : vector<16xi32> to vector<1x16xi32>
    tpu.vector_store %arg10[%swap3A_696, %swap3A_697], %swap3A_700 {strides = array<i32>} : memref<8x128xi32, #tpu.memory_space<vmem>>, vector<1x16xi32>,
    %add3A_701 = arith.constant 16 : i32
    %add3A_702 = arith.addi %squeeze3A_687, %add3A_701 : i32
    %get3A_703 = arith.constant 23 : i32
    %get3A_704 = arith.index_cast %get3A_703 : i32 to index
    %get3A_705 = arith.index_cast %add3A_702 : i32 to index
    %get3A_706 = tpu.vector_load %arg9[%get3A_704, %get3A_705] {strides = array<i32>} : memref<32x128xi32, #tpu.memory_space<vmem>>, vector<1x16xi32>,
    %get3A_707 = vector.shape_cast %get3A_706 : vector<1x16xi32> to vector<16xi32>
    %swap3A_708 = arith.constant 5 : i32
    %swap3A_709 = arith.index_cast %swap3A_708 : i32 to index
    %swap3A_710 = arith.constant 112 : index
    %swap3A_711 = tpu.vector_load %arg10[%swap3A_709, %swap3A_710] {strides = array<i32>} : memref<8x128xi32, #tpu.memory_space<vmem>>, vector<1x16xi32>,
    %swap3A_712 = vector.shape_cast %swap3A_711 : vector<1x16xi32> to vector<16xi32>
    %swap3A_713 = vector.shape_cast %get3A_707 : vector<16xi32> to vector<1x16xi32>
    tpu.vector_store %arg10[%swap3A_709, %swap3A_710], %swap3A_713 {strides = array<i32>} : memref<8x128xi32, #tpu.memory_space<vmem>>, vector<1x16xi32>,
    %slice3A_714 = vector.extract_strided_slice %mul3A_489 {offsets = [8], sizes = [1], strides = [1]} : vector<16xi32> to vector<1xi32>
    %squeeze3A_715 = vector.extract %slice3A_714[0] : i32 from vector<1xi32>
    %add3A_716 = arith.constant 0 : i32
    %add3A_717 = arith.addi %squeeze3A_715, %add3A_716 : i32
    %get3A_718 = arith.constant 24 : i32
    %get3A_719 = arith.index_cast %get3A_718 : i32 to index
    %get3A_720 = arith.index_cast %add3A_717 : i32 to index
    %get3A_721 = tpu.vector_load %arg9[%get3A_719, %get3A_720] {strides = array<i32>} : memref<32x128xi32, #tpu.memory_space<vmem>>, vector<1x16xi32>,
    %get3A_722 = vector.shape_cast %get3A_721 : vector<1x16xi32> to vector<16xi32>
    %swap3A_723 = arith.constant 6 : i32
    %swap3A_724 = arith.index_cast %swap3A_723 : i32 to index
    %swap3A_725 = arith.constant 0 : index
    %swap3A_726 = tpu.vector_load %arg10[%swap3A_724, %swap3A_725] {strides = array<i32>} : memref<8x128xi32, #tpu.memory_space<vmem>>, vector<1x16xi32>,
    %swap3A_727 = vector.shape_cast %swap3A_726 : vector<1x16xi32> to vector<16xi32>
    %swap3A_728 = vector.shape_cast %get3A_722 : vector<16xi32> to vector<1x16xi32>
    tpu.vector_store %arg10[%swap3A_724, %swap3A_725], %swap3A_728 {strides = array<i32>} : memref<8x128xi32, #tpu.memory_space<vmem>>, vector<1x16xi32>,
    %add3A_729 = arith.constant 16 : i32
    %add3A_730 = arith.addi %squeeze3A_715, %add3A_729 : i32
    %get3A_731 = arith.constant 24 : i32
    %get3A_732 = arith.index_cast %get3A_731 : i32 to index
    %get3A_733 = arith.index_cast %add3A_730 : i32 to index
    %get3A_734 = tpu.vector_load %arg9[%get3A_732, %get3A_733] {strides = array<i32>} : memref<32x128xi32, #tpu.memory_space<vmem>>, vector<1x16xi32>,
    %get3A_735 = vector.shape_cast %get3A_734 : vector<1x16xi32> to vector<16xi32>
    %swap3A_736 = arith.constant 6 : i32
    %swap3A_737 = arith.index_cast %swap3A_736 : i32 to index
    %swap3A_738 = arith.constant 16 : index
    %swap3A_739 = tpu.vector_load %arg10[%swap3A_737, %swap3A_738] {strides = array<i32>} : memref<8x128xi32, #tpu.memory_space<vmem>>, vector<1x16xi32>,
    %swap3A_740 = vector.shape_cast %swap3A_739 : vector<1x16xi32> to vector<16xi32>
    %swap3A_741 = vector.shape_cast %get3A_735 : vector<16xi32> to vector<1x16xi32>
    tpu.vector_store %arg10[%swap3A_737, %swap3A_738], %swap3A_741 {strides = array<i32>} : memref<8x128xi32, #tpu.memory_space<vmem>>, vector<1x16xi32>,
    %slice3A_742 = vector.extract_strided_slice %mul3A_489 {offsets = [9], sizes = [1], strides = [1]} : vector<16xi32> to vector<1xi32>
    %squeeze3A_743 = vector.extract %slice3A_742[0] : i32 from vector<1xi32>
    %add3A_744 = arith.constant 0 : i32
    %add3A_745 = arith.addi %squeeze3A_743, %add3A_744 : i32
    %get3A_746 = arith.constant 25 : i32
    %get3A_747 = arith.index_cast %get3A_746 : i32 to index
    %get3A_748 = arith.index_cast %add3A_745 : i32 to index
    %get3A_749 = tpu.vector_load %arg9[%get3A_747, %get3A_748] {strides = array<i32>} : memref<32x128xi32, #tpu.memory_space<vmem>>, vector<1x16xi32>,
    %get3A_750 = vector.shape_cast %get3A_749 : vector<1x16xi32> to vector<16xi32>
    %swap3A_751 = arith.constant 6 : i32
    %swap3A_752 = arith.index_cast %swap3A_751 : i32 to index
    %swap3A_753 = arith.constant 32 : index
    %swap3A_754 = tpu.vector_load %arg10[%swap3A_752, %swap3A_753] {strides = array<i32>} : memref<8x128xi32, #tpu.memory_space<vmem>>, vector<1x16xi32>,
    %swap3A_755 = vector.shape_cast %swap3A_754 : vector<1x16xi32> to vector<16xi32>
    %swap3A_756 = vector.shape_cast %get3A_750 : vector<16xi32> to vector<1x16xi32>
    tpu.vector_store %arg10[%swap3A_752, %swap3A_753], %swap3A_756 {strides = array<i32>} : memref<8x128xi32, #tpu.memory_space<vmem>>, vector<1x16xi32>,
    %add3A_757 = arith.constant 16 : i32
    %add3A_758 = arith.addi %squeeze3A_743, %add3A_757 : i32
    %get3A_759 = arith.constant 25 : i32
    %get3A_760 = arith.index_cast %get3A_759 : i32 to index
    %get3A_761 = arith.index_cast %add3A_758 : i32 to index
    %get3A_762 = tpu.vector_load %arg9[%get3A_760, %get3A_761] {strides = array<i32>} : memref<32x128xi32, #tpu.memory_space<vmem>>, vector<1x16xi32>,
    %get3A_763 = vector.shape_cast %get3A_762 : vector<1x16xi32> to vector<16xi32>
    %swap3A_764 = arith.constant 6 : i32
    %swap3A_765 = arith.index_cast %swap3A_764 : i32 to index
    %swap3A_766 = arith.constant 48 : index
    %swap3A_767 = tpu.vector_load %arg10[%swap3A_765, %swap3A_766] {strides = array<i32>} : memref<8x128xi32, #tpu.memory_space<vmem>>, vector<1x16xi32>,
    %swap3A_768 = vector.shape_cast %swap3A_767 : vector<1x16xi32> to vector<16xi32>
    %swap3A_769 = vector.shape_cast %get3A_763 : vector<16xi32> to vector<1x16xi32>
    tpu.vector_store %arg10[%swap3A_765, %swap3A_766], %swap3A_769 {strides = array<i32>} : memref<8x128xi32, #tpu.memory_space<vmem>>, vector<1x16xi32>,
    %slice3A_770 = vector.extract_strided_slice %mul3A_489 {offsets = [10], sizes = [1], strides = [1]} : vector<16xi32> to vector<1xi32>
    %squeeze3A_771 = vector.extract %slice3A_770[0] : i32 from vector<1xi32>
    %add3A_772 = arith.constant 0 : i32
    %add3A_773 = arith.addi %squeeze3A_771, %add3A_772 : i32
    %get3A_774 = arith.constant 26 : i32
    %get3A_775 = arith.index_cast %get3A_774 : i32 to index
    %get3A_776 = arith.index_cast %add3A_773 : i32 to index
    %get3A_777 = tpu.vector_load %arg9[%get3A_775, %get3A_776] {strides = array<i32>} : memref<32x128xi32, #tpu.memory_space<vmem>>, vector<1x16xi32>,
    %get3A_778 = vector.shape_cast %get3A_777 : vector<1x16xi32> to vector<16xi32>
    %swap3A_779 = arith.constant 6 : i32
    %swap3A_780 = arith.index_cast %swap3A_779 : i32 to index
    %swap3A_781 = arith.constant 64 : index
    %swap3A_782 = tpu.vector_load %arg10[%swap3A_780, %swap3A_781] {strides = array<i32>} : memref<8x128xi32, #tpu.memory_space<vmem>>, vector<1x16xi32>,
    %swap3A_783 = vector.shape_cast %swap3A_782 : vector<1x16xi32> to vector<16xi32>
    %swap3A_784 = vector.shape_cast %get3A_778 : vector<16xi32> to vector<1x16xi32>
    tpu.vector_store %arg10[%swap3A_780, %swap3A_781], %swap3A_784 {strides = array<i32>} : memref<8x128xi32, #tpu.memory_space<vmem>>, vector<1x16xi32>,
    %add3A_785 = arith.constant 16 : i32
    %add3A_786 = arith.addi %squeeze3A_771, %add3A_785 : i32
    %get3A_787 = arith.constant 26 : i32
    %get3A_788 = arith.index_cast %get3A_787 : i32 to index
    %get3A_789 = arith.index_cast %add3A_786 : i32 to index
    %get3A_790 = tpu.vector_load %arg9[%get3A_788, %get3A_789] {strides = array<i32>} : memref<32x128xi32, #tpu.memory_space<vmem>>, vector<1x16xi32>,
    %get3A_791 = vector.shape_cast %get3A_790 : vector<1x16xi32> to vector<16xi32>
    %swap3A_792 = arith.constant 6 : i32
    %swap3A_793 = arith.index_cast %swap3A_792 : i32 to index
    %swap3A_794 = arith.constant 80 : index
    %swap3A_795 = tpu.vector_load %arg10[%swap3A_793, %swap3A_794] {strides = array<i32>} : memref<8x128xi32, #tpu.memory_space<vmem>>, vector<1x16xi32>,
    %swap3A_796 = vector.shape_cast %swap3A_795 : vector<1x16xi32> to vector<16xi32>
    %swap3A_797 = vector.shape_cast %get3A_791 : vector<16xi32> to vector<1x16xi32>
    tpu.vector_store %arg10[%swap3A_793, %swap3A_794], %swap3A_797 {strides = array<i32>} : memref<8x128xi32, #tpu.memory_space<vmem>>, vector<1x16xi32>,
    %slice3A_798 = vector.extract_strided_slice %mul3A_489 {offsets = [11], sizes = [1], strides = [1]} : vector<16xi32> to vector<1xi32>
    %squeeze3A_799 = vector.extract %slice3A_798[0] : i32 from vector<1xi32>
    %add3A_800 = arith.constant 0 : i32
    %add3A_801 = arith.addi %squeeze3A_799, %add3A_800 : i32
    %get3A_802 = arith.constant 27 : i32
    %get3A_803 = arith.index_cast %get3A_802 : i32 to index
    %get3A_804 = arith.index_cast %add3A_801 : i32 to index
    %get3A_805 = tpu.vector_load %arg9[%get3A_803, %get3A_804] {strides = array<i32>} : memref<32x128xi32, #tpu.memory_space<vmem>>, vector<1x16xi32>,
    %get3A_806 = vector.shape_cast %get3A_805 : vector<1x16xi32> to vector<16xi32>
    %swap3A_807 = arith.constant 6 : i32
    %swap3A_808 = arith.index_cast %swap3A_807 : i32 to index
    %swap3A_809 = arith.constant 96 : index
    %swap3A_810 = tpu.vector_load %arg10[%swap3A_808, %swap3A_809] {strides = array<i32>} : memref<8x128xi32, #tpu.memory_space<vmem>>, vector<1x16xi32>,
    %swap3A_811 = vector.shape_cast %swap3A_810 : vector<1x16xi32> to vector<16xi32>
    %swap3A_812 = vector.shape_cast %get3A_806 : vector<16xi32> to vector<1x16xi32>
    tpu.vector_store %arg10[%swap3A_808, %swap3A_809], %swap3A_812 {strides = array<i32>} : memref<8x128xi32, #tpu.memory_space<vmem>>, vector<1x16xi32>,
    %add3A_813 = arith.constant 16 : i32
    %add3A_814 = arith.addi %squeeze3A_799, %add3A_813 : i32
    %get3A_815 = arith.constant 27 : i32
    %get3A_816 = arith.index_cast %get3A_815 : i32 to index
    %get3A_817 = arith.index_cast %add3A_814 : i32 to index
    %get3A_818 = tpu.vector_load %arg9[%get3A_816, %get3A_817] {strides = array<i32>} : memref<32x128xi32, #tpu.memory_space<vmem>>, vector<1x16xi32>,
    %get3A_819 = vector.shape_cast %get3A_818 : vector<1x16xi32> to vector<16xi32>
    %swap3A_820 = arith.constant 6 : i32
    %swap3A_821 = arith.index_cast %swap3A_820 : i32 to index
    %swap3A_822 = arith.constant 112 : index
    %swap3A_823 = tpu.vector_load %arg10[%swap3A_821, %swap3A_822] {strides = array<i32>} : memref<8x128xi32, #tpu.memory_space<vmem>>, vector<1x16xi32>,
    %swap3A_824 = vector.shape_cast %swap3A_823 : vector<1x16xi32> to vector<16xi32>
    %swap3A_825 = vector.shape_cast %get3A_819 : vector<16xi32> to vector<1x16xi32>
    tpu.vector_store %arg10[%swap3A_821, %swap3A_822], %swap3A_825 {strides = array<i32>} : memref<8x128xi32, #tpu.memory_space<vmem>>, vector<1x16xi32>,
    %slice3A_826 = vector.extract_strided_slice %mul3A_489 {offsets = [12], sizes = [1], strides = [1]} : vector<16xi32> to vector<1xi32>
    %squeeze3A_827 = vector.extract %slice3A_826[0] : i32 from vector<1xi32>
    %add3A_828 = arith.constant 0 : i32
    %add3A_829 = arith.addi %squeeze3A_827, %add3A_828 : i32
    %get3A_830 = arith.constant 28 : i32
    %get3A_831 = arith.index_cast %get3A_830 : i32 to index
    %get3A_832 = arith.index_cast %add3A_829 : i32 to index
    %get3A_833 = tpu.vector_load %arg9[%get3A_831, %get3A_832] {strides = array<i32>} : memref<32x128xi32, #tpu.memory_space<vmem>>, vector<1x16xi32>,
    %get3A_834 = vector.shape_cast %get3A_833 : vector<1x16xi32> to vector<16xi32>
    %swap3A_835 = arith.constant 7 : i32
    %swap3A_836 = arith.index_cast %swap3A_835 : i32 to index
    %swap3A_837 = arith.constant 0 : index
    %swap3A_838 = tpu.vector_load %arg10[%swap3A_836, %swap3A_837] {strides = array<i32>} : memref<8x128xi32, #tpu.memory_space<vmem>>, vector<1x16xi32>,
    %swap3A_839 = vector.shape_cast %swap3A_838 : vector<1x16xi32> to vector<16xi32>
    %swap3A_840 = vector.shape_cast %get3A_834 : vector<16xi32> to vector<1x16xi32>
    tpu.vector_store %arg10[%swap3A_836, %swap3A_837], %swap3A_840 {strides = array<i32>} : memref<8x128xi32, #tpu.memory_space<vmem>>, vector<1x16xi32>,
    %add3A_841 = arith.constant 16 : i32
    %add3A_842 = arith.addi %squeeze3A_827, %add3A_841 : i32
    %get3A_843 = arith.constant 28 : i32
    %get3A_844 = arith.index_cast %get3A_843 : i32 to index
    %get3A_845 = arith.index_cast %add3A_842 : i32 to index
    %get3A_846 = tpu.vector_load %arg9[%get3A_844, %get3A_845] {strides = array<i32>} : memref<32x128xi32, #tpu.memory_space<vmem>>, vector<1x16xi32>,
    %get3A_847 = vector.shape_cast %get3A_846 : vector<1x16xi32> to vector<16xi32>
    %swap3A_848 = arith.constant 7 : i32
    %swap3A_849 = arith.index_cast %swap3A_848 : i32 to index
    %swap3A_850 = arith.constant 16 : index
    %swap3A_851 = tpu.vector_load %arg10[%swap3A_849, %swap3A_850] {strides = array<i32>} : memref<8x128xi32, #tpu.memory_space<vmem>>, vector<1x16xi32>,
    %swap3A_852 = vector.shape_cast %swap3A_851 : vector<1x16xi32> to vector<16xi32>
    %swap3A_853 = vector.shape_cast %get3A_847 : vector<16xi32> to vector<1x16xi32>
    tpu.vector_store %arg10[%swap3A_849, %swap3A_850], %swap3A_853 {strides = array<i32>} : memref<8x128xi32, #tpu.memory_space<vmem>>, vector<1x16xi32>,
    %slice3A_854 = vector.extract_strided_slice %mul3A_489 {offsets = [13], sizes = [1], strides = [1]} : vector<16xi32> to vector<1xi32>
    %squeeze3A_855 = vector.extract %slice3A_854[0] : i32 from vector<1xi32>
    %add3A_856 = arith.constant 0 : i32
    %add3A_857 = arith.addi %squeeze3A_855, %add3A_856 : i32
    %get3A_858 = arith.constant 29 : i32
    %get3A_859 = arith.index_cast %get3A_858 : i32 to index
    %get3A_860 = arith.index_cast %add3A_857 : i32 to index
    %get3A_861 = tpu.vector_load %arg9[%get3A_859, %get3A_860] {strides = array<i32>} : memref<32x128xi32, #tpu.memory_space<vmem>>, vector<1x16xi32>,
    %get3A_862 = vector.shape_cast %get3A_861 : vector<1x16xi32> to vector<16xi32>
    %swap3A_863 = arith.constant 7 : i32
    %swap3A_864 = arith.index_cast %swap3A_863 : i32 to index
    %swap3A_865 = arith.constant 32 : index
    %swap3A_866 = tpu.vector_load %arg10[%swap3A_864, %swap3A_865] {strides = array<i32>} : memref<8x128xi32, #tpu.memory_space<vmem>>, vector<1x16xi32>,
    %swap3A_867 = vector.shape_cast %swap3A_866 : vector<1x16xi32> to vector<16xi32>
    %swap3A_868 = vector.shape_cast %get3A_862 : vector<16xi32> to vector<1x16xi32>
    tpu.vector_store %arg10[%swap3A_864, %swap3A_865], %swap3A_868 {strides = array<i32>} : memref<8x128xi32, #tpu.memory_space<vmem>>, vector<1x16xi32>,
    %add3A_869 = arith.constant 16 : i32
    %add3A_870 = arith.addi %squeeze3A_855, %add3A_869 : i32
    %get3A_871 = arith.constant 29 : i32
    %get3A_872 = arith.index_cast %get3A_871 : i32 to index
    %get3A_873 = arith.index_cast %add3A_870 : i32 to index
    %get3A_874 = tpu.vector_load %arg9[%get3A_872, %get3A_873] {strides = array<i32>} : memref<32x128xi32, #tpu.memory_space<vmem>>, vector<1x16xi32>,
    %get3A_875 = vector.shape_cast %get3A_874 : vector<1x16xi32> to vector<16xi32>
    %swap3A_876 = arith.constant 7 : i32
    %swap3A_877 = arith.index_cast %swap3A_876 : i32 to index
    %swap3A_878 = arith.constant 48 : index
    %swap3A_879 = tpu.vector_load %arg10[%swap3A_877, %swap3A_878] {strides = array<i32>} : memref<8x128xi32, #tpu.memory_space<vmem>>, vector<1x16xi32>,
    %swap3A_880 = vector.shape_cast %swap3A_879 : vector<1x16xi32> to vector<16xi32>
    %swap3A_881 = vector.shape_cast %get3A_875 : vector<16xi32> to vector<1x16xi32>
    tpu.vector_store %arg10[%swap3A_877, %swap3A_878], %swap3A_881 {strides = array<i32>} : memref<8x128xi32, #tpu.memory_space<vmem>>, vector<1x16xi32>,
    %slice3A_882 = vector.extract_strided_slice %mul3A_489 {offsets = [14], sizes = [1], strides = [1]} : vector<16xi32> to vector<1xi32>
    %squeeze3A_883 = vector.extract %slice3A_882[0] : i32 from vector<1xi32>
    %add3A_884 = arith.constant 0 : i32
    %add3A_885 = arith.addi %squeeze3A_883, %add3A_884 : i32
    %get3A_886 = arith.constant 30 : i32
    %get3A_887 = arith.index_cast %get3A_886 : i32 to index
    %get3A_888 = arith.index_cast %add3A_885 : i32 to index
    %get3A_889 = tpu.vector_load %arg9[%get3A_887, %get3A_888] {strides = array<i32>} : memref<32x128xi32, #tpu.memory_space<vmem>>, vector<1x16xi32>,
    %get3A_890 = vector.shape_cast %get3A_889 : vector<1x16xi32> to vector<16xi32>
    %swap3A_891 = arith.constant 7 : i32
    %swap3A_892 = arith.index_cast %swap3A_891 : i32 to index
    %swap3A_893 = arith.constant 64 : index
    %swap3A_894 = tpu.vector_load %arg10[%swap3A_892, %swap3A_893] {strides = array<i32>} : memref<8x128xi32, #tpu.memory_space<vmem>>, vector<1x16xi32>,
    %swap3A_895 = vector.shape_cast %swap3A_894 : vector<1x16xi32> to vector<16xi32>
    %swap3A_896 = vector.shape_cast %get3A_890 : vector<16xi32> to vector<1x16xi32>
    tpu.vector_store %arg10[%swap3A_892, %swap3A_893], %swap3A_896 {strides = array<i32>} : memref<8x128xi32, #tpu.memory_space<vmem>>, vector<1x16xi32>,
    %add3A_897 = arith.constant 16 : i32
    %add3A_898 = arith.addi %squeeze3A_883, %add3A_897 : i32
    %get3A_899 = arith.constant 30 : i32
    %get3A_900 = arith.index_cast %get3A_899 : i32 to index
    %get3A_901 = arith.index_cast %add3A_898 : i32 to index
    %get3A_902 = tpu.vector_load %arg9[%get3A_900, %get3A_901] {strides = array<i32>} : memref<32x128xi32, #tpu.memory_space<vmem>>, vector<1x16xi32>,
    %get3A_903 = vector.shape_cast %get3A_902 : vector<1x16xi32> to vector<16xi32>
    %swap3A_904 = arith.constant 7 : i32
    %swap3A_905 = arith.index_cast %swap3A_904 : i32 to index
    %swap3A_906 = arith.constant 80 : index
    %swap3A_907 = tpu.vector_load %arg10[%swap3A_905, %swap3A_906] {strides = array<i32>} : memref<8x128xi32, #tpu.memory_space<vmem>>, vector<1x16xi32>,
    %swap3A_908 = vector.shape_cast %swap3A_907 : vector<1x16xi32> to vector<16xi32>
    %swap3A_909 = vector.shape_cast %get3A_903 : vector<16xi32> to vector<1x16xi32>
    tpu.vector_store %arg10[%swap3A_905, %swap3A_906], %swap3A_909 {strides = array<i32>} : memref<8x128xi32, #tpu.memory_space<vmem>>, vector<1x16xi32>,
    %slice3A_910 = vector.extract_strided_slice %mul3A_489 {offsets = [15], sizes = [1], strides = [1]} : vector<16xi32> to vector<1xi32>
    %squeeze3A_911 = vector.extract %slice3A_910[0] : i32 from vector<1xi32>
    %add3A_912 = arith.constant 0 : i32
    %add3A_913 = arith.addi %squeeze3A_911, %add3A_912 : i32
    %get3A_914 = arith.constant 31 : i32
    %get3A_915 = arith.index_cast %get3A_914 : i32 to index
    %get3A_916 = arith.index_cast %add3A_913 : i32 to index
    %get3A_917 = tpu.vector_load %arg9[%get3A_915, %get3A_916] {strides = array<i32>} : memref<32x128xi32, #tpu.memory_space<vmem>>, vector<1x16xi32>,
    %get3A_918 = vector.shape_cast %get3A_917 : vector<1x16xi32> to vector<16xi32>
    %swap3A_919 = arith.constant 7 : i32
    %swap3A_920 = arith.index_cast %swap3A_919 : i32 to index
    %swap3A_921 = arith.constant 96 : index
    %swap3A_922 = tpu.vector_load %arg10[%swap3A_920, %swap3A_921] {strides = array<i32>} : memref<8x128xi32, #tpu.memory_space<vmem>>, vector<1x16xi32>,
    %swap3A_923 = vector.shape_cast %swap3A_922 : vector<1x16xi32> to vector<16xi32>
    %swap3A_924 = vector.shape_cast %get3A_918 : vector<16xi32> to vector<1x16xi32>
    tpu.vector_store %arg10[%swap3A_920, %swap3A_921], %swap3A_924 {strides = array<i32>} : memref<8x128xi32, #tpu.memory_space<vmem>>, vector<1x16xi32>,
    %add3A_925 = arith.constant 16 : i32
    %add3A_926 = arith.addi %squeeze3A_911, %add3A_925 : i32
    %get3A_927 = arith.constant 31 : i32
    %get3A_928 = arith.index_cast %get3A_927 : i32 to index
    %get3A_929 = arith.index_cast %add3A_926 : i32 to index
    %get3A_930 = tpu.vector_load %arg9[%get3A_928, %get3A_929] {strides = array<i32>} : memref<32x128xi32, #tpu.memory_space<vmem>>, vector<1x16xi32>,
    %get3A_931 = vector.shape_cast %get3A_930 : vector<1x16xi32> to vector<16xi32>
    %swap3A_932 = arith.constant 7 : i32
    %swap3A_933 = arith.index_cast %swap3A_932 : i32 to index
    %swap3A_934 = arith.constant 112 : index
    %swap3A_935 = tpu.vector_load %arg10[%swap3A_933, %swap3A_934] {strides = array<i32>} : memref<8x128xi32, #tpu.memory_space<vmem>>, vector<1x16xi32>,
    %swap3A_936 = vector.shape_cast %swap3A_935 : vector<1x16xi32> to vector<16xi32>
    %swap3A_937 = vector.shape_cast %get3A_931 : vector<16xi32> to vector<1x16xi32>
    tpu.vector_store %arg10[%swap3A_933, %swap3A_934], %swap3A_937 {strides = array<i32>} : memref<8x128xi32, #tpu.memory_space<vmem>>, vector<1x16xi32>,
    %dma_start3A_938 = arith.constant 0 : i32
    %dma_start3A_939 = arith.constant 0 : i32
    %dma_start3A_940 = tpu.memref_slice %arg10[%dma_start3A_938, %dma_start3A_939] : memref<8x128xi32, #tpu.memory_space<vmem>> -> memref<1x128xi32, #tpu.memory_space<vmem>>
    %dma_start3A_941 = tpu.memref_squeeze %dma_start3A_940 : memref<1x128xi32, #tpu.memory_space<vmem>> -> memref<128xi32, #tpu.memory_space<vmem>>
    %dma_start3A_942 = arith.constant 0 : i32
    %dma_start3A_943 = arith.constant 0 : i32
    %dma_start3A_944 = tpu.memref_slice %arg4[%dma_start3A_942, %dma_start3A_943] : memref<10000x128xf32, #tpu.memory_space<hbm>> -> memref<10000x128xf32, #tpu.memory_space<hbm>>
    tpu.enqueue_indirect_dma source(%dma_start3A_944 : memref<10000x128xf32, #tpu.memory_space<hbm>>) target(%arg12 : memref<128x128xf32, #tpu.memory_space<vmem>>) offsets(%dma_start3A_941 : memref<128xi32, #tpu.memory_space<vmem>>) semaphore(%arg15 : memref<!tpu.dma_semaphore, #tpu.memory_space<semaphore_mem>>)
    %dma_start3A_945 = arith.constant 1 : i32
    %dma_start3A_946 = arith.constant 0 : i32
    %dma_start3A_947 = tpu.memref_slice %arg10[%dma_start3A_945, %dma_start3A_946] : memref<8x128xi32, #tpu.memory_space<vmem>> -> memref<1x128xi32, #tpu.memory_space<vmem>>
    %dma_start3A_948 = tpu.memref_squeeze %dma_start3A_947 : memref<1x128xi32, #tpu.memory_space<vmem>> -> memref<128xi32, #tpu.memory_space<vmem>>
    %dma_start3A_949 = arith.constant 0 : i32
    %dma_start3A_950 = arith.constant 0 : i32
    %dma_start3A_951 = tpu.memref_slice %arg4[%dma_start3A_949, %dma_start3A_950] : memref<10000x128xf32, #tpu.memory_space<hbm>> -> memref<10000x128xf32, #tpu.memory_space<hbm>>
    tpu.enqueue_indirect_dma source(%dma_start3A_951 : memref<10000x128xf32, #tpu.memory_space<hbm>>) target(%arg13 : memref<128x128xf32, #tpu.memory_space<vmem>>) offsets(%dma_start3A_948 : memref<128xi32, #tpu.memory_space<vmem>>) semaphore(%arg16 : memref<!tpu.dma_semaphore, #tpu.memory_space<semaphore_mem>>)
    %scan3A = arith.constant 0 : i32
    %scan3A_952 = arith.constant 0 : i32
    %scan3A_953 = arith.constant 4 : i32
    %scan3A_954 = arith.addi %scan3A_952, %scan3A_953 : i32
    %scan3A_955 = arith.constant 1 : i32
    %scan3A_956 = scf.for %scan3A_963 = %scan3A_952 to %scan3A_954 step %scan3A_955 iter_args(%scan3A_964 = %scan3A) -> (i32)  : i32 {
      %mul3A_965 = arith.constant 2 : i32
      %mul3A_966 = arith.muli %scan3A_963, %mul3A_965 : i32
      %add3A_967 = arith.constant 0 : i32
      %add3A_968 = arith.addi %mul3A_966, %add3A_967 : i32
      %dma_wait3A_969 = arith.constant 0 : i32
      %dma_wait3A_970 = tpu.memref_slice %arg10[%add3A_968, %dma_wait3A_969] : memref<8x128xi32, #tpu.memory_space<vmem>> -> memref<1x128xi32, #tpu.memory_space<vmem>>
      %dma_wait3A_971 = tpu.memref_squeeze %dma_wait3A_970 : memref<1x128xi32, #tpu.memory_space<vmem>> -> memref<128xi32, #tpu.memory_space<vmem>>
      %dma_wait3A_972 = arith.constant 0 : i32
      %dma_wait3A_973 = arith.constant 0 : i32
      %dma_wait3A_974 = tpu.memref_slice %arg4[%dma_wait3A_972, %dma_wait3A_973] : memref<10000x128xf32, #tpu.memory_space<hbm>> -> memref<10000x128xf32, #tpu.memory_space<hbm>>
      tpu.wait_indirect_dma semaphore(%arg15 : memref<!tpu.dma_semaphore, #tpu.memory_space<semaphore_mem>>) src(%dma_wait3A_974 : memref<10000x128xf32, #tpu.memory_space<hbm>>) dst(%arg12 : memref<128x128xf32, #tpu.memory_space<vmem>>)
      %mul3A_975 = arith.constant 4 : i32
      %mul3A_976 = arith.muli %add3A_968, %mul3A_975 : i32
      %mul3A_977 = arith.constant 128 : i32
      %mul3A_978 = arith.muli %mul3A_976, %mul3A_977 : i32
      %broadcast_in_dim3A = arith.constant 0.000000e+00 : f32
      %broadcast_in_dim3A_979 = vector.broadcast %broadcast_in_dim3A : f32 to vector<16xf32>
      %scan3A_980 = arith.constant 0 : i32
      %scan3A_981 = arith.constant 32 : i32
      %scan3A_982 = arith.addi %scan3A_980, %scan3A_981 : i32
      %scan3A_983 = arith.constant 1 : i32
      %scan3A_984:32 = scf.for %scan3A_1532 = %scan3A_980 to %scan3A_982 step %scan3A_983 iter_args(%scan3A_1533 = %broadcast_in_dim3A_979, %scan3A_1534 = %broadcast_in_dim3A_979, %scan3A_1535 = %broadcast_in_dim3A_979, %scan3A_1536 = %broadcast_in_dim3A_979, %scan3A_1537 = %broadcast_in_dim3A_979, %scan3A_1538 = %broadcast_in_dim3A_979, %scan3A_1539 = %broadcast_in_dim3A_979, %scan3A_1540 = %broadcast_in_dim3A_979, %scan3A_1541 = %broadcast_in_dim3A_979, %scan3A_1542 = %broadcast_in_dim3A_979, %scan3A_1543 = %broadcast_in_dim3A_979, %scan3A_1544 = %broadcast_in_dim3A_979, %scan3A_1545 = %broadcast_in_dim3A_979, %scan3A_1546 = %broadcast_in_dim3A_979, %scan3A_1547 = %broadcast_in_dim3A_979, %scan3A_1548 = %broadcast_in_dim3A_979, %scan3A_1549 = %broadcast_in_dim3A_979, %scan3A_1550 = %broadcast_in_dim3A_979, %scan3A_1551 = %broadcast_in_dim3A_979, %scan3A_1552 = %broadcast_in_dim3A_979, %scan3A_1553 = %broadcast_in_dim3A_979, %scan3A_1554 = %broadcast_in_dim3A_979, %scan3A_1555 = %broadcast_in_dim3A_979, %scan3A_1556 = %broadcast_in_dim3A_979, %scan3A_1557 = %broadcast_in_dim3A_979, %scan3A_1558 = %broadcast_in_dim3A_979, %scan3A_1559 = %broadcast_in_dim3A_979, %scan3A_1560 = %broadcast_in_dim3A_979, %scan3A_1561 = %broadcast_in_dim3A_979, %scan3A_1562 = %broadcast_in_dim3A_979, %scan3A_1563 = %broadcast_in_dim3A_979, %scan3A_1564 = %broadcast_in_dim3A_979) -> (vector<16xf32>, vector<16xf32>, vector<16xf32>, vector<16xf32>, vector<16xf32>, vector<16xf32>, vector<16xf32>, vector<16xf32>, vector<16xf32>, vector<16xf32>, vector<16xf32>, vector<16xf32>, vector<16xf32>, vector<16xf32>, vector<16xf32>, vector<16xf32>, vector<16xf32>, vector<16xf32>, vector<16xf32>, vector<16xf32>, vector<16xf32>, vector<16xf32>, vector<16xf32>, vector<16xf32>, vector<16xf32>, vector<16xf32>, vector<16xf32>, vector<16xf32>, vector<16xf32>, vector<16xf32>, vector<16xf32>, vector<16xf32>)  : i32 {
        %add3A_1565 = arith.constant 0 : i32
        %add3A_1566 = arith.addi %add3A_1565, %scan3A_1532 : i32
        %get3A_1567 = arith.index_cast %add3A_1566 : i32 to index
        %get3A_1568 = arith.constant 0 : index
        %get3A_1569 = tpu.vector_load %arg12[%get3A_1567, %get3A_1568] {strides = array<i32>} : memref<128x128xf32, #tpu.memory_space<vmem>>, vector<1x16xf32>,
        %get3A_1570 = vector.shape_cast %get3A_1569 : vector<1x16xf32> to vector<16xf32>
        %add3A_1571 = arith.addf %scan3A_1533, %get3A_1570 : vector<16xf32>
        %add3A_1572 = arith.constant 0 : i32
        %add3A_1573 = arith.addi %add3A_1572, %scan3A_1532 : i32
        %get3A_1574 = arith.index_cast %add3A_1573 : i32 to index
        %get3A_1575 = arith.constant 16 : index
        %get3A_1576 = tpu.vector_load %arg12[%get3A_1574, %get3A_1575] {strides = array<i32>} : memref<128x128xf32, #tpu.memory_space<vmem>>, vector<1x16xf32>,
        %get3A_1577 = vector.shape_cast %get3A_1576 : vector<1x16xf32> to vector<16xf32>
        %add3A_1578 = arith.addf %scan3A_1534, %get3A_1577 : vector<16xf32>
        %add3A_1579 = arith.constant 0 : i32
        %add3A_1580 = arith.addi %add3A_1579, %scan3A_1532 : i32
        %get3A_1581 = arith.index_cast %add3A_1580 : i32 to index
        %get3A_1582 = arith.constant 32 : index
        %get3A_1583 = tpu.vector_load %arg12[%get3A_1581, %get3A_1582] {strides = array<i32>} : memref<128x128xf32, #tpu.memory_space<vmem>>, vector<1x16xf32>,
        %get3A_1584 = vector.shape_cast %get3A_1583 : vector<1x16xf32> to vector<16xf32>
        %add3A_1585 = arith.addf %scan3A_1535, %get3A_1584 : vector<16xf32>
        %add3A_1586 = arith.constant 0 : i32
        %add3A_1587 = arith.addi %add3A_1586, %scan3A_1532 : i32
        %get3A_1588 = arith.index_cast %add3A_1587 : i32 to index
        %get3A_1589 = arith.constant 48 : index
        %get3A_1590 = tpu.vector_load %arg12[%get3A_1588, %get3A_1589] {strides = array<i32>} : memref<128x128xf32, #tpu.memory_space<vmem>>, vector<1x16xf32>,
        %get3A_1591 = vector.shape_cast %get3A_1590 : vector<1x16xf32> to vector<16xf32>
        %add3A_1592 = arith.addf %scan3A_1536, %get3A_1591 : vector<16xf32>
        %add3A_1593 = arith.constant 0 : i32
        %add3A_1594 = arith.addi %add3A_1593, %scan3A_1532 : i32
        %get3A_1595 = arith.index_cast %add3A_1594 : i32 to index
        %get3A_1596 = arith.constant 64 : index
        %get3A_1597 = tpu.vector_load %arg12[%get3A_1595, %get3A_1596] {strides = array<i32>} : memref<128x128xf32, #tpu.memory_space<vmem>>, vector<1x16xf32>,
        %get3A_1598 = vector.shape_cast %get3A_1597 : vector<1x16xf32> to vector<16xf32>
        %add3A_1599 = arith.addf %scan3A_1537, %get3A_1598 : vector<16xf32>
        %add3A_1600 = arith.constant 0 : i32
        %add3A_1601 = arith.addi %add3A_1600, %scan3A_1532 : i32
        %get3A_1602 = arith.index_cast %add3A_1601 : i32 to index
        %get3A_1603 = arith.constant 80 : index
        %get3A_1604 = tpu.vector_load %arg12[%get3A_1602, %get3A_1603] {strides = array<i32>} : memref<128x128xf32, #tpu.memory_space<vmem>>, vector<1x16xf32>,
        %get3A_1605 = vector.shape_cast %get3A_1604 : vector<1x16xf32> to vector<16xf32>
        %add3A_1606 = arith.addf %scan3A_1538, %get3A_1605 : vector<16xf32>
        %add3A_1607 = arith.constant 0 : i32
        %add3A_1608 = arith.addi %add3A_1607, %scan3A_1532 : i32
        %get3A_1609 = arith.index_cast %add3A_1608 : i32 to index
        %get3A_1610 = arith.constant 96 : index
        %get3A_1611 = tpu.vector_load %arg12[%get3A_1609, %get3A_1610] {strides = array<i32>} : memref<128x128xf32, #tpu.memory_space<vmem>>, vector<1x16xf32>,
        %get3A_1612 = vector.shape_cast %get3A_1611 : vector<1x16xf32> to vector<16xf32>
        %add3A_1613 = arith.addf %scan3A_1539, %get3A_1612 : vector<16xf32>
        %add3A_1614 = arith.constant 0 : i32
        %add3A_1615 = arith.addi %add3A_1614, %scan3A_1532 : i32
        %get3A_1616 = arith.index_cast %add3A_1615 : i32 to index
        %get3A_1617 = arith.constant 112 : index
        %get3A_1618 = tpu.vector_load %arg12[%get3A_1616, %get3A_1617] {strides = array<i32>} : memref<128x128xf32, #tpu.memory_space<vmem>>, vector<1x16xf32>,
        %get3A_1619 = vector.shape_cast %get3A_1618 : vector<1x16xf32> to vector<16xf32>
        %add3A_1620 = arith.addf %scan3A_1540, %get3A_1619 : vector<16xf32>
        %add3A_1621 = arith.constant 32 : i32
        %add3A_1622 = arith.addi %add3A_1621, %scan3A_1532 : i32
        %get3A_1623 = arith.index_cast %add3A_1622 : i32 to index
        %get3A_1624 = arith.constant 0 : index
        %get3A_1625 = tpu.vector_load %arg12[%get3A_1623, %get3A_1624] {strides = array<i32>} : memref<128x128xf32, #tpu.memory_space<vmem>>, vector<1x16xf32>,
        %get3A_1626 = vector.shape_cast %get3A_1625 : vector<1x16xf32> to vector<16xf32>
        %add3A_1627 = arith.addf %scan3A_1541, %get3A_1626 : vector<16xf32>
        %add3A_1628 = arith.constant 32 : i32
        %add3A_1629 = arith.addi %add3A_1628, %scan3A_1532 : i32
        %get3A_1630 = arith.index_cast %add3A_1629 : i32 to index
        %get3A_1631 = arith.constant 16 : index
        %get3A_1632 = tpu.vector_load %arg12[%get3A_1630, %get3A_1631] {strides = array<i32>} : memref<128x128xf32, #tpu.memory_space<vmem>>, vector<1x16xf32>,
        %get3A_1633 = vector.shape_cast %get3A_1632 : vector<1x16xf32> to vector<16xf32>
        %add3A_1634 = arith.addf %scan3A_1542, %get3A_1633 : vector<16xf32>
        %add3A_1635 = arith.constant 32 : i32
        %add3A_1636 = arith.addi %add3A_1635, %scan3A_1532 : i32
        %get3A_1637 = arith.index_cast %add3A_1636 : i32 to index
        %get3A_1638 = arith.constant 32 : index
        %get3A_1639 = tpu.vector_load %arg12[%get3A_1637, %get3A_1638] {strides = array<i32>} : memref<128x128xf32, #tpu.memory_space<vmem>>, vector<1x16xf32>,
        %get3A_1640 = vector.shape_cast %get3A_1639 : vector<1x16xf32> to vector<16xf32>
        %add3A_1641 = arith.addf %scan3A_1543, %get3A_1640 : vector<16xf32>
        %add3A_1642 = arith.constant 32 : i32
        %add3A_1643 = arith.addi %add3A_1642, %scan3A_1532 : i32
        %get3A_1644 = arith.index_cast %add3A_1643 : i32 to index
        %get3A_1645 = arith.constant 48 : index
        %get3A_1646 = tpu.vector_load %arg12[%get3A_1644, %get3A_1645] {strides = array<i32>} : memref<128x128xf32, #tpu.memory_space<vmem>>, vector<1x16xf32>,
        %get3A_1647 = vector.shape_cast %get3A_1646 : vector<1x16xf32> to vector<16xf32>
        %add3A_1648 = arith.addf %scan3A_1544, %get3A_1647 : vector<16xf32>
        %add3A_1649 = arith.constant 32 : i32
        %add3A_1650 = arith.addi %add3A_1649, %scan3A_1532 : i32
        %get3A_1651 = arith.index_cast %add3A_1650 : i32 to index
        %get3A_1652 = arith.constant 64 : index
        %get3A_1653 = tpu.vector_load %arg12[%get3A_1651, %get3A_1652] {strides = array<i32>} : memref<128x128xf32, #tpu.memory_space<vmem>>, vector<1x16xf32>,
        %get3A_1654 = vector.shape_cast %get3A_1653 : vector<1x16xf32> to vector<16xf32>
        %add3A_1655 = arith.addf %scan3A_1545, %get3A_1654 : vector<16xf32>
        %add3A_1656 = arith.constant 32 : i32
        %add3A_1657 = arith.addi %add3A_1656, %scan3A_1532 : i32
        %get3A_1658 = arith.index_cast %add3A_1657 : i32 to index
        %get3A_1659 = arith.constant 80 : index
        %get3A_1660 = tpu.vector_load %arg12[%get3A_1658, %get3A_1659] {strides = array<i32>} : memref<128x128xf32, #tpu.memory_space<vmem>>, vector<1x16xf32>,
        %get3A_1661 = vector.shape_cast %get3A_1660 : vector<1x16xf32> to vector<16xf32>
        %add3A_1662 = arith.addf %scan3A_1546, %get3A_1661 : vector<16xf32>
        %add3A_1663 = arith.constant 32 : i32
        %add3A_1664 = arith.addi %add3A_1663, %scan3A_1532 : i32
        %get3A_1665 = arith.index_cast %add3A_1664 : i32 to index
        %get3A_1666 = arith.constant 96 : index
        %get3A_1667 = tpu.vector_load %arg12[%get3A_1665, %get3A_1666] {strides = array<i32>} : memref<128x128xf32, #tpu.memory_space<vmem>>, vector<1x16xf32>,
        %get3A_1668 = vector.shape_cast %get3A_1667 : vector<1x16xf32> to vector<16xf32>
        %add3A_1669 = arith.addf %scan3A_1547, %get3A_1668 : vector<16xf32>
        %add3A_1670 = arith.constant 32 : i32
        %add3A_1671 = arith.addi %add3A_1670, %scan3A_1532 : i32
        %get3A_1672 = arith.index_cast %add3A_1671 : i32 to index
        %get3A_1673 = arith.constant 112 : index
        %get3A_1674 = tpu.vector_load %arg12[%get3A_1672, %get3A_1673] {strides = array<i32>} : memref<128x128xf32, #tpu.memory_space<vmem>>, vector<1x16xf32>,
        %get3A_1675 = vector.shape_cast %get3A_1674 : vector<1x16xf32> to vector<16xf32>
        %add3A_1676 = arith.addf %scan3A_1548, %get3A_1675 : vector<16xf32>
        %add3A_1677 = arith.constant 64 : i32
        %add3A_1678 = arith.addi %add3A_1677, %scan3A_1532 : i32
        %get3A_1679 = arith.index_cast %add3A_1678 : i32 to index
        %get3A_1680 = arith.constant 0 : index
        %get3A_1681 = tpu.vector_load %arg12[%get3A_1679, %get3A_1680] {strides = array<i32>} : memref<128x128xf32, #tpu.memory_space<vmem>>, vector<1x16xf32>,
        %get3A_1682 = vector.shape_cast %get3A_1681 : vector<1x16xf32> to vector<16xf32>
        %add3A_1683 = arith.addf %scan3A_1549, %get3A_1682 : vector<16xf32>
        %add3A_1684 = arith.constant 64 : i32
        %add3A_1685 = arith.addi %add3A_1684, %scan3A_1532 : i32
        %get3A_1686 = arith.index_cast %add3A_1685 : i32 to index
        %get3A_1687 = arith.constant 16 : index
        %get3A_1688 = tpu.vector_load %arg12[%get3A_1686, %get3A_1687] {strides = array<i32>} : memref<128x128xf32, #tpu.memory_space<vmem>>, vector<1x16xf32>,
        %get3A_1689 = vector.shape_cast %get3A_1688 : vector<1x16xf32> to vector<16xf32>
        %add3A_1690 = arith.addf %scan3A_1550, %get3A_1689 : vector<16xf32>
        %add3A_1691 = arith.constant 64 : i32
        %add3A_1692 = arith.addi %add3A_1691, %scan3A_1532 : i32
        %get3A_1693 = arith.index_cast %add3A_1692 : i32 to index
        %get3A_1694 = arith.constant 32 : index
        %get3A_1695 = tpu.vector_load %arg12[%get3A_1693, %get3A_1694] {strides = array<i32>} : memref<128x128xf32, #tpu.memory_space<vmem>>, vector<1x16xf32>,
        %get3A_1696 = vector.shape_cast %get3A_1695 : vector<1x16xf32> to vector<16xf32>
        %add3A_1697 = arith.addf %scan3A_1551, %get3A_1696 : vector<16xf32>
        %add3A_1698 = arith.constant 64 : i32
        %add3A_1699 = arith.addi %add3A_1698, %scan3A_1532 : i32
        %get3A_1700 = arith.index_cast %add3A_1699 : i32 to index
        %get3A_1701 = arith.constant 48 : index
        %get3A_1702 = tpu.vector_load %arg12[%get3A_1700, %get3A_1701] {strides = array<i32>} : memref<128x128xf32, #tpu.memory_space<vmem>>, vector<1x16xf32>,
        %get3A_1703 = vector.shape_cast %get3A_1702 : vector<1x16xf32> to vector<16xf32>
        %add3A_1704 = arith.addf %scan3A_1552, %get3A_1703 : vector<16xf32>
        %add3A_1705 = arith.constant 64 : i32
        %add3A_1706 = arith.addi %add3A_1705, %scan3A_1532 : i32
        %get3A_1707 = arith.index_cast %add3A_1706 : i32 to index
        %get3A_1708 = arith.constant 64 : index
        %get3A_1709 = tpu.vector_load %arg12[%get3A_1707, %get3A_1708] {strides = array<i32>} : memref<128x128xf32, #tpu.memory_space<vmem>>, vector<1x16xf32>,
        %get3A_1710 = vector.shape_cast %get3A_1709 : vector<1x16xf32> to vector<16xf32>
        %add3A_1711 = arith.addf %scan3A_1553, %get3A_1710 : vector<16xf32>
        %add3A_1712 = arith.constant 64 : i32
        %add3A_1713 = arith.addi %add3A_1712, %scan3A_1532 : i32
        %get3A_1714 = arith.index_cast %add3A_1713 : i32 to index
        %get3A_1715 = arith.constant 80 : index
        %get3A_1716 = tpu.vector_load %arg12[%get3A_1714, %get3A_1715] {strides = array<i32>} : memref<128x128xf32, #tpu.memory_space<vmem>>, vector<1x16xf32>,
        %get3A_1717 = vector.shape_cast %get3A_1716 : vector<1x16xf32> to vector<16xf32>
        %add3A_1718 = arith.addf %scan3A_1554, %get3A_1717 : vector<16xf32>
        %add3A_1719 = arith.constant 64 : i32
        %add3A_1720 = arith.addi %add3A_1719, %scan3A_1532 : i32
        %get3A_1721 = arith.index_cast %add3A_1720 : i32 to index
        %get3A_1722 = arith.constant 96 : index
        %get3A_1723 = tpu.vector_load %arg12[%get3A_1721, %get3A_1722] {strides = array<i32>} : memref<128x128xf32, #tpu.memory_space<vmem>>, vector<1x16xf32>,
        %get3A_1724 = vector.shape_cast %get3A_1723 : vector<1x16xf32> to vector<16xf32>
        %add3A_1725 = arith.addf %scan3A_1555, %get3A_1724 : vector<16xf32>
        %add3A_1726 = arith.constant 64 : i32
        %add3A_1727 = arith.addi %add3A_1726, %scan3A_1532 : i32
        %get3A_1728 = arith.index_cast %add3A_1727 : i32 to index
        %get3A_1729 = arith.constant 112 : index
        %get3A_1730 = tpu.vector_load %arg12[%get3A_1728, %get3A_1729] {strides = array<i32>} : memref<128x128xf32, #tpu.memory_space<vmem>>, vector<1x16xf32>,
        %get3A_1731 = vector.shape_cast %get3A_1730 : vector<1x16xf32> to vector<16xf32>
        %add3A_1732 = arith.addf %scan3A_1556, %get3A_1731 : vector<16xf32>
        %add3A_1733 = arith.constant 96 : i32
        %add3A_1734 = arith.addi %add3A_1733, %scan3A_1532 : i32
        %get3A_1735 = arith.index_cast %add3A_1734 : i32 to index
        %get3A_1736 = arith.constant 0 : index
        %get3A_1737 = tpu.vector_load %arg12[%get3A_1735, %get3A_1736] {strides = array<i32>} : memref<128x128xf32, #tpu.memory_space<vmem>>, vector<1x16xf32>,
        %get3A_1738 = vector.shape_cast %get3A_1737 : vector<1x16xf32> to vector<16xf32>
        %add3A_1739 = arith.addf %scan3A_1557, %get3A_1738 : vector<16xf32>
        %add3A_1740 = arith.constant 96 : i32
        %add3A_1741 = arith.addi %add3A_1740, %scan3A_1532 : i32
        %get3A_1742 = arith.index_cast %add3A_1741 : i32 to index
        %get3A_1743 = arith.constant 16 : index
        %get3A_1744 = tpu.vector_load %arg12[%get3A_1742, %get3A_1743] {strides = array<i32>} : memref<128x128xf32, #tpu.memory_space<vmem>>, vector<1x16xf32>,
        %get3A_1745 = vector.shape_cast %get3A_1744 : vector<1x16xf32> to vector<16xf32>
        %add3A_1746 = arith.addf %scan3A_1558, %get3A_1745 : vector<16xf32>
        %add3A_1747 = arith.constant 96 : i32
        %add3A_1748 = arith.addi %add3A_1747, %scan3A_1532 : i32
        %get3A_1749 = arith.index_cast %add3A_1748 : i32 to index
        %get3A_1750 = arith.constant 32 : index
        %get3A_1751 = tpu.vector_load %arg12[%get3A_1749, %get3A_1750] {strides = array<i32>} : memref<128x128xf32, #tpu.memory_space<vmem>>, vector<1x16xf32>,
        %get3A_1752 = vector.shape_cast %get3A_1751 : vector<1x16xf32> to vector<16xf32>
        %add3A_1753 = arith.addf %scan3A_1559, %get3A_1752 : vector<16xf32>
        %add3A_1754 = arith.constant 96 : i32
        %add3A_1755 = arith.addi %add3A_1754, %scan3A_1532 : i32
        %get3A_1756 = arith.index_cast %add3A_1755 : i32 to index
        %get3A_1757 = arith.constant 48 : index
        %get3A_1758 = tpu.vector_load %arg12[%get3A_1756, %get3A_1757] {strides = array<i32>} : memref<128x128xf32, #tpu.memory_space<vmem>>, vector<1x16xf32>,
        %get3A_1759 = vector.shape_cast %get3A_1758 : vector<1x16xf32> to vector<16xf32>
        %add3A_1760 = arith.addf %scan3A_1560, %get3A_1759 : vector<16xf32>
        %add3A_1761 = arith.constant 96 : i32
        %add3A_1762 = arith.addi %add3A_1761, %scan3A_1532 : i32
        %get3A_1763 = arith.index_cast %add3A_1762 : i32 to index
        %get3A_1764 = arith.constant 64 : index
        %get3A_1765 = tpu.vector_load %arg12[%get3A_1763, %get3A_1764] {strides = array<i32>} : memref<128x128xf32, #tpu.memory_space<vmem>>, vector<1x16xf32>,
        %get3A_1766 = vector.shape_cast %get3A_1765 : vector<1x16xf32> to vector<16xf32>
        %add3A_1767 = arith.addf %scan3A_1561, %get3A_1766 : vector<16xf32>
        %add3A_1768 = arith.constant 96 : i32
        %add3A_1769 = arith.addi %add3A_1768, %scan3A_1532 : i32
        %get3A_1770 = arith.index_cast %add3A_1769 : i32 to index
        %get3A_1771 = arith.constant 80 : index
        %get3A_1772 = tpu.vector_load %arg12[%get3A_1770, %get3A_1771] {strides = array<i32>} : memref<128x128xf32, #tpu.memory_space<vmem>>, vector<1x16xf32>,
        %get3A_1773 = vector.shape_cast %get3A_1772 : vector<1x16xf32> to vector<16xf32>
        %add3A_1774 = arith.addf %scan3A_1562, %get3A_1773 : vector<16xf32>
        %add3A_1775 = arith.constant 96 : i32
        %add3A_1776 = arith.addi %add3A_1775, %scan3A_1532 : i32
        %get3A_1777 = arith.index_cast %add3A_1776 : i32 to index
        %get3A_1778 = arith.constant 96 : index
        %get3A_1779 = tpu.vector_load %arg12[%get3A_1777, %get3A_1778] {strides = array<i32>} : memref<128x128xf32, #tpu.memory_space<vmem>>, vector<1x16xf32>,
        %get3A_1780 = vector.shape_cast %get3A_1779 : vector<1x16xf32> to vector<16xf32>
        %add3A_1781 = arith.addf %scan3A_1563, %get3A_1780 : vector<16xf32>
        %add3A_1782 = arith.constant 96 : i32
        %add3A_1783 = arith.addi %add3A_1782, %scan3A_1532 : i32
        %get3A_1784 = arith.index_cast %add3A_1783 : i32 to index
        %get3A_1785 = arith.constant 112 : index
        %get3A_1786 = tpu.vector_load %arg12[%get3A_1784, %get3A_1785] {strides = array<i32>} : memref<128x128xf32, #tpu.memory_space<vmem>>, vector<1x16xf32>,
        %get3A_1787 = vector.shape_cast %get3A_1786 : vector<1x16xf32> to vector<16xf32>
        %add3A_1788 = arith.addf %scan3A_1564, %get3A_1787 : vector<16xf32>
        scf.yield %add3A_1571, %add3A_1578, %add3A_1585, %add3A_1592, %add3A_1599, %add3A_1606, %add3A_1613, %add3A_1620, %add3A_1627, %add3A_1634, %add3A_1641, %add3A_1648, %add3A_1655, %add3A_1662, %add3A_1669, %add3A_1676, %add3A_1683, %add3A_1690, %add3A_1697, %add3A_1704, %add3A_1711, %add3A_1718, %add3A_1725, %add3A_1732, %add3A_1739, %add3A_1746, %add3A_1753, %add3A_1760, %add3A_1767, %add3A_1774, %add3A_1781, %add3A_1788 : vector<16xf32>, vector<16xf32>, vector<16xf32>, vector<16xf32>, vector<16xf32>, vector<16xf32>, vector<16xf32>, vector<16xf32>, vector<16xf32>, vector<16xf32>, vector<16xf32>, vector<16xf32>, vector<16xf32>, vector<16xf32>, vector<16xf32>, vector<16xf32>, vector<16xf32>, vector<16xf32>, vector<16xf32>, vector<16xf32>, vector<16xf32>, vector<16xf32>, vector<16xf32>, vector<16xf32>, vector<16xf32>, vector<16xf32>, vector<16xf32>, vector<16xf32>, vector<16xf32>, vector<16xf32>, vector<16xf32>, vector<16xf32>
      }
      %scan3A_985 = arith.constant 32 : i32
      %add3A_986 = arith.constant 0 : i32
      %add3A_987 = arith.addi %mul3A_978, %add3A_986 : i32
      %add3A_988 = arith.constant 0 : i32
      %add3A_989 = arith.addi %add3A_987, %add3A_988 : i32
      %swap3A_990 = arith.index_cast %add3A_989 : i32 to index
      %swap3A_991 = tpu.vector_load %arg14[%swap3A_990] {strides = array<i32>} : memref<4096xf32, #tpu.memory_space<vmem>>, vector<16xf32>,
      %swap3A_992 = vector.shape_cast %swap3A_991 : vector<16xf32> to vector<16xf32>
      %swap3A_993 = vector.shape_cast %scan3A_984#0 : vector<16xf32> to vector<16xf32>
      tpu.vector_store %arg14[%swap3A_990], %swap3A_993 {strides = array<i32>} : memref<4096xf32, #tpu.memory_space<vmem>>, vector<16xf32>,
      %add3A_994 = arith.constant 0 : i32
      %add3A_995 = arith.addi %mul3A_978, %add3A_994 : i32
      %add3A_996 = arith.constant 16 : i32
      %add3A_997 = arith.addi %add3A_995, %add3A_996 : i32
      %swap3A_998 = arith.index_cast %add3A_997 : i32 to index
      %swap3A_999 = tpu.vector_load %arg14[%swap3A_998] {strides = array<i32>} : memref<4096xf32, #tpu.memory_space<vmem>>, vector<16xf32>,
      %swap3A_1000 = vector.shape_cast %swap3A_999 : vector<16xf32> to vector<16xf32>
      %swap3A_1001 = vector.shape_cast %scan3A_984#1 : vector<16xf32> to vector<16xf32>
      tpu.vector_store %arg14[%swap3A_998], %swap3A_1001 {strides = array<i32>} : memref<4096xf32, #tpu.memory_space<vmem>>, vector<16xf32>,
      %add3A_1002 = arith.constant 0 : i32
      %add3A_1003 = arith.addi %mul3A_978, %add3A_1002 : i32
      %add3A_1004 = arith.constant 32 : i32
      %add3A_1005 = arith.addi %add3A_1003, %add3A_1004 : i32
      %swap3A_1006 = arith.index_cast %add3A_1005 : i32 to index
      %swap3A_1007 = tpu.vector_load %arg14[%swap3A_1006] {strides = array<i32>} : memref<4096xf32, #tpu.memory_space<vmem>>, vector<16xf32>,
      %swap3A_1008 = vector.shape_cast %swap3A_1007 : vector<16xf32> to vector<16xf32>
      %swap3A_1009 = vector.shape_cast %scan3A_984#2 : vector<16xf32> to vector<16xf32>
      tpu.vector_store %arg14[%swap3A_1006], %swap3A_1009 {strides = array<i32>} : memref<4096xf32, #tpu.memory_space<vmem>>, vector<16xf32>,
      %add3A_1010 = arith.constant 0 : i32
      %add3A_1011 = arith.addi %mul3A_978, %add3A_1010 : i32
      %add3A_1012 = arith.constant 48 : i32
      %add3A_1013 = arith.addi %add3A_1011, %add3A_1012 : i32
      %swap3A_1014 = arith.index_cast %add3A_1013 : i32 to index
      %swap3A_1015 = tpu.vector_load %arg14[%swap3A_1014] {strides = array<i32>} : memref<4096xf32, #tpu.memory_space<vmem>>, vector<16xf32>,
      %swap3A_1016 = vector.shape_cast %swap3A_1015 : vector<16xf32> to vector<16xf32>
      %swap3A_1017 = vector.shape_cast %scan3A_984#3 : vector<16xf32> to vector<16xf32>
      tpu.vector_store %arg14[%swap3A_1014], %swap3A_1017 {strides = array<i32>} : memref<4096xf32, #tpu.memory_space<vmem>>, vector<16xf32>,
      %add3A_1018 = arith.constant 0 : i32
      %add3A_1019 = arith.addi %mul3A_978, %add3A_1018 : i32
      %add3A_1020 = arith.constant 64 : i32
      %add3A_1021 = arith.addi %add3A_1019, %add3A_1020 : i32
      %swap3A_1022 = arith.index_cast %add3A_1021 : i32 to index
      %swap3A_1023 = tpu.vector_load %arg14[%swap3A_1022] {strides = array<i32>} : memref<4096xf32, #tpu.memory_space<vmem>>, vector<16xf32>,
      %swap3A_1024 = vector.shape_cast %swap3A_1023 : vector<16xf32> to vector<16xf32>
      %swap3A_1025 = vector.shape_cast %scan3A_984#4 : vector<16xf32> to vector<16xf32>
      tpu.vector_store %arg14[%swap3A_1022], %swap3A_1025 {strides = array<i32>} : memref<4096xf32, #tpu.memory_space<vmem>>, vector<16xf32>,
      %add3A_1026 = arith.constant 0 : i32
      %add3A_1027 = arith.addi %mul3A_978, %add3A_1026 : i32
      %add3A_1028 = arith.constant 80 : i32
      %add3A_1029 = arith.addi %add3A_1027, %add3A_1028 : i32
      %swap3A_1030 = arith.index_cast %add3A_1029 : i32 to index
      %swap3A_1031 = tpu.vector_load %arg14[%swap3A_1030] {strides = array<i32>} : memref<4096xf32, #tpu.memory_space<vmem>>, vector<16xf32>,
      %swap3A_1032 = vector.shape_cast %swap3A_1031 : vector<16xf32> to vector<16xf32>
      %swap3A_1033 = vector.shape_cast %scan3A_984#5 : vector<16xf32> to vector<16xf32>
      tpu.vector_store %arg14[%swap3A_1030], %swap3A_1033 {strides = array<i32>} : memref<4096xf32, #tpu.memory_space<vmem>>, vector<16xf32>,
      %add3A_1034 = arith.constant 0 : i32
      %add3A_1035 = arith.addi %mul3A_978, %add3A_1034 : i32
      %add3A_1036 = arith.constant 96 : i32
      %add3A_1037 = arith.addi %add3A_1035, %add3A_1036 : i32
      %swap3A_1038 = arith.index_cast %add3A_1037 : i32 to index
      %swap3A_1039 = tpu.vector_load %arg14[%swap3A_1038] {strides = array<i32>} : memref<4096xf32, #tpu.memory_space<vmem>>, vector<16xf32>,
      %swap3A_1040 = vector.shape_cast %swap3A_1039 : vector<16xf32> to vector<16xf32>
      %swap3A_1041 = vector.shape_cast %scan3A_984#6 : vector<16xf32> to vector<16xf32>
      tpu.vector_store %arg14[%swap3A_1038], %swap3A_1041 {strides = array<i32>} : memref<4096xf32, #tpu.memory_space<vmem>>, vector<16xf32>,
      %add3A_1042 = arith.constant 0 : i32
      %add3A_1043 = arith.addi %mul3A_978, %add3A_1042 : i32
      %add3A_1044 = arith.constant 112 : i32
      %add3A_1045 = arith.addi %add3A_1043, %add3A_1044 : i32
      %swap3A_1046 = arith.index_cast %add3A_1045 : i32 to index
      %swap3A_1047 = tpu.vector_load %arg14[%swap3A_1046] {strides = array<i32>} : memref<4096xf32, #tpu.memory_space<vmem>>, vector<16xf32>,
      %swap3A_1048 = vector.shape_cast %swap3A_1047 : vector<16xf32> to vector<16xf32>
      %swap3A_1049 = vector.shape_cast %scan3A_984#7 : vector<16xf32> to vector<16xf32>
      tpu.vector_store %arg14[%swap3A_1046], %swap3A_1049 {strides = array<i32>} : memref<4096xf32, #tpu.memory_space<vmem>>, vector<16xf32>,
      %add3A_1050 = arith.constant 128 : i32
      %add3A_1051 = arith.addi %mul3A_978, %add3A_1050 : i32
      %add3A_1052 = arith.constant 0 : i32
      %add3A_1053 = arith.addi %add3A_1051, %add3A_1052 : i32
      %swap3A_1054 = arith.index_cast %add3A_1053 : i32 to index
      %swap3A_1055 = tpu.vector_load %arg14[%swap3A_1054] {strides = array<i32>} : memref<4096xf32, #tpu.memory_space<vmem>>, vector<16xf32>,
      %swap3A_1056 = vector.shape_cast %swap3A_1055 : vector<16xf32> to vector<16xf32>
      %swap3A_1057 = vector.shape_cast %scan3A_984#8 : vector<16xf32> to vector<16xf32>
      tpu.vector_store %arg14[%swap3A_1054], %swap3A_1057 {strides = array<i32>} : memref<4096xf32, #tpu.memory_space<vmem>>, vector<16xf32>,
      %add3A_1058 = arith.constant 128 : i32
      %add3A_1059 = arith.addi %mul3A_978, %add3A_1058 : i32
      %add3A_1060 = arith.constant 16 : i32
      %add3A_1061 = arith.addi %add3A_1059, %add3A_1060 : i32
      %swap3A_1062 = arith.index_cast %add3A_1061 : i32 to index
      %swap3A_1063 = tpu.vector_load %arg14[%swap3A_1062] {strides = array<i32>} : memref<4096xf32, #tpu.memory_space<vmem>>, vector<16xf32>,
      %swap3A_1064 = vector.shape_cast %swap3A_1063 : vector<16xf32> to vector<16xf32>
      %swap3A_1065 = vector.shape_cast %scan3A_984#9 : vector<16xf32> to vector<16xf32>
      tpu.vector_store %arg14[%swap3A_1062], %swap3A_1065 {strides = array<i32>} : memref<4096xf32, #tpu.memory_space<vmem>>, vector<16xf32>,
      %add3A_1066 = arith.constant 128 : i32
      %add3A_1067 = arith.addi %mul3A_978, %add3A_1066 : i32
      %add3A_1068 = arith.constant 32 : i32
      %add3A_1069 = arith.addi %add3A_1067, %add3A_1068 : i32
      %swap3A_1070 = arith.index_cast %add3A_1069 : i32 to index
      %swap3A_1071 = tpu.vector_load %arg14[%swap3A_1070] {strides = array<i32>} : memref<4096xf32, #tpu.memory_space<vmem>>, vector<16xf32>,
      %swap3A_1072 = vector.shape_cast %swap3A_1071 : vector<16xf32> to vector<16xf32>
      %swap3A_1073 = vector.shape_cast %scan3A_984#10 : vector<16xf32> to vector<16xf32>
      tpu.vector_store %arg14[%swap3A_1070], %swap3A_1073 {strides = array<i32>} : memref<4096xf32, #tpu.memory_space<vmem>>, vector<16xf32>,
      %add3A_1074 = arith.constant 128 : i32
      %add3A_1075 = arith.addi %mul3A_978, %add3A_1074 : i32
      %add3A_1076 = arith.constant 48 : i32
      %add3A_1077 = arith.addi %add3A_1075, %add3A_1076 : i32
      %swap3A_1078 = arith.index_cast %add3A_1077 : i32 to index
      %swap3A_1079 = tpu.vector_load %arg14[%swap3A_1078] {strides = array<i32>} : memref<4096xf32, #tpu.memory_space<vmem>>, vector<16xf32>,
      %swap3A_1080 = vector.shape_cast %swap3A_1079 : vector<16xf32> to vector<16xf32>
      %swap3A_1081 = vector.shape_cast %scan3A_984#11 : vector<16xf32> to vector<16xf32>
      tpu.vector_store %arg14[%swap3A_1078], %swap3A_1081 {strides = array<i32>} : memref<4096xf32, #tpu.memory_space<vmem>>, vector<16xf32>,
      %add3A_1082 = arith.constant 128 : i32
      %add3A_1083 = arith.addi %mul3A_978, %add3A_1082 : i32
      %add3A_1084 = arith.constant 64 : i32
      %add3A_1085 = arith.addi %add3A_1083, %add3A_1084 : i32
      %swap3A_1086 = arith.index_cast %add3A_1085 : i32 to index
      %swap3A_1087 = tpu.vector_load %arg14[%swap3A_1086] {strides = array<i32>} : memref<4096xf32, #tpu.memory_space<vmem>>, vector<16xf32>,
      %swap3A_1088 = vector.shape_cast %swap3A_1087 : vector<16xf32> to vector<16xf32>
      %swap3A_1089 = vector.shape_cast %scan3A_984#12 : vector<16xf32> to vector<16xf32>
      tpu.vector_store %arg14[%swap3A_1086], %swap3A_1089 {strides = array<i32>} : memref<4096xf32, #tpu.memory_space<vmem>>, vector<16xf32>,
      %add3A_1090 = arith.constant 128 : i32
      %add3A_1091 = arith.addi %mul3A_978, %add3A_1090 : i32
      %add3A_1092 = arith.constant 80 : i32
      %add3A_1093 = arith.addi %add3A_1091, %add3A_1092 : i32
      %swap3A_1094 = arith.index_cast %add3A_1093 : i32 to index
      %swap3A_1095 = tpu.vector_load %arg14[%swap3A_1094] {strides = array<i32>} : memref<4096xf32, #tpu.memory_space<vmem>>, vector<16xf32>,
      %swap3A_1096 = vector.shape_cast %swap3A_1095 : vector<16xf32> to vector<16xf32>
      %swap3A_1097 = vector.shape_cast %scan3A_984#13 : vector<16xf32> to vector<16xf32>
      tpu.vector_store %arg14[%swap3A_1094], %swap3A_1097 {strides = array<i32>} : memref<4096xf32, #tpu.memory_space<vmem>>, vector<16xf32>,
      %add3A_1098 = arith.constant 128 : i32
      %add3A_1099 = arith.addi %mul3A_978, %add3A_1098 : i32
      %add3A_1100 = arith.constant 96 : i32
      %add3A_1101 = arith.addi %add3A_1099, %add3A_1100 : i32
      %swap3A_1102 = arith.index_cast %add3A_1101 : i32 to index
      %swap3A_1103 = tpu.vector_load %arg14[%swap3A_1102] {strides = array<i32>} : memref<4096xf32, #tpu.memory_space<vmem>>, vector<16xf32>,
      %swap3A_1104 = vector.shape_cast %swap3A_1103 : vector<16xf32> to vector<16xf32>
      %swap3A_1105 = vector.shape_cast %scan3A_984#14 : vector<16xf32> to vector<16xf32>
      tpu.vector_store %arg14[%swap3A_1102], %swap3A_1105 {strides = array<i32>} : memref<4096xf32, #tpu.memory_space<vmem>>, vector<16xf32>,
      %add3A_1106 = arith.constant 128 : i32
      %add3A_1107 = arith.addi %mul3A_978, %add3A_1106 : i32
      %add3A_1108 = arith.constant 112 : i32
      %add3A_1109 = arith.addi %add3A_1107, %add3A_1108 : i32
      %swap3A_1110 = arith.index_cast %add3A_1109 : i32 to index
      %swap3A_1111 = tpu.vector_load %arg14[%swap3A_1110] {strides = array<i32>} : memref<4096xf32, #tpu.memory_space<vmem>>, vector<16xf32>,
      %swap3A_1112 = vector.shape_cast %swap3A_1111 : vector<16xf32> to vector<16xf32>
      %swap3A_1113 = vector.shape_cast %scan3A_984#15 : vector<16xf32> to vector<16xf32>
      tpu.vector_store %arg14[%swap3A_1110], %swap3A_1113 {strides = array<i32>} : memref<4096xf32, #tpu.memory_space<vmem>>, vector<16xf32>,
      %add3A_1114 = arith.constant 256 : i32
      %add3A_1115 = arith.addi %mul3A_978, %add3A_1114 : i32
      %add3A_1116 = arith.constant 0 : i32
      %add3A_1117 = arith.addi %add3A_1115, %add3A_1116 : i32
      %swap3A_1118 = arith.index_cast %add3A_1117 : i32 to index
      %swap3A_1119 = tpu.vector_load %arg14[%swap3A_1118] {strides = array<i32>} : memref<4096xf32, #tpu.memory_space<vmem>>, vector<16xf32>,
      %swap3A_1120 = vector.shape_cast %swap3A_1119 : vector<16xf32> to vector<16xf32>
      %swap3A_1121 = vector.shape_cast %scan3A_984#16 : vector<16xf32> to vector<16xf32>
      tpu.vector_store %arg14[%swap3A_1118], %swap3A_1121 {strides = array<i32>} : memref<4096xf32, #tpu.memory_space<vmem>>, vector<16xf32>,
      %add3A_1122 = arith.constant 256 : i32
      %add3A_1123 = arith.addi %mul3A_978, %add3A_1122 : i32
      %add3A_1124 = arith.constant 16 : i32
      %add3A_1125 = arith.addi %add3A_1123, %add3A_1124 : i32
      %swap3A_1126 = arith.index_cast %add3A_1125 : i32 to index
      %swap3A_1127 = tpu.vector_load %arg14[%swap3A_1126] {strides = array<i32>} : memref<4096xf32, #tpu.memory_space<vmem>>, vector<16xf32>,
      %swap3A_1128 = vector.shape_cast %swap3A_1127 : vector<16xf32> to vector<16xf32>
      %swap3A_1129 = vector.shape_cast %scan3A_984#17 : vector<16xf32> to vector<16xf32>
      tpu.vector_store %arg14[%swap3A_1126], %swap3A_1129 {strides = array<i32>} : memref<4096xf32, #tpu.memory_space<vmem>>, vector<16xf32>,
      %add3A_1130 = arith.constant 256 : i32
      %add3A_1131 = arith.addi %mul3A_978, %add3A_1130 : i32
      %add3A_1132 = arith.constant 32 : i32
      %add3A_1133 = arith.addi %add3A_1131, %add3A_1132 : i32
      %swap3A_1134 = arith.index_cast %add3A_1133 : i32 to index
      %swap3A_1135 = tpu.vector_load %arg14[%swap3A_1134] {strides = array<i32>} : memref<4096xf32, #tpu.memory_space<vmem>>, vector<16xf32>,
      %swap3A_1136 = vector.shape_cast %swap3A_1135 : vector<16xf32> to vector<16xf32>
      %swap3A_1137 = vector.shape_cast %scan3A_984#18 : vector<16xf32> to vector<16xf32>
      tpu.vector_store %arg14[%swap3A_1134], %swap3A_1137 {strides = array<i32>} : memref<4096xf32, #tpu.memory_space<vmem>>, vector<16xf32>,
      %add3A_1138 = arith.constant 256 : i32
      %add3A_1139 = arith.addi %mul3A_978, %add3A_1138 : i32
      %add3A_1140 = arith.constant 48 : i32
      %add3A_1141 = arith.addi %add3A_1139, %add3A_1140 : i32
      %swap3A_1142 = arith.index_cast %add3A_1141 : i32 to index
      %swap3A_1143 = tpu.vector_load %arg14[%swap3A_1142] {strides = array<i32>} : memref<4096xf32, #tpu.memory_space<vmem>>, vector<16xf32>,
      %swap3A_1144 = vector.shape_cast %swap3A_1143 : vector<16xf32> to vector<16xf32>
      %swap3A_1145 = vector.shape_cast %scan3A_984#19 : vector<16xf32> to vector<16xf32>
      tpu.vector_store %arg14[%swap3A_1142], %swap3A_1145 {strides = array<i32>} : memref<4096xf32, #tpu.memory_space<vmem>>, vector<16xf32>,
      %add3A_1146 = arith.constant 256 : i32
      %add3A_1147 = arith.addi %mul3A_978, %add3A_1146 : i32
      %add3A_1148 = arith.constant 64 : i32
      %add3A_1149 = arith.addi %add3A_1147, %add3A_1148 : i32
      %swap3A_1150 = arith.index_cast %add3A_1149 : i32 to index
      %swap3A_1151 = tpu.vector_load %arg14[%swap3A_1150] {strides = array<i32>} : memref<4096xf32, #tpu.memory_space<vmem>>, vector<16xf32>,
      %swap3A_1152 = vector.shape_cast %swap3A_1151 : vector<16xf32> to vector<16xf32>
      %swap3A_1153 = vector.shape_cast %scan3A_984#20 : vector<16xf32> to vector<16xf32>
      tpu.vector_store %arg14[%swap3A_1150], %swap3A_1153 {strides = array<i32>} : memref<4096xf32, #tpu.memory_space<vmem>>, vector<16xf32>,
      %add3A_1154 = arith.constant 256 : i32
      %add3A_1155 = arith.addi %mul3A_978, %add3A_1154 : i32
      %add3A_1156 = arith.constant 80 : i32
      %add3A_1157 = arith.addi %add3A_1155, %add3A_1156 : i32
      %swap3A_1158 = arith.index_cast %add3A_1157 : i32 to index
      %swap3A_1159 = tpu.vector_load %arg14[%swap3A_1158] {strides = array<i32>} : memref<4096xf32, #tpu.memory_space<vmem>>, vector<16xf32>,
      %swap3A_1160 = vector.shape_cast %swap3A_1159 : vector<16xf32> to vector<16xf32>
      %swap3A_1161 = vector.shape_cast %scan3A_984#21 : vector<16xf32> to vector<16xf32>
      tpu.vector_store %arg14[%swap3A_1158], %swap3A_1161 {strides = array<i32>} : memref<4096xf32, #tpu.memory_space<vmem>>, vector<16xf32>,
      %add3A_1162 = arith.constant 256 : i32
      %add3A_1163 = arith.addi %mul3A_978, %add3A_1162 : i32
      %add3A_1164 = arith.constant 96 : i32
      %add3A_1165 = arith.addi %add3A_1163, %add3A_1164 : i32
      %swap3A_1166 = arith.index_cast %add3A_1165 : i32 to index
      %swap3A_1167 = tpu.vector_load %arg14[%swap3A_1166] {strides = array<i32>} : memref<4096xf32, #tpu.memory_space<vmem>>, vector<16xf32>,
      %swap3A_1168 = vector.shape_cast %swap3A_1167 : vector<16xf32> to vector<16xf32>
      %swap3A_1169 = vector.shape_cast %scan3A_984#22 : vector<16xf32> to vector<16xf32>
      tpu.vector_store %arg14[%swap3A_1166], %swap3A_1169 {strides = array<i32>} : memref<4096xf32, #tpu.memory_space<vmem>>, vector<16xf32>,
      %add3A_1170 = arith.constant 256 : i32
      %add3A_1171 = arith.addi %mul3A_978, %add3A_1170 : i32
      %add3A_1172 = arith.constant 112 : i32
      %add3A_1173 = arith.addi %add3A_1171, %add3A_1172 : i32
      %swap3A_1174 = arith.index_cast %add3A_1173 : i32 to index
      %swap3A_1175 = tpu.vector_load %arg14[%swap3A_1174] {strides = array<i32>} : memref<4096xf32, #tpu.memory_space<vmem>>, vector<16xf32>,
      %swap3A_1176 = vector.shape_cast %swap3A_1175 : vector<16xf32> to vector<16xf32>
      %swap3A_1177 = vector.shape_cast %scan3A_984#23 : vector<16xf32> to vector<16xf32>
      tpu.vector_store %arg14[%swap3A_1174], %swap3A_1177 {strides = array<i32>} : memref<4096xf32, #tpu.memory_space<vmem>>, vector<16xf32>,
      %add3A_1178 = arith.constant 384 : i32
      %add3A_1179 = arith.addi %mul3A_978, %add3A_1178 : i32
      %add3A_1180 = arith.constant 0 : i32
      %add3A_1181 = arith.addi %add3A_1179, %add3A_1180 : i32
      %swap3A_1182 = arith.index_cast %add3A_1181 : i32 to index
      %swap3A_1183 = tpu.vector_load %arg14[%swap3A_1182] {strides = array<i32>} : memref<4096xf32, #tpu.memory_space<vmem>>, vector<16xf32>,
      %swap3A_1184 = vector.shape_cast %swap3A_1183 : vector<16xf32> to vector<16xf32>
      %swap3A_1185 = vector.shape_cast %scan3A_984#24 : vector<16xf32> to vector<16xf32>
      tpu.vector_store %arg14[%swap3A_1182], %swap3A_1185 {strides = array<i32>} : memref<4096xf32, #tpu.memory_space<vmem>>, vector<16xf32>,
      %add3A_1186 = arith.constant 384 : i32
      %add3A_1187 = arith.addi %mul3A_978, %add3A_1186 : i32
      %add3A_1188 = arith.constant 16 : i32
      %add3A_1189 = arith.addi %add3A_1187, %add3A_1188 : i32
      %swap3A_1190 = arith.index_cast %add3A_1189 : i32 to index
      %swap3A_1191 = tpu.vector_load %arg14[%swap3A_1190] {strides = array<i32>} : memref<4096xf32, #tpu.memory_space<vmem>>, vector<16xf32>,
      %swap3A_1192 = vector.shape_cast %swap3A_1191 : vector<16xf32> to vector<16xf32>
      %swap3A_1193 = vector.shape_cast %scan3A_984#25 : vector<16xf32> to vector<16xf32>
      tpu.vector_store %arg14[%swap3A_1190], %swap3A_1193 {strides = array<i32>} : memref<4096xf32, #tpu.memory_space<vmem>>, vector<16xf32>,
      %add3A_1194 = arith.constant 384 : i32
      %add3A_1195 = arith.addi %mul3A_978, %add3A_1194 : i32
      %add3A_1196 = arith.constant 32 : i32
      %add3A_1197 = arith.addi %add3A_1195, %add3A_1196 : i32
      %swap3A_1198 = arith.index_cast %add3A_1197 : i32 to index
      %swap3A_1199 = tpu.vector_load %arg14[%swap3A_1198] {strides = array<i32>} : memref<4096xf32, #tpu.memory_space<vmem>>, vector<16xf32>,
      %swap3A_1200 = vector.shape_cast %swap3A_1199 : vector<16xf32> to vector<16xf32>
      %swap3A_1201 = vector.shape_cast %scan3A_984#26 : vector<16xf32> to vector<16xf32>
      tpu.vector_store %arg14[%swap3A_1198], %swap3A_1201 {strides = array<i32>} : memref<4096xf32, #tpu.memory_space<vmem>>, vector<16xf32>,
      %add3A_1202 = arith.constant 384 : i32
      %add3A_1203 = arith.addi %mul3A_978, %add3A_1202 : i32
      %add3A_1204 = arith.constant 48 : i32
      %add3A_1205 = arith.addi %add3A_1203, %add3A_1204 : i32
      %swap3A_1206 = arith.index_cast %add3A_1205 : i32 to index
      %swap3A_1207 = tpu.vector_load %arg14[%swap3A_1206] {strides = array<i32>} : memref<4096xf32, #tpu.memory_space<vmem>>, vector<16xf32>,
      %swap3A_1208 = vector.shape_cast %swap3A_1207 : vector<16xf32> to vector<16xf32>
      %swap3A_1209 = vector.shape_cast %scan3A_984#27 : vector<16xf32> to vector<16xf32>
      tpu.vector_store %arg14[%swap3A_1206], %swap3A_1209 {strides = array<i32>} : memref<4096xf32, #tpu.memory_space<vmem>>, vector<16xf32>,
      %add3A_1210 = arith.constant 384 : i32
      %add3A_1211 = arith.addi %mul3A_978, %add3A_1210 : i32
      %add3A_1212 = arith.constant 64 : i32
      %add3A_1213 = arith.addi %add3A_1211, %add3A_1212 : i32
      %swap3A_1214 = arith.index_cast %add3A_1213 : i32 to index
      %swap3A_1215 = tpu.vector_load %arg14[%swap3A_1214] {strides = array<i32>} : memref<4096xf32, #tpu.memory_space<vmem>>, vector<16xf32>,
      %swap3A_1216 = vector.shape_cast %swap3A_1215 : vector<16xf32> to vector<16xf32>
      %swap3A_1217 = vector.shape_cast %scan3A_984#28 : vector<16xf32> to vector<16xf32>
      tpu.vector_store %arg14[%swap3A_1214], %swap3A_1217 {strides = array<i32>} : memref<4096xf32, #tpu.memory_space<vmem>>, vector<16xf32>,
      %add3A_1218 = arith.constant 384 : i32
      %add3A_1219 = arith.addi %mul3A_978, %add3A_1218 : i32
      %add3A_1220 = arith.constant 80 : i32
      %add3A_1221 = arith.addi %add3A_1219, %add3A_1220 : i32
      %swap3A_1222 = arith.index_cast %add3A_1221 : i32 to index
      %swap3A_1223 = tpu.vector_load %arg14[%swap3A_1222] {strides = array<i32>} : memref<4096xf32, #tpu.memory_space<vmem>>, vector<16xf32>,
      %swap3A_1224 = vector.shape_cast %swap3A_1223 : vector<16xf32> to vector<16xf32>
      %swap3A_1225 = vector.shape_cast %scan3A_984#29 : vector<16xf32> to vector<16xf32>
      tpu.vector_store %arg14[%swap3A_1222], %swap3A_1225 {strides = array<i32>} : memref<4096xf32, #tpu.memory_space<vmem>>, vector<16xf32>,
      %add3A_1226 = arith.constant 384 : i32
      %add3A_1227 = arith.addi %mul3A_978, %add3A_1226 : i32
      %add3A_1228 = arith.constant 96 : i32
      %add3A_1229 = arith.addi %add3A_1227, %add3A_1228 : i32
      %swap3A_1230 = arith.index_cast %add3A_1229 : i32 to index
      %swap3A_1231 = tpu.vector_load %arg14[%swap3A_1230] {strides = array<i32>} : memref<4096xf32, #tpu.memory_space<vmem>>, vector<16xf32>,
      %swap3A_1232 = vector.shape_cast %swap3A_1231 : vector<16xf32> to vector<16xf32>
      %swap3A_1233 = vector.shape_cast %scan3A_984#30 : vector<16xf32> to vector<16xf32>
      tpu.vector_store %arg14[%swap3A_1230], %swap3A_1233 {strides = array<i32>} : memref<4096xf32, #tpu.memory_space<vmem>>, vector<16xf32>,
      %add3A_1234 = arith.constant 384 : i32
      %add3A_1235 = arith.addi %mul3A_978, %add3A_1234 : i32
      %add3A_1236 = arith.constant 112 : i32
      %add3A_1237 = arith.addi %add3A_1235, %add3A_1236 : i32
      %swap3A_1238 = arith.index_cast %add3A_1237 : i32 to index
      %swap3A_1239 = tpu.vector_load %arg14[%swap3A_1238] {strides = array<i32>} : memref<4096xf32, #tpu.memory_space<vmem>>, vector<16xf32>,
      %swap3A_1240 = vector.shape_cast %swap3A_1239 : vector<16xf32> to vector<16xf32>
      %swap3A_1241 = vector.shape_cast %scan3A_984#31 : vector<16xf32> to vector<16xf32>
      tpu.vector_store %arg14[%swap3A_1238], %swap3A_1241 {strides = array<i32>} : memref<4096xf32, #tpu.memory_space<vmem>>, vector<16xf32>,
      %add3A_1242 = arith.constant 2 : i32
      %add3A_1243 = arith.addi %add3A_968, %add3A_1242 : i32
      %lt3A = arith.constant 8 : i32
      %lt3A_1244 = arith.cmpi slt, %add3A_1243, %lt3A : i32
      %convert_element_type3A = arith.extui %lt3A_1244 : i1 to i32
      %cond3A = arith.constant 0 : i32
      %cond3A_1245 = arith.cmpi ne, %convert_element_type3A, %cond3A : i32
      scf.if %cond3A_1245 {
        %add3A_1532 = arith.constant 2 : i32
        %add3A_1533 = arith.addi %add3A_968, %add3A_1532 : i32
        %dma_start3A_1534 = arith.constant 0 : i32
        %dma_start3A_1535 = tpu.memref_slice %arg10[%add3A_1533, %dma_start3A_1534] : memref<8x128xi32, #tpu.memory_space<vmem>> -> memref<1x128xi32, #tpu.memory_space<vmem>>
        %dma_start3A_1536 = tpu.memref_squeeze %dma_start3A_1535 : memref<1x128xi32, #tpu.memory_space<vmem>> -> memref<128xi32, #tpu.memory_space<vmem>>
        %dma_start3A_1537 = arith.constant 0 : i32
        %dma_start3A_1538 = arith.constant 0 : i32
        %dma_start3A_1539 = tpu.memref_slice %arg4[%dma_start3A_1537, %dma_start3A_1538] : memref<10000x128xf32, #tpu.memory_space<hbm>> -> memref<10000x128xf32, #tpu.memory_space<hbm>>
        tpu.enqueue_indirect_dma source(%dma_start3A_1539 : memref<10000x128xf32, #tpu.memory_space<hbm>>) target(%arg12 : memref<128x128xf32, #tpu.memory_space<vmem>>) offsets(%dma_start3A_1536 : memref<128xi32, #tpu.memory_space<vmem>>) semaphore(%arg15 : memref<!tpu.dma_semaphore, #tpu.memory_space<semaphore_mem>>)
      } else {
      }
      %mul3A_1246 = arith.constant 2 : i32
      %mul3A_1247 = arith.muli %scan3A_963, %mul3A_1246 : i32
      %add3A_1248 = arith.constant 1 : i32
      %add3A_1249 = arith.addi %mul3A_1247, %add3A_1248 : i32
      %dma_wait3A_1250 = arith.constant 0 : i32
      %dma_wait3A_1251 = tpu.memref_slice %arg10[%add3A_1249, %dma_wait3A_1250] : memref<8x128xi32, #tpu.memory_space<vmem>> -> memref<1x128xi32, #tpu.memory_space<vmem>>
      %dma_wait3A_1252 = tpu.memref_squeeze %dma_wait3A_1251 : memref<1x128xi32, #tpu.memory_space<vmem>> -> memref<128xi32, #tpu.memory_space<vmem>>
      %dma_wait3A_1253 = arith.constant 0 : i32
      %dma_wait3A_1254 = arith.constant 0 : i32
      %dma_wait3A_1255 = tpu.memref_slice %arg4[%dma_wait3A_1253, %dma_wait3A_1254] : memref<10000x128xf32, #tpu.memory_space<hbm>> -> memref<10000x128xf32, #tpu.memory_space<hbm>>
      tpu.wait_indirect_dma semaphore(%arg16 : memref<!tpu.dma_semaphore, #tpu.memory_space<semaphore_mem>>) src(%dma_wait3A_1255 : memref<10000x128xf32, #tpu.memory_space<hbm>>) dst(%arg13 : memref<128x128xf32, #tpu.memory_space<vmem>>)
      %mul3A_1256 = arith.constant 4 : i32
      %mul3A_1257 = arith.muli %add3A_1249, %mul3A_1256 : i32
      %mul3A_1258 = arith.constant 128 : i32
      %mul3A_1259 = arith.muli %mul3A_1257, %mul3A_1258 : i32
      %broadcast_in_dim3A_1260 = arith.constant 0.000000e+00 : f32
      %broadcast_in_dim3A_1261 = vector.broadcast %broadcast_in_dim3A_1260 : f32 to vector<16xf32>
      %scan3A_1262 = arith.constant 0 : i32
      %scan3A_1263 = arith.constant 32 : i32
      %scan3A_1264 = arith.addi %scan3A_1262, %scan3A_1263 : i32
      %scan3A_1265 = arith.constant 1 : i32
      %scan3A_1266:32 = scf.for %scan3A_1532 = %scan3A_1262 to %scan3A_1264 step %scan3A_1265 iter_args(%scan3A_1533 = %broadcast_in_dim3A_1261, %scan3A_1534 = %broadcast_in_dim3A_1261, %scan3A_1535 = %broadcast_in_dim3A_1261, %scan3A_1536 = %broadcast_in_dim3A_1261, %scan3A_1537 = %broadcast_in_dim3A_1261, %scan3A_1538 = %broadcast_in_dim3A_1261, %scan3A_1539 = %broadcast_in_dim3A_1261, %scan3A_1540 = %broadcast_in_dim3A_1261, %scan3A_1541 = %broadcast_in_dim3A_1261, %scan3A_1542 = %broadcast_in_dim3A_1261, %scan3A_1543 = %broadcast_in_dim3A_1261, %scan3A_1544 = %broadcast_in_dim3A_1261, %scan3A_1545 = %broadcast_in_dim3A_1261, %scan3A_1546 = %broadcast_in_dim3A_1261, %scan3A_1547 = %broadcast_in_dim3A_1261, %scan3A_1548 = %broadcast_in_dim3A_1261, %scan3A_1549 = %broadcast_in_dim3A_1261, %scan3A_1550 = %broadcast_in_dim3A_1261, %scan3A_1551 = %broadcast_in_dim3A_1261, %scan3A_1552 = %broadcast_in_dim3A_1261, %scan3A_1553 = %broadcast_in_dim3A_1261, %scan3A_1554 = %broadcast_in_dim3A_1261, %scan3A_1555 = %broadcast_in_dim3A_1261, %scan3A_1556 = %broadcast_in_dim3A_1261, %scan3A_1557 = %broadcast_in_dim3A_1261, %scan3A_1558 = %broadcast_in_dim3A_1261, %scan3A_1559 = %broadcast_in_dim3A_1261, %scan3A_1560 = %broadcast_in_dim3A_1261, %scan3A_1561 = %broadcast_in_dim3A_1261, %scan3A_1562 = %broadcast_in_dim3A_1261, %scan3A_1563 = %broadcast_in_dim3A_1261, %scan3A_1564 = %broadcast_in_dim3A_1261) -> (vector<16xf32>, vector<16xf32>, vector<16xf32>, vector<16xf32>, vector<16xf32>, vector<16xf32>, vector<16xf32>, vector<16xf32>, vector<16xf32>, vector<16xf32>, vector<16xf32>, vector<16xf32>, vector<16xf32>, vector<16xf32>, vector<16xf32>, vector<16xf32>, vector<16xf32>, vector<16xf32>, vector<16xf32>, vector<16xf32>, vector<16xf32>, vector<16xf32>, vector<16xf32>, vector<16xf32>, vector<16xf32>, vector<16xf32>, vector<16xf32>, vector<16xf32>, vector<16xf32>, vector<16xf32>, vector<16xf32>, vector<16xf32>)  : i32 {
        %add3A_1565 = arith.constant 0 : i32
        %add3A_1566 = arith.addi %add3A_1565, %scan3A_1532 : i32
        %get3A_1567 = arith.index_cast %add3A_1566 : i32 to index
        %get3A_1568 = arith.constant 0 : index
        %get3A_1569 = tpu.vector_load %arg13[%get3A_1567, %get3A_1568] {strides = array<i32>} : memref<128x128xf32, #tpu.memory_space<vmem>>, vector<1x16xf32>,
        %get3A_1570 = vector.shape_cast %get3A_1569 : vector<1x16xf32> to vector<16xf32>
        %add3A_1571 = arith.addf %scan3A_1533, %get3A_1570 : vector<16xf32>
        %add3A_1572 = arith.constant 0 : i32
        %add3A_1573 = arith.addi %add3A_1572, %scan3A_1532 : i32
        %get3A_1574 = arith.index_cast %add3A_1573 : i32 to index
        %get3A_1575 = arith.constant 16 : index
        %get3A_1576 = tpu.vector_load %arg13[%get3A_1574, %get3A_1575] {strides = array<i32>} : memref<128x128xf32, #tpu.memory_space<vmem>>, vector<1x16xf32>,
        %get3A_1577 = vector.shape_cast %get3A_1576 : vector<1x16xf32> to vector<16xf32>
        %add3A_1578 = arith.addf %scan3A_1534, %get3A_1577 : vector<16xf32>
        %add3A_1579 = arith.constant 0 : i32
        %add3A_1580 = arith.addi %add3A_1579, %scan3A_1532 : i32
        %get3A_1581 = arith.index_cast %add3A_1580 : i32 to index
        %get3A_1582 = arith.constant 32 : index
        %get3A_1583 = tpu.vector_load %arg13[%get3A_1581, %get3A_1582] {strides = array<i32>} : memref<128x128xf32, #tpu.memory_space<vmem>>, vector<1x16xf32>,
        %get3A_1584 = vector.shape_cast %get3A_1583 : vector<1x16xf32> to vector<16xf32>
        %add3A_1585 = arith.addf %scan3A_1535, %get3A_1584 : vector<16xf32>
        %add3A_1586 = arith.constant 0 : i32
        %add3A_1587 = arith.addi %add3A_1586, %scan3A_1532 : i32
        %get3A_1588 = arith.index_cast %add3A_1587 : i32 to index
        %get3A_1589 = arith.constant 48 : index
        %get3A_1590 = tpu.vector_load %arg13[%get3A_1588, %get3A_1589] {strides = array<i32>} : memref<128x128xf32, #tpu.memory_space<vmem>>, vector<1x16xf32>,
        %get3A_1591 = vector.shape_cast %get3A_1590 : vector<1x16xf32> to vector<16xf32>
        %add3A_1592 = arith.addf %scan3A_1536, %get3A_1591 : vector<16xf32>
        %add3A_1593 = arith.constant 0 : i32
        %add3A_1594 = arith.addi %add3A_1593, %scan3A_1532 : i32
        %get3A_1595 = arith.index_cast %add3A_1594 : i32 to index
        %get3A_1596 = arith.constant 64 : index
        %get3A_1597 = tpu.vector_load %arg13[%get3A_1595, %get3A_1596] {strides = array<i32>} : memref<128x128xf32, #tpu.memory_space<vmem>>, vector<1x16xf32>,
        %get3A_1598 = vector.shape_cast %get3A_1597 : vector<1x16xf32> to vector<16xf32>
        %add3A_1599 = arith.addf %scan3A_1537, %get3A_1598 : vector<16xf32>
        %add3A_1600 = arith.constant 0 : i32
        %add3A_1601 = arith.addi %add3A_1600, %scan3A_1532 : i32
        %get3A_1602 = arith.index_cast %add3A_1601 : i32 to index
        %get3A_1603 = arith.constant 80 : index
        %get3A_1604 = tpu.vector_load %arg13[%get3A_1602, %get3A_1603] {strides = array<i32>} : memref<128x128xf32, #tpu.memory_space<vmem>>, vector<1x16xf32>,
        %get3A_1605 = vector.shape_cast %get3A_1604 : vector<1x16xf32> to vector<16xf32>
        %add3A_1606 = arith.addf %scan3A_1538, %get3A_1605 : vector<16xf32>
        %add3A_1607 = arith.constant 0 : i32
        %add3A_1608 = arith.addi %add3A_1607, %scan3A_1532 : i32
        %get3A_1609 = arith.index_cast %add3A_1608 : i32 to index
        %get3A_1610 = arith.constant 96 : index
        %get3A_1611 = tpu.vector_load %arg13[%get3A_1609, %get3A_1610] {strides = array<i32>} : memref<128x128xf32, #tpu.memory_space<vmem>>, vector<1x16xf32>,
        %get3A_1612 = vector.shape_cast %get3A_1611 : vector<1x16xf32> to vector<16xf32>
        %add3A_1613 = arith.addf %scan3A_1539, %get3A_1612 : vector<16xf32>
        %add3A_1614 = arith.constant 0 : i32
        %add3A_1615 = arith.addi %add3A_1614, %scan3A_1532 : i32
        %get3A_1616 = arith.index_cast %add3A_1615 : i32 to index
        %get3A_1617 = arith.constant 112 : index
        %get3A_1618 = tpu.vector_load %arg13[%get3A_1616, %get3A_1617] {strides = array<i32>} : memref<128x128xf32, #tpu.memory_space<vmem>>, vector<1x16xf32>,
        %get3A_1619 = vector.shape_cast %get3A_1618 : vector<1x16xf32> to vector<16xf32>
        %add3A_1620 = arith.addf %scan3A_1540, %get3A_1619 : vector<16xf32>
        %add3A_1621 = arith.constant 32 : i32
        %add3A_1622 = arith.addi %add3A_1621, %scan3A_1532 : i32
        %get3A_1623 = arith.index_cast %add3A_1622 : i32 to index
        %get3A_1624 = arith.constant 0 : index
        %get3A_1625 = tpu.vector_load %arg13[%get3A_1623, %get3A_1624] {strides = array<i32>} : memref<128x128xf32, #tpu.memory_space<vmem>>, vector<1x16xf32>,
        %get3A_1626 = vector.shape_cast %get3A_1625 : vector<1x16xf32> to vector<16xf32>
        %add3A_1627 = arith.addf %scan3A_1541, %get3A_1626 : vector<16xf32>
        %add3A_1628 = arith.constant 32 : i32
        %add3A_1629 = arith.addi %add3A_1628, %scan3A_1532 : i32
        %get3A_1630 = arith.index_cast %add3A_1629 : i32 to index
        %get3A_1631 = arith.constant 16 : index
        %get3A_1632 = tpu.vector_load %arg13[%get3A_1630, %get3A_1631] {strides = array<i32>} : memref<128x128xf32, #tpu.memory_space<vmem>>, vector<1x16xf32>,
        %get3A_1633 = vector.shape_cast %get3A_1632 : vector<1x16xf32> to vector<16xf32>
        %add3A_1634 = arith.addf %scan3A_1542, %get3A_1633 : vector<16xf32>
        %add3A_1635 = arith.constant 32 : i32
        %add3A_1636 = arith.addi %add3A_1635, %scan3A_1532 : i32
        %get3A_1637 = arith.index_cast %add3A_1636 : i32 to index
        %get3A_1638 = arith.constant 32 : index
        %get3A_1639 = tpu.vector_load %arg13[%get3A_1637, %get3A_1638] {strides = array<i32>} : memref<128x128xf32, #tpu.memory_space<vmem>>, vector<1x16xf32>,
        %get3A_1640 = vector.shape_cast %get3A_1639 : vector<1x16xf32> to vector<16xf32>
        %add3A_1641 = arith.addf %scan3A_1543, %get3A_1640 : vector<16xf32>
        %add3A_1642 = arith.constant 32 : i32
        %add3A_1643 = arith.addi %add3A_1642, %scan3A_1532 : i32
        %get3A_1644 = arith.index_cast %add3A_1643 : i32 to index
        %get3A_1645 = arith.constant 48 : index
        %get3A_1646 = tpu.vector_load %arg13[%get3A_1644, %get3A_1645] {strides = array<i32>} : memref<128x128xf32, #tpu.memory_space<vmem>>, vector<1x16xf32>,
        %get3A_1647 = vector.shape_cast %get3A_1646 : vector<1x16xf32> to vector<16xf32>
        %add3A_1648 = arith.addf %scan3A_1544, %get3A_1647 : vector<16xf32>
        %add3A_1649 = arith.constant 32 : i32
        %add3A_1650 = arith.addi %add3A_1649, %scan3A_1532 : i32
        %get3A_1651 = arith.index_cast %add3A_1650 : i32 to index
        %get3A_1652 = arith.constant 64 : index
        %get3A_1653 = tpu.vector_load %arg13[%get3A_1651, %get3A_1652] {strides = array<i32>} : memref<128x128xf32, #tpu.memory_space<vmem>>, vector<1x16xf32>,
        %get3A_1654 = vector.shape_cast %get3A_1653 : vector<1x16xf32> to vector<16xf32>
        %add3A_1655 = arith.addf %scan3A_1545, %get3A_1654 : vector<16xf32>
        %add3A_1656 = arith.constant 32 : i32
        %add3A_1657 = arith.addi %add3A_1656, %scan3A_1532 : i32
        %get3A_1658 = arith.index_cast %add3A_1657 : i32 to index
        %get3A_1659 = arith.constant 80 : index
        %get3A_1660 = tpu.vector_load %arg13[%get3A_1658, %get3A_1659] {strides = array<i32>} : memref<128x128xf32, #tpu.memory_space<vmem>>, vector<1x16xf32>,
        %get3A_1661 = vector.shape_cast %get3A_1660 : vector<1x16xf32> to vector<16xf32>
        %add3A_1662 = arith.addf %scan3A_1546, %get3A_1661 : vector<16xf32>
        %add3A_1663 = arith.constant 32 : i32
        %add3A_1664 = arith.addi %add3A_1663, %scan3A_1532 : i32
        %get3A_1665 = arith.index_cast %add3A_1664 : i32 to index
        %get3A_1666 = arith.constant 96 : index
        %get3A_1667 = tpu.vector_load %arg13[%get3A_1665, %get3A_1666] {strides = array<i32>} : memref<128x128xf32, #tpu.memory_space<vmem>>, vector<1x16xf32>,
        %get3A_1668 = vector.shape_cast %get3A_1667 : vector<1x16xf32> to vector<16xf32>
        %add3A_1669 = arith.addf %scan3A_1547, %get3A_1668 : vector<16xf32>
        %add3A_1670 = arith.constant 32 : i32
        %add3A_1671 = arith.addi %add3A_1670, %scan3A_1532 : i32
        %get3A_1672 = arith.index_cast %add3A_1671 : i32 to index
        %get3A_1673 = arith.constant 112 : index
        %get3A_1674 = tpu.vector_load %arg13[%get3A_1672, %get3A_1673] {strides = array<i32>} : memref<128x128xf32, #tpu.memory_space<vmem>>, vector<1x16xf32>,
        %get3A_1675 = vector.shape_cast %get3A_1674 : vector<1x16xf32> to vector<16xf32>
        %add3A_1676 = arith.addf %scan3A_1548, %get3A_1675 : vector<16xf32>
        %add3A_1677 = arith.constant 64 : i32
        %add3A_1678 = arith.addi %add3A_1677, %scan3A_1532 : i32
        %get3A_1679 = arith.index_cast %add3A_1678 : i32 to index
        %get3A_1680 = arith.constant 0 : index
        %get3A_1681 = tpu.vector_load %arg13[%get3A_1679, %get3A_1680] {strides = array<i32>} : memref<128x128xf32, #tpu.memory_space<vmem>>, vector<1x16xf32>,
        %get3A_1682 = vector.shape_cast %get3A_1681 : vector<1x16xf32> to vector<16xf32>
        %add3A_1683 = arith.addf %scan3A_1549, %get3A_1682 : vector<16xf32>
        %add3A_1684 = arith.constant 64 : i32
        %add3A_1685 = arith.addi %add3A_1684, %scan3A_1532 : i32
        %get3A_1686 = arith.index_cast %add3A_1685 : i32 to index
        %get3A_1687 = arith.constant 16 : index
        %get3A_1688 = tpu.vector_load %arg13[%get3A_1686, %get3A_1687] {strides = array<i32>} : memref<128x128xf32, #tpu.memory_space<vmem>>, vector<1x16xf32>,
        %get3A_1689 = vector.shape_cast %get3A_1688 : vector<1x16xf32> to vector<16xf32>
        %add3A_1690 = arith.addf %scan3A_1550, %get3A_1689 : vector<16xf32>
        %add3A_1691 = arith.constant 64 : i32
        %add3A_1692 = arith.addi %add3A_1691, %scan3A_1532 : i32
        %get3A_1693 = arith.index_cast %add3A_1692 : i32 to index
        %get3A_1694 = arith.constant 32 : index
        %get3A_1695 = tpu.vector_load %arg13[%get3A_1693, %get3A_1694] {strides = array<i32>} : memref<128x128xf32, #tpu.memory_space<vmem>>, vector<1x16xf32>,
        %get3A_1696 = vector.shape_cast %get3A_1695 : vector<1x16xf32> to vector<16xf32>
        %add3A_1697 = arith.addf %scan3A_1551, %get3A_1696 : vector<16xf32>
        %add3A_1698 = arith.constant 64 : i32
        %add3A_1699 = arith.addi %add3A_1698, %scan3A_1532 : i32
        %get3A_1700 = arith.index_cast %add3A_1699 : i32 to index
        %get3A_1701 = arith.constant 48 : index
        %get3A_1702 = tpu.vector_load %arg13[%get3A_1700, %get3A_1701] {strides = array<i32>} : memref<128x128xf32, #tpu.memory_space<vmem>>, vector<1x16xf32>,
        %get3A_1703 = vector.shape_cast %get3A_1702 : vector<1x16xf32> to vector<16xf32>
        %add3A_1704 = arith.addf %scan3A_1552, %get3A_1703 : vector<16xf32>
        %add3A_1705 = arith.constant 64 : i32
        %add3A_1706 = arith.addi %add3A_1705, %scan3A_1532 : i32
        %get3A_1707 = arith.index_cast %add3A_1706 : i32 to index
        %get3A_1708 = arith.constant 64 : index
        %get3A_1709 = tpu.vector_load %arg13[%get3A_1707, %get3A_1708] {strides = array<i32>} : memref<128x128xf32, #tpu.memory_space<vmem>>, vector<1x16xf32>,
        %get3A_1710 = vector.shape_cast %get3A_1709 : vector<1x16xf32> to vector<16xf32>
        %add3A_1711 = arith.addf %scan3A_1553, %get3A_1710 : vector<16xf32>
        %add3A_1712 = arith.constant 64 : i32
        %add3A_1713 = arith.addi %add3A_1712, %scan3A_1532 : i32
        %get3A_1714 = arith.index_cast %add3A_1713 : i32 to index
        %get3A_1715 = arith.constant 80 : index
        %get3A_1716 = tpu.vector_load %arg13[%get3A_1714, %get3A_1715] {strides = array<i32>} : memref<128x128xf32, #tpu.memory_space<vmem>>, vector<1x16xf32>,
        %get3A_1717 = vector.shape_cast %get3A_1716 : vector<1x16xf32> to vector<16xf32>
        %add3A_1718 = arith.addf %scan3A_1554, %get3A_1717 : vector<16xf32>
        %add3A_1719 = arith.constant 64 : i32
        %add3A_1720 = arith.addi %add3A_1719, %scan3A_1532 : i32
        %get3A_1721 = arith.index_cast %add3A_1720 : i32 to index
        %get3A_1722 = arith.constant 96 : index
        %get3A_1723 = tpu.vector_load %arg13[%get3A_1721, %get3A_1722] {strides = array<i32>} : memref<128x128xf32, #tpu.memory_space<vmem>>, vector<1x16xf32>,
        %get3A_1724 = vector.shape_cast %get3A_1723 : vector<1x16xf32> to vector<16xf32>
        %add3A_1725 = arith.addf %scan3A_1555, %get3A_1724 : vector<16xf32>
        %add3A_1726 = arith.constant 64 : i32
        %add3A_1727 = arith.addi %add3A_1726, %scan3A_1532 : i32
        %get3A_1728 = arith.index_cast %add3A_1727 : i32 to index
        %get3A_1729 = arith.constant 112 : index
        %get3A_1730 = tpu.vector_load %arg13[%get3A_1728, %get3A_1729] {strides = array<i32>} : memref<128x128xf32, #tpu.memory_space<vmem>>, vector<1x16xf32>,
        %get3A_1731 = vector.shape_cast %get3A_1730 : vector<1x16xf32> to vector<16xf32>
        %add3A_1732 = arith.addf %scan3A_1556, %get3A_1731 : vector<16xf32>
        %add3A_1733 = arith.constant 96 : i32
        %add3A_1734 = arith.addi %add3A_1733, %scan3A_1532 : i32
        %get3A_1735 = arith.index_cast %add3A_1734 : i32 to index
        %get3A_1736 = arith.constant 0 : index
        %get3A_1737 = tpu.vector_load %arg13[%get3A_1735, %get3A_1736] {strides = array<i32>} : memref<128x128xf32, #tpu.memory_space<vmem>>, vector<1x16xf32>,
        %get3A_1738 = vector.shape_cast %get3A_1737 : vector<1x16xf32> to vector<16xf32>
        %add3A_1739 = arith.addf %scan3A_1557, %get3A_1738 : vector<16xf32>
        %add3A_1740 = arith.constant 96 : i32
        %add3A_1741 = arith.addi %add3A_1740, %scan3A_1532 : i32
        %get3A_1742 = arith.index_cast %add3A_1741 : i32 to index
        %get3A_1743 = arith.constant 16 : index
        %get3A_1744 = tpu.vector_load %arg13[%get3A_1742, %get3A_1743] {strides = array<i32>} : memref<128x128xf32, #tpu.memory_space<vmem>>, vector<1x16xf32>,
        %get3A_1745 = vector.shape_cast %get3A_1744 : vector<1x16xf32> to vector<16xf32>
        %add3A_1746 = arith.addf %scan3A_1558, %get3A_1745 : vector<16xf32>
        %add3A_1747 = arith.constant 96 : i32
        %add3A_1748 = arith.addi %add3A_1747, %scan3A_1532 : i32
        %get3A_1749 = arith.index_cast %add3A_1748 : i32 to index
        %get3A_1750 = arith.constant 32 : index
        %get3A_1751 = tpu.vector_load %arg13[%get3A_1749, %get3A_1750] {strides = array<i32>} : memref<128x128xf32, #tpu.memory_space<vmem>>, vector<1x16xf32>,
        %get3A_1752 = vector.shape_cast %get3A_1751 : vector<1x16xf32> to vector<16xf32>
        %add3A_1753 = arith.addf %scan3A_1559, %get3A_1752 : vector<16xf32>
        %add3A_1754 = arith.constant 96 : i32
        %add3A_1755 = arith.addi %add3A_1754, %scan3A_1532 : i32
        %get3A_1756 = arith.index_cast %add3A_1755 : i32 to index
        %get3A_1757 = arith.constant 48 : index
        %get3A_1758 = tpu.vector_load %arg13[%get3A_1756, %get3A_1757] {strides = array<i32>} : memref<128x128xf32, #tpu.memory_space<vmem>>, vector<1x16xf32>,
        %get3A_1759 = vector.shape_cast %get3A_1758 : vector<1x16xf32> to vector<16xf32>
        %add3A_1760 = arith.addf %scan3A_1560, %get3A_1759 : vector<16xf32>
        %add3A_1761 = arith.constant 96 : i32
        %add3A_1762 = arith.addi %add3A_1761, %scan3A_1532 : i32
        %get3A_1763 = arith.index_cast %add3A_1762 : i32 to index
        %get3A_1764 = arith.constant 64 : index
        %get3A_1765 = tpu.vector_load %arg13[%get3A_1763, %get3A_1764] {strides = array<i32>} : memref<128x128xf32, #tpu.memory_space<vmem>>, vector<1x16xf32>,
        %get3A_1766 = vector.shape_cast %get3A_1765 : vector<1x16xf32> to vector<16xf32>
        %add3A_1767 = arith.addf %scan3A_1561, %get3A_1766 : vector<16xf32>
        %add3A_1768 = arith.constant 96 : i32
        %add3A_1769 = arith.addi %add3A_1768, %scan3A_1532 : i32
        %get3A_1770 = arith.index_cast %add3A_1769 : i32 to index
        %get3A_1771 = arith.constant 80 : index
        %get3A_1772 = tpu.vector_load %arg13[%get3A_1770, %get3A_1771] {strides = array<i32>} : memref<128x128xf32, #tpu.memory_space<vmem>>, vector<1x16xf32>,
        %get3A_1773 = vector.shape_cast %get3A_1772 : vector<1x16xf32> to vector<16xf32>
        %add3A_1774 = arith.addf %scan3A_1562, %get3A_1773 : vector<16xf32>
        %add3A_1775 = arith.constant 96 : i32
        %add3A_1776 = arith.addi %add3A_1775, %scan3A_1532 : i32
        %get3A_1777 = arith.index_cast %add3A_1776 : i32 to index
        %get3A_1778 = arith.constant 96 : index
        %get3A_1779 = tpu.vector_load %arg13[%get3A_1777, %get3A_1778] {strides = array<i32>} : memref<128x128xf32, #tpu.memory_space<vmem>>, vector<1x16xf32>,
        %get3A_1780 = vector.shape_cast %get3A_1779 : vector<1x16xf32> to vector<16xf32>
        %add3A_1781 = arith.addf %scan3A_1563, %get3A_1780 : vector<16xf32>
        %add3A_1782 = arith.constant 96 : i32
        %add3A_1783 = arith.addi %add3A_1782, %scan3A_1532 : i32
        %get3A_1784 = arith.index_cast %add3A_1783 : i32 to index
        %get3A_1785 = arith.constant 112 : index
        %get3A_1786 = tpu.vector_load %arg13[%get3A_1784, %get3A_1785] {strides = array<i32>} : memref<128x128xf32, #tpu.memory_space<vmem>>, vector<1x16xf32>,
        %get3A_1787 = vector.shape_cast %get3A_1786 : vector<1x16xf32> to vector<16xf32>
        %add3A_1788 = arith.addf %scan3A_1564, %get3A_1787 : vector<16xf32>
        scf.yield %add3A_1571, %add3A_1578, %add3A_1585, %add3A_1592, %add3A_1599, %add3A_1606, %add3A_1613, %add3A_1620, %add3A_1627, %add3A_1634, %add3A_1641, %add3A_1648, %add3A_1655, %add3A_1662, %add3A_1669, %add3A_1676, %add3A_1683, %add3A_1690, %add3A_1697, %add3A_1704, %add3A_1711, %add3A_1718, %add3A_1725, %add3A_1732, %add3A_1739, %add3A_1746, %add3A_1753, %add3A_1760, %add3A_1767, %add3A_1774, %add3A_1781, %add3A_1788 : vector<16xf32>, vector<16xf32>, vector<16xf32>, vector<16xf32>, vector<16xf32>, vector<16xf32>, vector<16xf32>, vector<16xf32>, vector<16xf32>, vector<16xf32>, vector<16xf32>, vector<16xf32>, vector<16xf32>, vector<16xf32>, vector<16xf32>, vector<16xf32>, vector<16xf32>, vector<16xf32>, vector<16xf32>, vector<16xf32>, vector<16xf32>, vector<16xf32>, vector<16xf32>, vector<16xf32>, vector<16xf32>, vector<16xf32>, vector<16xf32>, vector<16xf32>, vector<16xf32>, vector<16xf32>, vector<16xf32>, vector<16xf32>
      }
      %scan3A_1267 = arith.constant 32 : i32
      %add3A_1268 = arith.constant 0 : i32
      %add3A_1269 = arith.addi %mul3A_1259, %add3A_1268 : i32
      %add3A_1270 = arith.constant 0 : i32
      %add3A_1271 = arith.addi %add3A_1269, %add3A_1270 : i32
      %swap3A_1272 = arith.index_cast %add3A_1271 : i32 to index
      %swap3A_1273 = tpu.vector_load %arg14[%swap3A_1272] {strides = array<i32>} : memref<4096xf32, #tpu.memory_space<vmem>>, vector<16xf32>,
      %swap3A_1274 = vector.shape_cast %swap3A_1273 : vector<16xf32> to vector<16xf32>
      %swap3A_1275 = vector.shape_cast %scan3A_1266#0 : vector<16xf32> to vector<16xf32>
      tpu.vector_store %arg14[%swap3A_1272], %swap3A_1275 {strides = array<i32>} : memref<4096xf32, #tpu.memory_space<vmem>>, vector<16xf32>,
      %add3A_1276 = arith.constant 0 : i32
      %add3A_1277 = arith.addi %mul3A_1259, %add3A_1276 : i32
      %add3A_1278 = arith.constant 16 : i32
      %add3A_1279 = arith.addi %add3A_1277, %add3A_1278 : i32
      %swap3A_1280 = arith.index_cast %add3A_1279 : i32 to index
      %swap3A_1281 = tpu.vector_load %arg14[%swap3A_1280] {strides = array<i32>} : memref<4096xf32, #tpu.memory_space<vmem>>, vector<16xf32>,
      %swap3A_1282 = vector.shape_cast %swap3A_1281 : vector<16xf32> to vector<16xf32>
      %swap3A_1283 = vector.shape_cast %scan3A_1266#1 : vector<16xf32> to vector<16xf32>
      tpu.vector_store %arg14[%swap3A_1280], %swap3A_1283 {strides = array<i32>} : memref<4096xf32, #tpu.memory_space<vmem>>, vector<16xf32>,
      %add3A_1284 = arith.constant 0 : i32
      %add3A_1285 = arith.addi %mul3A_1259, %add3A_1284 : i32
      %add3A_1286 = arith.constant 32 : i32
      %add3A_1287 = arith.addi %add3A_1285, %add3A_1286 : i32
      %swap3A_1288 = arith.index_cast %add3A_1287 : i32 to index
      %swap3A_1289 = tpu.vector_load %arg14[%swap3A_1288] {strides = array<i32>} : memref<4096xf32, #tpu.memory_space<vmem>>, vector<16xf32>,
      %swap3A_1290 = vector.shape_cast %swap3A_1289 : vector<16xf32> to vector<16xf32>
      %swap3A_1291 = vector.shape_cast %scan3A_1266#2 : vector<16xf32> to vector<16xf32>
      tpu.vector_store %arg14[%swap3A_1288], %swap3A_1291 {strides = array<i32>} : memref<4096xf32, #tpu.memory_space<vmem>>, vector<16xf32>,
      %add3A_1292 = arith.constant 0 : i32
      %add3A_1293 = arith.addi %mul3A_1259, %add3A_1292 : i32
      %add3A_1294 = arith.constant 48 : i32
      %add3A_1295 = arith.addi %add3A_1293, %add3A_1294 : i32
      %swap3A_1296 = arith.index_cast %add3A_1295 : i32 to index
      %swap3A_1297 = tpu.vector_load %arg14[%swap3A_1296] {strides = array<i32>} : memref<4096xf32, #tpu.memory_space<vmem>>, vector<16xf32>,
      %swap3A_1298 = vector.shape_cast %swap3A_1297 : vector<16xf32> to vector<16xf32>
      %swap3A_1299 = vector.shape_cast %scan3A_1266#3 : vector<16xf32> to vector<16xf32>
      tpu.vector_store %arg14[%swap3A_1296], %swap3A_1299 {strides = array<i32>} : memref<4096xf32, #tpu.memory_space<vmem>>, vector<16xf32>,
      %add3A_1300 = arith.constant 0 : i32
      %add3A_1301 = arith.addi %mul3A_1259, %add3A_1300 : i32
      %add3A_1302 = arith.constant 64 : i32
      %add3A_1303 = arith.addi %add3A_1301, %add3A_1302 : i32
      %swap3A_1304 = arith.index_cast %add3A_1303 : i32 to index
      %swap3A_1305 = tpu.vector_load %arg14[%swap3A_1304] {strides = array<i32>} : memref<4096xf32, #tpu.memory_space<vmem>>, vector<16xf32>,
      %swap3A_1306 = vector.shape_cast %swap3A_1305 : vector<16xf32> to vector<16xf32>
      %swap3A_1307 = vector.shape_cast %scan3A_1266#4 : vector<16xf32> to vector<16xf32>
      tpu.vector_store %arg14[%swap3A_1304], %swap3A_1307 {strides = array<i32>} : memref<4096xf32, #tpu.memory_space<vmem>>, vector<16xf32>,
      %add3A_1308 = arith.constant 0 : i32
      %add3A_1309 = arith.addi %mul3A_1259, %add3A_1308 : i32
      %add3A_1310 = arith.constant 80 : i32
      %add3A_1311 = arith.addi %add3A_1309, %add3A_1310 : i32
      %swap3A_1312 = arith.index_cast %add3A_1311 : i32 to index
      %swap3A_1313 = tpu.vector_load %arg14[%swap3A_1312] {strides = array<i32>} : memref<4096xf32, #tpu.memory_space<vmem>>, vector<16xf32>,
      %swap3A_1314 = vector.shape_cast %swap3A_1313 : vector<16xf32> to vector<16xf32>
      %swap3A_1315 = vector.shape_cast %scan3A_1266#5 : vector<16xf32> to vector<16xf32>
      tpu.vector_store %arg14[%swap3A_1312], %swap3A_1315 {strides = array<i32>} : memref<4096xf32, #tpu.memory_space<vmem>>, vector<16xf32>,
      %add3A_1316 = arith.constant 0 : i32
      %add3A_1317 = arith.addi %mul3A_1259, %add3A_1316 : i32
      %add3A_1318 = arith.constant 96 : i32
      %add3A_1319 = arith.addi %add3A_1317, %add3A_1318 : i32
      %swap3A_1320 = arith.index_cast %add3A_1319 : i32 to index
      %swap3A_1321 = tpu.vector_load %arg14[%swap3A_1320] {strides = array<i32>} : memref<4096xf32, #tpu.memory_space<vmem>>, vector<16xf32>,
      %swap3A_1322 = vector.shape_cast %swap3A_1321 : vector<16xf32> to vector<16xf32>
      %swap3A_1323 = vector.shape_cast %scan3A_1266#6 : vector<16xf32> to vector<16xf32>
      tpu.vector_store %arg14[%swap3A_1320], %swap3A_1323 {strides = array<i32>} : memref<4096xf32, #tpu.memory_space<vmem>>, vector<16xf32>,
      %add3A_1324 = arith.constant 0 : i32
      %add3A_1325 = arith.addi %mul3A_1259, %add3A_1324 : i32
      %add3A_1326 = arith.constant 112 : i32
      %add3A_1327 = arith.addi %add3A_1325, %add3A_1326 : i32
      %swap3A_1328 = arith.index_cast %add3A_1327 : i32 to index
      %swap3A_1329 = tpu.vector_load %arg14[%swap3A_1328] {strides = array<i32>} : memref<4096xf32, #tpu.memory_space<vmem>>, vector<16xf32>,
      %swap3A_1330 = vector.shape_cast %swap3A_1329 : vector<16xf32> to vector<16xf32>
      %swap3A_1331 = vector.shape_cast %scan3A_1266#7 : vector<16xf32> to vector<16xf32>
      tpu.vector_store %arg14[%swap3A_1328], %swap3A_1331 {strides = array<i32>} : memref<4096xf32, #tpu.memory_space<vmem>>, vector<16xf32>,
      %add3A_1332 = arith.constant 128 : i32
      %add3A_1333 = arith.addi %mul3A_1259, %add3A_1332 : i32
      %add3A_1334 = arith.constant 0 : i32
      %add3A_1335 = arith.addi %add3A_1333, %add3A_1334 : i32
      %swap3A_1336 = arith.index_cast %add3A_1335 : i32 to index
      %swap3A_1337 = tpu.vector_load %arg14[%swap3A_1336] {strides = array<i32>} : memref<4096xf32, #tpu.memory_space<vmem>>, vector<16xf32>,
      %swap3A_1338 = vector.shape_cast %swap3A_1337 : vector<16xf32> to vector<16xf32>
      %swap3A_1339 = vector.shape_cast %scan3A_1266#8 : vector<16xf32> to vector<16xf32>
      tpu.vector_store %arg14[%swap3A_1336], %swap3A_1339 {strides = array<i32>} : memref<4096xf32, #tpu.memory_space<vmem>>, vector<16xf32>,
      %add3A_1340 = arith.constant 128 : i32
      %add3A_1341 = arith.addi %mul3A_1259, %add3A_1340 : i32
      %add3A_1342 = arith.constant 16 : i32
      %add3A_1343 = arith.addi %add3A_1341, %add3A_1342 : i32
      %swap3A_1344 = arith.index_cast %add3A_1343 : i32 to index
      %swap3A_1345 = tpu.vector_load %arg14[%swap3A_1344] {strides = array<i32>} : memref<4096xf32, #tpu.memory_space<vmem>>, vector<16xf32>,
      %swap3A_1346 = vector.shape_cast %swap3A_1345 : vector<16xf32> to vector<16xf32>
      %swap3A_1347 = vector.shape_cast %scan3A_1266#9 : vector<16xf32> to vector<16xf32>
      tpu.vector_store %arg14[%swap3A_1344], %swap3A_1347 {strides = array<i32>} : memref<4096xf32, #tpu.memory_space<vmem>>, vector<16xf32>,
      %add3A_1348 = arith.constant 128 : i32
      %add3A_1349 = arith.addi %mul3A_1259, %add3A_1348 : i32
      %add3A_1350 = arith.constant 32 : i32
      %add3A_1351 = arith.addi %add3A_1349, %add3A_1350 : i32
      %swap3A_1352 = arith.index_cast %add3A_1351 : i32 to index
      %swap3A_1353 = tpu.vector_load %arg14[%swap3A_1352] {strides = array<i32>} : memref<4096xf32, #tpu.memory_space<vmem>>, vector<16xf32>,
      %swap3A_1354 = vector.shape_cast %swap3A_1353 : vector<16xf32> to vector<16xf32>
      %swap3A_1355 = vector.shape_cast %scan3A_1266#10 : vector<16xf32> to vector<16xf32>
      tpu.vector_store %arg14[%swap3A_1352], %swap3A_1355 {strides = array<i32>} : memref<4096xf32, #tpu.memory_space<vmem>>, vector<16xf32>,
      %add3A_1356 = arith.constant 128 : i32
      %add3A_1357 = arith.addi %mul3A_1259, %add3A_1356 : i32
      %add3A_1358 = arith.constant 48 : i32
      %add3A_1359 = arith.addi %add3A_1357, %add3A_1358 : i32
      %swap3A_1360 = arith.index_cast %add3A_1359 : i32 to index
      %swap3A_1361 = tpu.vector_load %arg14[%swap3A_1360] {strides = array<i32>} : memref<4096xf32, #tpu.memory_space<vmem>>, vector<16xf32>,
      %swap3A_1362 = vector.shape_cast %swap3A_1361 : vector<16xf32> to vector<16xf32>
      %swap3A_1363 = vector.shape_cast %scan3A_1266#11 : vector<16xf32> to vector<16xf32>
      tpu.vector_store %arg14[%swap3A_1360], %swap3A_1363 {strides = array<i32>} : memref<4096xf32, #tpu.memory_space<vmem>>, vector<16xf32>,
      %add3A_1364 = arith.constant 128 : i32
      %add3A_1365 = arith.addi %mul3A_1259, %add3A_1364 : i32
      %add3A_1366 = arith.constant 64 : i32
      %add3A_1367 = arith.addi %add3A_1365, %add3A_1366 : i32
      %swap3A_1368 = arith.index_cast %add3A_1367 : i32 to index
      %swap3A_1369 = tpu.vector_load %arg14[%swap3A_1368] {strides = array<i32>} : memref<4096xf32, #tpu.memory_space<vmem>>, vector<16xf32>,
      %swap3A_1370 = vector.shape_cast %swap3A_1369 : vector<16xf32> to vector<16xf32>
      %swap3A_1371 = vector.shape_cast %scan3A_1266#12 : vector<16xf32> to vector<16xf32>
      tpu.vector_store %arg14[%swap3A_1368], %swap3A_1371 {strides = array<i32>} : memref<4096xf32, #tpu.memory_space<vmem>>, vector<16xf32>,
      %add3A_1372 = arith.constant 128 : i32
      %add3A_1373 = arith.addi %mul3A_1259, %add3A_1372 : i32
      %add3A_1374 = arith.constant 80 : i32
      %add3A_1375 = arith.addi %add3A_1373, %add3A_1374 : i32
      %swap3A_1376 = arith.index_cast %add3A_1375 : i32 to index
      %swap3A_1377 = tpu.vector_load %arg14[%swap3A_1376] {strides = array<i32>} : memref<4096xf32, #tpu.memory_space<vmem>>, vector<16xf32>,
      %swap3A_1378 = vector.shape_cast %swap3A_1377 : vector<16xf32> to vector<16xf32>
      %swap3A_1379 = vector.shape_cast %scan3A_1266#13 : vector<16xf32> to vector<16xf32>
      tpu.vector_store %arg14[%swap3A_1376], %swap3A_1379 {strides = array<i32>} : memref<4096xf32, #tpu.memory_space<vmem>>, vector<16xf32>,
      %add3A_1380 = arith.constant 128 : i32
      %add3A_1381 = arith.addi %mul3A_1259, %add3A_1380 : i32
      %add3A_1382 = arith.constant 96 : i32
      %add3A_1383 = arith.addi %add3A_1381, %add3A_1382 : i32
      %swap3A_1384 = arith.index_cast %add3A_1383 : i32 to index
      %swap3A_1385 = tpu.vector_load %arg14[%swap3A_1384] {strides = array<i32>} : memref<4096xf32, #tpu.memory_space<vmem>>, vector<16xf32>,
      %swap3A_1386 = vector.shape_cast %swap3A_1385 : vector<16xf32> to vector<16xf32>
      %swap3A_1387 = vector.shape_cast %scan3A_1266#14 : vector<16xf32> to vector<16xf32>
      tpu.vector_store %arg14[%swap3A_1384], %swap3A_1387 {strides = array<i32>} : memref<4096xf32, #tpu.memory_space<vmem>>, vector<16xf32>,
      %add3A_1388 = arith.constant 128 : i32
      %add3A_1389 = arith.addi %mul3A_1259, %add3A_1388 : i32
      %add3A_1390 = arith.constant 112 : i32
      %add3A_1391 = arith.addi %add3A_1389, %add3A_1390 : i32
      %swap3A_1392 = arith.index_cast %add3A_1391 : i32 to index
      %swap3A_1393 = tpu.vector_load %arg14[%swap3A_1392] {strides = array<i32>} : memref<4096xf32, #tpu.memory_space<vmem>>, vector<16xf32>,
      %swap3A_1394 = vector.shape_cast %swap3A_1393 : vector<16xf32> to vector<16xf32>
      %swap3A_1395 = vector.shape_cast %scan3A_1266#15 : vector<16xf32> to vector<16xf32>
      tpu.vector_store %arg14[%swap3A_1392], %swap3A_1395 {strides = array<i32>} : memref<4096xf32, #tpu.memory_space<vmem>>, vector<16xf32>,
      %add3A_1396 = arith.constant 256 : i32
      %add3A_1397 = arith.addi %mul3A_1259, %add3A_1396 : i32
      %add3A_1398 = arith.constant 0 : i32
      %add3A_1399 = arith.addi %add3A_1397, %add3A_1398 : i32
      %swap3A_1400 = arith.index_cast %add3A_1399 : i32 to index
      %swap3A_1401 = tpu.vector_load %arg14[%swap3A_1400] {strides = array<i32>} : memref<4096xf32, #tpu.memory_space<vmem>>, vector<16xf32>,
      %swap3A_1402 = vector.shape_cast %swap3A_1401 : vector<16xf32> to vector<16xf32>
      %swap3A_1403 = vector.shape_cast %scan3A_1266#16 : vector<16xf32> to vector<16xf32>
      tpu.vector_store %arg14[%swap3A_1400], %swap3A_1403 {strides = array<i32>} : memref<4096xf32, #tpu.memory_space<vmem>>, vector<16xf32>,
      %add3A_1404 = arith.constant 256 : i32
      %add3A_1405 = arith.addi %mul3A_1259, %add3A_1404 : i32
      %add3A_1406 = arith.constant 16 : i32
      %add3A_1407 = arith.addi %add3A_1405, %add3A_1406 : i32
      %swap3A_1408 = arith.index_cast %add3A_1407 : i32 to index
      %swap3A_1409 = tpu.vector_load %arg14[%swap3A_1408] {strides = array<i32>} : memref<4096xf32, #tpu.memory_space<vmem>>, vector<16xf32>,
      %swap3A_1410 = vector.shape_cast %swap3A_1409 : vector<16xf32> to vector<16xf32>
      %swap3A_1411 = vector.shape_cast %scan3A_1266#17 : vector<16xf32> to vector<16xf32>
      tpu.vector_store %arg14[%swap3A_1408], %swap3A_1411 {strides = array<i32>} : memref<4096xf32, #tpu.memory_space<vmem>>, vector<16xf32>,
      %add3A_1412 = arith.constant 256 : i32
      %add3A_1413 = arith.addi %mul3A_1259, %add3A_1412 : i32
      %add3A_1414 = arith.constant 32 : i32
      %add3A_1415 = arith.addi %add3A_1413, %add3A_1414 : i32
      %swap3A_1416 = arith.index_cast %add3A_1415 : i32 to index
      %swap3A_1417 = tpu.vector_load %arg14[%swap3A_1416] {strides = array<i32>} : memref<4096xf32, #tpu.memory_space<vmem>>, vector<16xf32>,
      %swap3A_1418 = vector.shape_cast %swap3A_1417 : vector<16xf32> to vector<16xf32>
      %swap3A_1419 = vector.shape_cast %scan3A_1266#18 : vector<16xf32> to vector<16xf32>
      tpu.vector_store %arg14[%swap3A_1416], %swap3A_1419 {strides = array<i32>} : memref<4096xf32, #tpu.memory_space<vmem>>, vector<16xf32>,
      %add3A_1420 = arith.constant 256 : i32
      %add3A_1421 = arith.addi %mul3A_1259, %add3A_1420 : i32
      %add3A_1422 = arith.constant 48 : i32
      %add3A_1423 = arith.addi %add3A_1421, %add3A_1422 : i32
      %swap3A_1424 = arith.index_cast %add3A_1423 : i32 to index
      %swap3A_1425 = tpu.vector_load %arg14[%swap3A_1424] {strides = array<i32>} : memref<4096xf32, #tpu.memory_space<vmem>>, vector<16xf32>,
      %swap3A_1426 = vector.shape_cast %swap3A_1425 : vector<16xf32> to vector<16xf32>
      %swap3A_1427 = vector.shape_cast %scan3A_1266#19 : vector<16xf32> to vector<16xf32>
      tpu.vector_store %arg14[%swap3A_1424], %swap3A_1427 {strides = array<i32>} : memref<4096xf32, #tpu.memory_space<vmem>>, vector<16xf32>,
      %add3A_1428 = arith.constant 256 : i32
      %add3A_1429 = arith.addi %mul3A_1259, %add3A_1428 : i32
      %add3A_1430 = arith.constant 64 : i32
      %add3A_1431 = arith.addi %add3A_1429, %add3A_1430 : i32
      %swap3A_1432 = arith.index_cast %add3A_1431 : i32 to index
      %swap3A_1433 = tpu.vector_load %arg14[%swap3A_1432] {strides = array<i32>} : memref<4096xf32, #tpu.memory_space<vmem>>, vector<16xf32>,
      %swap3A_1434 = vector.shape_cast %swap3A_1433 : vector<16xf32> to vector<16xf32>
      %swap3A_1435 = vector.shape_cast %scan3A_1266#20 : vector<16xf32> to vector<16xf32>
      tpu.vector_store %arg14[%swap3A_1432], %swap3A_1435 {strides = array<i32>} : memref<4096xf32, #tpu.memory_space<vmem>>, vector<16xf32>,
      %add3A_1436 = arith.constant 256 : i32
      %add3A_1437 = arith.addi %mul3A_1259, %add3A_1436 : i32
      %add3A_1438 = arith.constant 80 : i32
      %add3A_1439 = arith.addi %add3A_1437, %add3A_1438 : i32
      %swap3A_1440 = arith.index_cast %add3A_1439 : i32 to index
      %swap3A_1441 = tpu.vector_load %arg14[%swap3A_1440] {strides = array<i32>} : memref<4096xf32, #tpu.memory_space<vmem>>, vector<16xf32>,
      %swap3A_1442 = vector.shape_cast %swap3A_1441 : vector<16xf32> to vector<16xf32>
      %swap3A_1443 = vector.shape_cast %scan3A_1266#21 : vector<16xf32> to vector<16xf32>
      tpu.vector_store %arg14[%swap3A_1440], %swap3A_1443 {strides = array<i32>} : memref<4096xf32, #tpu.memory_space<vmem>>, vector<16xf32>,
      %add3A_1444 = arith.constant 256 : i32
      %add3A_1445 = arith.addi %mul3A_1259, %add3A_1444 : i32
      %add3A_1446 = arith.constant 96 : i32
      %add3A_1447 = arith.addi %add3A_1445, %add3A_1446 : i32
      %swap3A_1448 = arith.index_cast %add3A_1447 : i32 to index
      %swap3A_1449 = tpu.vector_load %arg14[%swap3A_1448] {strides = array<i32>} : memref<4096xf32, #tpu.memory_space<vmem>>, vector<16xf32>,
      %swap3A_1450 = vector.shape_cast %swap3A_1449 : vector<16xf32> to vector<16xf32>
      %swap3A_1451 = vector.shape_cast %scan3A_1266#22 : vector<16xf32> to vector<16xf32>
      tpu.vector_store %arg14[%swap3A_1448], %swap3A_1451 {strides = array<i32>} : memref<4096xf32, #tpu.memory_space<vmem>>, vector<16xf32>,
      %add3A_1452 = arith.constant 256 : i32
      %add3A_1453 = arith.addi %mul3A_1259, %add3A_1452 : i32
      %add3A_1454 = arith.constant 112 : i32
      %add3A_1455 = arith.addi %add3A_1453, %add3A_1454 : i32
      %swap3A_1456 = arith.index_cast %add3A_1455 : i32 to index
      %swap3A_1457 = tpu.vector_load %arg14[%swap3A_1456] {strides = array<i32>} : memref<4096xf32, #tpu.memory_space<vmem>>, vector<16xf32>,
      %swap3A_1458 = vector.shape_cast %swap3A_1457 : vector<16xf32> to vector<16xf32>
      %swap3A_1459 = vector.shape_cast %scan3A_1266#23 : vector<16xf32> to vector<16xf32>
      tpu.vector_store %arg14[%swap3A_1456], %swap3A_1459 {strides = array<i32>} : memref<4096xf32, #tpu.memory_space<vmem>>, vector<16xf32>,
      %add3A_1460 = arith.constant 384 : i32
      %add3A_1461 = arith.addi %mul3A_1259, %add3A_1460 : i32
      %add3A_1462 = arith.constant 0 : i32
      %add3A_1463 = arith.addi %add3A_1461, %add3A_1462 : i32
      %swap3A_1464 = arith.index_cast %add3A_1463 : i32 to index
      %swap3A_1465 = tpu.vector_load %arg14[%swap3A_1464] {strides = array<i32>} : memref<4096xf32, #tpu.memory_space<vmem>>, vector<16xf32>,
      %swap3A_1466 = vector.shape_cast %swap3A_1465 : vector<16xf32> to vector<16xf32>
      %swap3A_1467 = vector.shape_cast %scan3A_1266#24 : vector<16xf32> to vector<16xf32>
      tpu.vector_store %arg14[%swap3A_1464], %swap3A_1467 {strides = array<i32>} : memref<4096xf32, #tpu.memory_space<vmem>>, vector<16xf32>,
      %add3A_1468 = arith.constant 384 : i32
      %add3A_1469 = arith.addi %mul3A_1259, %add3A_1468 : i32
      %add3A_1470 = arith.constant 16 : i32
      %add3A_1471 = arith.addi %add3A_1469, %add3A_1470 : i32
      %swap3A_1472 = arith.index_cast %add3A_1471 : i32 to index
      %swap3A_1473 = tpu.vector_load %arg14[%swap3A_1472] {strides = array<i32>} : memref<4096xf32, #tpu.memory_space<vmem>>, vector<16xf32>,
      %swap3A_1474 = vector.shape_cast %swap3A_1473 : vector<16xf32> to vector<16xf32>
      %swap3A_1475 = vector.shape_cast %scan3A_1266#25 : vector<16xf32> to vector<16xf32>
      tpu.vector_store %arg14[%swap3A_1472], %swap3A_1475 {strides = array<i32>} : memref<4096xf32, #tpu.memory_space<vmem>>, vector<16xf32>,
      %add3A_1476 = arith.constant 384 : i32
      %add3A_1477 = arith.addi %mul3A_1259, %add3A_1476 : i32
      %add3A_1478 = arith.constant 32 : i32
      %add3A_1479 = arith.addi %add3A_1477, %add3A_1478 : i32
      %swap3A_1480 = arith.index_cast %add3A_1479 : i32 to index
      %swap3A_1481 = tpu.vector_load %arg14[%swap3A_1480] {strides = array<i32>} : memref<4096xf32, #tpu.memory_space<vmem>>, vector<16xf32>,
      %swap3A_1482 = vector.shape_cast %swap3A_1481 : vector<16xf32> to vector<16xf32>
      %swap3A_1483 = vector.shape_cast %scan3A_1266#26 : vector<16xf32> to vector<16xf32>
      tpu.vector_store %arg14[%swap3A_1480], %swap3A_1483 {strides = array<i32>} : memref<4096xf32, #tpu.memory_space<vmem>>, vector<16xf32>,
      %add3A_1484 = arith.constant 384 : i32
      %add3A_1485 = arith.addi %mul3A_1259, %add3A_1484 : i32
      %add3A_1486 = arith.constant 48 : i32
      %add3A_1487 = arith.addi %add3A_1485, %add3A_1486 : i32
      %swap3A_1488 = arith.index_cast %add3A_1487 : i32 to index
      %swap3A_1489 = tpu.vector_load %arg14[%swap3A_1488] {strides = array<i32>} : memref<4096xf32, #tpu.memory_space<vmem>>, vector<16xf32>,
      %swap3A_1490 = vector.shape_cast %swap3A_1489 : vector<16xf32> to vector<16xf32>
      %swap3A_1491 = vector.shape_cast %scan3A_1266#27 : vector<16xf32> to vector<16xf32>
      tpu.vector_store %arg14[%swap3A_1488], %swap3A_1491 {strides = array<i32>} : memref<4096xf32, #tpu.memory_space<vmem>>, vector<16xf32>,
      %add3A_1492 = arith.constant 384 : i32
      %add3A_1493 = arith.addi %mul3A_1259, %add3A_1492 : i32
      %add3A_1494 = arith.constant 64 : i32
      %add3A_1495 = arith.addi %add3A_1493, %add3A_1494 : i32
      %swap3A_1496 = arith.index_cast %add3A_1495 : i32 to index
      %swap3A_1497 = tpu.vector_load %arg14[%swap3A_1496] {strides = array<i32>} : memref<4096xf32, #tpu.memory_space<vmem>>, vector<16xf32>,
      %swap3A_1498 = vector.shape_cast %swap3A_1497 : vector<16xf32> to vector<16xf32>
      %swap3A_1499 = vector.shape_cast %scan3A_1266#28 : vector<16xf32> to vector<16xf32>
      tpu.vector_store %arg14[%swap3A_1496], %swap3A_1499 {strides = array<i32>} : memref<4096xf32, #tpu.memory_space<vmem>>, vector<16xf32>,
      %add3A_1500 = arith.constant 384 : i32
      %add3A_1501 = arith.addi %mul3A_1259, %add3A_1500 : i32
      %add3A_1502 = arith.constant 80 : i32
      %add3A_1503 = arith.addi %add3A_1501, %add3A_1502 : i32
      %swap3A_1504 = arith.index_cast %add3A_1503 : i32 to index
      %swap3A_1505 = tpu.vector_load %arg14[%swap3A_1504] {strides = array<i32>} : memref<4096xf32, #tpu.memory_space<vmem>>, vector<16xf32>,
      %swap3A_1506 = vector.shape_cast %swap3A_1505 : vector<16xf32> to vector<16xf32>
      %swap3A_1507 = vector.shape_cast %scan3A_1266#29 : vector<16xf32> to vector<16xf32>
      tpu.vector_store %arg14[%swap3A_1504], %swap3A_1507 {strides = array<i32>} : memref<4096xf32, #tpu.memory_space<vmem>>, vector<16xf32>,
      %add3A_1508 = arith.constant 384 : i32
      %add3A_1509 = arith.addi %mul3A_1259, %add3A_1508 : i32
      %add3A_1510 = arith.constant 96 : i32
      %add3A_1511 = arith.addi %add3A_1509, %add3A_1510 : i32
      %swap3A_1512 = arith.index_cast %add3A_1511 : i32 to index
      %swap3A_1513 = tpu.vector_load %arg14[%swap3A_1512] {strides = array<i32>} : memref<4096xf32, #tpu.memory_space<vmem>>, vector<16xf32>,
      %swap3A_1514 = vector.shape_cast %swap3A_1513 : vector<16xf32> to vector<16xf32>
      %swap3A_1515 = vector.shape_cast %scan3A_1266#30 : vector<16xf32> to vector<16xf32>
      tpu.vector_store %arg14[%swap3A_1512], %swap3A_1515 {strides = array<i32>} : memref<4096xf32, #tpu.memory_space<vmem>>, vector<16xf32>,
      %add3A_1516 = arith.constant 384 : i32
      %add3A_1517 = arith.addi %mul3A_1259, %add3A_1516 : i32
      %add3A_1518 = arith.constant 112 : i32
      %add3A_1519 = arith.addi %add3A_1517, %add3A_1518 : i32
      %swap3A_1520 = arith.index_cast %add3A_1519 : i32 to index
      %swap3A_1521 = tpu.vector_load %arg14[%swap3A_1520] {strides = array<i32>} : memref<4096xf32, #tpu.memory_space<vmem>>, vector<16xf32>,
      %swap3A_1522 = vector.shape_cast %swap3A_1521 : vector<16xf32> to vector<16xf32>
      %swap3A_1523 = vector.shape_cast %scan3A_1266#31 : vector<16xf32> to vector<16xf32>
      tpu.vector_store %arg14[%swap3A_1520], %swap3A_1523 {strides = array<i32>} : memref<4096xf32, #tpu.memory_space<vmem>>, vector<16xf32>,
      %add3A_1524 = arith.constant 2 : i32
      %add3A_1525 = arith.addi %add3A_1249, %add3A_1524 : i32
      %lt3A_1526 = arith.constant 8 : i32
      %lt3A_1527 = arith.cmpi slt, %add3A_1525, %lt3A_1526 : i32
      %convert_element_type3A_1528 = arith.extui %lt3A_1527 : i1 to i32
      %cond3A_1529 = arith.constant 0 : i32
      %cond3A_1530 = arith.cmpi ne, %convert_element_type3A_1528, %cond3A_1529 : i32
      scf.if %cond3A_1530 {
        %add3A_1532 = arith.constant 2 : i32
        %add3A_1533 = arith.addi %add3A_1249, %add3A_1532 : i32
        %dma_start3A_1534 = arith.constant 0 : i32
        %dma_start3A_1535 = tpu.memref_slice %arg10[%add3A_1533, %dma_start3A_1534] : memref<8x128xi32, #tpu.memory_space<vmem>> -> memref<1x128xi32, #tpu.memory_space<vmem>>
        %dma_start3A_1536 = tpu.memref_squeeze %dma_start3A_1535 : memref<1x128xi32, #tpu.memory_space<vmem>> -> memref<128xi32, #tpu.memory_space<vmem>>
        %dma_start3A_1537 = arith.constant 0 : i32
        %dma_start3A_1538 = arith.constant 0 : i32
        %dma_start3A_1539 = tpu.memref_slice %arg4[%dma_start3A_1537, %dma_start3A_1538] : memref<10000x128xf32, #tpu.memory_space<hbm>> -> memref<10000x128xf32, #tpu.memory_space<hbm>>
        tpu.enqueue_indirect_dma source(%dma_start3A_1539 : memref<10000x128xf32, #tpu.memory_space<hbm>>) target(%arg13 : memref<128x128xf32, #tpu.memory_space<vmem>>) offsets(%dma_start3A_1536 : memref<128xi32, #tpu.memory_space<vmem>>) semaphore(%arg16 : memref<!tpu.dma_semaphore, #tpu.memory_space<semaphore_mem>>)
      } else {
      }
      %scan3A_1531 = arith.constant 0 : i32
      scf.yield %scan3A_1531 : i32
    }
    %scan3A_957 = arith.constant 4 : i32
    %dma_wait3A_958 = arith.constant 0 : i32
    %dma_wait3A_959 = arith.constant 0 : i32
    %dma_wait3A_960 = tpu.memref_slice %arg4[%dma_wait3A_958, %dma_wait3A_959] : memref<10000x128xf32, #tpu.memory_space<hbm>> -> memref<10000x128xf32, #tpu.memory_space<hbm>>
    tpu.wait_indirect_dma semaphore(%arg17 : memref<!tpu.dma_semaphore, #tpu.memory_space<semaphore_mem>>) src(%dma_wait3A_960 : memref<10000x128xf32, #tpu.memory_space<hbm>>) dst(%arg11 : memref<32x128xf32, #tpu.memory_space<vmem>>)
    "tpu.region"() ({
      %run_scoped3A = tpu.sem_alloc : memref<!tpu.dma_semaphore, #tpu.memory_space<semaphore_mem>>
      %dma_start3A_963 = arith.constant 0 : i32
      %dma_start3A_964 = tpu.memref_slice %arg5[%mul3A_2, %dma_start3A_963] : memref<1024x128xf32, #tpu.memory_space<hbm>> -> memref<32x128xf32, #tpu.memory_space<hbm>>
      %dma_start3A_965 = arith.constant 0 : i32
      %dma_start3A_966 = tpu.memref_slice %arg5[%mul3A_2, %dma_start3A_965] : memref<1024x128xf32, #tpu.memory_space<hbm>> -> memref<32x128xf32, #tpu.memory_space<hbm>>
      tpu.enqueue_dma source(%arg11 : memref<32x128xf32, #tpu.memory_space<vmem>>) target(%dma_start3A_966 : memref<32x128xf32, #tpu.memory_space<hbm>>) target_semaphore(%run_scoped3A : memref<!tpu.dma_semaphore, #tpu.memory_space<semaphore_mem>>)
      %dma_wait3A_967 = arith.constant 0 : i32
      %dma_wait3A_968 = tpu.memref_slice %arg5[%mul3A_2, %dma_wait3A_967] : memref<1024x128xf32, #tpu.memory_space<hbm>> -> memref<32x128xf32, #tpu.memory_space<hbm>>
      %dma_wait3A_969 = arith.constant 0 : i32
      %dma_wait3A_970 = tpu.memref_slice %arg5[%mul3A_2, %dma_wait3A_969] : memref<1024x128xf32, #tpu.memory_space<hbm>> -> memref<32x128xf32, #tpu.memory_space<hbm>>
      tpu.wait_dma2 semaphore(%run_scoped3A : memref<!tpu.dma_semaphore, #tpu.memory_space<semaphore_mem>>) src(%arg11 : memref<32x128xf32, #tpu.memory_space<vmem>>) dst(%dma_wait3A_970 : memref<32x128xf32, #tpu.memory_space<hbm>>)
      tpu.yield
    }) : () -> ()
    %mul3A_961 = arith.constant 128 : i32
    %mul3A_962 = arith.muli %mul3A_2, %mul3A_961 : i32
    "tpu.region"() ({
      %run_scoped3A = tpu.sem_alloc : memref<!tpu.dma_semaphore, #tpu.memory_space<semaphore_mem>>
      %dma_start3A_963 = tpu.memref_slice %arg6[%mul3A_962] : memref<131072xf32, #tpu.memory_space<hbm>> -> memref<4096xf32, #tpu.memory_space<hbm>>
      %dma_start3A_964 = tpu.memref_slice %arg6[%mul3A_962] : memref<131072xf32, #tpu.memory_space<hbm>> -> memref<4096xf32, #tpu.memory_space<hbm>>
      tpu.enqueue_dma source(%arg14 : memref<4096xf32, #tpu.memory_space<vmem>>) target(%dma_start3A_964 : memref<4096xf32, #tpu.memory_space<hbm>>) target_semaphore(%run_scoped3A : memref<!tpu.dma_semaphore, #tpu.memory_space<semaphore_mem>>)
      %dma_wait3A_965 = tpu.memref_slice %arg6[%mul3A_962] : memref<131072xf32, #tpu.memory_space<hbm>> -> memref<4096xf32, #tpu.memory_space<hbm>>
      %dma_wait3A_966 = tpu.memref_slice %arg6[%mul3A_962] : memref<131072xf32, #tpu.memory_space<hbm>> -> memref<4096xf32, #tpu.memory_space<hbm>>
      tpu.wait_dma2 semaphore(%run_scoped3A : memref<!tpu.dma_semaphore, #tpu.memory_space<semaphore_mem>>) src(%arg14 : memref<4096xf32, #tpu.memory_space<vmem>>) dst(%dma_wait3A_966 : memref<4096xf32, #tpu.memory_space<hbm>>)
      tpu.yield
    }) : () -> ()
    return
  }
}

#map = affine_map<(d0, d1) -> (0, 0, 0)>
#map1 = affine_map<(d0, d1) -> (0, 0)>
#map2 = affine_map<(d0, d1) -> (0)>
module attributes {stable_mosaic.version = 14 : i64} {
  func.func @body(%arg0: i32, %arg1: i32, %arg2: memref<32x80x128xi32, #tpu.memory_space<hbm>>, %arg3: memref<10000x128xf32, #tpu.memory_space<hbm>>, %arg4: memref<1310720xf32, #tpu.memory_space<hbm>>, %arg5: memref<80x128xi32, #tpu.memory_space<vmem>>, %arg6: memref<128x128xf32, #tpu.memory_space<vmem>>, %arg7: memref<128x128xf32, #tpu.memory_space<vmem>>, %arg8: memref<512xf32, #tpu.memory_space<vmem>>, %arg9: memref<512xf32, #tpu.memory_space<vmem>>, %arg10: memref<10000x128xf32, #tpu.memory_space<vmem_shared>>, %arg11: memref<!tpu.dma_semaphore, #tpu.memory_space<semaphore_mem>>, %arg12: memref<!tpu.dma_semaphore, #tpu.memory_space<semaphore_mem>>, %arg13: memref<!tpu.dma_semaphore, #tpu.memory_space<semaphore_mem>>, %arg14: memref<!tpu.dma_semaphore, #tpu.memory_space<semaphore_mem>>) attributes {dimension_semantics = [#tpu.dimension_semantics<core_parallel>, #tpu.dimension_semantics<subcore_parallel>], iteration_bounds = array<i64: 2, 16>, scalar_prefetch = 0 : i64, scratch_operands = 10 : i64, tpu.core_type = #tpu.core_type<sc_vector_subcore>, window_params = [{transform_indices = #map}, {transform_indices = #map1}, {transform_indices = #map2}]} {
    %mul3A = arith.constant 2 : i32
    %mul3A_0 = arith.muli %arg1, %mul3A : i32
    %add3A = arith.addi %mul3A_0, %arg0 : i32
    %lt3A = arith.constant 15 : i32
    %lt3A_1 = arith.cmpi slt, %arg1, %lt3A : i32
    %convert_element_type3A = arith.extui %lt3A_1 : i1 to i32
    %cond3A = arith.constant 0 : i32
    %cond3A_2 = arith.cmpi ne, %convert_element_type3A, %cond3A : i32
    scf.if %cond3A_2 {
      %mul3A_41 = arith.constant 632 : i32
      %mul3A_42 = arith.muli %arg1, %mul3A_41 : i32
      %mul3A_43 = arith.constant 632 : i32
      %mul3A_44 = arith.muli %arg1, %mul3A_43 : i32
      "tpu.region"() ({
        %run_scoped3A = tpu.sem_alloc : memref<!tpu.dma_semaphore, #tpu.memory_space<semaphore_mem>>
        %dma_start3A_45 = arith.constant 0 : i32
        %dma_start3A_46 = tpu.memref_slice %arg10[%mul3A_44, %dma_start3A_45] : memref<10000x128xf32, #tpu.memory_space<vmem_shared>> -> memref<632x128xf32, #tpu.memory_space<vmem_shared>>
        %dma_start3A_47 = arith.constant 0 : i32
        %dma_start3A_48 = tpu.memref_slice %arg3[%mul3A_42, %dma_start3A_47] : memref<10000x128xf32, #tpu.memory_space<hbm>> -> memref<632x128xf32, #tpu.memory_space<hbm>>
        tpu.enqueue_dma source(%dma_start3A_48 : memref<632x128xf32, #tpu.memory_space<hbm>>) target(%dma_start3A_46 : memref<632x128xf32, #tpu.memory_space<vmem_shared>>) target_semaphore(%run_scoped3A : memref<!tpu.dma_semaphore, #tpu.memory_space<semaphore_mem>>)
        %dma_wait3A_49 = arith.constant 0 : i32
        %dma_wait3A_50 = tpu.memref_slice %arg10[%mul3A_44, %dma_wait3A_49] : memref<10000x128xf32, #tpu.memory_space<vmem_shared>> -> memref<632x128xf32, #tpu.memory_space<vmem_shared>>
        %dma_wait3A_51 = arith.constant 0 : i32
        %dma_wait3A_52 = tpu.memref_slice %arg3[%mul3A_42, %dma_wait3A_51] : memref<10000x128xf32, #tpu.memory_space<hbm>> -> memref<632x128xf32, #tpu.memory_space<hbm>>
        tpu.wait_dma2 semaphore(%run_scoped3A : memref<!tpu.dma_semaphore, #tpu.memory_space<semaphore_mem>>) src(%dma_wait3A_52 : memref<632x128xf32, #tpu.memory_space<hbm>>) dst(%dma_wait3A_50 : memref<632x128xf32, #tpu.memory_space<vmem_shared>>)
        tpu.yield
      }) : () -> ()
    } else {
    }
    %eq3A = arith.constant 15 : i32
    %eq3A_3 = arith.cmpi eq, %arg1, %eq3A : i32
    %convert_element_type3A_4 = arith.extui %eq3A_3 : i1 to i32
    %cond3A_5 = arith.constant 0 : i32
    %cond3A_6 = arith.cmpi ne, %convert_element_type3A_4, %cond3A_5 : i32
    scf.if %cond3A_6 {
      "tpu.region"() ({
        %run_scoped3A = tpu.sem_alloc : memref<!tpu.dma_semaphore, #tpu.memory_space<semaphore_mem>>
        %dma_start3A_41 = arith.constant 9480 : i32
        %dma_start3A_42 = arith.constant 0 : i32
        %dma_start3A_43 = tpu.memref_slice %arg10[%dma_start3A_41, %dma_start3A_42] : memref<10000x128xf32, #tpu.memory_space<vmem_shared>> -> memref<520x128xf32, #tpu.memory_space<vmem_shared>>
        %dma_start3A_44 = arith.constant 9480 : i32
        %dma_start3A_45 = arith.constant 0 : i32
        %dma_start3A_46 = tpu.memref_slice %arg3[%dma_start3A_44, %dma_start3A_45] : memref<10000x128xf32, #tpu.memory_space<hbm>> -> memref<520x128xf32, #tpu.memory_space<hbm>>
        tpu.enqueue_dma source(%dma_start3A_46 : memref<520x128xf32, #tpu.memory_space<hbm>>) target(%dma_start3A_43 : memref<520x128xf32, #tpu.memory_space<vmem_shared>>) target_semaphore(%run_scoped3A : memref<!tpu.dma_semaphore, #tpu.memory_space<semaphore_mem>>)
        %dma_wait3A_47 = arith.constant 9480 : i32
        %dma_wait3A_48 = arith.constant 0 : i32
        %dma_wait3A_49 = tpu.memref_slice %arg10[%dma_wait3A_47, %dma_wait3A_48] : memref<10000x128xf32, #tpu.memory_space<vmem_shared>> -> memref<520x128xf32, #tpu.memory_space<vmem_shared>>
        %dma_wait3A_50 = arith.constant 9480 : i32
        %dma_wait3A_51 = arith.constant 0 : i32
        %dma_wait3A_52 = tpu.memref_slice %arg3[%dma_wait3A_50, %dma_wait3A_51] : memref<10000x128xf32, #tpu.memory_space<hbm>> -> memref<520x128xf32, #tpu.memory_space<hbm>>
        tpu.wait_dma2 semaphore(%run_scoped3A : memref<!tpu.dma_semaphore, #tpu.memory_space<semaphore_mem>>) src(%dma_wait3A_52 : memref<520x128xf32, #tpu.memory_space<hbm>>) dst(%dma_wait3A_49 : memref<520x128xf32, #tpu.memory_space<vmem_shared>>)
        tpu.yield
      }) : () -> ()
    } else {
    }
    "tpu.region"() ({
      %run_scoped3A = tpu.sem_alloc : memref<!tpu.dma_semaphore, #tpu.memory_space<semaphore_mem>>
      %dma_start3A_41 = arith.constant 0 : i32
      %dma_start3A_42 = arith.constant 0 : i32
      %dma_start3A_43 = tpu.memref_slice %arg2[%add3A, %dma_start3A_41, %dma_start3A_42] : memref<32x80x128xi32, #tpu.memory_space<hbm>> -> memref<1x80x128xi32, #tpu.memory_space<hbm>>
      %dma_start3A_44 = tpu.memref_squeeze %dma_start3A_43 : memref<1x80x128xi32, #tpu.memory_space<hbm>> -> memref<80x128xi32, #tpu.memory_space<hbm>>
      %dma_start3A_45 = arith.constant 0 : i32
      %dma_start3A_46 = arith.constant 0 : i32
      %dma_start3A_47 = tpu.memref_slice %arg2[%add3A, %dma_start3A_45, %dma_start3A_46] : memref<32x80x128xi32, #tpu.memory_space<hbm>> -> memref<1x80x128xi32, #tpu.memory_space<hbm>>
      %dma_start3A_48 = tpu.memref_squeeze %dma_start3A_47 : memref<1x80x128xi32, #tpu.memory_space<hbm>> -> memref<80x128xi32, #tpu.memory_space<hbm>>
      tpu.enqueue_dma source(%dma_start3A_48 : memref<80x128xi32, #tpu.memory_space<hbm>>) target(%arg5 : memref<80x128xi32, #tpu.memory_space<vmem>>) target_semaphore(%run_scoped3A : memref<!tpu.dma_semaphore, #tpu.memory_space<semaphore_mem>>)
      %dma_wait3A_49 = arith.constant 0 : i32
      %dma_wait3A_50 = arith.constant 0 : i32
      %dma_wait3A_51 = tpu.memref_slice %arg2[%add3A, %dma_wait3A_49, %dma_wait3A_50] : memref<32x80x128xi32, #tpu.memory_space<hbm>> -> memref<1x80x128xi32, #tpu.memory_space<hbm>>
      %dma_wait3A_52 = tpu.memref_squeeze %dma_wait3A_51 : memref<1x80x128xi32, #tpu.memory_space<hbm>> -> memref<80x128xi32, #tpu.memory_space<hbm>>
      %dma_wait3A_53 = arith.constant 0 : i32
      %dma_wait3A_54 = arith.constant 0 : i32
      %dma_wait3A_55 = tpu.memref_slice %arg2[%add3A, %dma_wait3A_53, %dma_wait3A_54] : memref<32x80x128xi32, #tpu.memory_space<hbm>> -> memref<1x80x128xi32, #tpu.memory_space<hbm>>
      %dma_wait3A_56 = tpu.memref_squeeze %dma_wait3A_55 : memref<1x80x128xi32, #tpu.memory_space<hbm>> -> memref<80x128xi32, #tpu.memory_space<hbm>>
      tpu.wait_dma2 semaphore(%run_scoped3A : memref<!tpu.dma_semaphore, #tpu.memory_space<semaphore_mem>>) src(%dma_wait3A_56 : memref<80x128xi32, #tpu.memory_space<hbm>>) dst(%arg5 : memref<80x128xi32, #tpu.memory_space<vmem>>)
      tpu.yield
    }) : () -> ()
    %barrier3A = arith.constant 0 : index
    tpu.barrier barrier_id(%barrier3A)
    %dma_start3A = arith.constant 0 : i32
    %dma_start3A_7 = arith.constant 0 : i32
    %dma_start3A_8 = tpu.memref_slice %arg5[%dma_start3A, %dma_start3A_7] : memref<80x128xi32, #tpu.memory_space<vmem>> -> memref<1x128xi32, #tpu.memory_space<vmem>>
    %dma_start3A_9 = tpu.memref_squeeze %dma_start3A_8 : memref<1x128xi32, #tpu.memory_space<vmem>> -> memref<128xi32, #tpu.memory_space<vmem>>
    %dma_start3A_10 = arith.constant 0 : i32
    %dma_start3A_11 = arith.constant 0 : i32
    %dma_start3A_12 = tpu.memref_slice %arg10[%dma_start3A_10, %dma_start3A_11] : memref<10000x128xf32, #tpu.memory_space<vmem_shared>> -> memref<10000x128xf32, #tpu.memory_space<vmem_shared>>
    tpu.enqueue_indirect_dma source(%dma_start3A_12 : memref<10000x128xf32, #tpu.memory_space<vmem_shared>>) target(%arg6 : memref<128x128xf32, #tpu.memory_space<vmem>>) offsets(%dma_start3A_9 : memref<128xi32, #tpu.memory_space<vmem>>) semaphore(%arg11 : memref<!tpu.dma_semaphore, #tpu.memory_space<semaphore_mem>>)
    %dma_start3A_13 = arith.constant 1 : i32
    %dma_start3A_14 = arith.constant 0 : i32
    %dma_start3A_15 = tpu.memref_slice %arg5[%dma_start3A_13, %dma_start3A_14] : memref<80x128xi32, #tpu.memory_space<vmem>> -> memref<1x128xi32, #tpu.memory_space<vmem>>
    %dma_start3A_16 = tpu.memref_squeeze %dma_start3A_15 : memref<1x128xi32, #tpu.memory_space<vmem>> -> memref<128xi32, #tpu.memory_space<vmem>>
    %dma_start3A_17 = arith.constant 0 : i32
    %dma_start3A_18 = arith.constant 0 : i32
    %dma_start3A_19 = tpu.memref_slice %arg10[%dma_start3A_17, %dma_start3A_18] : memref<10000x128xf32, #tpu.memory_space<vmem_shared>> -> memref<10000x128xf32, #tpu.memory_space<vmem_shared>>
    tpu.enqueue_indirect_dma source(%dma_start3A_19 : memref<10000x128xf32, #tpu.memory_space<vmem_shared>>) target(%arg7 : memref<128x128xf32, #tpu.memory_space<vmem>>) offsets(%dma_start3A_16 : memref<128xi32, #tpu.memory_space<vmem>>) semaphore(%arg12 : memref<!tpu.dma_semaphore, #tpu.memory_space<semaphore_mem>>)
    %scan3A = arith.constant 0 : i32
    %scan3A_20 = arith.constant 0 : i32
    %scan3A_21 = arith.constant 40 : i32
    %scan3A_22 = arith.addi %scan3A_20, %scan3A_21 : i32
    %scan3A_23 = arith.constant 1 : i32
    %scan3A_24 = scf.for %scan3A_41 = %scan3A_20 to %scan3A_22 step %scan3A_23 iter_args(%scan3A_42 = %scan3A) -> (i32)  : i32 {
      %mul3A_43 = arith.constant 2 : i32
      %mul3A_44 = arith.muli %scan3A_41, %mul3A_43 : i32
      %add3A_45 = arith.constant 0 : i32
      %add3A_46 = arith.addi %mul3A_44, %add3A_45 : i32
      %dma_wait3A_47 = arith.constant 0 : i32
      %dma_wait3A_48 = tpu.memref_slice %arg5[%add3A_46, %dma_wait3A_47] : memref<80x128xi32, #tpu.memory_space<vmem>> -> memref<1x128xi32, #tpu.memory_space<vmem>>
      %dma_wait3A_49 = tpu.memref_squeeze %dma_wait3A_48 : memref<1x128xi32, #tpu.memory_space<vmem>> -> memref<128xi32, #tpu.memory_space<vmem>>
      %dma_wait3A_50 = arith.constant 0 : i32
      %dma_wait3A_51 = arith.constant 0 : i32
      %dma_wait3A_52 = tpu.memref_slice %arg10[%dma_wait3A_50, %dma_wait3A_51] : memref<10000x128xf32, #tpu.memory_space<vmem_shared>> -> memref<10000x128xf32, #tpu.memory_space<vmem_shared>>
      tpu.wait_indirect_dma semaphore(%arg11 : memref<!tpu.dma_semaphore, #tpu.memory_space<semaphore_mem>>) src(%dma_wait3A_52 : memref<10000x128xf32, #tpu.memory_space<vmem_shared>>) dst(%arg6 : memref<128x128xf32, #tpu.memory_space<vmem>>)
      %ge3A = arith.constant 2 : i32
      %ge3A_53 = arith.cmpi sge, %add3A_46, %ge3A : i32
      %convert_element_type3A_54 = arith.extui %ge3A_53 : i1 to i32
      %cond3A_55 = arith.constant 0 : i32
      %cond3A_56 = arith.cmpi ne, %convert_element_type3A_54, %cond3A_55 : i32
      scf.if %cond3A_56 {
        %sub3A = arith.constant 2 : i32
        %sub3A_375 = arith.subi %add3A_46, %sub3A : i32
        %mul3A_376 = arith.constant 320 : i32
        %mul3A_377 = arith.muli %add3A, %mul3A_376 : i32
        %mul3A_378 = arith.constant 4 : i32
        %mul3A_379 = arith.muli %sub3A_375, %mul3A_378 : i32
        %add3A_380 = arith.addi %mul3A_377, %mul3A_379 : i32
        %mul3A_381 = arith.constant 128 : i32
        %mul3A_382 = arith.muli %add3A_380, %mul3A_381 : i32
        %dma_wait3A_383 = tpu.memref_slice %arg4[%mul3A_382] : memref<1310720xf32, #tpu.memory_space<hbm>> -> memref<512xf32, #tpu.memory_space<hbm>>
        %dma_wait3A_384 = tpu.memref_slice %arg4[%mul3A_382] : memref<1310720xf32, #tpu.memory_space<hbm>> -> memref<512xf32, #tpu.memory_space<hbm>>
        tpu.wait_dma2 semaphore(%arg13 : memref<!tpu.dma_semaphore, #tpu.memory_space<semaphore_mem>>) src(%arg8 : memref<512xf32, #tpu.memory_space<vmem>>) dst(%dma_wait3A_384 : memref<512xf32, #tpu.memory_space<hbm>>)
      } else {
      }
      %broadcast_in_dim3A = arith.constant 0.000000e+00 : f32
      %broadcast_in_dim3A_57 = vector.broadcast %broadcast_in_dim3A : f32 to vector<16xf32>
      %scan3A_58 = arith.constant 0 : i32
      %scan3A_59 = arith.constant 32 : i32
      %scan3A_60 = arith.addi %scan3A_58, %scan3A_59 : i32
      %scan3A_61 = arith.constant 1 : i32
      %scan3A_62:32 = scf.for %scan3A_375 = %scan3A_58 to %scan3A_60 step %scan3A_61 iter_args(%scan3A_376 = %broadcast_in_dim3A_57, %scan3A_377 = %broadcast_in_dim3A_57, %scan3A_378 = %broadcast_in_dim3A_57, %scan3A_379 = %broadcast_in_dim3A_57, %scan3A_380 = %broadcast_in_dim3A_57, %scan3A_381 = %broadcast_in_dim3A_57, %scan3A_382 = %broadcast_in_dim3A_57, %scan3A_383 = %broadcast_in_dim3A_57, %scan3A_384 = %broadcast_in_dim3A_57, %scan3A_385 = %broadcast_in_dim3A_57, %scan3A_386 = %broadcast_in_dim3A_57, %scan3A_387 = %broadcast_in_dim3A_57, %scan3A_388 = %broadcast_in_dim3A_57, %scan3A_389 = %broadcast_in_dim3A_57, %scan3A_390 = %broadcast_in_dim3A_57, %scan3A_391 = %broadcast_in_dim3A_57, %scan3A_392 = %broadcast_in_dim3A_57, %scan3A_393 = %broadcast_in_dim3A_57, %scan3A_394 = %broadcast_in_dim3A_57, %scan3A_395 = %broadcast_in_dim3A_57, %scan3A_396 = %broadcast_in_dim3A_57, %scan3A_397 = %broadcast_in_dim3A_57, %scan3A_398 = %broadcast_in_dim3A_57, %scan3A_399 = %broadcast_in_dim3A_57, %scan3A_400 = %broadcast_in_dim3A_57, %scan3A_401 = %broadcast_in_dim3A_57, %scan3A_402 = %broadcast_in_dim3A_57, %scan3A_403 = %broadcast_in_dim3A_57, %scan3A_404 = %broadcast_in_dim3A_57, %scan3A_405 = %broadcast_in_dim3A_57, %scan3A_406 = %broadcast_in_dim3A_57, %scan3A_407 = %broadcast_in_dim3A_57) -> (vector<16xf32>, vector<16xf32>, vector<16xf32>, vector<16xf32>, vector<16xf32>, vector<16xf32>, vector<16xf32>, vector<16xf32>, vector<16xf32>, vector<16xf32>, vector<16xf32>, vector<16xf32>, vector<16xf32>, vector<16xf32>, vector<16xf32>, vector<16xf32>, vector<16xf32>, vector<16xf32>, vector<16xf32>, vector<16xf32>, vector<16xf32>, vector<16xf32>, vector<16xf32>, vector<16xf32>, vector<16xf32>, vector<16xf32>, vector<16xf32>, vector<16xf32>, vector<16xf32>, vector<16xf32>, vector<16xf32>, vector<16xf32>)  : i32 {
        %add3A_408 = arith.constant 0 : i32
        %add3A_409 = arith.addi %add3A_408, %scan3A_375 : i32
        %get3A = arith.index_cast %add3A_409 : i32 to index
        %get3A_410 = arith.constant 0 : index
        %get3A_411 = tpu.vector_load %arg6[%get3A, %get3A_410] {strides = array<i32>} : memref<128x128xf32, #tpu.memory_space<vmem>>, vector<1x16xf32>,
        %get3A_412 = vector.shape_cast %get3A_411 : vector<1x16xf32> to vector<16xf32>
        %add3A_413 = arith.addf %scan3A_376, %get3A_412 : vector<16xf32>
        %add3A_414 = arith.constant 0 : i32
        %add3A_415 = arith.addi %add3A_414, %scan3A_375 : i32
        %get3A_416 = arith.index_cast %add3A_415 : i32 to index
        %get3A_417 = arith.constant 16 : index
        %get3A_418 = tpu.vector_load %arg6[%get3A_416, %get3A_417] {strides = array<i32>} : memref<128x128xf32, #tpu.memory_space<vmem>>, vector<1x16xf32>,
        %get3A_419 = vector.shape_cast %get3A_418 : vector<1x16xf32> to vector<16xf32>
        %add3A_420 = arith.addf %scan3A_377, %get3A_419 : vector<16xf32>
        %add3A_421 = arith.constant 0 : i32
        %add3A_422 = arith.addi %add3A_421, %scan3A_375 : i32
        %get3A_423 = arith.index_cast %add3A_422 : i32 to index
        %get3A_424 = arith.constant 32 : index
        %get3A_425 = tpu.vector_load %arg6[%get3A_423, %get3A_424] {strides = array<i32>} : memref<128x128xf32, #tpu.memory_space<vmem>>, vector<1x16xf32>,
        %get3A_426 = vector.shape_cast %get3A_425 : vector<1x16xf32> to vector<16xf32>
        %add3A_427 = arith.addf %scan3A_378, %get3A_426 : vector<16xf32>
        %add3A_428 = arith.constant 0 : i32
        %add3A_429 = arith.addi %add3A_428, %scan3A_375 : i32
        %get3A_430 = arith.index_cast %add3A_429 : i32 to index
        %get3A_431 = arith.constant 48 : index
        %get3A_432 = tpu.vector_load %arg6[%get3A_430, %get3A_431] {strides = array<i32>} : memref<128x128xf32, #tpu.memory_space<vmem>>, vector<1x16xf32>,
        %get3A_433 = vector.shape_cast %get3A_432 : vector<1x16xf32> to vector<16xf32>
        %add3A_434 = arith.addf %scan3A_379, %get3A_433 : vector<16xf32>
        %add3A_435 = arith.constant 0 : i32
        %add3A_436 = arith.addi %add3A_435, %scan3A_375 : i32
        %get3A_437 = arith.index_cast %add3A_436 : i32 to index
        %get3A_438 = arith.constant 64 : index
        %get3A_439 = tpu.vector_load %arg6[%get3A_437, %get3A_438] {strides = array<i32>} : memref<128x128xf32, #tpu.memory_space<vmem>>, vector<1x16xf32>,
        %get3A_440 = vector.shape_cast %get3A_439 : vector<1x16xf32> to vector<16xf32>
        %add3A_441 = arith.addf %scan3A_380, %get3A_440 : vector<16xf32>
        %add3A_442 = arith.constant 0 : i32
        %add3A_443 = arith.addi %add3A_442, %scan3A_375 : i32
        %get3A_444 = arith.index_cast %add3A_443 : i32 to index
        %get3A_445 = arith.constant 80 : index
        %get3A_446 = tpu.vector_load %arg6[%get3A_444, %get3A_445] {strides = array<i32>} : memref<128x128xf32, #tpu.memory_space<vmem>>, vector<1x16xf32>,
        %get3A_447 = vector.shape_cast %get3A_446 : vector<1x16xf32> to vector<16xf32>
        %add3A_448 = arith.addf %scan3A_381, %get3A_447 : vector<16xf32>
        %add3A_449 = arith.constant 0 : i32
        %add3A_450 = arith.addi %add3A_449, %scan3A_375 : i32
        %get3A_451 = arith.index_cast %add3A_450 : i32 to index
        %get3A_452 = arith.constant 96 : index
        %get3A_453 = tpu.vector_load %arg6[%get3A_451, %get3A_452] {strides = array<i32>} : memref<128x128xf32, #tpu.memory_space<vmem>>, vector<1x16xf32>,
        %get3A_454 = vector.shape_cast %get3A_453 : vector<1x16xf32> to vector<16xf32>
        %add3A_455 = arith.addf %scan3A_382, %get3A_454 : vector<16xf32>
        %add3A_456 = arith.constant 0 : i32
        %add3A_457 = arith.addi %add3A_456, %scan3A_375 : i32
        %get3A_458 = arith.index_cast %add3A_457 : i32 to index
        %get3A_459 = arith.constant 112 : index
        %get3A_460 = tpu.vector_load %arg6[%get3A_458, %get3A_459] {strides = array<i32>} : memref<128x128xf32, #tpu.memory_space<vmem>>, vector<1x16xf32>,
        %get3A_461 = vector.shape_cast %get3A_460 : vector<1x16xf32> to vector<16xf32>
        %add3A_462 = arith.addf %scan3A_383, %get3A_461 : vector<16xf32>
        %add3A_463 = arith.constant 32 : i32
        %add3A_464 = arith.addi %add3A_463, %scan3A_375 : i32
        %get3A_465 = arith.index_cast %add3A_464 : i32 to index
        %get3A_466 = arith.constant 0 : index
        %get3A_467 = tpu.vector_load %arg6[%get3A_465, %get3A_466] {strides = array<i32>} : memref<128x128xf32, #tpu.memory_space<vmem>>, vector<1x16xf32>,
        %get3A_468 = vector.shape_cast %get3A_467 : vector<1x16xf32> to vector<16xf32>
        %add3A_469 = arith.addf %scan3A_384, %get3A_468 : vector<16xf32>
        %add3A_470 = arith.constant 32 : i32
        %add3A_471 = arith.addi %add3A_470, %scan3A_375 : i32
        %get3A_472 = arith.index_cast %add3A_471 : i32 to index
        %get3A_473 = arith.constant 16 : index
        %get3A_474 = tpu.vector_load %arg6[%get3A_472, %get3A_473] {strides = array<i32>} : memref<128x128xf32, #tpu.memory_space<vmem>>, vector<1x16xf32>,
        %get3A_475 = vector.shape_cast %get3A_474 : vector<1x16xf32> to vector<16xf32>
        %add3A_476 = arith.addf %scan3A_385, %get3A_475 : vector<16xf32>
        %add3A_477 = arith.constant 32 : i32
        %add3A_478 = arith.addi %add3A_477, %scan3A_375 : i32
        %get3A_479 = arith.index_cast %add3A_478 : i32 to index
        %get3A_480 = arith.constant 32 : index
        %get3A_481 = tpu.vector_load %arg6[%get3A_479, %get3A_480] {strides = array<i32>} : memref<128x128xf32, #tpu.memory_space<vmem>>, vector<1x16xf32>,
        %get3A_482 = vector.shape_cast %get3A_481 : vector<1x16xf32> to vector<16xf32>
        %add3A_483 = arith.addf %scan3A_386, %get3A_482 : vector<16xf32>
        %add3A_484 = arith.constant 32 : i32
        %add3A_485 = arith.addi %add3A_484, %scan3A_375 : i32
        %get3A_486 = arith.index_cast %add3A_485 : i32 to index
        %get3A_487 = arith.constant 48 : index
        %get3A_488 = tpu.vector_load %arg6[%get3A_486, %get3A_487] {strides = array<i32>} : memref<128x128xf32, #tpu.memory_space<vmem>>, vector<1x16xf32>,
        %get3A_489 = vector.shape_cast %get3A_488 : vector<1x16xf32> to vector<16xf32>
        %add3A_490 = arith.addf %scan3A_387, %get3A_489 : vector<16xf32>
        %add3A_491 = arith.constant 32 : i32
        %add3A_492 = arith.addi %add3A_491, %scan3A_375 : i32
        %get3A_493 = arith.index_cast %add3A_492 : i32 to index
        %get3A_494 = arith.constant 64 : index
        %get3A_495 = tpu.vector_load %arg6[%get3A_493, %get3A_494] {strides = array<i32>} : memref<128x128xf32, #tpu.memory_space<vmem>>, vector<1x16xf32>,
        %get3A_496 = vector.shape_cast %get3A_495 : vector<1x16xf32> to vector<16xf32>
        %add3A_497 = arith.addf %scan3A_388, %get3A_496 : vector<16xf32>
        %add3A_498 = arith.constant 32 : i32
        %add3A_499 = arith.addi %add3A_498, %scan3A_375 : i32
        %get3A_500 = arith.index_cast %add3A_499 : i32 to index
        %get3A_501 = arith.constant 80 : index
        %get3A_502 = tpu.vector_load %arg6[%get3A_500, %get3A_501] {strides = array<i32>} : memref<128x128xf32, #tpu.memory_space<vmem>>, vector<1x16xf32>,
        %get3A_503 = vector.shape_cast %get3A_502 : vector<1x16xf32> to vector<16xf32>
        %add3A_504 = arith.addf %scan3A_389, %get3A_503 : vector<16xf32>
        %add3A_505 = arith.constant 32 : i32
        %add3A_506 = arith.addi %add3A_505, %scan3A_375 : i32
        %get3A_507 = arith.index_cast %add3A_506 : i32 to index
        %get3A_508 = arith.constant 96 : index
        %get3A_509 = tpu.vector_load %arg6[%get3A_507, %get3A_508] {strides = array<i32>} : memref<128x128xf32, #tpu.memory_space<vmem>>, vector<1x16xf32>,
        %get3A_510 = vector.shape_cast %get3A_509 : vector<1x16xf32> to vector<16xf32>
        %add3A_511 = arith.addf %scan3A_390, %get3A_510 : vector<16xf32>
        %add3A_512 = arith.constant 32 : i32
        %add3A_513 = arith.addi %add3A_512, %scan3A_375 : i32
        %get3A_514 = arith.index_cast %add3A_513 : i32 to index
        %get3A_515 = arith.constant 112 : index
        %get3A_516 = tpu.vector_load %arg6[%get3A_514, %get3A_515] {strides = array<i32>} : memref<128x128xf32, #tpu.memory_space<vmem>>, vector<1x16xf32>,
        %get3A_517 = vector.shape_cast %get3A_516 : vector<1x16xf32> to vector<16xf32>
        %add3A_518 = arith.addf %scan3A_391, %get3A_517 : vector<16xf32>
        %add3A_519 = arith.constant 64 : i32
        %add3A_520 = arith.addi %add3A_519, %scan3A_375 : i32
        %get3A_521 = arith.index_cast %add3A_520 : i32 to index
        %get3A_522 = arith.constant 0 : index
        %get3A_523 = tpu.vector_load %arg6[%get3A_521, %get3A_522] {strides = array<i32>} : memref<128x128xf32, #tpu.memory_space<vmem>>, vector<1x16xf32>,
        %get3A_524 = vector.shape_cast %get3A_523 : vector<1x16xf32> to vector<16xf32>
        %add3A_525 = arith.addf %scan3A_392, %get3A_524 : vector<16xf32>
        %add3A_526 = arith.constant 64 : i32
        %add3A_527 = arith.addi %add3A_526, %scan3A_375 : i32
        %get3A_528 = arith.index_cast %add3A_527 : i32 to index
        %get3A_529 = arith.constant 16 : index
        %get3A_530 = tpu.vector_load %arg6[%get3A_528, %get3A_529] {strides = array<i32>} : memref<128x128xf32, #tpu.memory_space<vmem>>, vector<1x16xf32>,
        %get3A_531 = vector.shape_cast %get3A_530 : vector<1x16xf32> to vector<16xf32>
        %add3A_532 = arith.addf %scan3A_393, %get3A_531 : vector<16xf32>
        %add3A_533 = arith.constant 64 : i32
        %add3A_534 = arith.addi %add3A_533, %scan3A_375 : i32
        %get3A_535 = arith.index_cast %add3A_534 : i32 to index
        %get3A_536 = arith.constant 32 : index
        %get3A_537 = tpu.vector_load %arg6[%get3A_535, %get3A_536] {strides = array<i32>} : memref<128x128xf32, #tpu.memory_space<vmem>>, vector<1x16xf32>,
        %get3A_538 = vector.shape_cast %get3A_537 : vector<1x16xf32> to vector<16xf32>
        %add3A_539 = arith.addf %scan3A_394, %get3A_538 : vector<16xf32>
        %add3A_540 = arith.constant 64 : i32
        %add3A_541 = arith.addi %add3A_540, %scan3A_375 : i32
        %get3A_542 = arith.index_cast %add3A_541 : i32 to index
        %get3A_543 = arith.constant 48 : index
        %get3A_544 = tpu.vector_load %arg6[%get3A_542, %get3A_543] {strides = array<i32>} : memref<128x128xf32, #tpu.memory_space<vmem>>, vector<1x16xf32>,
        %get3A_545 = vector.shape_cast %get3A_544 : vector<1x16xf32> to vector<16xf32>
        %add3A_546 = arith.addf %scan3A_395, %get3A_545 : vector<16xf32>
        %add3A_547 = arith.constant 64 : i32
        %add3A_548 = arith.addi %add3A_547, %scan3A_375 : i32
        %get3A_549 = arith.index_cast %add3A_548 : i32 to index
        %get3A_550 = arith.constant 64 : index
        %get3A_551 = tpu.vector_load %arg6[%get3A_549, %get3A_550] {strides = array<i32>} : memref<128x128xf32, #tpu.memory_space<vmem>>, vector<1x16xf32>,
        %get3A_552 = vector.shape_cast %get3A_551 : vector<1x16xf32> to vector<16xf32>
        %add3A_553 = arith.addf %scan3A_396, %get3A_552 : vector<16xf32>
        %add3A_554 = arith.constant 64 : i32
        %add3A_555 = arith.addi %add3A_554, %scan3A_375 : i32
        %get3A_556 = arith.index_cast %add3A_555 : i32 to index
        %get3A_557 = arith.constant 80 : index
        %get3A_558 = tpu.vector_load %arg6[%get3A_556, %get3A_557] {strides = array<i32>} : memref<128x128xf32, #tpu.memory_space<vmem>>, vector<1x16xf32>,
        %get3A_559 = vector.shape_cast %get3A_558 : vector<1x16xf32> to vector<16xf32>
        %add3A_560 = arith.addf %scan3A_397, %get3A_559 : vector<16xf32>
        %add3A_561 = arith.constant 64 : i32
        %add3A_562 = arith.addi %add3A_561, %scan3A_375 : i32
        %get3A_563 = arith.index_cast %add3A_562 : i32 to index
        %get3A_564 = arith.constant 96 : index
        %get3A_565 = tpu.vector_load %arg6[%get3A_563, %get3A_564] {strides = array<i32>} : memref<128x128xf32, #tpu.memory_space<vmem>>, vector<1x16xf32>,
        %get3A_566 = vector.shape_cast %get3A_565 : vector<1x16xf32> to vector<16xf32>
        %add3A_567 = arith.addf %scan3A_398, %get3A_566 : vector<16xf32>
        %add3A_568 = arith.constant 64 : i32
        %add3A_569 = arith.addi %add3A_568, %scan3A_375 : i32
        %get3A_570 = arith.index_cast %add3A_569 : i32 to index
        %get3A_571 = arith.constant 112 : index
        %get3A_572 = tpu.vector_load %arg6[%get3A_570, %get3A_571] {strides = array<i32>} : memref<128x128xf32, #tpu.memory_space<vmem>>, vector<1x16xf32>,
        %get3A_573 = vector.shape_cast %get3A_572 : vector<1x16xf32> to vector<16xf32>
        %add3A_574 = arith.addf %scan3A_399, %get3A_573 : vector<16xf32>
        %add3A_575 = arith.constant 96 : i32
        %add3A_576 = arith.addi %add3A_575, %scan3A_375 : i32
        %get3A_577 = arith.index_cast %add3A_576 : i32 to index
        %get3A_578 = arith.constant 0 : index
        %get3A_579 = tpu.vector_load %arg6[%get3A_577, %get3A_578] {strides = array<i32>} : memref<128x128xf32, #tpu.memory_space<vmem>>, vector<1x16xf32>,
        %get3A_580 = vector.shape_cast %get3A_579 : vector<1x16xf32> to vector<16xf32>
        %add3A_581 = arith.addf %scan3A_400, %get3A_580 : vector<16xf32>
        %add3A_582 = arith.constant 96 : i32
        %add3A_583 = arith.addi %add3A_582, %scan3A_375 : i32
        %get3A_584 = arith.index_cast %add3A_583 : i32 to index
        %get3A_585 = arith.constant 16 : index
        %get3A_586 = tpu.vector_load %arg6[%get3A_584, %get3A_585] {strides = array<i32>} : memref<128x128xf32, #tpu.memory_space<vmem>>, vector<1x16xf32>,
        %get3A_587 = vector.shape_cast %get3A_586 : vector<1x16xf32> to vector<16xf32>
        %add3A_588 = arith.addf %scan3A_401, %get3A_587 : vector<16xf32>
        %add3A_589 = arith.constant 96 : i32
        %add3A_590 = arith.addi %add3A_589, %scan3A_375 : i32
        %get3A_591 = arith.index_cast %add3A_590 : i32 to index
        %get3A_592 = arith.constant 32 : index
        %get3A_593 = tpu.vector_load %arg6[%get3A_591, %get3A_592] {strides = array<i32>} : memref<128x128xf32, #tpu.memory_space<vmem>>, vector<1x16xf32>,
        %get3A_594 = vector.shape_cast %get3A_593 : vector<1x16xf32> to vector<16xf32>
        %add3A_595 = arith.addf %scan3A_402, %get3A_594 : vector<16xf32>
        %add3A_596 = arith.constant 96 : i32
        %add3A_597 = arith.addi %add3A_596, %scan3A_375 : i32
        %get3A_598 = arith.index_cast %add3A_597 : i32 to index
        %get3A_599 = arith.constant 48 : index
        %get3A_600 = tpu.vector_load %arg6[%get3A_598, %get3A_599] {strides = array<i32>} : memref<128x128xf32, #tpu.memory_space<vmem>>, vector<1x16xf32>,
        %get3A_601 = vector.shape_cast %get3A_600 : vector<1x16xf32> to vector<16xf32>
        %add3A_602 = arith.addf %scan3A_403, %get3A_601 : vector<16xf32>
        %add3A_603 = arith.constant 96 : i32
        %add3A_604 = arith.addi %add3A_603, %scan3A_375 : i32
        %get3A_605 = arith.index_cast %add3A_604 : i32 to index
        %get3A_606 = arith.constant 64 : index
        %get3A_607 = tpu.vector_load %arg6[%get3A_605, %get3A_606] {strides = array<i32>} : memref<128x128xf32, #tpu.memory_space<vmem>>, vector<1x16xf32>,
        %get3A_608 = vector.shape_cast %get3A_607 : vector<1x16xf32> to vector<16xf32>
        %add3A_609 = arith.addf %scan3A_404, %get3A_608 : vector<16xf32>
        %add3A_610 = arith.constant 96 : i32
        %add3A_611 = arith.addi %add3A_610, %scan3A_375 : i32
        %get3A_612 = arith.index_cast %add3A_611 : i32 to index
        %get3A_613 = arith.constant 80 : index
        %get3A_614 = tpu.vector_load %arg6[%get3A_612, %get3A_613] {strides = array<i32>} : memref<128x128xf32, #tpu.memory_space<vmem>>, vector<1x16xf32>,
        %get3A_615 = vector.shape_cast %get3A_614 : vector<1x16xf32> to vector<16xf32>
        %add3A_616 = arith.addf %scan3A_405, %get3A_615 : vector<16xf32>
        %add3A_617 = arith.constant 96 : i32
        %add3A_618 = arith.addi %add3A_617, %scan3A_375 : i32
        %get3A_619 = arith.index_cast %add3A_618 : i32 to index
        %get3A_620 = arith.constant 96 : index
        %get3A_621 = tpu.vector_load %arg6[%get3A_619, %get3A_620] {strides = array<i32>} : memref<128x128xf32, #tpu.memory_space<vmem>>, vector<1x16xf32>,
        %get3A_622 = vector.shape_cast %get3A_621 : vector<1x16xf32> to vector<16xf32>
        %add3A_623 = arith.addf %scan3A_406, %get3A_622 : vector<16xf32>
        %add3A_624 = arith.constant 96 : i32
        %add3A_625 = arith.addi %add3A_624, %scan3A_375 : i32
        %get3A_626 = arith.index_cast %add3A_625 : i32 to index
        %get3A_627 = arith.constant 112 : index
        %get3A_628 = tpu.vector_load %arg6[%get3A_626, %get3A_627] {strides = array<i32>} : memref<128x128xf32, #tpu.memory_space<vmem>>, vector<1x16xf32>,
        %get3A_629 = vector.shape_cast %get3A_628 : vector<1x16xf32> to vector<16xf32>
        %add3A_630 = arith.addf %scan3A_407, %get3A_629 : vector<16xf32>
        scf.yield %add3A_413, %add3A_420, %add3A_427, %add3A_434, %add3A_441, %add3A_448, %add3A_455, %add3A_462, %add3A_469, %add3A_476, %add3A_483, %add3A_490, %add3A_497, %add3A_504, %add3A_511, %add3A_518, %add3A_525, %add3A_532, %add3A_539, %add3A_546, %add3A_553, %add3A_560, %add3A_567, %add3A_574, %add3A_581, %add3A_588, %add3A_595, %add3A_602, %add3A_609, %add3A_616, %add3A_623, %add3A_630 : vector<16xf32>, vector<16xf32>, vector<16xf32>, vector<16xf32>, vector<16xf32>, vector<16xf32>, vector<16xf32>, vector<16xf32>, vector<16xf32>, vector<16xf32>, vector<16xf32>, vector<16xf32>, vector<16xf32>, vector<16xf32>, vector<16xf32>, vector<16xf32>, vector<16xf32>, vector<16xf32>, vector<16xf32>, vector<16xf32>, vector<16xf32>, vector<16xf32>, vector<16xf32>, vector<16xf32>, vector<16xf32>, vector<16xf32>, vector<16xf32>, vector<16xf32>, vector<16xf32>, vector<16xf32>, vector<16xf32>, vector<16xf32>
      }
      %scan3A_63 = arith.constant 32 : i32
      %swap3A = arith.constant 0 : index
      %swap3A_64 = tpu.vector_load %arg8[%swap3A] {strides = array<i32>} : memref<512xf32, #tpu.memory_space<vmem>>, vector<16xf32>,
      %swap3A_65 = vector.shape_cast %swap3A_64 : vector<16xf32> to vector<16xf32>
      %swap3A_66 = vector.shape_cast %scan3A_62#0 : vector<16xf32> to vector<16xf32>
      tpu.vector_store %arg8[%swap3A], %swap3A_66 {strides = array<i32>} : memref<512xf32, #tpu.memory_space<vmem>>, vector<16xf32>,
      %swap3A_67 = arith.constant 16 : index
      %swap3A_68 = tpu.vector_load %arg8[%swap3A_67] {strides = array<i32>} : memref<512xf32, #tpu.memory_space<vmem>>, vector<16xf32>,
      %swap3A_69 = vector.shape_cast %swap3A_68 : vector<16xf32> to vector<16xf32>
      %swap3A_70 = vector.shape_cast %scan3A_62#1 : vector<16xf32> to vector<16xf32>
      tpu.vector_store %arg8[%swap3A_67], %swap3A_70 {strides = array<i32>} : memref<512xf32, #tpu.memory_space<vmem>>, vector<16xf32>,
      %swap3A_71 = arith.constant 32 : index
      %swap3A_72 = tpu.vector_load %arg8[%swap3A_71] {strides = array<i32>} : memref<512xf32, #tpu.memory_space<vmem>>, vector<16xf32>,
      %swap3A_73 = vector.shape_cast %swap3A_72 : vector<16xf32> to vector<16xf32>
      %swap3A_74 = vector.shape_cast %scan3A_62#2 : vector<16xf32> to vector<16xf32>
      tpu.vector_store %arg8[%swap3A_71], %swap3A_74 {strides = array<i32>} : memref<512xf32, #tpu.memory_space<vmem>>, vector<16xf32>,
      %swap3A_75 = arith.constant 48 : index
      %swap3A_76 = tpu.vector_load %arg8[%swap3A_75] {strides = array<i32>} : memref<512xf32, #tpu.memory_space<vmem>>, vector<16xf32>,
      %swap3A_77 = vector.shape_cast %swap3A_76 : vector<16xf32> to vector<16xf32>
      %swap3A_78 = vector.shape_cast %scan3A_62#3 : vector<16xf32> to vector<16xf32>
      tpu.vector_store %arg8[%swap3A_75], %swap3A_78 {strides = array<i32>} : memref<512xf32, #tpu.memory_space<vmem>>, vector<16xf32>,
      %swap3A_79 = arith.constant 64 : index
      %swap3A_80 = tpu.vector_load %arg8[%swap3A_79] {strides = array<i32>} : memref<512xf32, #tpu.memory_space<vmem>>, vector<16xf32>,
      %swap3A_81 = vector.shape_cast %swap3A_80 : vector<16xf32> to vector<16xf32>
      %swap3A_82 = vector.shape_cast %scan3A_62#4 : vector<16xf32> to vector<16xf32>
      tpu.vector_store %arg8[%swap3A_79], %swap3A_82 {strides = array<i32>} : memref<512xf32, #tpu.memory_space<vmem>>, vector<16xf32>,
      %swap3A_83 = arith.constant 80 : index
      %swap3A_84 = tpu.vector_load %arg8[%swap3A_83] {strides = array<i32>} : memref<512xf32, #tpu.memory_space<vmem>>, vector<16xf32>,
      %swap3A_85 = vector.shape_cast %swap3A_84 : vector<16xf32> to vector<16xf32>
      %swap3A_86 = vector.shape_cast %scan3A_62#5 : vector<16xf32> to vector<16xf32>
      tpu.vector_store %arg8[%swap3A_83], %swap3A_86 {strides = array<i32>} : memref<512xf32, #tpu.memory_space<vmem>>, vector<16xf32>,
      %swap3A_87 = arith.constant 96 : index
      %swap3A_88 = tpu.vector_load %arg8[%swap3A_87] {strides = array<i32>} : memref<512xf32, #tpu.memory_space<vmem>>, vector<16xf32>,
      %swap3A_89 = vector.shape_cast %swap3A_88 : vector<16xf32> to vector<16xf32>
      %swap3A_90 = vector.shape_cast %scan3A_62#6 : vector<16xf32> to vector<16xf32>
      tpu.vector_store %arg8[%swap3A_87], %swap3A_90 {strides = array<i32>} : memref<512xf32, #tpu.memory_space<vmem>>, vector<16xf32>,
      %swap3A_91 = arith.constant 112 : index
      %swap3A_92 = tpu.vector_load %arg8[%swap3A_91] {strides = array<i32>} : memref<512xf32, #tpu.memory_space<vmem>>, vector<16xf32>,
      %swap3A_93 = vector.shape_cast %swap3A_92 : vector<16xf32> to vector<16xf32>
      %swap3A_94 = vector.shape_cast %scan3A_62#7 : vector<16xf32> to vector<16xf32>
      tpu.vector_store %arg8[%swap3A_91], %swap3A_94 {strides = array<i32>} : memref<512xf32, #tpu.memory_space<vmem>>, vector<16xf32>,
      %swap3A_95 = arith.constant 128 : index
      %swap3A_96 = tpu.vector_load %arg8[%swap3A_95] {strides = array<i32>} : memref<512xf32, #tpu.memory_space<vmem>>, vector<16xf32>,
      %swap3A_97 = vector.shape_cast %swap3A_96 : vector<16xf32> to vector<16xf32>
      %swap3A_98 = vector.shape_cast %scan3A_62#8 : vector<16xf32> to vector<16xf32>
      tpu.vector_store %arg8[%swap3A_95], %swap3A_98 {strides = array<i32>} : memref<512xf32, #tpu.memory_space<vmem>>, vector<16xf32>,
      %swap3A_99 = arith.constant 144 : index
      %swap3A_100 = tpu.vector_load %arg8[%swap3A_99] {strides = array<i32>} : memref<512xf32, #tpu.memory_space<vmem>>, vector<16xf32>,
      %swap3A_101 = vector.shape_cast %swap3A_100 : vector<16xf32> to vector<16xf32>
      %swap3A_102 = vector.shape_cast %scan3A_62#9 : vector<16xf32> to vector<16xf32>
      tpu.vector_store %arg8[%swap3A_99], %swap3A_102 {strides = array<i32>} : memref<512xf32, #tpu.memory_space<vmem>>, vector<16xf32>,
      %swap3A_103 = arith.constant 160 : index
      %swap3A_104 = tpu.vector_load %arg8[%swap3A_103] {strides = array<i32>} : memref<512xf32, #tpu.memory_space<vmem>>, vector<16xf32>,
      %swap3A_105 = vector.shape_cast %swap3A_104 : vector<16xf32> to vector<16xf32>
      %swap3A_106 = vector.shape_cast %scan3A_62#10 : vector<16xf32> to vector<16xf32>
      tpu.vector_store %arg8[%swap3A_103], %swap3A_106 {strides = array<i32>} : memref<512xf32, #tpu.memory_space<vmem>>, vector<16xf32>,
      %swap3A_107 = arith.constant 176 : index
      %swap3A_108 = tpu.vector_load %arg8[%swap3A_107] {strides = array<i32>} : memref<512xf32, #tpu.memory_space<vmem>>, vector<16xf32>,
      %swap3A_109 = vector.shape_cast %swap3A_108 : vector<16xf32> to vector<16xf32>
      %swap3A_110 = vector.shape_cast %scan3A_62#11 : vector<16xf32> to vector<16xf32>
      tpu.vector_store %arg8[%swap3A_107], %swap3A_110 {strides = array<i32>} : memref<512xf32, #tpu.memory_space<vmem>>, vector<16xf32>,
      %swap3A_111 = arith.constant 192 : index
      %swap3A_112 = tpu.vector_load %arg8[%swap3A_111] {strides = array<i32>} : memref<512xf32, #tpu.memory_space<vmem>>, vector<16xf32>,
      %swap3A_113 = vector.shape_cast %swap3A_112 : vector<16xf32> to vector<16xf32>
      %swap3A_114 = vector.shape_cast %scan3A_62#12 : vector<16xf32> to vector<16xf32>
      tpu.vector_store %arg8[%swap3A_111], %swap3A_114 {strides = array<i32>} : memref<512xf32, #tpu.memory_space<vmem>>, vector<16xf32>,
      %swap3A_115 = arith.constant 208 : index
      %swap3A_116 = tpu.vector_load %arg8[%swap3A_115] {strides = array<i32>} : memref<512xf32, #tpu.memory_space<vmem>>, vector<16xf32>,
      %swap3A_117 = vector.shape_cast %swap3A_116 : vector<16xf32> to vector<16xf32>
      %swap3A_118 = vector.shape_cast %scan3A_62#13 : vector<16xf32> to vector<16xf32>
      tpu.vector_store %arg8[%swap3A_115], %swap3A_118 {strides = array<i32>} : memref<512xf32, #tpu.memory_space<vmem>>, vector<16xf32>,
      %swap3A_119 = arith.constant 224 : index
      %swap3A_120 = tpu.vector_load %arg8[%swap3A_119] {strides = array<i32>} : memref<512xf32, #tpu.memory_space<vmem>>, vector<16xf32>,
      %swap3A_121 = vector.shape_cast %swap3A_120 : vector<16xf32> to vector<16xf32>
      %swap3A_122 = vector.shape_cast %scan3A_62#14 : vector<16xf32> to vector<16xf32>
      tpu.vector_store %arg8[%swap3A_119], %swap3A_122 {strides = array<i32>} : memref<512xf32, #tpu.memory_space<vmem>>, vector<16xf32>,
      %swap3A_123 = arith.constant 240 : index
      %swap3A_124 = tpu.vector_load %arg8[%swap3A_123] {strides = array<i32>} : memref<512xf32, #tpu.memory_space<vmem>>, vector<16xf32>,
      %swap3A_125 = vector.shape_cast %swap3A_124 : vector<16xf32> to vector<16xf32>
      %swap3A_126 = vector.shape_cast %scan3A_62#15 : vector<16xf32> to vector<16xf32>
      tpu.vector_store %arg8[%swap3A_123], %swap3A_126 {strides = array<i32>} : memref<512xf32, #tpu.memory_space<vmem>>, vector<16xf32>,
      %swap3A_127 = arith.constant 256 : index
      %swap3A_128 = tpu.vector_load %arg8[%swap3A_127] {strides = array<i32>} : memref<512xf32, #tpu.memory_space<vmem>>, vector<16xf32>,
      %swap3A_129 = vector.shape_cast %swap3A_128 : vector<16xf32> to vector<16xf32>
      %swap3A_130 = vector.shape_cast %scan3A_62#16 : vector<16xf32> to vector<16xf32>
      tpu.vector_store %arg8[%swap3A_127], %swap3A_130 {strides = array<i32>} : memref<512xf32, #tpu.memory_space<vmem>>, vector<16xf32>,
      %swap3A_131 = arith.constant 272 : index
      %swap3A_132 = tpu.vector_load %arg8[%swap3A_131] {strides = array<i32>} : memref<512xf32, #tpu.memory_space<vmem>>, vector<16xf32>,
      %swap3A_133 = vector.shape_cast %swap3A_132 : vector<16xf32> to vector<16xf32>
      %swap3A_134 = vector.shape_cast %scan3A_62#17 : vector<16xf32> to vector<16xf32>
      tpu.vector_store %arg8[%swap3A_131], %swap3A_134 {strides = array<i32>} : memref<512xf32, #tpu.memory_space<vmem>>, vector<16xf32>,
      %swap3A_135 = arith.constant 288 : index
      %swap3A_136 = tpu.vector_load %arg8[%swap3A_135] {strides = array<i32>} : memref<512xf32, #tpu.memory_space<vmem>>, vector<16xf32>,
      %swap3A_137 = vector.shape_cast %swap3A_136 : vector<16xf32> to vector<16xf32>
      %swap3A_138 = vector.shape_cast %scan3A_62#18 : vector<16xf32> to vector<16xf32>
      tpu.vector_store %arg8[%swap3A_135], %swap3A_138 {strides = array<i32>} : memref<512xf32, #tpu.memory_space<vmem>>, vector<16xf32>,
      %swap3A_139 = arith.constant 304 : index
      %swap3A_140 = tpu.vector_load %arg8[%swap3A_139] {strides = array<i32>} : memref<512xf32, #tpu.memory_space<vmem>>, vector<16xf32>,
      %swap3A_141 = vector.shape_cast %swap3A_140 : vector<16xf32> to vector<16xf32>
      %swap3A_142 = vector.shape_cast %scan3A_62#19 : vector<16xf32> to vector<16xf32>
      tpu.vector_store %arg8[%swap3A_139], %swap3A_142 {strides = array<i32>} : memref<512xf32, #tpu.memory_space<vmem>>, vector<16xf32>,
      %swap3A_143 = arith.constant 320 : index
      %swap3A_144 = tpu.vector_load %arg8[%swap3A_143] {strides = array<i32>} : memref<512xf32, #tpu.memory_space<vmem>>, vector<16xf32>,
      %swap3A_145 = vector.shape_cast %swap3A_144 : vector<16xf32> to vector<16xf32>
      %swap3A_146 = vector.shape_cast %scan3A_62#20 : vector<16xf32> to vector<16xf32>
      tpu.vector_store %arg8[%swap3A_143], %swap3A_146 {strides = array<i32>} : memref<512xf32, #tpu.memory_space<vmem>>, vector<16xf32>,
      %swap3A_147 = arith.constant 336 : index
      %swap3A_148 = tpu.vector_load %arg8[%swap3A_147] {strides = array<i32>} : memref<512xf32, #tpu.memory_space<vmem>>, vector<16xf32>,
      %swap3A_149 = vector.shape_cast %swap3A_148 : vector<16xf32> to vector<16xf32>
      %swap3A_150 = vector.shape_cast %scan3A_62#21 : vector<16xf32> to vector<16xf32>
      tpu.vector_store %arg8[%swap3A_147], %swap3A_150 {strides = array<i32>} : memref<512xf32, #tpu.memory_space<vmem>>, vector<16xf32>,
      %swap3A_151 = arith.constant 352 : index
      %swap3A_152 = tpu.vector_load %arg8[%swap3A_151] {strides = array<i32>} : memref<512xf32, #tpu.memory_space<vmem>>, vector<16xf32>,
      %swap3A_153 = vector.shape_cast %swap3A_152 : vector<16xf32> to vector<16xf32>
      %swap3A_154 = vector.shape_cast %scan3A_62#22 : vector<16xf32> to vector<16xf32>
      tpu.vector_store %arg8[%swap3A_151], %swap3A_154 {strides = array<i32>} : memref<512xf32, #tpu.memory_space<vmem>>, vector<16xf32>,
      %swap3A_155 = arith.constant 368 : index
      %swap3A_156 = tpu.vector_load %arg8[%swap3A_155] {strides = array<i32>} : memref<512xf32, #tpu.memory_space<vmem>>, vector<16xf32>,
      %swap3A_157 = vector.shape_cast %swap3A_156 : vector<16xf32> to vector<16xf32>
      %swap3A_158 = vector.shape_cast %scan3A_62#23 : vector<16xf32> to vector<16xf32>
      tpu.vector_store %arg8[%swap3A_155], %swap3A_158 {strides = array<i32>} : memref<512xf32, #tpu.memory_space<vmem>>, vector<16xf32>,
      %swap3A_159 = arith.constant 384 : index
      %swap3A_160 = tpu.vector_load %arg8[%swap3A_159] {strides = array<i32>} : memref<512xf32, #tpu.memory_space<vmem>>, vector<16xf32>,
      %swap3A_161 = vector.shape_cast %swap3A_160 : vector<16xf32> to vector<16xf32>
      %swap3A_162 = vector.shape_cast %scan3A_62#24 : vector<16xf32> to vector<16xf32>
      tpu.vector_store %arg8[%swap3A_159], %swap3A_162 {strides = array<i32>} : memref<512xf32, #tpu.memory_space<vmem>>, vector<16xf32>,
      %swap3A_163 = arith.constant 400 : index
      %swap3A_164 = tpu.vector_load %arg8[%swap3A_163] {strides = array<i32>} : memref<512xf32, #tpu.memory_space<vmem>>, vector<16xf32>,
      %swap3A_165 = vector.shape_cast %swap3A_164 : vector<16xf32> to vector<16xf32>
      %swap3A_166 = vector.shape_cast %scan3A_62#25 : vector<16xf32> to vector<16xf32>
      tpu.vector_store %arg8[%swap3A_163], %swap3A_166 {strides = array<i32>} : memref<512xf32, #tpu.memory_space<vmem>>, vector<16xf32>,
      %swap3A_167 = arith.constant 416 : index
      %swap3A_168 = tpu.vector_load %arg8[%swap3A_167] {strides = array<i32>} : memref<512xf32, #tpu.memory_space<vmem>>, vector<16xf32>,
      %swap3A_169 = vector.shape_cast %swap3A_168 : vector<16xf32> to vector<16xf32>
      %swap3A_170 = vector.shape_cast %scan3A_62#26 : vector<16xf32> to vector<16xf32>
      tpu.vector_store %arg8[%swap3A_167], %swap3A_170 {strides = array<i32>} : memref<512xf32, #tpu.memory_space<vmem>>, vector<16xf32>,
      %swap3A_171 = arith.constant 432 : index
      %swap3A_172 = tpu.vector_load %arg8[%swap3A_171] {strides = array<i32>} : memref<512xf32, #tpu.memory_space<vmem>>, vector<16xf32>,
      %swap3A_173 = vector.shape_cast %swap3A_172 : vector<16xf32> to vector<16xf32>
      %swap3A_174 = vector.shape_cast %scan3A_62#27 : vector<16xf32> to vector<16xf32>
      tpu.vector_store %arg8[%swap3A_171], %swap3A_174 {strides = array<i32>} : memref<512xf32, #tpu.memory_space<vmem>>, vector<16xf32>,
      %swap3A_175 = arith.constant 448 : index
      %swap3A_176 = tpu.vector_load %arg8[%swap3A_175] {strides = array<i32>} : memref<512xf32, #tpu.memory_space<vmem>>, vector<16xf32>,
      %swap3A_177 = vector.shape_cast %swap3A_176 : vector<16xf32> to vector<16xf32>
      %swap3A_178 = vector.shape_cast %scan3A_62#28 : vector<16xf32> to vector<16xf32>
      tpu.vector_store %arg8[%swap3A_175], %swap3A_178 {strides = array<i32>} : memref<512xf32, #tpu.memory_space<vmem>>, vector<16xf32>,
      %swap3A_179 = arith.constant 464 : index
      %swap3A_180 = tpu.vector_load %arg8[%swap3A_179] {strides = array<i32>} : memref<512xf32, #tpu.memory_space<vmem>>, vector<16xf32>,
      %swap3A_181 = vector.shape_cast %swap3A_180 : vector<16xf32> to vector<16xf32>
      %swap3A_182 = vector.shape_cast %scan3A_62#29 : vector<16xf32> to vector<16xf32>
      tpu.vector_store %arg8[%swap3A_179], %swap3A_182 {strides = array<i32>} : memref<512xf32, #tpu.memory_space<vmem>>, vector<16xf32>,
      %swap3A_183 = arith.constant 480 : index
      %swap3A_184 = tpu.vector_load %arg8[%swap3A_183] {strides = array<i32>} : memref<512xf32, #tpu.memory_space<vmem>>, vector<16xf32>,
      %swap3A_185 = vector.shape_cast %swap3A_184 : vector<16xf32> to vector<16xf32>
      %swap3A_186 = vector.shape_cast %scan3A_62#30 : vector<16xf32> to vector<16xf32>
      tpu.vector_store %arg8[%swap3A_183], %swap3A_186 {strides = array<i32>} : memref<512xf32, #tpu.memory_space<vmem>>, vector<16xf32>,
      %swap3A_187 = arith.constant 496 : index
      %swap3A_188 = tpu.vector_load %arg8[%swap3A_187] {strides = array<i32>} : memref<512xf32, #tpu.memory_space<vmem>>, vector<16xf32>,
      %swap3A_189 = vector.shape_cast %swap3A_188 : vector<16xf32> to vector<16xf32>
      %swap3A_190 = vector.shape_cast %scan3A_62#31 : vector<16xf32> to vector<16xf32>
      tpu.vector_store %arg8[%swap3A_187], %swap3A_190 {strides = array<i32>} : memref<512xf32, #tpu.memory_space<vmem>>, vector<16xf32>,
      %mul3A_191 = arith.constant 320 : i32
      %mul3A_192 = arith.muli %add3A, %mul3A_191 : i32
      %mul3A_193 = arith.constant 4 : i32
      %mul3A_194 = arith.muli %add3A_46, %mul3A_193 : i32
      %add3A_195 = arith.addi %mul3A_192, %mul3A_194 : i32
      %mul3A_196 = arith.constant 128 : i32
      %mul3A_197 = arith.muli %add3A_195, %mul3A_196 : i32
      %dma_start3A_198 = tpu.memref_slice %arg4[%mul3A_197] : memref<1310720xf32, #tpu.memory_space<hbm>> -> memref<512xf32, #tpu.memory_space<hbm>>
      %dma_start3A_199 = tpu.memref_slice %arg4[%mul3A_197] : memref<1310720xf32, #tpu.memory_space<hbm>> -> memref<512xf32, #tpu.memory_space<hbm>>
      tpu.enqueue_dma source(%arg8 : memref<512xf32, #tpu.memory_space<vmem>>) target(%dma_start3A_199 : memref<512xf32, #tpu.memory_space<hbm>>) target_semaphore(%arg13 : memref<!tpu.dma_semaphore, #tpu.memory_space<semaphore_mem>>)
      %add3A_200 = arith.constant 2 : i32
      %add3A_201 = arith.addi %add3A_46, %add3A_200 : i32
      %lt3A_202 = arith.constant 80 : i32
      %lt3A_203 = arith.cmpi slt, %add3A_201, %lt3A_202 : i32
      %convert_element_type3A_204 = arith.extui %lt3A_203 : i1 to i32
      %cond3A_205 = arith.constant 0 : i32
      %cond3A_206 = arith.cmpi ne, %convert_element_type3A_204, %cond3A_205 : i32
      scf.if %cond3A_206 {
        %add3A_375 = arith.constant 2 : i32
        %add3A_376 = arith.addi %add3A_46, %add3A_375 : i32
        %dma_start3A_377 = arith.constant 0 : i32
        %dma_start3A_378 = tpu.memref_slice %arg5[%add3A_376, %dma_start3A_377] : memref<80x128xi32, #tpu.memory_space<vmem>> -> memref<1x128xi32, #tpu.memory_space<vmem>>
        %dma_start3A_379 = tpu.memref_squeeze %dma_start3A_378 : memref<1x128xi32, #tpu.memory_space<vmem>> -> memref<128xi32, #tpu.memory_space<vmem>>
        %dma_start3A_380 = arith.constant 0 : i32
        %dma_start3A_381 = arith.constant 0 : i32
        %dma_start3A_382 = tpu.memref_slice %arg10[%dma_start3A_380, %dma_start3A_381] : memref<10000x128xf32, #tpu.memory_space<vmem_shared>> -> memref<10000x128xf32, #tpu.memory_space<vmem_shared>>
        tpu.enqueue_indirect_dma source(%dma_start3A_382 : memref<10000x128xf32, #tpu.memory_space<vmem_shared>>) target(%arg6 : memref<128x128xf32, #tpu.memory_space<vmem>>) offsets(%dma_start3A_379 : memref<128xi32, #tpu.memory_space<vmem>>) semaphore(%arg11 : memref<!tpu.dma_semaphore, #tpu.memory_space<semaphore_mem>>)
      } else {
      }
      %mul3A_207 = arith.constant 2 : i32
      %mul3A_208 = arith.muli %scan3A_41, %mul3A_207 : i32
      %add3A_209 = arith.constant 1 : i32
      %add3A_210 = arith.addi %mul3A_208, %add3A_209 : i32
      %dma_wait3A_211 = arith.constant 0 : i32
      %dma_wait3A_212 = tpu.memref_slice %arg5[%add3A_210, %dma_wait3A_211] : memref<80x128xi32, #tpu.memory_space<vmem>> -> memref<1x128xi32, #tpu.memory_space<vmem>>
      %dma_wait3A_213 = tpu.memref_squeeze %dma_wait3A_212 : memref<1x128xi32, #tpu.memory_space<vmem>> -> memref<128xi32, #tpu.memory_space<vmem>>
      %dma_wait3A_214 = arith.constant 0 : i32
      %dma_wait3A_215 = arith.constant 0 : i32
      %dma_wait3A_216 = tpu.memref_slice %arg10[%dma_wait3A_214, %dma_wait3A_215] : memref<10000x128xf32, #tpu.memory_space<vmem_shared>> -> memref<10000x128xf32, #tpu.memory_space<vmem_shared>>
      tpu.wait_indirect_dma semaphore(%arg12 : memref<!tpu.dma_semaphore, #tpu.memory_space<semaphore_mem>>) src(%dma_wait3A_216 : memref<10000x128xf32, #tpu.memory_space<vmem_shared>>) dst(%arg7 : memref<128x128xf32, #tpu.memory_space<vmem>>)
      %ge3A_217 = arith.constant 2 : i32
      %ge3A_218 = arith.cmpi sge, %add3A_210, %ge3A_217 : i32
      %convert_element_type3A_219 = arith.extui %ge3A_218 : i1 to i32
      %cond3A_220 = arith.constant 0 : i32
      %cond3A_221 = arith.cmpi ne, %convert_element_type3A_219, %cond3A_220 : i32
      scf.if %cond3A_221 {
        %sub3A = arith.constant 2 : i32
        %sub3A_375 = arith.subi %add3A_210, %sub3A : i32
        %mul3A_376 = arith.constant 320 : i32
        %mul3A_377 = arith.muli %add3A, %mul3A_376 : i32
        %mul3A_378 = arith.constant 4 : i32
        %mul3A_379 = arith.muli %sub3A_375, %mul3A_378 : i32
        %add3A_380 = arith.addi %mul3A_377, %mul3A_379 : i32
        %mul3A_381 = arith.constant 128 : i32
        %mul3A_382 = arith.muli %add3A_380, %mul3A_381 : i32
        %dma_wait3A_383 = tpu.memref_slice %arg4[%mul3A_382] : memref<1310720xf32, #tpu.memory_space<hbm>> -> memref<512xf32, #tpu.memory_space<hbm>>
        %dma_wait3A_384 = tpu.memref_slice %arg4[%mul3A_382] : memref<1310720xf32, #tpu.memory_space<hbm>> -> memref<512xf32, #tpu.memory_space<hbm>>
        tpu.wait_dma2 semaphore(%arg14 : memref<!tpu.dma_semaphore, #tpu.memory_space<semaphore_mem>>) src(%arg9 : memref<512xf32, #tpu.memory_space<vmem>>) dst(%dma_wait3A_384 : memref<512xf32, #tpu.memory_space<hbm>>)
      } else {
      }
      %broadcast_in_dim3A_222 = arith.constant 0.000000e+00 : f32
      %broadcast_in_dim3A_223 = vector.broadcast %broadcast_in_dim3A_222 : f32 to vector<16xf32>
      %scan3A_224 = arith.constant 0 : i32
      %scan3A_225 = arith.constant 32 : i32
      %scan3A_226 = arith.addi %scan3A_224, %scan3A_225 : i32
      %scan3A_227 = arith.constant 1 : i32
      %scan3A_228:32 = scf.for %scan3A_375 = %scan3A_224 to %scan3A_226 step %scan3A_227 iter_args(%scan3A_376 = %broadcast_in_dim3A_223, %scan3A_377 = %broadcast_in_dim3A_223, %scan3A_378 = %broadcast_in_dim3A_223, %scan3A_379 = %broadcast_in_dim3A_223, %scan3A_380 = %broadcast_in_dim3A_223, %scan3A_381 = %broadcast_in_dim3A_223, %scan3A_382 = %broadcast_in_dim3A_223, %scan3A_383 = %broadcast_in_dim3A_223, %scan3A_384 = %broadcast_in_dim3A_223, %scan3A_385 = %broadcast_in_dim3A_223, %scan3A_386 = %broadcast_in_dim3A_223, %scan3A_387 = %broadcast_in_dim3A_223, %scan3A_388 = %broadcast_in_dim3A_223, %scan3A_389 = %broadcast_in_dim3A_223, %scan3A_390 = %broadcast_in_dim3A_223, %scan3A_391 = %broadcast_in_dim3A_223, %scan3A_392 = %broadcast_in_dim3A_223, %scan3A_393 = %broadcast_in_dim3A_223, %scan3A_394 = %broadcast_in_dim3A_223, %scan3A_395 = %broadcast_in_dim3A_223, %scan3A_396 = %broadcast_in_dim3A_223, %scan3A_397 = %broadcast_in_dim3A_223, %scan3A_398 = %broadcast_in_dim3A_223, %scan3A_399 = %broadcast_in_dim3A_223, %scan3A_400 = %broadcast_in_dim3A_223, %scan3A_401 = %broadcast_in_dim3A_223, %scan3A_402 = %broadcast_in_dim3A_223, %scan3A_403 = %broadcast_in_dim3A_223, %scan3A_404 = %broadcast_in_dim3A_223, %scan3A_405 = %broadcast_in_dim3A_223, %scan3A_406 = %broadcast_in_dim3A_223, %scan3A_407 = %broadcast_in_dim3A_223) -> (vector<16xf32>, vector<16xf32>, vector<16xf32>, vector<16xf32>, vector<16xf32>, vector<16xf32>, vector<16xf32>, vector<16xf32>, vector<16xf32>, vector<16xf32>, vector<16xf32>, vector<16xf32>, vector<16xf32>, vector<16xf32>, vector<16xf32>, vector<16xf32>, vector<16xf32>, vector<16xf32>, vector<16xf32>, vector<16xf32>, vector<16xf32>, vector<16xf32>, vector<16xf32>, vector<16xf32>, vector<16xf32>, vector<16xf32>, vector<16xf32>, vector<16xf32>, vector<16xf32>, vector<16xf32>, vector<16xf32>, vector<16xf32>)  : i32 {
        %add3A_408 = arith.constant 0 : i32
        %add3A_409 = arith.addi %add3A_408, %scan3A_375 : i32
        %get3A = arith.index_cast %add3A_409 : i32 to index
        %get3A_410 = arith.constant 0 : index
        %get3A_411 = tpu.vector_load %arg7[%get3A, %get3A_410] {strides = array<i32>} : memref<128x128xf32, #tpu.memory_space<vmem>>, vector<1x16xf32>,
        %get3A_412 = vector.shape_cast %get3A_411 : vector<1x16xf32> to vector<16xf32>
        %add3A_413 = arith.addf %scan3A_376, %get3A_412 : vector<16xf32>
        %add3A_414 = arith.constant 0 : i32
        %add3A_415 = arith.addi %add3A_414, %scan3A_375 : i32
        %get3A_416 = arith.index_cast %add3A_415 : i32 to index
        %get3A_417 = arith.constant 16 : index
        %get3A_418 = tpu.vector_load %arg7[%get3A_416, %get3A_417] {strides = array<i32>} : memref<128x128xf32, #tpu.memory_space<vmem>>, vector<1x16xf32>,
        %get3A_419 = vector.shape_cast %get3A_418 : vector<1x16xf32> to vector<16xf32>
        %add3A_420 = arith.addf %scan3A_377, %get3A_419 : vector<16xf32>
        %add3A_421 = arith.constant 0 : i32
        %add3A_422 = arith.addi %add3A_421, %scan3A_375 : i32
        %get3A_423 = arith.index_cast %add3A_422 : i32 to index
        %get3A_424 = arith.constant 32 : index
        %get3A_425 = tpu.vector_load %arg7[%get3A_423, %get3A_424] {strides = array<i32>} : memref<128x128xf32, #tpu.memory_space<vmem>>, vector<1x16xf32>,
        %get3A_426 = vector.shape_cast %get3A_425 : vector<1x16xf32> to vector<16xf32>
        %add3A_427 = arith.addf %scan3A_378, %get3A_426 : vector<16xf32>
        %add3A_428 = arith.constant 0 : i32
        %add3A_429 = arith.addi %add3A_428, %scan3A_375 : i32
        %get3A_430 = arith.index_cast %add3A_429 : i32 to index
        %get3A_431 = arith.constant 48 : index
        %get3A_432 = tpu.vector_load %arg7[%get3A_430, %get3A_431] {strides = array<i32>} : memref<128x128xf32, #tpu.memory_space<vmem>>, vector<1x16xf32>,
        %get3A_433 = vector.shape_cast %get3A_432 : vector<1x16xf32> to vector<16xf32>
        %add3A_434 = arith.addf %scan3A_379, %get3A_433 : vector<16xf32>
        %add3A_435 = arith.constant 0 : i32
        %add3A_436 = arith.addi %add3A_435, %scan3A_375 : i32
        %get3A_437 = arith.index_cast %add3A_436 : i32 to index
        %get3A_438 = arith.constant 64 : index
        %get3A_439 = tpu.vector_load %arg7[%get3A_437, %get3A_438] {strides = array<i32>} : memref<128x128xf32, #tpu.memory_space<vmem>>, vector<1x16xf32>,
        %get3A_440 = vector.shape_cast %get3A_439 : vector<1x16xf32> to vector<16xf32>
        %add3A_441 = arith.addf %scan3A_380, %get3A_440 : vector<16xf32>
        %add3A_442 = arith.constant 0 : i32
        %add3A_443 = arith.addi %add3A_442, %scan3A_375 : i32
        %get3A_444 = arith.index_cast %add3A_443 : i32 to index
        %get3A_445 = arith.constant 80 : index
        %get3A_446 = tpu.vector_load %arg7[%get3A_444, %get3A_445] {strides = array<i32>} : memref<128x128xf32, #tpu.memory_space<vmem>>, vector<1x16xf32>,
        %get3A_447 = vector.shape_cast %get3A_446 : vector<1x16xf32> to vector<16xf32>
        %add3A_448 = arith.addf %scan3A_381, %get3A_447 : vector<16xf32>
        %add3A_449 = arith.constant 0 : i32
        %add3A_450 = arith.addi %add3A_449, %scan3A_375 : i32
        %get3A_451 = arith.index_cast %add3A_450 : i32 to index
        %get3A_452 = arith.constant 96 : index
        %get3A_453 = tpu.vector_load %arg7[%get3A_451, %get3A_452] {strides = array<i32>} : memref<128x128xf32, #tpu.memory_space<vmem>>, vector<1x16xf32>,
        %get3A_454 = vector.shape_cast %get3A_453 : vector<1x16xf32> to vector<16xf32>
        %add3A_455 = arith.addf %scan3A_382, %get3A_454 : vector<16xf32>
        %add3A_456 = arith.constant 0 : i32
        %add3A_457 = arith.addi %add3A_456, %scan3A_375 : i32
        %get3A_458 = arith.index_cast %add3A_457 : i32 to index
        %get3A_459 = arith.constant 112 : index
        %get3A_460 = tpu.vector_load %arg7[%get3A_458, %get3A_459] {strides = array<i32>} : memref<128x128xf32, #tpu.memory_space<vmem>>, vector<1x16xf32>,
        %get3A_461 = vector.shape_cast %get3A_460 : vector<1x16xf32> to vector<16xf32>
        %add3A_462 = arith.addf %scan3A_383, %get3A_461 : vector<16xf32>
        %add3A_463 = arith.constant 32 : i32
        %add3A_464 = arith.addi %add3A_463, %scan3A_375 : i32
        %get3A_465 = arith.index_cast %add3A_464 : i32 to index
        %get3A_466 = arith.constant 0 : index
        %get3A_467 = tpu.vector_load %arg7[%get3A_465, %get3A_466] {strides = array<i32>} : memref<128x128xf32, #tpu.memory_space<vmem>>, vector<1x16xf32>,
        %get3A_468 = vector.shape_cast %get3A_467 : vector<1x16xf32> to vector<16xf32>
        %add3A_469 = arith.addf %scan3A_384, %get3A_468 : vector<16xf32>
        %add3A_470 = arith.constant 32 : i32
        %add3A_471 = arith.addi %add3A_470, %scan3A_375 : i32
        %get3A_472 = arith.index_cast %add3A_471 : i32 to index
        %get3A_473 = arith.constant 16 : index
        %get3A_474 = tpu.vector_load %arg7[%get3A_472, %get3A_473] {strides = array<i32>} : memref<128x128xf32, #tpu.memory_space<vmem>>, vector<1x16xf32>,
        %get3A_475 = vector.shape_cast %get3A_474 : vector<1x16xf32> to vector<16xf32>
        %add3A_476 = arith.addf %scan3A_385, %get3A_475 : vector<16xf32>
        %add3A_477 = arith.constant 32 : i32
        %add3A_478 = arith.addi %add3A_477, %scan3A_375 : i32
        %get3A_479 = arith.index_cast %add3A_478 : i32 to index
        %get3A_480 = arith.constant 32 : index
        %get3A_481 = tpu.vector_load %arg7[%get3A_479, %get3A_480] {strides = array<i32>} : memref<128x128xf32, #tpu.memory_space<vmem>>, vector<1x16xf32>,
        %get3A_482 = vector.shape_cast %get3A_481 : vector<1x16xf32> to vector<16xf32>
        %add3A_483 = arith.addf %scan3A_386, %get3A_482 : vector<16xf32>
        %add3A_484 = arith.constant 32 : i32
        %add3A_485 = arith.addi %add3A_484, %scan3A_375 : i32
        %get3A_486 = arith.index_cast %add3A_485 : i32 to index
        %get3A_487 = arith.constant 48 : index
        %get3A_488 = tpu.vector_load %arg7[%get3A_486, %get3A_487] {strides = array<i32>} : memref<128x128xf32, #tpu.memory_space<vmem>>, vector<1x16xf32>,
        %get3A_489 = vector.shape_cast %get3A_488 : vector<1x16xf32> to vector<16xf32>
        %add3A_490 = arith.addf %scan3A_387, %get3A_489 : vector<16xf32>
        %add3A_491 = arith.constant 32 : i32
        %add3A_492 = arith.addi %add3A_491, %scan3A_375 : i32
        %get3A_493 = arith.index_cast %add3A_492 : i32 to index
        %get3A_494 = arith.constant 64 : index
        %get3A_495 = tpu.vector_load %arg7[%get3A_493, %get3A_494] {strides = array<i32>} : memref<128x128xf32, #tpu.memory_space<vmem>>, vector<1x16xf32>,
        %get3A_496 = vector.shape_cast %get3A_495 : vector<1x16xf32> to vector<16xf32>
        %add3A_497 = arith.addf %scan3A_388, %get3A_496 : vector<16xf32>
        %add3A_498 = arith.constant 32 : i32
        %add3A_499 = arith.addi %add3A_498, %scan3A_375 : i32
        %get3A_500 = arith.index_cast %add3A_499 : i32 to index
        %get3A_501 = arith.constant 80 : index
        %get3A_502 = tpu.vector_load %arg7[%get3A_500, %get3A_501] {strides = array<i32>} : memref<128x128xf32, #tpu.memory_space<vmem>>, vector<1x16xf32>,
        %get3A_503 = vector.shape_cast %get3A_502 : vector<1x16xf32> to vector<16xf32>
        %add3A_504 = arith.addf %scan3A_389, %get3A_503 : vector<16xf32>
        %add3A_505 = arith.constant 32 : i32
        %add3A_506 = arith.addi %add3A_505, %scan3A_375 : i32
        %get3A_507 = arith.index_cast %add3A_506 : i32 to index
        %get3A_508 = arith.constant 96 : index
        %get3A_509 = tpu.vector_load %arg7[%get3A_507, %get3A_508] {strides = array<i32>} : memref<128x128xf32, #tpu.memory_space<vmem>>, vector<1x16xf32>,
        %get3A_510 = vector.shape_cast %get3A_509 : vector<1x16xf32> to vector<16xf32>
        %add3A_511 = arith.addf %scan3A_390, %get3A_510 : vector<16xf32>
        %add3A_512 = arith.constant 32 : i32
        %add3A_513 = arith.addi %add3A_512, %scan3A_375 : i32
        %get3A_514 = arith.index_cast %add3A_513 : i32 to index
        %get3A_515 = arith.constant 112 : index
        %get3A_516 = tpu.vector_load %arg7[%get3A_514, %get3A_515] {strides = array<i32>} : memref<128x128xf32, #tpu.memory_space<vmem>>, vector<1x16xf32>,
        %get3A_517 = vector.shape_cast %get3A_516 : vector<1x16xf32> to vector<16xf32>
        %add3A_518 = arith.addf %scan3A_391, %get3A_517 : vector<16xf32>
        %add3A_519 = arith.constant 64 : i32
        %add3A_520 = arith.addi %add3A_519, %scan3A_375 : i32
        %get3A_521 = arith.index_cast %add3A_520 : i32 to index
        %get3A_522 = arith.constant 0 : index
        %get3A_523 = tpu.vector_load %arg7[%get3A_521, %get3A_522] {strides = array<i32>} : memref<128x128xf32, #tpu.memory_space<vmem>>, vector<1x16xf32>,
        %get3A_524 = vector.shape_cast %get3A_523 : vector<1x16xf32> to vector<16xf32>
        %add3A_525 = arith.addf %scan3A_392, %get3A_524 : vector<16xf32>
        %add3A_526 = arith.constant 64 : i32
        %add3A_527 = arith.addi %add3A_526, %scan3A_375 : i32
        %get3A_528 = arith.index_cast %add3A_527 : i32 to index
        %get3A_529 = arith.constant 16 : index
        %get3A_530 = tpu.vector_load %arg7[%get3A_528, %get3A_529] {strides = array<i32>} : memref<128x128xf32, #tpu.memory_space<vmem>>, vector<1x16xf32>,
        %get3A_531 = vector.shape_cast %get3A_530 : vector<1x16xf32> to vector<16xf32>
        %add3A_532 = arith.addf %scan3A_393, %get3A_531 : vector<16xf32>
        %add3A_533 = arith.constant 64 : i32
        %add3A_534 = arith.addi %add3A_533, %scan3A_375 : i32
        %get3A_535 = arith.index_cast %add3A_534 : i32 to index
        %get3A_536 = arith.constant 32 : index
        %get3A_537 = tpu.vector_load %arg7[%get3A_535, %get3A_536] {strides = array<i32>} : memref<128x128xf32, #tpu.memory_space<vmem>>, vector<1x16xf32>,
        %get3A_538 = vector.shape_cast %get3A_537 : vector<1x16xf32> to vector<16xf32>
        %add3A_539 = arith.addf %scan3A_394, %get3A_538 : vector<16xf32>
        %add3A_540 = arith.constant 64 : i32
        %add3A_541 = arith.addi %add3A_540, %scan3A_375 : i32
        %get3A_542 = arith.index_cast %add3A_541 : i32 to index
        %get3A_543 = arith.constant 48 : index
        %get3A_544 = tpu.vector_load %arg7[%get3A_542, %get3A_543] {strides = array<i32>} : memref<128x128xf32, #tpu.memory_space<vmem>>, vector<1x16xf32>,
        %get3A_545 = vector.shape_cast %get3A_544 : vector<1x16xf32> to vector<16xf32>
        %add3A_546 = arith.addf %scan3A_395, %get3A_545 : vector<16xf32>
        %add3A_547 = arith.constant 64 : i32
        %add3A_548 = arith.addi %add3A_547, %scan3A_375 : i32
        %get3A_549 = arith.index_cast %add3A_548 : i32 to index
        %get3A_550 = arith.constant 64 : index
        %get3A_551 = tpu.vector_load %arg7[%get3A_549, %get3A_550] {strides = array<i32>} : memref<128x128xf32, #tpu.memory_space<vmem>>, vector<1x16xf32>,
        %get3A_552 = vector.shape_cast %get3A_551 : vector<1x16xf32> to vector<16xf32>
        %add3A_553 = arith.addf %scan3A_396, %get3A_552 : vector<16xf32>
        %add3A_554 = arith.constant 64 : i32
        %add3A_555 = arith.addi %add3A_554, %scan3A_375 : i32
        %get3A_556 = arith.index_cast %add3A_555 : i32 to index
        %get3A_557 = arith.constant 80 : index
        %get3A_558 = tpu.vector_load %arg7[%get3A_556, %get3A_557] {strides = array<i32>} : memref<128x128xf32, #tpu.memory_space<vmem>>, vector<1x16xf32>,
        %get3A_559 = vector.shape_cast %get3A_558 : vector<1x16xf32> to vector<16xf32>
        %add3A_560 = arith.addf %scan3A_397, %get3A_559 : vector<16xf32>
        %add3A_561 = arith.constant 64 : i32
        %add3A_562 = arith.addi %add3A_561, %scan3A_375 : i32
        %get3A_563 = arith.index_cast %add3A_562 : i32 to index
        %get3A_564 = arith.constant 96 : index
        %get3A_565 = tpu.vector_load %arg7[%get3A_563, %get3A_564] {strides = array<i32>} : memref<128x128xf32, #tpu.memory_space<vmem>>, vector<1x16xf32>,
        %get3A_566 = vector.shape_cast %get3A_565 : vector<1x16xf32> to vector<16xf32>
        %add3A_567 = arith.addf %scan3A_398, %get3A_566 : vector<16xf32>
        %add3A_568 = arith.constant 64 : i32
        %add3A_569 = arith.addi %add3A_568, %scan3A_375 : i32
        %get3A_570 = arith.index_cast %add3A_569 : i32 to index
        %get3A_571 = arith.constant 112 : index
        %get3A_572 = tpu.vector_load %arg7[%get3A_570, %get3A_571] {strides = array<i32>} : memref<128x128xf32, #tpu.memory_space<vmem>>, vector<1x16xf32>,
        %get3A_573 = vector.shape_cast %get3A_572 : vector<1x16xf32> to vector<16xf32>
        %add3A_574 = arith.addf %scan3A_399, %get3A_573 : vector<16xf32>
        %add3A_575 = arith.constant 96 : i32
        %add3A_576 = arith.addi %add3A_575, %scan3A_375 : i32
        %get3A_577 = arith.index_cast %add3A_576 : i32 to index
        %get3A_578 = arith.constant 0 : index
        %get3A_579 = tpu.vector_load %arg7[%get3A_577, %get3A_578] {strides = array<i32>} : memref<128x128xf32, #tpu.memory_space<vmem>>, vector<1x16xf32>,
        %get3A_580 = vector.shape_cast %get3A_579 : vector<1x16xf32> to vector<16xf32>
        %add3A_581 = arith.addf %scan3A_400, %get3A_580 : vector<16xf32>
        %add3A_582 = arith.constant 96 : i32
        %add3A_583 = arith.addi %add3A_582, %scan3A_375 : i32
        %get3A_584 = arith.index_cast %add3A_583 : i32 to index
        %get3A_585 = arith.constant 16 : index
        %get3A_586 = tpu.vector_load %arg7[%get3A_584, %get3A_585] {strides = array<i32>} : memref<128x128xf32, #tpu.memory_space<vmem>>, vector<1x16xf32>,
        %get3A_587 = vector.shape_cast %get3A_586 : vector<1x16xf32> to vector<16xf32>
        %add3A_588 = arith.addf %scan3A_401, %get3A_587 : vector<16xf32>
        %add3A_589 = arith.constant 96 : i32
        %add3A_590 = arith.addi %add3A_589, %scan3A_375 : i32
        %get3A_591 = arith.index_cast %add3A_590 : i32 to index
        %get3A_592 = arith.constant 32 : index
        %get3A_593 = tpu.vector_load %arg7[%get3A_591, %get3A_592] {strides = array<i32>} : memref<128x128xf32, #tpu.memory_space<vmem>>, vector<1x16xf32>,
        %get3A_594 = vector.shape_cast %get3A_593 : vector<1x16xf32> to vector<16xf32>
        %add3A_595 = arith.addf %scan3A_402, %get3A_594 : vector<16xf32>
        %add3A_596 = arith.constant 96 : i32
        %add3A_597 = arith.addi %add3A_596, %scan3A_375 : i32
        %get3A_598 = arith.index_cast %add3A_597 : i32 to index
        %get3A_599 = arith.constant 48 : index
        %get3A_600 = tpu.vector_load %arg7[%get3A_598, %get3A_599] {strides = array<i32>} : memref<128x128xf32, #tpu.memory_space<vmem>>, vector<1x16xf32>,
        %get3A_601 = vector.shape_cast %get3A_600 : vector<1x16xf32> to vector<16xf32>
        %add3A_602 = arith.addf %scan3A_403, %get3A_601 : vector<16xf32>
        %add3A_603 = arith.constant 96 : i32
        %add3A_604 = arith.addi %add3A_603, %scan3A_375 : i32
        %get3A_605 = arith.index_cast %add3A_604 : i32 to index
        %get3A_606 = arith.constant 64 : index
        %get3A_607 = tpu.vector_load %arg7[%get3A_605, %get3A_606] {strides = array<i32>} : memref<128x128xf32, #tpu.memory_space<vmem>>, vector<1x16xf32>,
        %get3A_608 = vector.shape_cast %get3A_607 : vector<1x16xf32> to vector<16xf32>
        %add3A_609 = arith.addf %scan3A_404, %get3A_608 : vector<16xf32>
        %add3A_610 = arith.constant 96 : i32
        %add3A_611 = arith.addi %add3A_610, %scan3A_375 : i32
        %get3A_612 = arith.index_cast %add3A_611 : i32 to index
        %get3A_613 = arith.constant 80 : index
        %get3A_614 = tpu.vector_load %arg7[%get3A_612, %get3A_613] {strides = array<i32>} : memref<128x128xf32, #tpu.memory_space<vmem>>, vector<1x16xf32>,
        %get3A_615 = vector.shape_cast %get3A_614 : vector<1x16xf32> to vector<16xf32>
        %add3A_616 = arith.addf %scan3A_405, %get3A_615 : vector<16xf32>
        %add3A_617 = arith.constant 96 : i32
        %add3A_618 = arith.addi %add3A_617, %scan3A_375 : i32
        %get3A_619 = arith.index_cast %add3A_618 : i32 to index
        %get3A_620 = arith.constant 96 : index
        %get3A_621 = tpu.vector_load %arg7[%get3A_619, %get3A_620] {strides = array<i32>} : memref<128x128xf32, #tpu.memory_space<vmem>>, vector<1x16xf32>,
        %get3A_622 = vector.shape_cast %get3A_621 : vector<1x16xf32> to vector<16xf32>
        %add3A_623 = arith.addf %scan3A_406, %get3A_622 : vector<16xf32>
        %add3A_624 = arith.constant 96 : i32
        %add3A_625 = arith.addi %add3A_624, %scan3A_375 : i32
        %get3A_626 = arith.index_cast %add3A_625 : i32 to index
        %get3A_627 = arith.constant 112 : index
        %get3A_628 = tpu.vector_load %arg7[%get3A_626, %get3A_627] {strides = array<i32>} : memref<128x128xf32, #tpu.memory_space<vmem>>, vector<1x16xf32>,
        %get3A_629 = vector.shape_cast %get3A_628 : vector<1x16xf32> to vector<16xf32>
        %add3A_630 = arith.addf %scan3A_407, %get3A_629 : vector<16xf32>
        scf.yield %add3A_413, %add3A_420, %add3A_427, %add3A_434, %add3A_441, %add3A_448, %add3A_455, %add3A_462, %add3A_469, %add3A_476, %add3A_483, %add3A_490, %add3A_497, %add3A_504, %add3A_511, %add3A_518, %add3A_525, %add3A_532, %add3A_539, %add3A_546, %add3A_553, %add3A_560, %add3A_567, %add3A_574, %add3A_581, %add3A_588, %add3A_595, %add3A_602, %add3A_609, %add3A_616, %add3A_623, %add3A_630 : vector<16xf32>, vector<16xf32>, vector<16xf32>, vector<16xf32>, vector<16xf32>, vector<16xf32>, vector<16xf32>, vector<16xf32>, vector<16xf32>, vector<16xf32>, vector<16xf32>, vector<16xf32>, vector<16xf32>, vector<16xf32>, vector<16xf32>, vector<16xf32>, vector<16xf32>, vector<16xf32>, vector<16xf32>, vector<16xf32>, vector<16xf32>, vector<16xf32>, vector<16xf32>, vector<16xf32>, vector<16xf32>, vector<16xf32>, vector<16xf32>, vector<16xf32>, vector<16xf32>, vector<16xf32>, vector<16xf32>, vector<16xf32>
      }
      %scan3A_229 = arith.constant 32 : i32
      %swap3A_230 = arith.constant 0 : index
      %swap3A_231 = tpu.vector_load %arg9[%swap3A_230] {strides = array<i32>} : memref<512xf32, #tpu.memory_space<vmem>>, vector<16xf32>,
      %swap3A_232 = vector.shape_cast %swap3A_231 : vector<16xf32> to vector<16xf32>
      %swap3A_233 = vector.shape_cast %scan3A_228#0 : vector<16xf32> to vector<16xf32>
      tpu.vector_store %arg9[%swap3A_230], %swap3A_233 {strides = array<i32>} : memref<512xf32, #tpu.memory_space<vmem>>, vector<16xf32>,
      %swap3A_234 = arith.constant 16 : index
      %swap3A_235 = tpu.vector_load %arg9[%swap3A_234] {strides = array<i32>} : memref<512xf32, #tpu.memory_space<vmem>>, vector<16xf32>,
      %swap3A_236 = vector.shape_cast %swap3A_235 : vector<16xf32> to vector<16xf32>
      %swap3A_237 = vector.shape_cast %scan3A_228#1 : vector<16xf32> to vector<16xf32>
      tpu.vector_store %arg9[%swap3A_234], %swap3A_237 {strides = array<i32>} : memref<512xf32, #tpu.memory_space<vmem>>, vector<16xf32>,
      %swap3A_238 = arith.constant 32 : index
      %swap3A_239 = tpu.vector_load %arg9[%swap3A_238] {strides = array<i32>} : memref<512xf32, #tpu.memory_space<vmem>>, vector<16xf32>,
      %swap3A_240 = vector.shape_cast %swap3A_239 : vector<16xf32> to vector<16xf32>
      %swap3A_241 = vector.shape_cast %scan3A_228#2 : vector<16xf32> to vector<16xf32>
      tpu.vector_store %arg9[%swap3A_238], %swap3A_241 {strides = array<i32>} : memref<512xf32, #tpu.memory_space<vmem>>, vector<16xf32>,
      %swap3A_242 = arith.constant 48 : index
      %swap3A_243 = tpu.vector_load %arg9[%swap3A_242] {strides = array<i32>} : memref<512xf32, #tpu.memory_space<vmem>>, vector<16xf32>,
      %swap3A_244 = vector.shape_cast %swap3A_243 : vector<16xf32> to vector<16xf32>
      %swap3A_245 = vector.shape_cast %scan3A_228#3 : vector<16xf32> to vector<16xf32>
      tpu.vector_store %arg9[%swap3A_242], %swap3A_245 {strides = array<i32>} : memref<512xf32, #tpu.memory_space<vmem>>, vector<16xf32>,
      %swap3A_246 = arith.constant 64 : index
      %swap3A_247 = tpu.vector_load %arg9[%swap3A_246] {strides = array<i32>} : memref<512xf32, #tpu.memory_space<vmem>>, vector<16xf32>,
      %swap3A_248 = vector.shape_cast %swap3A_247 : vector<16xf32> to vector<16xf32>
      %swap3A_249 = vector.shape_cast %scan3A_228#4 : vector<16xf32> to vector<16xf32>
      tpu.vector_store %arg9[%swap3A_246], %swap3A_249 {strides = array<i32>} : memref<512xf32, #tpu.memory_space<vmem>>, vector<16xf32>,
      %swap3A_250 = arith.constant 80 : index
      %swap3A_251 = tpu.vector_load %arg9[%swap3A_250] {strides = array<i32>} : memref<512xf32, #tpu.memory_space<vmem>>, vector<16xf32>,
      %swap3A_252 = vector.shape_cast %swap3A_251 : vector<16xf32> to vector<16xf32>
      %swap3A_253 = vector.shape_cast %scan3A_228#5 : vector<16xf32> to vector<16xf32>
      tpu.vector_store %arg9[%swap3A_250], %swap3A_253 {strides = array<i32>} : memref<512xf32, #tpu.memory_space<vmem>>, vector<16xf32>,
      %swap3A_254 = arith.constant 96 : index
      %swap3A_255 = tpu.vector_load %arg9[%swap3A_254] {strides = array<i32>} : memref<512xf32, #tpu.memory_space<vmem>>, vector<16xf32>,
      %swap3A_256 = vector.shape_cast %swap3A_255 : vector<16xf32> to vector<16xf32>
      %swap3A_257 = vector.shape_cast %scan3A_228#6 : vector<16xf32> to vector<16xf32>
      tpu.vector_store %arg9[%swap3A_254], %swap3A_257 {strides = array<i32>} : memref<512xf32, #tpu.memory_space<vmem>>, vector<16xf32>,
      %swap3A_258 = arith.constant 112 : index
      %swap3A_259 = tpu.vector_load %arg9[%swap3A_258] {strides = array<i32>} : memref<512xf32, #tpu.memory_space<vmem>>, vector<16xf32>,
      %swap3A_260 = vector.shape_cast %swap3A_259 : vector<16xf32> to vector<16xf32>
      %swap3A_261 = vector.shape_cast %scan3A_228#7 : vector<16xf32> to vector<16xf32>
      tpu.vector_store %arg9[%swap3A_258], %swap3A_261 {strides = array<i32>} : memref<512xf32, #tpu.memory_space<vmem>>, vector<16xf32>,
      %swap3A_262 = arith.constant 128 : index
      %swap3A_263 = tpu.vector_load %arg9[%swap3A_262] {strides = array<i32>} : memref<512xf32, #tpu.memory_space<vmem>>, vector<16xf32>,
      %swap3A_264 = vector.shape_cast %swap3A_263 : vector<16xf32> to vector<16xf32>
      %swap3A_265 = vector.shape_cast %scan3A_228#8 : vector<16xf32> to vector<16xf32>
      tpu.vector_store %arg9[%swap3A_262], %swap3A_265 {strides = array<i32>} : memref<512xf32, #tpu.memory_space<vmem>>, vector<16xf32>,
      %swap3A_266 = arith.constant 144 : index
      %swap3A_267 = tpu.vector_load %arg9[%swap3A_266] {strides = array<i32>} : memref<512xf32, #tpu.memory_space<vmem>>, vector<16xf32>,
      %swap3A_268 = vector.shape_cast %swap3A_267 : vector<16xf32> to vector<16xf32>
      %swap3A_269 = vector.shape_cast %scan3A_228#9 : vector<16xf32> to vector<16xf32>
      tpu.vector_store %arg9[%swap3A_266], %swap3A_269 {strides = array<i32>} : memref<512xf32, #tpu.memory_space<vmem>>, vector<16xf32>,
      %swap3A_270 = arith.constant 160 : index
      %swap3A_271 = tpu.vector_load %arg9[%swap3A_270] {strides = array<i32>} : memref<512xf32, #tpu.memory_space<vmem>>, vector<16xf32>,
      %swap3A_272 = vector.shape_cast %swap3A_271 : vector<16xf32> to vector<16xf32>
      %swap3A_273 = vector.shape_cast %scan3A_228#10 : vector<16xf32> to vector<16xf32>
      tpu.vector_store %arg9[%swap3A_270], %swap3A_273 {strides = array<i32>} : memref<512xf32, #tpu.memory_space<vmem>>, vector<16xf32>,
      %swap3A_274 = arith.constant 176 : index
      %swap3A_275 = tpu.vector_load %arg9[%swap3A_274] {strides = array<i32>} : memref<512xf32, #tpu.memory_space<vmem>>, vector<16xf32>,
      %swap3A_276 = vector.shape_cast %swap3A_275 : vector<16xf32> to vector<16xf32>
      %swap3A_277 = vector.shape_cast %scan3A_228#11 : vector<16xf32> to vector<16xf32>
      tpu.vector_store %arg9[%swap3A_274], %swap3A_277 {strides = array<i32>} : memref<512xf32, #tpu.memory_space<vmem>>, vector<16xf32>,
      %swap3A_278 = arith.constant 192 : index
      %swap3A_279 = tpu.vector_load %arg9[%swap3A_278] {strides = array<i32>} : memref<512xf32, #tpu.memory_space<vmem>>, vector<16xf32>,
      %swap3A_280 = vector.shape_cast %swap3A_279 : vector<16xf32> to vector<16xf32>
      %swap3A_281 = vector.shape_cast %scan3A_228#12 : vector<16xf32> to vector<16xf32>
      tpu.vector_store %arg9[%swap3A_278], %swap3A_281 {strides = array<i32>} : memref<512xf32, #tpu.memory_space<vmem>>, vector<16xf32>,
      %swap3A_282 = arith.constant 208 : index
      %swap3A_283 = tpu.vector_load %arg9[%swap3A_282] {strides = array<i32>} : memref<512xf32, #tpu.memory_space<vmem>>, vector<16xf32>,
      %swap3A_284 = vector.shape_cast %swap3A_283 : vector<16xf32> to vector<16xf32>
      %swap3A_285 = vector.shape_cast %scan3A_228#13 : vector<16xf32> to vector<16xf32>
      tpu.vector_store %arg9[%swap3A_282], %swap3A_285 {strides = array<i32>} : memref<512xf32, #tpu.memory_space<vmem>>, vector<16xf32>,
      %swap3A_286 = arith.constant 224 : index
      %swap3A_287 = tpu.vector_load %arg9[%swap3A_286] {strides = array<i32>} : memref<512xf32, #tpu.memory_space<vmem>>, vector<16xf32>,
      %swap3A_288 = vector.shape_cast %swap3A_287 : vector<16xf32> to vector<16xf32>
      %swap3A_289 = vector.shape_cast %scan3A_228#14 : vector<16xf32> to vector<16xf32>
      tpu.vector_store %arg9[%swap3A_286], %swap3A_289 {strides = array<i32>} : memref<512xf32, #tpu.memory_space<vmem>>, vector<16xf32>,
      %swap3A_290 = arith.constant 240 : index
      %swap3A_291 = tpu.vector_load %arg9[%swap3A_290] {strides = array<i32>} : memref<512xf32, #tpu.memory_space<vmem>>, vector<16xf32>,
      %swap3A_292 = vector.shape_cast %swap3A_291 : vector<16xf32> to vector<16xf32>
      %swap3A_293 = vector.shape_cast %scan3A_228#15 : vector<16xf32> to vector<16xf32>
      tpu.vector_store %arg9[%swap3A_290], %swap3A_293 {strides = array<i32>} : memref<512xf32, #tpu.memory_space<vmem>>, vector<16xf32>,
      %swap3A_294 = arith.constant 256 : index
      %swap3A_295 = tpu.vector_load %arg9[%swap3A_294] {strides = array<i32>} : memref<512xf32, #tpu.memory_space<vmem>>, vector<16xf32>,
      %swap3A_296 = vector.shape_cast %swap3A_295 : vector<16xf32> to vector<16xf32>
      %swap3A_297 = vector.shape_cast %scan3A_228#16 : vector<16xf32> to vector<16xf32>
      tpu.vector_store %arg9[%swap3A_294], %swap3A_297 {strides = array<i32>} : memref<512xf32, #tpu.memory_space<vmem>>, vector<16xf32>,
      %swap3A_298 = arith.constant 272 : index
      %swap3A_299 = tpu.vector_load %arg9[%swap3A_298] {strides = array<i32>} : memref<512xf32, #tpu.memory_space<vmem>>, vector<16xf32>,
      %swap3A_300 = vector.shape_cast %swap3A_299 : vector<16xf32> to vector<16xf32>
      %swap3A_301 = vector.shape_cast %scan3A_228#17 : vector<16xf32> to vector<16xf32>
      tpu.vector_store %arg9[%swap3A_298], %swap3A_301 {strides = array<i32>} : memref<512xf32, #tpu.memory_space<vmem>>, vector<16xf32>,
      %swap3A_302 = arith.constant 288 : index
      %swap3A_303 = tpu.vector_load %arg9[%swap3A_302] {strides = array<i32>} : memref<512xf32, #tpu.memory_space<vmem>>, vector<16xf32>,
      %swap3A_304 = vector.shape_cast %swap3A_303 : vector<16xf32> to vector<16xf32>
      %swap3A_305 = vector.shape_cast %scan3A_228#18 : vector<16xf32> to vector<16xf32>
      tpu.vector_store %arg9[%swap3A_302], %swap3A_305 {strides = array<i32>} : memref<512xf32, #tpu.memory_space<vmem>>, vector<16xf32>,
      %swap3A_306 = arith.constant 304 : index
      %swap3A_307 = tpu.vector_load %arg9[%swap3A_306] {strides = array<i32>} : memref<512xf32, #tpu.memory_space<vmem>>, vector<16xf32>,
      %swap3A_308 = vector.shape_cast %swap3A_307 : vector<16xf32> to vector<16xf32>
      %swap3A_309 = vector.shape_cast %scan3A_228#19 : vector<16xf32> to vector<16xf32>
      tpu.vector_store %arg9[%swap3A_306], %swap3A_309 {strides = array<i32>} : memref<512xf32, #tpu.memory_space<vmem>>, vector<16xf32>,
      %swap3A_310 = arith.constant 320 : index
      %swap3A_311 = tpu.vector_load %arg9[%swap3A_310] {strides = array<i32>} : memref<512xf32, #tpu.memory_space<vmem>>, vector<16xf32>,
      %swap3A_312 = vector.shape_cast %swap3A_311 : vector<16xf32> to vector<16xf32>
      %swap3A_313 = vector.shape_cast %scan3A_228#20 : vector<16xf32> to vector<16xf32>
      tpu.vector_store %arg9[%swap3A_310], %swap3A_313 {strides = array<i32>} : memref<512xf32, #tpu.memory_space<vmem>>, vector<16xf32>,
      %swap3A_314 = arith.constant 336 : index
      %swap3A_315 = tpu.vector_load %arg9[%swap3A_314] {strides = array<i32>} : memref<512xf32, #tpu.memory_space<vmem>>, vector<16xf32>,
      %swap3A_316 = vector.shape_cast %swap3A_315 : vector<16xf32> to vector<16xf32>
      %swap3A_317 = vector.shape_cast %scan3A_228#21 : vector<16xf32> to vector<16xf32>
      tpu.vector_store %arg9[%swap3A_314], %swap3A_317 {strides = array<i32>} : memref<512xf32, #tpu.memory_space<vmem>>, vector<16xf32>,
      %swap3A_318 = arith.constant 352 : index
      %swap3A_319 = tpu.vector_load %arg9[%swap3A_318] {strides = array<i32>} : memref<512xf32, #tpu.memory_space<vmem>>, vector<16xf32>,
      %swap3A_320 = vector.shape_cast %swap3A_319 : vector<16xf32> to vector<16xf32>
      %swap3A_321 = vector.shape_cast %scan3A_228#22 : vector<16xf32> to vector<16xf32>
      tpu.vector_store %arg9[%swap3A_318], %swap3A_321 {strides = array<i32>} : memref<512xf32, #tpu.memory_space<vmem>>, vector<16xf32>,
      %swap3A_322 = arith.constant 368 : index
      %swap3A_323 = tpu.vector_load %arg9[%swap3A_322] {strides = array<i32>} : memref<512xf32, #tpu.memory_space<vmem>>, vector<16xf32>,
      %swap3A_324 = vector.shape_cast %swap3A_323 : vector<16xf32> to vector<16xf32>
      %swap3A_325 = vector.shape_cast %scan3A_228#23 : vector<16xf32> to vector<16xf32>
      tpu.vector_store %arg9[%swap3A_322], %swap3A_325 {strides = array<i32>} : memref<512xf32, #tpu.memory_space<vmem>>, vector<16xf32>,
      %swap3A_326 = arith.constant 384 : index
      %swap3A_327 = tpu.vector_load %arg9[%swap3A_326] {strides = array<i32>} : memref<512xf32, #tpu.memory_space<vmem>>, vector<16xf32>,
      %swap3A_328 = vector.shape_cast %swap3A_327 : vector<16xf32> to vector<16xf32>
      %swap3A_329 = vector.shape_cast %scan3A_228#24 : vector<16xf32> to vector<16xf32>
      tpu.vector_store %arg9[%swap3A_326], %swap3A_329 {strides = array<i32>} : memref<512xf32, #tpu.memory_space<vmem>>, vector<16xf32>,
      %swap3A_330 = arith.constant 400 : index
      %swap3A_331 = tpu.vector_load %arg9[%swap3A_330] {strides = array<i32>} : memref<512xf32, #tpu.memory_space<vmem>>, vector<16xf32>,
      %swap3A_332 = vector.shape_cast %swap3A_331 : vector<16xf32> to vector<16xf32>
      %swap3A_333 = vector.shape_cast %scan3A_228#25 : vector<16xf32> to vector<16xf32>
      tpu.vector_store %arg9[%swap3A_330], %swap3A_333 {strides = array<i32>} : memref<512xf32, #tpu.memory_space<vmem>>, vector<16xf32>,
      %swap3A_334 = arith.constant 416 : index
      %swap3A_335 = tpu.vector_load %arg9[%swap3A_334] {strides = array<i32>} : memref<512xf32, #tpu.memory_space<vmem>>, vector<16xf32>,
      %swap3A_336 = vector.shape_cast %swap3A_335 : vector<16xf32> to vector<16xf32>
      %swap3A_337 = vector.shape_cast %scan3A_228#26 : vector<16xf32> to vector<16xf32>
      tpu.vector_store %arg9[%swap3A_334], %swap3A_337 {strides = array<i32>} : memref<512xf32, #tpu.memory_space<vmem>>, vector<16xf32>,
      %swap3A_338 = arith.constant 432 : index
      %swap3A_339 = tpu.vector_load %arg9[%swap3A_338] {strides = array<i32>} : memref<512xf32, #tpu.memory_space<vmem>>, vector<16xf32>,
      %swap3A_340 = vector.shape_cast %swap3A_339 : vector<16xf32> to vector<16xf32>
      %swap3A_341 = vector.shape_cast %scan3A_228#27 : vector<16xf32> to vector<16xf32>
      tpu.vector_store %arg9[%swap3A_338], %swap3A_341 {strides = array<i32>} : memref<512xf32, #tpu.memory_space<vmem>>, vector<16xf32>,
      %swap3A_342 = arith.constant 448 : index
      %swap3A_343 = tpu.vector_load %arg9[%swap3A_342] {strides = array<i32>} : memref<512xf32, #tpu.memory_space<vmem>>, vector<16xf32>,
      %swap3A_344 = vector.shape_cast %swap3A_343 : vector<16xf32> to vector<16xf32>
      %swap3A_345 = vector.shape_cast %scan3A_228#28 : vector<16xf32> to vector<16xf32>
      tpu.vector_store %arg9[%swap3A_342], %swap3A_345 {strides = array<i32>} : memref<512xf32, #tpu.memory_space<vmem>>, vector<16xf32>,
      %swap3A_346 = arith.constant 464 : index
      %swap3A_347 = tpu.vector_load %arg9[%swap3A_346] {strides = array<i32>} : memref<512xf32, #tpu.memory_space<vmem>>, vector<16xf32>,
      %swap3A_348 = vector.shape_cast %swap3A_347 : vector<16xf32> to vector<16xf32>
      %swap3A_349 = vector.shape_cast %scan3A_228#29 : vector<16xf32> to vector<16xf32>
      tpu.vector_store %arg9[%swap3A_346], %swap3A_349 {strides = array<i32>} : memref<512xf32, #tpu.memory_space<vmem>>, vector<16xf32>,
      %swap3A_350 = arith.constant 480 : index
      %swap3A_351 = tpu.vector_load %arg9[%swap3A_350] {strides = array<i32>} : memref<512xf32, #tpu.memory_space<vmem>>, vector<16xf32>,
      %swap3A_352 = vector.shape_cast %swap3A_351 : vector<16xf32> to vector<16xf32>
      %swap3A_353 = vector.shape_cast %scan3A_228#30 : vector<16xf32> to vector<16xf32>
      tpu.vector_store %arg9[%swap3A_350], %swap3A_353 {strides = array<i32>} : memref<512xf32, #tpu.memory_space<vmem>>, vector<16xf32>,
      %swap3A_354 = arith.constant 496 : index
      %swap3A_355 = tpu.vector_load %arg9[%swap3A_354] {strides = array<i32>} : memref<512xf32, #tpu.memory_space<vmem>>, vector<16xf32>,
      %swap3A_356 = vector.shape_cast %swap3A_355 : vector<16xf32> to vector<16xf32>
      %swap3A_357 = vector.shape_cast %scan3A_228#31 : vector<16xf32> to vector<16xf32>
      tpu.vector_store %arg9[%swap3A_354], %swap3A_357 {strides = array<i32>} : memref<512xf32, #tpu.memory_space<vmem>>, vector<16xf32>,
      %mul3A_358 = arith.constant 320 : i32
      %mul3A_359 = arith.muli %add3A, %mul3A_358 : i32
      %mul3A_360 = arith.constant 4 : i32
      %mul3A_361 = arith.muli %add3A_210, %mul3A_360 : i32
      %add3A_362 = arith.addi %mul3A_359, %mul3A_361 : i32
      %mul3A_363 = arith.constant 128 : i32
      %mul3A_364 = arith.muli %add3A_362, %mul3A_363 : i32
      %dma_start3A_365 = tpu.memref_slice %arg4[%mul3A_364] : memref<1310720xf32, #tpu.memory_space<hbm>> -> memref<512xf32, #tpu.memory_space<hbm>>
      %dma_start3A_366 = tpu.memref_slice %arg4[%mul3A_364] : memref<1310720xf32, #tpu.memory_space<hbm>> -> memref<512xf32, #tpu.memory_space<hbm>>
      tpu.enqueue_dma source(%arg9 : memref<512xf32, #tpu.memory_space<vmem>>) target(%dma_start3A_366 : memref<512xf32, #tpu.memory_space<hbm>>) target_semaphore(%arg14 : memref<!tpu.dma_semaphore, #tpu.memory_space<semaphore_mem>>)
      %add3A_367 = arith.constant 2 : i32
      %add3A_368 = arith.addi %add3A_210, %add3A_367 : i32
      %lt3A_369 = arith.constant 80 : i32
      %lt3A_370 = arith.cmpi slt, %add3A_368, %lt3A_369 : i32
      %convert_element_type3A_371 = arith.extui %lt3A_370 : i1 to i32
      %cond3A_372 = arith.constant 0 : i32
      %cond3A_373 = arith.cmpi ne, %convert_element_type3A_371, %cond3A_372 : i32
      scf.if %cond3A_373 {
        %add3A_375 = arith.constant 2 : i32
        %add3A_376 = arith.addi %add3A_210, %add3A_375 : i32
        %dma_start3A_377 = arith.constant 0 : i32
        %dma_start3A_378 = tpu.memref_slice %arg5[%add3A_376, %dma_start3A_377] : memref<80x128xi32, #tpu.memory_space<vmem>> -> memref<1x128xi32, #tpu.memory_space<vmem>>
        %dma_start3A_379 = tpu.memref_squeeze %dma_start3A_378 : memref<1x128xi32, #tpu.memory_space<vmem>> -> memref<128xi32, #tpu.memory_space<vmem>>
        %dma_start3A_380 = arith.constant 0 : i32
        %dma_start3A_381 = arith.constant 0 : i32
        %dma_start3A_382 = tpu.memref_slice %arg10[%dma_start3A_380, %dma_start3A_381] : memref<10000x128xf32, #tpu.memory_space<vmem_shared>> -> memref<10000x128xf32, #tpu.memory_space<vmem_shared>>
        tpu.enqueue_indirect_dma source(%dma_start3A_382 : memref<10000x128xf32, #tpu.memory_space<vmem_shared>>) target(%arg7 : memref<128x128xf32, #tpu.memory_space<vmem>>) offsets(%dma_start3A_379 : memref<128xi32, #tpu.memory_space<vmem>>) semaphore(%arg12 : memref<!tpu.dma_semaphore, #tpu.memory_space<semaphore_mem>>)
      } else {
      }
      %scan3A_374 = arith.constant 0 : i32
      scf.yield %scan3A_374 : i32
    }
    %scan3A_25 = arith.constant 40 : i32
    %mul3A_26 = arith.constant 320 : i32
    %mul3A_27 = arith.muli %add3A, %mul3A_26 : i32
    %add3A_28 = arith.constant 312 : i32
    %add3A_29 = arith.addi %mul3A_27, %add3A_28 : i32
    %mul3A_30 = arith.constant 128 : i32
    %mul3A_31 = arith.muli %add3A_29, %mul3A_30 : i32
    %dma_wait3A = tpu.memref_slice %arg4[%mul3A_31] : memref<1310720xf32, #tpu.memory_space<hbm>> -> memref<512xf32, #tpu.memory_space<hbm>>
    %dma_wait3A_32 = tpu.memref_slice %arg4[%mul3A_31] : memref<1310720xf32, #tpu.memory_space<hbm>> -> memref<512xf32, #tpu.memory_space<hbm>>
    tpu.wait_dma2 semaphore(%arg13 : memref<!tpu.dma_semaphore, #tpu.memory_space<semaphore_mem>>) src(%arg8 : memref<512xf32, #tpu.memory_space<vmem>>) dst(%dma_wait3A_32 : memref<512xf32, #tpu.memory_space<hbm>>)
    %mul3A_33 = arith.constant 320 : i32
    %mul3A_34 = arith.muli %add3A, %mul3A_33 : i32
    %add3A_35 = arith.constant 316 : i32
    %add3A_36 = arith.addi %mul3A_34, %add3A_35 : i32
    %mul3A_37 = arith.constant 128 : i32
    %mul3A_38 = arith.muli %add3A_36, %mul3A_37 : i32
    %dma_wait3A_39 = tpu.memref_slice %arg4[%mul3A_38] : memref<1310720xf32, #tpu.memory_space<hbm>> -> memref<512xf32, #tpu.memory_space<hbm>>
    %dma_wait3A_40 = tpu.memref_slice %arg4[%mul3A_38] : memref<1310720xf32, #tpu.memory_space<hbm>> -> memref<512xf32, #tpu.memory_space<hbm>>
    tpu.wait_dma2 semaphore(%arg14 : memref<!tpu.dma_semaphore, #tpu.memory_space<semaphore_mem>>) src(%arg9 : memref<512xf32, #tpu.memory_space<vmem>>) dst(%dma_wait3A_40 : memref<512xf32, #tpu.memory_space<hbm>>)
    return
  }
}

module attributes {stable_mosaic.version = 14 : i64} {
  func.func @body(%arg0: i32, %arg1: memref<1000x128xf32, #tpu.memory_space<vmem>>, %arg2: memref<1000x128xf32, #tpu.memory_space<vmem>>, %arg3: memref<128x128xf32, #tpu.memory_space<vmem>>, %arg4: memref<128x128xf32, #tpu.memory_space<vmem>>, %arg5: memref<1000x128xf32, #tpu.memory_space<vmem>>) attributes {dimension_semantics = [#tpu.dimension_semantics<arbitrary>], iteration_bounds = array<i64: 10>, scalar_prefetch = 0 : i64, scratch_operands = 0 : i64, tpu.core_type = #tpu.core_type<tc>, window_params = [{transform_indices = @transform_0, window_bounds = array<i64: 1000, 128>}, {transform_indices = @transform_1, window_bounds = array<i64: 1000, 128>}, {pipeline_mode = #tpu.pipeline_mode<synchronous>, transform_indices = @transform_2, window_bounds = array<i64: 128, 128>}, {pipeline_mode = #tpu.pipeline_mode<synchronous>, transform_indices = @transform_3, window_bounds = array<i64: 128, 128>}, {transform_indices = @transform_4, window_bounds = array<i64: 1000, 128>}]} {
    %get3A = arith.constant 0 : index
    %get3A_0 = arith.constant 0 : index
    %get3A_1 = vector.load %arg1[%get3A, %get3A_0] : memref<1000x128xf32, #tpu.memory_space<vmem>>, vector<1000x128xf32>
    %get3A_2 = arith.constant 0 : index
    %get3A_3 = arith.constant 0 : index
    %get3A_4 = vector.load %arg3[%get3A_2, %get3A_3] : memref<128x128xf32, #tpu.memory_space<vmem>>, vector<128x128xf32>
    %dot_general3A = arith.constant dense<0.000000e+00> : vector<1000x128xf32>
    %dot_general3A_5 = tpu.matmul %get3A_1, %get3A_4, %dot_general3A {dimension_numbers = #tpu.dot_dimension_numbers<[1], [0], [0], [1], [0, 0, 1, 1], [], []>, transpose_lhs_hint = false} : vector<1000x128xf32>, vector<128x128xf32>, vector<1000x128xf32> -> vector<1000x128xf32>
    %get3A_6 = arith.constant 0 : index
    %get3A_7 = arith.constant 0 : index
    %get3A_8 = vector.load %arg2[%get3A_6, %get3A_7] : memref<1000x128xf32, #tpu.memory_space<vmem>>, vector<1000x128xf32>
    %mul3A = arith.constant 3.125000e-02 : f32
    %mul3A_9 = vector.broadcast %mul3A : f32 to vector<1000x128xf32>
    %mul3A_10 = arith.mulf %get3A_8, %mul3A_9 : vector<1000x128xf32>
    %get3A_11 = arith.constant 0 : index
    %get3A_12 = arith.constant 0 : index
    %get3A_13 = vector.load %arg4[%get3A_11, %get3A_12] : memref<128x128xf32, #tpu.memory_space<vmem>>, vector<128x128xf32>
    %dot_general3A_14 = arith.constant dense<0.000000e+00> : vector<1000x128xf32>
    %dot_general3A_15 = tpu.matmul %mul3A_10, %get3A_13, %dot_general3A_14 {dimension_numbers = #tpu.dot_dimension_numbers<[1], [0], [0], [1], [0, 0, 1, 1], [], []>, transpose_lhs_hint = false} : vector<1000x128xf32>, vector<128x128xf32>, vector<1000x128xf32> -> vector<1000x128xf32>
    %add3A = arith.addf %dot_general3A_5, %dot_general3A_15 : vector<1000x128xf32>
    %max3A = arith.constant 0.000000e+00 : f32
    %max3A_16 = vector.broadcast %max3A : f32 to vector<1000x128xf32>
    %max3A_17 = arith.maximumf %add3A, %max3A_16 : vector<1000x128xf32>
    %swap3A = arith.constant 0 : index
    %swap3A_18 = arith.constant 0 : index
    %swap3A_19 = vector.load %arg5[%swap3A, %swap3A_18] : memref<1000x128xf32, #tpu.memory_space<vmem>>, vector<1000x128xf32>
    tpu.vector_store %arg5[%swap3A, %swap3A_18], %max3A_17 {strides = array<i32>} : memref<1000x128xf32, #tpu.memory_space<vmem>>, vector<1000x128xf32>,
    return
  }
  func.func @transform_0(%arg0: i32) -> (i32, i32) {
    %c0_i32 = arith.constant 0 : i32
    %c0_i32_0 = arith.constant 0 : i32
    return %arg0, %c0_i32 : i32, i32
  }
  func.func @transform_1(%arg0: i32) -> (i32, i32) {
    %c0_i32 = arith.constant 0 : i32
    %c0_i32_0 = arith.constant 0 : i32
    return %arg0, %c0_i32 : i32, i32
  }
  func.func @transform_2(%arg0: i32) -> (i32, i32) {
    %c0_i32 = arith.constant 0 : i32
    %c0_i32_0 = arith.constant 0 : i32
    %c0_i32_1 = arith.constant 0 : i32
    return %c0_i32, %c0_i32_0 : i32, i32
  }
  func.func @transform_3(%arg0: i32) -> (i32, i32) {
    %c0_i32 = arith.constant 0 : i32
    %c0_i32_0 = arith.constant 0 : i32
    %c0_i32_1 = arith.constant 0 : i32
    return %c0_i32, %c0_i32_0 : i32, i32
  }
  func.func @transform_4(%arg0: i32) -> (i32, i32) {
    %c0_i32 = arith.constant 0 : i32
    %c0_i32_0 = arith.constant 0 : i32
    return %arg0, %c0_i32 : i32, i32
  }
}

module attributes {stable_mosaic.version = 14 : i64} {
  func.func @body(%arg0: memref<1024x128xf32, #tpu.memory_space<vmem>>, %arg1: memref<1024x128xf32, #tpu.memory_space<vmem>>, %arg2: memref<128x128xf32, #tpu.memory_space<vmem>>, %arg3: memref<128x128xf32, #tpu.memory_space<vmem>>, %arg4: memref<128x64xf32, #tpu.memory_space<vmem>>, %arg5: memref<1024x64xf32, #tpu.memory_space<vmem>>) attributes {dimension_semantics = [], scalar_prefetch = 0 : i64, scratch_operands = 0 : i64, tpu.core_type = #tpu.core_type<tc>} {
    %get3A = arith.constant 0 : index
    %get3A_0 = arith.constant 0 : index
    %get3A_1 = vector.load %arg0[%get3A, %get3A_0] : memref<1024x128xf32, #tpu.memory_space<vmem>>, vector<1024x128xf32>
    %get3A_2 = arith.constant 0 : index
    %get3A_3 = arith.constant 0 : index
    %get3A_4 = vector.load %arg2[%get3A_2, %get3A_3] : memref<128x128xf32, #tpu.memory_space<vmem>>, vector<128x128xf32>
    %dot_general3A = arith.constant dense<0.000000e+00> : vector<1024x128xf32>
    %dot_general3A_5 = tpu.matmul %get3A_1, %get3A_4, %dot_general3A {dimension_numbers = #tpu.dot_dimension_numbers<[1], [0], [0], [1], [0, 0, 1, 1], [], []>, transpose_lhs_hint = false} : vector<1024x128xf32>, vector<128x128xf32>, vector<1024x128xf32> -> vector<1024x128xf32>
    %get3A_6 = arith.constant 0 : index
    %get3A_7 = arith.constant 0 : index
    %get3A_8 = vector.load %arg1[%get3A_6, %get3A_7] : memref<1024x128xf32, #tpu.memory_space<vmem>>, vector<1024x128xf32>
    %mul3A = arith.constant 3.125000e-02 : f32
    %mul3A_9 = vector.broadcast %mul3A : f32 to vector<1024x128xf32>
    %mul3A_10 = arith.mulf %get3A_8, %mul3A_9 : vector<1024x128xf32>
    %get3A_11 = arith.constant 0 : index
    %get3A_12 = arith.constant 0 : index
    %get3A_13 = vector.load %arg3[%get3A_11, %get3A_12] : memref<128x128xf32, #tpu.memory_space<vmem>>, vector<128x128xf32>
    %dot_general3A_14 = arith.constant dense<0.000000e+00> : vector<1024x128xf32>
    %dot_general3A_15 = tpu.matmul %mul3A_10, %get3A_13, %dot_general3A_14 {dimension_numbers = #tpu.dot_dimension_numbers<[1], [0], [0], [1], [0, 0, 1, 1], [], []>, transpose_lhs_hint = false} : vector<1024x128xf32>, vector<128x128xf32>, vector<1024x128xf32> -> vector<1024x128xf32>
    %add3A = arith.addf %dot_general3A_5, %dot_general3A_15 : vector<1024x128xf32>
    %max3A = arith.constant 0.000000e+00 : f32
    %max3A_16 = vector.broadcast %max3A : f32 to vector<1024x128xf32>
    %max3A_17 = arith.maximumf %add3A, %max3A_16 : vector<1024x128xf32>
    %get3A_18 = arith.constant 0 : index
    %get3A_19 = arith.constant 0 : index
    %get3A_20 = vector.load %arg4[%get3A_18, %get3A_19] : memref<128x64xf32, #tpu.memory_space<vmem>>, vector<128x64xf32>
    %dot_general3A_21 = arith.constant dense<0.000000e+00> : vector<1024x64xf32>
    %dot_general3A_22 = tpu.matmul %max3A_17, %get3A_20, %dot_general3A_21 {dimension_numbers = #tpu.dot_dimension_numbers<[1], [0], [0], [1], [0, 0, 1, 1], [], []>, transpose_lhs_hint = false} : vector<1024x128xf32>, vector<128x64xf32>, vector<1024x64xf32> -> vector<1024x64xf32>
    %swap3A = arith.constant 0 : index
    %swap3A_23 = arith.constant 0 : index
    %swap3A_24 = vector.load %arg5[%swap3A, %swap3A_23] : memref<1024x64xf32, #tpu.memory_space<vmem>>, vector<1024x64xf32>
    tpu.vector_store %arg5[%swap3A, %swap3A_23], %dot_general3A_22 {strides = array<i32>} : memref<1024x64xf32, #tpu.memory_space<vmem>>, vector<1024x64xf32>,
    return
  }
}

</mosaic_0001>

<sc_bundles>
// kernel: kernel.6.cloned.1.call-start
scs
__scs_entry_jumppad:
0x0: {  	(pc) =	sbr.rel $0x88, $3  }
0x1: {  	(tag) =	ssettag $0x0;
	lr =	simm.s32 $0x1  }
0x2: {  	[smem:$0x3F9B] =	sst lr;
	_ =	strace $0xD0000000  }
0x3: {  	_ = 	snop  }
0x4: {  	_ = 	snop  }
0x5: {  	_ = 	snop  }
0x6: {  	_ = 	snop  }
0x7: {  	_ = 	snop  }
__scs_overlays_trampoline_lowered:
0x8: {  	[smem:$0x3FAA] =	sst s0  }
0x9: {  	[smem:$0x3FAB] =	sst s1  }
0xa: {  	[smem:$0x3FAC] =	sst s2  }
0xb: {  	[smem:$0x3FAD] =	sst s3  }
0xc: {  	[smem:$0x3FAE] =	sst s4  }
0xd: {  	[smem:$0x3FAF] =	sst s5  }
0xe: {  	[smem:$0x3FB0] =	sst s6  }
0xf: {  	[smem:$0x3FB1] =	sst s7  }
0x10: {  	[smem:$0x3FB2] =	sst s8  }
0x11: {  	[smem:$0x3FB3] =	sst s9;
	s0 =	simm.s32 @!p0 $0x0  }
0x12: {  	s1 =	sld [smem:$0x3F99];
	s0 =	simm.s32 @p0 $0x1  }
0x13: {  	[smem:$0x3FB4] =	sst s0;
	s0 =	simm.s32 @!p1 $0x0  }
0x14: {  	s2 =	sld [smem:$0x3F98];
	s0 =	simm.s32 @p1 $0x1  }
0x15: {  	[smem:$0x3FB5] =	sst s0;
	s0 =	simm.s32 @!p2 $0x0  }
0x16: {  	s3 =	sld [smem:$0x3FDB];
	s0 =	simm.s32 @p2 $0x1  }
0x17: {  	s4 =	simm.s32 $0x1BF5;
	[smem:$0x3FB7] =	sst s0  }
0x18: {  	s0 =	sld [smem:$0x3F9A];
	_ =	swait.ge [sflag:s4], $0x0  }
0x19: {  	s7 =	sld [smem:$0x3F9B]  }
0x1a: {  	s8 =	sadd.s32 $0xFFFFE003, lr  }
0x1b: {  	s9 =	sadd.s32 $0xFFFFFEF7, lr;
	s5 =	simm.s32 $0xFFFFFFFF;
	p2 =	slt.u32 s8, $0xFFFFF086  }
0x1c: {  	p1 =	slt.u32 s9, $0xF7A;
	s5 =	simm.s32 @!p2 $0x0  }
0x1d: {  	s5 =	simm.s32 @p1 $0x1;
	p0 =	seq.s32 s7, s2  }
0x1e: {  	s7 =	smul.u32 @!p0 $0xF7A, s2;
	p2 =	seq.s32 @!p0 s5, $0x0  }
0x1f: {  	s9 =	smul.u32 $0xF7A, s1;
	s8 =	simm.s32 @!p0 $0x1BF5;
	p2 =	por !p2, p0  }
0x20: {  	[sflag:s8] =	ssyncset.s32 @!p0 $0xFFFFF086;
	s6 =	sadd.s32 @!p0 s3, s7;
	s7 =	simm.s32 @!p0 $0x108  }
0x21: {  	s3 =	sadd.s32 s3, s9;
	s6 =	sadd.s32 @!p0 $0x88, s6;
	s7 =	simm.s32 @p2 $0x1082  }
0x22: {  	[simem:s7], [sflag:s8] =	dma.local @!p0 [hbm:s6], $0xF7A  }
0x23: {  	s9 =	sor.u32 $0xD0000000, s2;
	s6 =	simm.s32 $0x108;
	_ =	swait.ge @!p0 [sflag:s8], $0x0  }
0x24: {  	s3 =	sadd.s32 $0x88, s3;
	s6 =	simm.s32 @!p1 $0x1082;
	[sflag:s4] =	ssyncset.s32 $0xFFFFF086  }
0x25: {  	[simem:s6], [sflag:s4] =	dma.local [hbm:s3], $0xF7A  }
0x26: {  	[smem:$0x3F9B] =	sst s1;
	(tag) =	ssettag s2;
	_ =	strace s9  }
0x27: {  	s1 =	sld [smem:$0x3FAB]  }
0x28: {  	s2 =	sld [smem:$0x3FAC]  }
0x29: {  	s4 =	sld [smem:$0x3FAE]  }
0x2a: {  	p0 =	seq.s32 s5, $0x0;
	s5 =	sld [smem:$0x3FAF]  }
0x2b: {  	s6 =	sld [smem:$0x3FB0]  }
0x2c: {  	s7 =	sld [smem:$0x3FB1]  }
0x2d: {  	s3 =	simm.s32 $0x108;
	s8 =	sld [smem:$0x3FB2]  }
0x2e: {  	s3 =	simm.s32 @!p0 $0x1082;
	s9 =	sld [smem:$0x3FB3]  }
0x2f: {  	lr =	sadd.s32 s0, s3;
	s0 =	sld [smem:$0x3FAA]  }
0x30: {  	s3 =	sld [smem:$0x3FAD]  }
0x31: {  	[smem:$0x3FB6] =	sst s10  }
0x32: {  	s10 =	sld [smem:$0x3FB4];
	_ =	sdelay $0x3  }
0x33: {  	p0 =	seq.s32 s10, $0x1;
	s10 =	sld [smem:$0x3FB6];
	_ =	sdelay $0x3  }
0x34: {  	[smem:$0x3FB6] =	sst s10  }
0x35: {  	s10 =	sld [smem:$0x3FB5];
	_ =	sdelay $0x3  }
0x36: {  	p1 =	seq.s32 s10, $0x1;
	s10 =	sld [smem:$0x3FB6];
	_ =	sdelay $0x3  }
0x37: {  	[smem:$0x3FB6] =	sst s10  }
0x38: {  	s10 =	sld [smem:$0x3FB7]  }
0x39: {  	_ = 	snop;
	(pc) =	sbr.ind lr, $3  }
0x3a: {  	_ = 	snop  }
0x3b: {  	_ = 	snop  }
0x3c: {  	p2 =	seq.s32 s10, $0x1;
	s10 =	sld [smem:$0x3FB6]  }
0x3d: {  	_ =	shalt  }
0x3e: {  	_ =	shalt  }
0x3f: {  	_ =	shalt  }
0x40: {  	_ =	shalt  }
0x41: {  	_ =	shalt  }
0x42: {  	_ =	shalt  }
0x43: {  	_ =	shalt  }
0x44: {  	_ =	shalt  }
0x45: {  	_ =	shalt  }
0x46: {  	_ =	shalt  }
0x47: {  	_ =	shalt  }
0x48: {  	_ =	shalt  }
0x49: {  	_ =	shalt  }
0x4a: {  	_ =	shalt  }
0x4b: {  	_ =	shalt  }
0x4c: {  	_ =	shalt  }
0x4d: {  	_ =	shalt  }
0x4e: {  	_ =	shalt  }
0x4f: {  	_ =	shalt  }
0x50: {  	_ =	shalt  }
0x51: {  	_ =	shalt  }
0x52: {  	_ =	shalt  }
0x53: {  	_ =	shalt  }
0x54: {  	_ =	shalt  }
0x55: {  	_ =	shalt  }
0x56: {  	_ =	shalt  }
0x57: {  	_ =	shalt  }
0x58: {  	_ =	shalt  }
0x59: {  	_ =	shalt  }
0x5a: {  	_ =	shalt  }
0x5b: {  	_ =	shalt  }
0x5c: {  	_ =	shalt  }
0x5d: {  	_ =	shalt  }
0x5e: {  	_ =	shalt  }
0x5f: {  	_ =	shalt  }
0x60: {  	_ =	shalt  }
0x61: {  	_ =	shalt  }
0x62: {  	_ =	shalt  }
0x63: {  	_ =	shalt  }
0x64: {  	_ =	shalt  }
0x65: {  	_ =	shalt  }
0x66: {  	_ =	shalt  }
0x67: {  	_ =	shalt  }
0x68: {  	_ =	shalt  }
0x69: {  	_ =	shalt  }
0x6a: {  	_ =	shalt  }
0x6b: {  	_ =	shalt  }
0x6c: {  	_ =	shalt  }
0x6d: {  	_ =	shalt  }
0x6e: {  	_ =	shalt  }
0x6f: {  	_ =	shalt  }
0x70: {  	_ =	shalt  }
0x71: {  	_ =	shalt  }
0x72: {  	_ =	shalt  }
0x73: {  	_ =	shalt  }
0x74: {  	_ =	shalt  }
0x75: {  	_ =	shalt  }
0x76: {  	_ =	shalt  }
0x77: {  	_ =	shalt  }
0x78: {  	_ =	shalt  }
0x79: {  	_ =	shalt  }
0x7a: {  	_ =	shalt  }
0x7b: {  	_ =	shalt  }
0x7c: {  	_ =	shalt  }
0x7d: {  	_ =	shalt  }
0x7e: {  	_ =	shalt  }
0x7f: {  	_ =	shalt  }
0x80: {  	_ =	shalt  }
0x81: {  	_ =	shalt  }
0x82: {  	_ =	shalt  }
0x83: {  	_ =	shalt  }
0x84: {  	_ =	shalt  }
0x85: {  	_ =	shalt  }
0x86: {  	_ =	shalt  }
0x87: {  	_ =	shalt  }
.Lfunc_end0:
.L_simem_size_0:
called_computation_lowered:
.L_overlay_start_0:
0x88: {  	s2 =	sld [smem:$0x3FD9]  }
0x89: {  	s3 =	sld [smem:$0x3FFE];
	_ =	sdelay $0x1  }
0x8a: {  	s1 =	srdreg.scid  }
0x8b: {  	s0 =	sand.u32 $0x1, s1  }
0x8c: {  	s17 =	sshll.u32 s0, $0xA;
	s2 =	sadd.s32 s3, s2  }
0x8d: {  	s2 =	sadd.s32 s2, s17  }
0x8e: {  	[smem:$0x3FC2] =	sst s2  }
0x8f: {  	_ = 	snop  }
0x90: {  	s2 =	sld [smem:$0x3FC7];
	(tm) =	ssettm $0x1  }
0x91: {  	s18 =	sld [smem:$0x3FFB];
	_ =	sdelay $0x3  }
0x92: {  	_ =	strace s18  }
0x93: {  	s3 =	sld [smem:$0x3FFC];
	_ =	sdelay $0x3  }
0x94: {  	_ =	strace s3  }
0x95: {  	s3 =	sld [smem:$0x3FFD];
	_ =	sdelay $0x3  }
0x96: {  	_ =	strace s3  }
0x97: {  	_ =	strace $0x8FFFFFFF  }
0x98: {  	s19 =	sld [smem:$0x3FDB];
	_ =	sdelay $0x1  }
0x99: {  	s4 =	simm.s32 $_scs_section_size  }
0x9a: {  	s5 =	simm.s32 $_size__tile_overlayer_lowered;
	s6 =	simm.s32 $_tile_overlayer_lowered  }
0x9b: {  	s22 =	simm.s32 $0x1BFF;
	s21 =	sshll.u32 s6, $0x1;
	s3 =	sadd.s32 s4, s19  }
0x9c: {  	s7 =	simm.s32 $0x0;
	s20 =	sshll.u32 s5, $0x1;
	s5 =	sadd.s32 s21, s3  }
0x9d: {  	[timem:s7], [sflag:s22] =	dma.local [hbm:s5], s20  }
0x9e: {  	_ =	swait.ge [sflag:s22], s20  }
0x9f: {  	s4 =	ssub.s32 $0x0, s20;
	[sflag:s22] =	ssyncset.done $0x0  }
0xa0: {  	[sflag:s22] =	ssyncadd.s32 s4;
	_ =	sdelay $0x1  }
0xa1: {  	s23 =	simm.s32 $0x1B8B  }
0xa2: {  	_ =	swait.ge [sflag:s23], $0x1  }
0xa3: {  	[sflag:s23] =	ssyncset.done $0x0  }
0xa4: {  	s25 =	simm.s32 $0x1B8E;
	s24 =	sld [smem:$0x3FFE];
	[sflag:s23] =	ssyncadd.s32 $0xFFFFFFFF  }
0xa5: {  	s26 =	simm.s32 $execute0_lowered;
	[smem:$0x3FD2] =	sst s25  }
0xa6: {  	s5 =	sshll.u32 s26, $0x1;
	_ =	strace $0x80000046;
	[dreg:$0x1] =	wrdreg $0xFFFFFFFF  }
0xa7: {  	s28 =	simm.s32 $_size_execute0_lowered;
	s3 =	sadd.s32 s3, s5;
	[dreg:$0x0] =	wrdreg $0x0  }
0xa8: {  	s5 =	sshll.u32 s28, $0x1;
	[dreg:$0x2] =	wrdreg s3  }
0xa9: {  	[dreg:$0x3] =	wrdreg s5  }
0xaa: {  	[dreg:$0x4] =	wrdreg $0xC0  }
0xab: {  	_ =	task [dreg:s7], $0x5FFFF  }
0xac: {  	[dreg:$0x1] =	wrdreg $0xFFFFFFFF  }
0xad: {  	[dreg:$0x0] =	wrdreg $0x60  }
0xae: {  	[dreg:$0x2] =	wrdreg s24  }
0xaf: {  	[dreg:$0x3] =	wrdreg s2  }
0xb0: {  	[dreg:$0x4] =	wrdreg $0xAC000  }
0xb1: {  	[dreg:$0x5] =	wrdreg $0x9  }
0xb2: {  	_ =	task.clear_ibuf [dreg:s7], $0x6FFFF;
	_ =	strace $0x90000046  }
0xb3: {  	s29 =	simm.s32 $0x9;
	_ =	strace $0x80000048  }
0xb4: {  	_ =	swait.ge [sflag:s29], $0x1  }
0xb5: {  	[sflag:s29] =	ssyncadd.s32 $0xFFFFFFFF  }
0xb6: {  	_ =	strace $0x90000048  }
0xb7: {  	_ =	sfence  }
0xb8: {  	s30 =	sld [smem:$0x0];
	_ =	sdelay $0x2  }
0xb9: {  	s31 =	sshll.u32 s1, $0xD;
	s1 =	sshrl.u32 s1, $0x2  }
0xba: {  	s3 =	sand.u32 $0x4000, s31;
	s1 =	sadd.s32 s1, s30  }
0xbb: {  	s0 =	sor.u32 s3, s0;
	s1 =	sshll.u32 s1, $0x11  }
0xbc: {  	s0 =	sor.u32 s1, s0  }
0xbd: {  	s0 =	sadd.s32 $0x8F2B, s0  }
0xbe: {  	[sflag:s0] =	ssyncadd.remote.s32 $0x1  }
0xbf: {  	_ =	sfence.sel $0xFFFF  }
0xc0: {  	[dreg:$0x0] =	wrdreg $0xFFFFFFFF;
	(pc) =	sbr.abs _section_cstart, $3  }
0xc1: {  	[dreg:$0x1] =	wrdreg $0xFFFFFFFF  }
0xc2: {  	_ =	task.clear_ibuf [dreg:s7], $0x2FFFF;
	_ =	strace $0x9FFFFFFF  }
0xc3: {  	(tm) =	ssettm $0x7FFFFFFF  }
tec
execute0_lowered:
.L_overlay_start_1:
0x0: {  	(tag) =	ssettag $0x1  }
0x1: {  	s4 =	rddreg [dreg:$0x0]  }
0x2: {  	s6 =	rddreg [dreg:$0x1];
	s1 =	srdreg.scid  }
0x3: {  	s0 =	stileid.u32;
	s2 =	rddreg [dreg:$0x2];
	s3 =	simm.s32 $0x0  }
0x4: {  	s15 =	simm.s32 $0x80;
	s16 =	simm.s32 $0x2800;
	s17 =	simm.s32 $0x6800  }
0x5: {  	s18 =	simm.s32 $0x1;
	s19 =	simm.s32 $0xA800;
	s20 =	simm.s32 $0x2  }
0x6: {  	s21 =	simm.s32 $0x4;
	s22 =	simm.s32 $0xAA00;
	s23 =	simm.s32 $0x3  }
0x7: {  	s24 =	simm.s32 $0x0;
	s5 =	sand.u32 $0x1, s1;
	s1 =	rddreg [dreg:$0x3]  }
0x8: {  	s7 =	sshll.u32 s0, $0x1;
	[smem:$0x7FF] =	sst s3;
	s9 =	smul.u32 $0x4F000, s0  }
0x9: {  	s10 =	smul.u32 $0x2780, s0;
	s12 =	sadd.s32 $0x128400, s2;
	s8 =	sor.u32 s5, s7  }
0xa: {  	p0 =	seq.s32 s0, $0xF;
	_ =	strace $0x80000047;
	s7 =	smul.u32 $0x500, s8  }
0xb: {  	s5 =	ssub.s32 $0x2, s5;
	s14 =	sshll.u32 @!p0 s0, $0x6;
	s31 =	smul.u32 $0x1400, s8  }
0xc: {  	s11 =	sshrl.u32 s5, $0x1;
	s9 =	sshrl.u32 s9, $0x2;
	s8 =	smul.u32 $0xA000, s8  }
.Ltmp0:
0xd: {  	s11 =	ssub.s32 s5, s11;
	s13 =	sadd.s32 s9, s2;
	(pc) =	sbr.rel .LBB2_1-.Ltmp0, $4  }
0xe: {  	s5 =	sadd.s32 s6, s10;
	s6 =	sadd.s32 $0x25080, s6;
	s7 =	sadd.s32 s7, s4  }
0xf: {  	s4 =	sadd.s32 $0xC600, s4;
	s9 =	smax.u32 s11, $0x1;
	s11 =	sshrl.u32 @p0 s12, $0x3  }
0x10: {  	s12 =	sor.u32 @!p0 $0x1C05, s14;
	s13 =	sshrl.u32 @!p0 s13, $0x3;
	s10 =	sadd.s32 s31, s4  }
0x11: {  	s14 =	simm.s32 $0x5;
	s7 =	sadd.s32 $0x2600, s7;
	s10 =	sadd.s32 $0x40, s10  }
.LBB2_12:
0x12: {  	s24 =	sadd.s32 $0x1, s24  }
0x13: {  	_ =	swait.ge [sflag:s23], $0x200;
	p1 =	sne.s32 s24, s9  }
.Ltmp1:
0x14: {  	[sflag:s23] =	ssyncset.done $0x0;
	(pc) =	sbr.rel @!p1 .LBB2_13-.Ltmp1, $4  }
0x15: {  	[sflag:s23] =	ssyncadd.s32 $0xFFFFFE00  }
0x16: {  	_ =	swait.ge [sflag:s21], $0x200  }
0x17: {  	[sflag:s21] =	ssyncset.done $0x0  }
0x18: {  	[sflag:s21] =	ssyncadd.s32 $0xFFFFFE00  }
.LBB2_1:
0x19: {  	s25 =	simm.s32 @p0 $0x1FC5  }
0x1a: {  	[spmem:s11], [sflag:s25] =	dma.local @p0 [hbm:s6], $0x2080  }
0x1b: {  	s25 =	simm.s32 @p0 $0x5  }
0x1c: {  	_ =	swait.ge @p0 [sflag:s25], $0x2080  }
0x1d: {  	[sflag:s25] =	ssyncset.done @p0 $0x0  }
0x1e: {  	[sflag:s25] =	ssyncadd.s32 @p0 $0xFFFFDF80;
	s25 =	simm.s32 @!p0 $0x5  }
0x1f: {  	[spmem:s13], [sflag:s12] =	dma.local @!p0 [hbm:s5], $0x2780  }
0x20: {  	_ =	swait.ge @!p0 [sflag:s25], $0x2780  }
0x21: {  	[sflag:s25] =	ssyncset.done @!p0 $0x0  }
0x22: {  	[sflag:s25] =	ssyncadd.s32 @!p0 $0xFFFFD880  }
0x23: {  	[tilespmem:s3], [sflag:$0x5] =	stream.linear.gather [hbm4b:s7+s3], $0x2800, $0x38;
	[tilespmem:$0x1E480] =	vst v63  }
0x24: {  	_ =	swait.ge [sflag:s14], $0x2800  }
0x25: {  	[sflag:s14] =	ssyncset.done $0x0  }
0x26: {  	[sflag:s14] =	ssyncadd.s32 $0xFFFFD800  }
0x27: {  	[bflag:$0x0] =	sbarrier.arrive $0xFFFF  }
0x28: {  	[tilespmem:s16], [sflag:$0x1] =	stream.indirect.gather [spmem:s2], $0x80, s3, s15, $0xb8;
	[tilespmem:$0x1E480] =	vst v63  }
0x29: {  	s25 =	simm.s32 $0x0  }
0x2a: {  	[tilespmem:s17], [sflag:$0x2] =	stream.indirect.gather [spmem:s2], $0x80, s15, s15, $0xb8;
	[tilespmem:$0x1E480] =	vst v63  }
.LBB2_2:
0x2b: {  	_ =	swait.ge [sflag:s18], $0x4000  }
0x2c: {  	p1 =	seq.s32 s25, $0x0;
	[sflag:s18] =	ssyncset.done $0x0  }
0x2d: {  	s26 =	simm.s32 @!p1 $0x3;
	[sflag:s18] =	ssyncadd.s32 $0xFFFFC000  }
0x2e: {  	_ =	swait.ge @!p1 [sflag:s26], $0x200  }
0x2f: {  	[sflag:s26] =	ssyncset.done @!p1 $0x0  }
0x30: {  	s30 =	simm.s32 $0xFFFFF000;
	[sflag:s26] =	ssyncadd.s32 @!p1 $0xFFFFFE00  }
0x31: {  	v0 =	vld [tilespmem:s30+$0x6870]  }
0x32: {  	v2 =	vld [tilespmem:s30+$0x3800]  }
0x33: {  	v3 =	vld [tilespmem:s30+$0x3810]  }
0x34: {  	v4 =	vld [tilespmem:s30+$0x3820]  }
0x35: {  	v5 =	vld [tilespmem:s30+$0x3830]  }
0x36: {  	v6 =	vld [tilespmem:s30+$0x3840]  }
0x37: {  	v7 =	vld [tilespmem:s30+$0x3850]  }
0x38: {  	v8 =	vld [tilespmem:s30+$0x3860]  }
0x39: {  	v9 =	vld [tilespmem:s30+$0x3870]  }
0x3a: {  	v10 =	vld [tilespmem:s30+$0x4800]  }
0x3b: {  	v11 =	vld [tilespmem:s30+$0x4810]  }
0x3c: {  	v12 =	vld [tilespmem:s30+$0x4820]  }
0x3d: {  	v13 =	vld [tilespmem:s30+$0x4830]  }
0x3e: {  	v14 =	vld [tilespmem:s30+$0x4840]  }
0x3f: {  	v15 =	vld [tilespmem:s30+$0x4850]  }
0x40: {  	v16 =	vld [tilespmem:s30+$0x4860]  }
0x41: {  	v32 =	vld [tilespmem:s30+$0x4870]  }
0x42: {  	v1 =	vimm.f32 $0.0e+00;
	v33 =	vld [tilespmem:s30+$0x5800]  }
0x43: {  	v34 =	vld [tilespmem:s30+$0x5810];
	v0 =	vadd.f32 v0, v1  }
0x44: {  	v36 =	vld [tilespmem:s30+$0x6810];
	v31 =	vadd.f32 v2, v1;
	v29 =	vadd.f32 v3, v1  }
0x45: {  	v2 =	vld [tilespmem:s30+$0x5820];
	v30 =	vadd.f32 v4, v1;
	v27 =	vadd.f32 v5, v1  }
0x46: {  	v3 =	vld [tilespmem:s30+$0x5830];
	v28 =	vadd.f32 v6, v1;
	v25 =	vadd.f32 v7, v1  }
0x47: {  	v4 =	vld [tilespmem:s30+$0x5840];
	v26 =	vadd.f32 v8, v1;
	v23 =	vadd.f32 v9, v1  }
0x48: {  	v5 =	vld [tilespmem:s30+$0x5850];
	v24 =	vadd.f32 v10, v1;
	v21 =	vadd.f32 v11, v1  }
0x49: {  	v6 =	vld [tilespmem:s30+$0x5860];
	v22 =	vadd.f32 v12, v1;
	v19 =	vadd.f32 v13, v1  }
0x4a: {  	v7 =	vld [tilespmem:s30+$0x5870];
	v20 =	vadd.f32 v14, v1;
	v17 =	vadd.f32 v15, v1  }
0x4b: {  	v10 =	vld [tilespmem:s30+$0x6800];
	v18 =	vadd.f32 v16, v1;
	v15 =	vadd.f32 v32, v1  }
0x4c: {  	v16 =	vadd.f32 v33, v1;
	v14 =	vadd.f32 v34, v1  }
0x4d: {  	v33 =	vld [tilespmem:s30+$0x6820];
	v13 =	vadd.f32 v2, v1;
	v11 =	vadd.f32 v3, v1  }
0x4e: {  	v34 =	vld [tilespmem:s30+$0x6830];
	v12 =	vadd.f32 v4, v1;
	v8 =	vadd.f32 v5, v1  }
0x4f: {  	v35 =	vld [tilespmem:s30+$0x6840];
	v9 =	vadd.f32 v6, v1;
	v7 =	vadd.f32 v7, v1  }
0x50: {  	v32 =	vld [tilespmem:s30+$0x6850];
	v4 =	vadd.f32 v10, v1;
	v3 =	vadd.f32 v36, v1;
	v5 =	vimm.f32 $0.0e+00  }
0x51: {  	s28 =	simm.s32 $0xFFFFF080;
	s29 =	simm.s32 $0xFFFFC400;
	s26 =	sshll.u32 s25, $0xA;
	v36 =	vld [tilespmem:s30+$0x6860];
	v10 =	vimm.f32 $0.0e+00;
	v6 =	vimm.f32 $0.0e+00;
	v2 =	vimm.f32 $0.0e+00  }
.LBB2_3:
0x52: {  	p2 =	sne.s32 s29, $0xFFFFFE00;
	v37 =	vld [tilespmem:s28+$0x6870];
	v1 =	vadd.f32 v33, v1  }
0x53: {  	v33 =	vld [tilespmem:s28+$0x3800];
	v5 =	vadd.f32 v34, v5  }
0x54: {  	v34 =	vld [tilespmem:s28+$0x3810];
	v10 =	vadd.f32 v35, v10  }
0x55: {  	v35 =	vld [tilespmem:s28+$0x3820];
	v6 =	vadd.f32 v32, v6  }
0x56: {  	v32 =	vld [tilespmem:s28+$0x3830];
	v2 =	vadd.f32 v36, v2  }
0x57: {  	v36 =	vld [tilespmem:s28+$0x3840];
	v0 =	vadd.f32 v37, v0  }
0x58: {  	v31 =	vadd.f32 v33, v31;
	v33 =	vld [tilespmem:s28+$0x3850]  }
0x59: {  	v29 =	vadd.f32 v34, v29;
	v34 =	vld [tilespmem:s28+$0x3860]  }
0x5a: {  	v30 =	vadd.f32 v35, v30;
	v35 =	vld [tilespmem:s28+$0x3870]  }
0x5b: {  	v27 =	vadd.f32 v32, v27;
	v32 =	vld [tilespmem:s28+$0x4800]  }
0x5c: {  	v28 =	vadd.f32 v36, v28;
	v36 =	vld [tilespmem:s28+$0x4810]  }
0x5d: {  	v25 =	vadd.f32 v33, v25;
	v33 =	vld [tilespmem:s28+$0x4820]  }
0x5e: {  	v26 =	vadd.f32 v34, v26;
	v34 =	vld [tilespmem:s28+$0x4830]  }
0x5f: {  	v23 =	vadd.f32 v35, v23;
	v35 =	vld [tilespmem:s28+$0x4840]  }
0x60: {  	v24 =	vadd.f32 v32, v24;
	v32 =	vld [tilespmem:s28+$0x4850]  }
0x61: {  	v21 =	vadd.f32 v36, v21;
	v36 =	vld [tilespmem:s28+$0x4860]  }
0x62: {  	v22 =	vadd.f32 v33, v22;
	v33 =	vld [tilespmem:s28+$0x4870]  }
0x63: {  	v19 =	vadd.f32 v34, v19;
	v34 =	vld [tilespmem:s28+$0x5800]  }
0x64: {  	v20 =	vadd.f32 v35, v20;
	v35 =	vld [tilespmem:s28+$0x5810]  }
0x65: {  	v17 =	vadd.f32 v32, v17;
	v32 =	vld [tilespmem:s28+$0x5820]  }
0x66: {  	v18 =	vadd.f32 v36, v18;
	v36 =	vld [tilespmem:s28+$0x5830]  }
0x67: {  	v15 =	vadd.f32 v33, v15;
	v33 =	vld [tilespmem:s28+$0x5840]  }
0x68: {  	v16 =	vadd.f32 v34, v16;
	v34 =	vld [tilespmem:s28+$0x5850]  }
0x69: {  	v14 =	vadd.f32 v35, v14;
	v35 =	vld [tilespmem:s28+$0x5860]  }
0x6a: {  	v13 =	vadd.f32 v32, v13;
	v32 =	vld [tilespmem:s28+$0x5870]  }
0x6b: {  	v11 =	vadd.f32 v36, v11;
	v36 =	vld [tilespmem:s28+$0x6800]  }
0x6c: {  	v12 =	vadd.f32 v33, v12;
	v37 =	vld [tilespmem:s28+$0x6810]  }
.Ltmp2:
0x6d: {  	v8 =	vadd.f32 v34, v8;
	v33 =	vld [tilespmem:s28+$0x6820];
	(pc) =	sbr.rel @p2 .LBB2_3-.Ltmp2, $4  }
0x6e: {  	v9 =	vadd.f32 v35, v9;
	v34 =	vld [tilespmem:s28+$0x6830]  }
0x6f: {  	v7 =	vadd.f32 v32, v7;
	v35 =	vld [tilespmem:s28+$0x6840]  }
0x70: {  	v4 =	vadd.f32 v36, v4;
	v32 =	vld [tilespmem:s28+$0x6850]  }
0x71: {  	v3 =	vadd.f32 v37, v3;
	v36 =	vld [tilespmem:s28+$0x6860];
	s28 =	sshra.s32 s29, $0x2;
	s29 =	sadd.s32 $0x200, s29  }
0x72: {  	v37 =	vld [tilespmem:s28+$0x6870]  }
0x73: {  	v38 =	vld [tilespmem:s28+$0x3800]  }
0x74: {  	v39 =	vld [tilespmem:s28+$0x3810]  }
0x75: {  	v40 =	vld [tilespmem:s28+$0x3820]  }
0x76: {  	v41 =	vld [tilespmem:s28+$0x3830]  }
0x77: {  	v42 =	vld [tilespmem:s28+$0x3840]  }
0x78: {  	v43 =	vld [tilespmem:s28+$0x3850]  }
0x79: {  	v44 =	vld [tilespmem:s28+$0x3860]  }
0x7a: {  	v45 =	vld [tilespmem:s28+$0x3870]  }
0x7b: {  	v46 =	vld [tilespmem:s28+$0x4800]  }
0x7c: {  	v47 =	vld [tilespmem:s28+$0x4810]  }
0x7d: {  	v48 =	vld [tilespmem:s28+$0x4820]  }
0x7e: {  	v49 =	vld [tilespmem:s28+$0x4830]  }
0x7f: {  	v50 =	vld [tilespmem:s28+$0x4840]  }
0x80: {  	v51 =	vld [tilespmem:s28+$0x4850]  }
0x81: {  	v52 =	vld [tilespmem:s28+$0x4860]  }
0x82: {  	v53 =	vld [tilespmem:s28+$0x4870]  }
0x83: {  	v54 =	vld [tilespmem:s28+$0x5800]  }
0x84: {  	v55 =	vld [tilespmem:s28+$0x5810]  }
0x85: {  	v56 =	vld [tilespmem:s28+$0x5820]  }
0x86: {  	[tilespmem:$0x1FFF0] =	vst v37;
	v37 =	vld [tilespmem:s28+$0x6820]  }
0x87: {  	v57 =	vld [tilespmem:s28+$0x5830]  }
0x88: {  	v58 =	vld [tilespmem:s28+$0x5840]  }
0x89: {  	v59 =	vld [tilespmem:s28+$0x5850]  }
0x8a: {  	v60 =	vld [tilespmem:s28+$0x5860]  }
0x8b: {  	[tilespmem:$0x1FFC0] =	vst v37;
	v37 =	vld [tilespmem:s28+$0x6830]  }
0x8c: {  	v61 =	vld [tilespmem:s28+$0x5870]  }
0x8d: {  	v62 =	vld [tilespmem:s28+$0x6800]  }
0x8e: {  	v63 =	vld [tilespmem:s28+$0x6810]  }
0x8f: {  	v31 =	vadd.f32 v38, v31;
	v38 =	vld [tilespmem:s28+$0x6850]  }
0x90: {  	v29 =	vadd.f32 v39, v29;
	v39 =	vld [tilespmem:s28+$0x6860];
	[tilespmem:$0x1FFD0] =	vst v37  }
0x91: {  	v30 =	vadd.f32 v40, v30;
	v37 =	vld [tilespmem:s28+$0x6840];
	[tilespmem:$0xA800] =	vst v31  }
0x92: {  	v27 =	vadd.f32 v41, v27;
	[tilespmem:$0xA810] =	vst v29  }
0x93: {  	v28 =	vadd.f32 v42, v28;
	[tilespmem:$0xA820] =	vst v30  }
0x94: {  	v25 =	vadd.f32 v43, v25;
	[tilespmem:$0xA830] =	vst v27  }
0x95: {  	v26 =	vadd.f32 v44, v26;
	[tilespmem:$0xA840] =	vst v28  }
0x96: {  	v23 =	vadd.f32 v45, v23;
	[tilespmem:$0xA850] =	vst v25  }
0x97: {  	v24 =	vadd.f32 v46, v24;
	[tilespmem:$0xA860] =	vst v26  }
0x98: {  	v21 =	vadd.f32 v47, v21;
	[tilespmem:$0xA870] =	vst v23  }
0x99: {  	v22 =	vadd.f32 v48, v22;
	[tilespmem:$0xA880] =	vst v24  }
0x9a: {  	v19 =	vadd.f32 v49, v19;
	[tilespmem:$0xA890] =	vst v21  }
0x9b: {  	v20 =	vadd.f32 v50, v20;
	[tilespmem:$0xA8A0] =	vst v22  }
0x9c: {  	v17 =	vadd.f32 v51, v17;
	[tilespmem:$0xA8B0] =	vst v19  }
0x9d: {  	v18 =	vadd.f32 v52, v18;
	[tilespmem:$0xA8C0] =	vst v20  }
0x9e: {  	v15 =	vadd.f32 v53, v15;
	[tilespmem:$0xA8D0] =	vst v17  }
0x9f: {  	v16 =	vadd.f32 v54, v16;
	[tilespmem:$0xA8E0] =	vst v18  }
0xa0: {  	v14 =	vadd.f32 v55, v14;
	[tilespmem:$0xA8F0] =	vst v15  }
0xa1: {  	v13 =	vadd.f32 v56, v13;
	[tilespmem:$0xA900] =	vst v16  }
0xa2: {  	v11 =	vadd.f32 v57, v11;
	[tilespmem:$0xA910] =	vst v14  }
0xa3: {  	v12 =	vadd.f32 v58, v12;
	[tilespmem:$0xA920] =	vst v13  }
0xa4: {  	v8 =	vadd.f32 v59, v8;
	[tilespmem:$0xA930] =	vst v11  }
0xa5: {  	v9 =	vadd.f32 v60, v9;
	[tilespmem:$0xA940] =	vst v12  }
0xa6: {  	v7 =	vadd.f32 v61, v7;
	[tilespmem:$0xA950] =	vst v8  }
0xa7: {  	v3 =	vadd.f32 v63, v3;
	v63 =	vld [tilespmem:$0x1FFF0];
	[tilespmem:$0xA960] =	vst v9  }
0xa8: {  	v4 =	vadd.f32 v62, v4;
	v59 =	vadd.f32 v32, v6;
	v58 =	vld [tilespmem:$0x1FFC0];
	[tilespmem:$0xA970] =	vst v7  }
0xa9: {  	v2 =	vadd.f32 v36, v2;
	v60 =	vld [tilespmem:$0x1FFD0];
	[tilespmem:$0x1FFE0] =	vst v37  }
0xaa: {  	v62 =	vadd.f32 v38, v59;
	[tilespmem:$0xA980] =	vst v4;
	v61 =	vld [tilespmem:$0x1FFE0]  }
0xab: {  	v1 =	vadd.f32 v33, v1;
	v2 =	vadd.f32 v39, v2;
	[tilespmem:$0xA990] =	vst v3  }
0xac: {  	v5 =	vadd.f32 v34, v5;
	v0 =	vadd.f32 v63, v0;
	[tilespmem:$0xA9D0] =	vst v62  }
0xad: {  	p2 =	sne.s32 s25, $0x27;
	v57 =	vadd.f32 v35, v10;
	[tilespmem:$0xA9E0] =	vst v2;
	v1 =	vadd.f32 v58, v1  }
.Ltmp3:
0xae: {  	[tilespmem:$0xA9F0] =	vst v0;
	v5 =	vadd.f32 v60, v5;
	(pc) =	sbr.rel @p2 .LBB2_6-.Ltmp3, $4  }
0xaf: {  	s31 =	sadd.s32 s8, s26;
	[tilespmem:$0xA9A0] =	vst v1;
	v3 =	vadd.f32 v61, v57  }
0xb0: {  	s28 =	sshrl.u32 s31, $0x3;
	[tilespmem:$0xA9B0] =	vst v5  }
0xb1: {  	s28 =	sadd.s32 s4, s28;
	[tilespmem:$0xA9C0] =	vst v3  }
0xb2: {  	[hbm4b:s28+s3] =	stream.linear.scatter [tilespmem:s19], [sflag:$0x3], $0x200, $0x38;
	[tilespmem:$0x1E480] =	vst v63  }
.Ltmp4:
0xb3: {  	(pc) =	sbr.rel .LBB2_7-.Ltmp4, $4  }
0xb4: {  	_ = 	snop  }
0xb5: {  	_ =	swait.ge [sflag:s20], $0x4000  }
0xb6: {  	[sflag:s20] =	ssyncset.done $0x0  }
0xb7: {  	[sflag:s20] =	ssyncadd.s32 $0xFFFFC000  }
.LBB2_6:
0xb8: {  	s28 =	sshrl.u32 s26, $0x2  }
.Ltmp5:
0xb9: {  	s28 =	sadd.s32 $0x100, s28;
	(pc) =	sbr.rel @p1 .LBB2_8-.Ltmp5, $4  }
0xba: {  	[tilespmem:s16], [sflag:$0x1] =	stream.indirect.gather [spmem:s2], $0x80, s28, s15, $0xb8;
	[tilespmem:$0x1E480] =	vst v63  }
0xbb: {  	_ =	swait.ge [sflag:s20], $0x4000  }
0xbc: {  	[sflag:s20] =	ssyncset.done $0x0  }
0xbd: {  	[sflag:s20] =	ssyncadd.s32 $0xFFFFC000  }
.LBB2_7:
0xbe: {  	_ =	swait.ge [sflag:s21], $0x200  }
0xbf: {  	[sflag:s21] =	ssyncset.done $0x0  }
0xc0: {  	[sflag:s21] =	ssyncadd.s32 $0xFFFFFE00  }
.LBB2_8:
0xc1: {  	s30 =	simm.s32 $0xFFFFF000  }
0xc2: {  	v0 =	vld [tilespmem:s30+$0xA870]  }
0xc3: {  	v2 =	vld [tilespmem:s30+$0x7800]  }
0xc4: {  	v3 =	vld [tilespmem:s30+$0x7810]  }
0xc5: {  	v4 =	vld [tilespmem:s30+$0x7820]  }
0xc6: {  	v5 =	vld [tilespmem:s30+$0x7830]  }
0xc7: {  	v6 =	vld [tilespmem:s30+$0x7840]  }
0xc8: {  	v7 =	vld [tilespmem:s30+$0x7850]  }
0xc9: {  	v8 =	vld [tilespmem:s30+$0x7860]  }
0xca: {  	v9 =	vld [tilespmem:s30+$0x7870]  }
0xcb: {  	v10 =	vld [tilespmem:s30+$0x8800]  }
0xcc: {  	v11 =	vld [tilespmem:s30+$0x8810]  }
0xcd: {  	v12 =	vld [tilespmem:s30+$0x8820]  }
0xce: {  	v13 =	vld [tilespmem:s30+$0x8830]  }
0xcf: {  	v14 =	vld [tilespmem:s30+$0x8840]  }
0xd0: {  	v15 =	vld [tilespmem:s30+$0x8850]  }
0xd1: {  	v16 =	vld [tilespmem:s30+$0x8860]  }
0xd2: {  	v32 =	vld [tilespmem:s30+$0x8870]  }
0xd3: {  	v1 =	vimm.f32 $0.0e+00;
	v33 =	vld [tilespmem:s30+$0x9800]  }
0xd4: {  	v34 =	vld [tilespmem:s30+$0x9810];
	v0 =	vadd.f32 v0, v1  }
0xd5: {  	v36 =	vld [tilespmem:s30+$0xA810];
	v31 =	vadd.f32 v2, v1;
	v29 =	vadd.f32 v3, v1  }
0xd6: {  	v2 =	vld [tilespmem:s30+$0x9820];
	v30 =	vadd.f32 v4, v1;
	v27 =	vadd.f32 v5, v1  }
0xd7: {  	v3 =	vld [tilespmem:s30+$0x9830];
	v28 =	vadd.f32 v6, v1;
	v25 =	vadd.f32 v7, v1  }
0xd8: {  	v4 =	vld [tilespmem:s30+$0x9840];
	v26 =	vadd.f32 v8, v1;
	v23 =	vadd.f32 v9, v1  }
0xd9: {  	v5 =	vld [tilespmem:s30+$0x9850];
	v24 =	vadd.f32 v10, v1;
	v21 =	vadd.f32 v11, v1  }
0xda: {  	v6 =	vld [tilespmem:s30+$0x9860];
	v22 =	vadd.f32 v12, v1;
	v19 =	vadd.f32 v13, v1  }
0xdb: {  	v7 =	vld [tilespmem:s30+$0x9870];
	v20 =	vadd.f32 v14, v1;
	v17 =	vadd.f32 v15, v1  }
0xdc: {  	v8 =	vld [tilespmem:s30+$0xA800];
	v18 =	vadd.f32 v16, v1;
	v15 =	vadd.f32 v32, v1  }
0xdd: {  	v16 =	vadd.f32 v33, v1;
	v14 =	vadd.f32 v34, v1  }
0xde: {  	v33 =	vld [tilespmem:s30+$0xA820];
	v13 =	vadd.f32 v2, v1;
	v11 =	vadd.f32 v3, v1  }
0xdf: {  	v34 =	vld [tilespmem:s30+$0xA830];
	v12 =	vadd.f32 v4, v1;
	v9 =	vadd.f32 v5, v1  }
0xe0: {  	v35 =	vld [tilespmem:s30+$0xA840];
	v10 =	vadd.f32 v6, v1;
	v7 =	vadd.f32 v7, v1  }
0xe1: {  	v32 =	vld [tilespmem:s30+$0xA850];
	v5 =	vadd.f32 v8, v1;
	v3 =	vadd.f32 v36, v1;
	v6 =	vimm.f32 $0.0e+00  }
0xe2: {  	s28 =	simm.s32 $0xFFFFF080;
	s29 =	simm.s32 $0xFFFFC400;
	v36 =	vld [tilespmem:s30+$0xA860];
	v8 =	vimm.f32 $0.0e+00;
	v4 =	vimm.f32 $0.0e+00;
	v2 =	vimm.f32 $0.0e+00  }
.LBB2_9:
0xe3: {  	p1 =	sne.s32 s29, $0xFFFFFE00;
	v37 =	vld [tilespmem:s28+$0xA870];
	v1 =	vadd.f32 v33, v1  }
0xe4: {  	v33 =	vld [tilespmem:s28+$0x7800];
	v6 =	vadd.f32 v34, v6  }
0xe5: {  	v34 =	vld [tilespmem:s28+$0x7810];
	v8 =	vadd.f32 v35, v8  }
0xe6: {  	v35 =	vld [tilespmem:s28+$0x7820];
	v4 =	vadd.f32 v32, v4  }
0xe7: {  	v32 =	vld [tilespmem:s28+$0x7830];
	v2 =	vadd.f32 v36, v2  }
0xe8: {  	v36 =	vld [tilespmem:s28+$0x7840];
	v0 =	vadd.f32 v37, v0  }
0xe9: {  	v31 =	vadd.f32 v33, v31;
	v33 =	vld [tilespmem:s28+$0x7850]  }
0xea: {  	v29 =	vadd.f32 v34, v29;
	v34 =	vld [tilespmem:s28+$0x7860]  }
0xeb: {  	v30 =	vadd.f32 v35, v30;
	v35 =	vld [tilespmem:s28+$0x7870]  }
0xec: {  	v27 =	vadd.f32 v32, v27;
	v32 =	vld [tilespmem:s28+$0x8800]  }
0xed: {  	v28 =	vadd.f32 v36, v28;
	v36 =	vld [tilespmem:s28+$0x8810]  }
0xee: {  	v25 =	vadd.f32 v33, v25;
	v33 =	vld [tilespmem:s28+$0x8820]  }
0xef: {  	v26 =	vadd.f32 v34, v26;
	v34 =	vld [tilespmem:s28+$0x8830]  }
0xf0: {  	v23 =	vadd.f32 v35, v23;
	v35 =	vld [tilespmem:s28+$0x8840]  }
0xf1: {  	v24 =	vadd.f32 v32, v24;
	v32 =	vld [tilespmem:s28+$0x8850]  }
0xf2: {  	v21 =	vadd.f32 v36, v21;
	v36 =	vld [tilespmem:s28+$0x8860]  }
0xf3: {  	v22 =	vadd.f32 v33, v22;
	v33 =	vld [tilespmem:s28+$0x8870]  }
0xf4: {  	v19 =	vadd.f32 v34, v19;
	v34 =	vld [tilespmem:s28+$0x9800]  }
0xf5: {  	v20 =	vadd.f32 v35, v20;
	v35 =	vld [tilespmem:s28+$0x9810]  }
0xf6: {  	v17 =	vadd.f32 v32, v17;
	v32 =	vld [tilespmem:s28+$0x9820]  }
0xf7: {  	v18 =	vadd.f32 v36, v18;
	v36 =	vld [tilespmem:s28+$0x9830]  }
0xf8: {  	v15 =	vadd.f32 v33, v15;
	v33 =	vld [tilespmem:s28+$0x9840]  }
0xf9: {  	v16 =	vadd.f32 v34, v16;
	v34 =	vld [tilespmem:s28+$0x9850]  }
0xfa: {  	v14 =	vadd.f32 v35, v14;
	v35 =	vld [tilespmem:s28+$0x9860]  }
0xfb: {  	v13 =	vadd.f32 v32, v13;
	v32 =	vld [tilespmem:s28+$0x9870]  }
0xfc: {  	v11 =	vadd.f32 v36, v11;
	v36 =	vld [tilespmem:s28+$0xA800]  }
0xfd: {  	v12 =	vadd.f32 v33, v12;
	v37 =	vld [tilespmem:s28+$0xA810]  }
.Ltmp6:
0xfe: {  	v9 =	vadd.f32 v34, v9;
	v33 =	vld [tilespmem:s28+$0xA820];
	(pc) =	sbr.rel @p1 .LBB2_9-.Ltmp6, $4  }
0xff: {  	v10 =	vadd.f32 v35, v10;
	v34 =	vld [tilespmem:s28+$0xA830]  }
0x100: {  	v7 =	vadd.f32 v32, v7;
	v35 =	vld [tilespmem:s28+$0xA840]  }
0x101: {  	v5 =	vadd.f32 v36, v5;
	v32 =	vld [tilespmem:s28+$0xA850]  }
0x102: {  	v3 =	vadd.f32 v37, v3;
	v36 =	vld [tilespmem:s28+$0xA860];
	s28 =	sshra.s32 s29, $0x2;
	s29 =	sadd.s32 $0x200, s29  }
0x103: {  	v37 =	vld [tilespmem:s28+$0xA870]  }
0x104: {  	v38 =	vld [tilespmem:s28+$0x7800]  }
0x105: {  	v39 =	vld [tilespmem:s28+$0x7810]  }
0x106: {  	v40 =	vld [tilespmem:s28+$0x7820]  }
0x107: {  	v41 =	vld [tilespmem:s28+$0x7830]  }
0x108: {  	v42 =	vld [tilespmem:s28+$0x7840]  }
0x109: {  	v43 =	vld [tilespmem:s28+$0x7850]  }
0x10a: {  	v44 =	vld [tilespmem:s28+$0x7860]  }
0x10b: {  	v45 =	vld [tilespmem:s28+$0x7870]  }
0x10c: {  	v46 =	vld [tilespmem:s28+$0x8800]  }
0x10d: {  	v47 =	vld [tilespmem:s28+$0x8810]  }
0x10e: {  	v48 =	vld [tilespmem:s28+$0x8820]  }
0x10f: {  	v49 =	vld [tilespmem:s28+$0x8830]  }
0x110: {  	v50 =	vld [tilespmem:s28+$0x8840]  }
0x111: {  	v51 =	vld [tilespmem:s28+$0x8850]  }
0x112: {  	v52 =	vld [tilespmem:s28+$0x8860]  }
0x113: {  	v53 =	vld [tilespmem:s28+$0x8870]  }
0x114: {  	v54 =	vld [tilespmem:s28+$0x9800]  }
0x115: {  	v55 =	vld [tilespmem:s28+$0x9810]  }
0x116: {  	v56 =	vld [tilespmem:s28+$0x9820]  }
0x117: {  	[tilespmem:$0x1FFB0] =	vst v37;
	v37 =	vld [tilespmem:s28+$0xA820]  }
0x118: {  	v57 =	vld [tilespmem:s28+$0x9830]  }
0x119: {  	v58 =	vld [tilespmem:s28+$0x9840]  }
0x11a: {  	v59 =	vld [tilespmem:s28+$0x9850]  }
0x11b: {  	v60 =	vld [tilespmem:s28+$0x9860]  }
0x11c: {  	[tilespmem:$0x1FF80] =	vst v37;
	v37 =	vld [tilespmem:s28+$0xA830]  }
0x11d: {  	v61 =	vld [tilespmem:s28+$0x9870]  }
0x11e: {  	v62 =	vld [tilespmem:s28+$0xA800]  }
0x11f: {  	v63 =	vld [tilespmem:s28+$0xA810]  }
0x120: {  	v31 =	vadd.f32 v38, v31;
	v38 =	vld [tilespmem:s28+$0xA850]  }
0x121: {  	v29 =	vadd.f32 v39, v29;
	v39 =	vld [tilespmem:s28+$0xA860];
	[tilespmem:$0x1FF90] =	vst v37  }
0x122: {  	v30 =	vadd.f32 v40, v30;
	v37 =	vld [tilespmem:s28+$0xA840];
	[tilespmem:$0xAA00] =	vst v31  }
0x123: {  	v27 =	vadd.f32 v41, v27;
	[tilespmem:$0xAA10] =	vst v29  }
0x124: {  	v28 =	vadd.f32 v42, v28;
	[tilespmem:$0xAA20] =	vst v30  }
0x125: {  	v25 =	vadd.f32 v43, v25;
	[tilespmem:$0xAA30] =	vst v27  }
0x126: {  	v26 =	vadd.f32 v44, v26;
	[tilespmem:$0xAA40] =	vst v28  }
0x127: {  	v23 =	vadd.f32 v45, v23;
	[tilespmem:$0xAA50] =	vst v25  }
0x128: {  	v24 =	vadd.f32 v46, v24;
	[tilespmem:$0xAA60] =	vst v26  }
0x129: {  	v21 =	vadd.f32 v47, v21;
	[tilespmem:$0xAA70] =	vst v23  }
0x12a: {  	v22 =	vadd.f32 v48, v22;
	[tilespmem:$0xAA80] =	vst v24  }
0x12b: {  	v19 =	vadd.f32 v49, v19;
	[tilespmem:$0xAA90] =	vst v21  }
0x12c: {  	v20 =	vadd.f32 v50, v20;
	[tilespmem:$0xAAA0] =	vst v22  }
0x12d: {  	v17 =	vadd.f32 v51, v17;
	[tilespmem:$0xAAB0] =	vst v19  }
0x12e: {  	v18 =	vadd.f32 v52, v18;
	[tilespmem:$0xAAC0] =	vst v20  }
0x12f: {  	v15 =	vadd.f32 v53, v15;
	[tilespmem:$0xAAD0] =	vst v17  }
0x130: {  	v16 =	vadd.f32 v54, v16;
	[tilespmem:$0xAAE0] =	vst v18  }
0x131: {  	v14 =	vadd.f32 v55, v14;
	[tilespmem:$0xAAF0] =	vst v15  }
0x132: {  	v13 =	vadd.f32 v56, v13;
	[tilespmem:$0xAB00] =	vst v16  }
0x133: {  	v11 =	vadd.f32 v57, v11;
	[tilespmem:$0xAB10] =	vst v14  }
0x134: {  	v12 =	vadd.f32 v58, v12;
	[tilespmem:$0xAB20] =	vst v13  }
0x135: {  	v9 =	vadd.f32 v59, v9;
	[tilespmem:$0xAB30] =	vst v11  }
0x136: {  	v10 =	vadd.f32 v60, v10;
	[tilespmem:$0xAB40] =	vst v12  }
0x137: {  	v7 =	vadd.f32 v61, v7;
	[tilespmem:$0xAB50] =	vst v9  }
0x138: {  	v3 =	vadd.f32 v63, v3;
	v63 =	vld [tilespmem:$0x1FFB0];
	[tilespmem:$0xAB60] =	vst v10  }
0x139: {  	v4 =	vadd.f32 v32, v4;
	v5 =	vadd.f32 v62, v5;
	v59 =	vld [tilespmem:$0x1FF80];
	[tilespmem:$0xAB70] =	vst v7  }
0x13a: {  	v2 =	vadd.f32 v36, v2;
	v60 =	vld [tilespmem:$0x1FF90];
	[tilespmem:$0x1FFA0] =	vst v37  }
0x13b: {  	v62 =	vadd.f32 v38, v4;
	[tilespmem:$0xAB80] =	vst v5;
	v61 =	vld [tilespmem:$0x1FFA0]  }
0x13c: {  	v1 =	vadd.f32 v33, v1;
	v2 =	vadd.f32 v39, v2;
	[tilespmem:$0xAB90] =	vst v3  }
0x13d: {  	v6 =	vadd.f32 v34, v6;
	v0 =	vadd.f32 v63, v0;
	[tilespmem:$0xABD0] =	vst v62  }
0x13e: {  	p1 =	seq.s32 s25, $0x27;
	v58 =	vadd.f32 v35, v8;
	[tilespmem:$0xABE0] =	vst v2;
	v1 =	vadd.f32 v59, v1  }
.Ltmp7:
0x13f: {  	[tilespmem:$0xABF0] =	vst v0;
	v5 =	vadd.f32 v60, v6;
	(pc) =	sbr.rel @p1 .LBB2_12-.Ltmp7, $4  }
0x140: {  	[tilespmem:$0xABA0] =	vst v1;
	v3 =	vadd.f32 v61, v58  }
0x141: {  	s31 =	sshll.u32 s25, $0x7;
	[tilespmem:$0xABB0] =	vst v5  }
0x142: {  	s28 =	sadd.s32 s10, s31;
	[tilespmem:$0xABC0] =	vst v3  }
0x143: {  	[hbm4b:s28+s3] =	stream.linear.scatter [tilespmem:s22], [sflag:$0x4], $0x200, $0x38;
	[tilespmem:$0x1E480] =	vst v63  }
.Ltmp8:
0x144: {  	(pc) =	sbr.rel .LBB2_2-.Ltmp8, $4  }
0x145: {  	_ = 	snop  }
0x146: {  	s26 =	sshrl.u32 s26, $0x2  }
0x147: {  	s25 =	sadd.s32 $0x1, s25;
	s26 =	sadd.s32 $0x180, s26  }
0x148: {  	[tilespmem:s17], [sflag:$0x2] =	stream.indirect.gather [spmem:s2], $0x80, s26, s15, $0xb8;
	[tilespmem:$0x1E480] =	vst v63  }
.LBB2_13:
0x149: {  	_ =	sfence.sel $0x180000  }
0x14a: {  	[bflag:$0x0] =	sbarrier.arrive $0xFFFF  }
0x14b: {  	p0 =	sne.s32 s0, $0x0;
	_ =	strace $0x90000047  }
0x14c: {  	s0 =	sadd.s32 @!p0 $0x100000, s1;
	[bflag:$0x2] =	sbarrier.arrive $0xFFFF  }
0x14d: {  	[sflag:s0] =	ssyncadd.tile.s32 @!p0 $0x1;
	_ =	shalt  }
.Lfunc_end2:
_tile_overlayer_lowered:
.L_overlay_start_2:
0x14e: {  	(tag) =	ssettag $0x2  }
0x14f: {  	s0 =	rddreg [dreg:$0x0];
	s2 =	stileid.u32  }
0x150: {  	s1 =	rddreg [dreg:$0x1];
	p0 =	sne.s32 s2, $0x0  }
0x151: {  	s3 =	rddreg [dreg:$0x2];
	[bflag:$0x3] =	sbarrier.arrive $0xFFFF;
	s2 =	simm.s32 @!p0 $0x1C05  }
0x152: {  	[timem:s3], [sflag:s2] =	dma.local @!p0 [hbm:s0], s1  }
0x153: {  	s0 =	simm.s32 @!p0 $0x5  }
0x154: {  	_ =	swait.ge @!p0 [sflag:s0], s1  }
0x155: {  	s1 =	ssub.s32 @!p0 $0x0, s1;
	[sflag:s0] =	ssyncset.done @!p0 $0x0  }
0x156: {  	[sflag:s0] =	ssyncadd.s32 @!p0 s1  }
0x157: {  	[bflag:$0x3] =	sbarrier.arrive $0xFFFF  }
0x158: {  	_ =	shalt  }

// kernel: kernel.9.cloned.1.call-start
scs
__scs_entry_jumppad:
0x0: {  	(pc) =	sbr.rel $0x88, $3  }
0x1: {  	(tag) =	ssettag $0x0;
	lr =	simm.s32 $0x1  }
0x2: {  	[smem:$0x3F9B] =	sst lr;
	_ =	strace $0xD0000000  }
0x3: {  	_ = 	snop  }
0x4: {  	_ = 	snop  }
0x5: {  	_ = 	snop  }
0x6: {  	_ = 	snop  }
0x7: {  	_ = 	snop  }
__scs_overlays_trampoline_lowered:
0x8: {  	[smem:$0x3FAA] =	sst s0  }
0x9: {  	[smem:$0x3FAB] =	sst s1  }
0xa: {  	[smem:$0x3FAC] =	sst s2  }
0xb: {  	[smem:$0x3FAD] =	sst s3  }
0xc: {  	[smem:$0x3FAE] =	sst s4  }
0xd: {  	[smem:$0x3FAF] =	sst s5  }
0xe: {  	[smem:$0x3FB0] =	sst s6  }
0xf: {  	[smem:$0x3FB1] =	sst s7  }
0x10: {  	[smem:$0x3FB2] =	sst s8  }
0x11: {  	[smem:$0x3FB3] =	sst s9;
	s0 =	simm.s32 @!p0 $0x0  }
0x12: {  	s1 =	sld [smem:$0x3F99];
	s0 =	simm.s32 @p0 $0x1  }
0x13: {  	[smem:$0x3FB4] =	sst s0;
	s0 =	simm.s32 @!p1 $0x0  }
0x14: {  	s2 =	sld [smem:$0x3F98];
	s0 =	simm.s32 @p1 $0x1  }
0x15: {  	[smem:$0x3FB5] =	sst s0;
	s0 =	simm.s32 @!p2 $0x0  }
0x16: {  	s3 =	sld [smem:$0x3FDB];
	s0 =	simm.s32 @p2 $0x1  }
0x17: {  	s4 =	simm.s32 $0x1BF5;
	[smem:$0x3FB7] =	sst s0  }
0x18: {  	s0 =	sld [smem:$0x3F9A];
	_ =	swait.ge [sflag:s4], $0x0  }
0x19: {  	s7 =	sld [smem:$0x3F9B]  }
0x1a: {  	s8 =	sadd.s32 $0xFFFFE003, lr  }
0x1b: {  	s9 =	sadd.s32 $0xFFFFFEF7, lr;
	s5 =	simm.s32 $0xFFFFFFFF;
	p2 =	slt.u32 s8, $0xFFFFF086  }
0x1c: {  	p1 =	slt.u32 s9, $0xF7A;
	s5 =	simm.s32 @!p2 $0x0  }
0x1d: {  	s5 =	simm.s32 @p1 $0x1;
	p0 =	seq.s32 s7, s2  }
0x1e: {  	s7 =	smul.u32 @!p0 $0xF7A, s2;
	p2 =	seq.s32 @!p0 s5, $0x0  }
0x1f: {  	s9 =	smul.u32 $0xF7A, s1;
	s8 =	simm.s32 @!p0 $0x1BF5;
	p2 =	por !p2, p0  }
0x20: {  	[sflag:s8] =	ssyncset.s32 @!p0 $0xFFFFF086;
	s6 =	sadd.s32 @!p0 s3, s7;
	s7 =	simm.s32 @!p0 $0x108  }
0x21: {  	s3 =	sadd.s32 s3, s9;
	s6 =	sadd.s32 @!p0 $0x88, s6;
	s7 =	simm.s32 @p2 $0x1082  }
0x22: {  	[simem:s7], [sflag:s8] =	dma.local @!p0 [hbm:s6], $0xF7A  }
0x23: {  	s9 =	sor.u32 $0xD0000000, s2;
	s6 =	simm.s32 $0x108;
	_ =	swait.ge @!p0 [sflag:s8], $0x0  }
0x24: {  	s3 =	sadd.s32 $0x88, s3;
	s6 =	simm.s32 @!p1 $0x1082;
	[sflag:s4] =	ssyncset.s32 $0xFFFFF086  }
0x25: {  	[simem:s6], [sflag:s4] =	dma.local [hbm:s3], $0xF7A  }
0x26: {  	[smem:$0x3F9B] =	sst s1;
	(tag) =	ssettag s2;
	_ =	strace s9  }
0x27: {  	s1 =	sld [smem:$0x3FAB]  }
0x28: {  	s2 =	sld [smem:$0x3FAC]  }
0x29: {  	s4 =	sld [smem:$0x3FAE]  }
0x2a: {  	p0 =	seq.s32 s5, $0x0;
	s5 =	sld [smem:$0x3FAF]  }
0x2b: {  	s6 =	sld [smem:$0x3FB0]  }
0x2c: {  	s7 =	sld [smem:$0x3FB1]  }
0x2d: {  	s3 =	simm.s32 $0x108;
	s8 =	sld [smem:$0x3FB2]  }
0x2e: {  	s3 =	simm.s32 @!p0 $0x1082;
	s9 =	sld [smem:$0x3FB3]  }
0x2f: {  	lr =	sadd.s32 s0, s3;
	s0 =	sld [smem:$0x3FAA]  }
0x30: {  	s3 =	sld [smem:$0x3FAD]  }
0x31: {  	[smem:$0x3FB6] =	sst s10  }
0x32: {  	s10 =	sld [smem:$0x3FB4];
	_ =	sdelay $0x3  }
0x33: {  	p0 =	seq.s32 s10, $0x1;
	s10 =	sld [smem:$0x3FB6];
	_ =	sdelay $0x3  }
0x34: {  	[smem:$0x3FB6] =	sst s10  }
0x35: {  	s10 =	sld [smem:$0x3FB5];
	_ =	sdelay $0x3  }
0x36: {  	p1 =	seq.s32 s10, $0x1;
	s10 =	sld [smem:$0x3FB6];
	_ =	sdelay $0x3  }
0x37: {  	[smem:$0x3FB6] =	sst s10  }
0x38: {  	s10 =	sld [smem:$0x3FB7]  }
0x39: {  	_ = 	snop;
	(pc) =	sbr.ind lr, $3  }
0x3a: {  	_ = 	snop  }
0x3b: {  	_ = 	snop  }
0x3c: {  	p2 =	seq.s32 s10, $0x1;
	s10 =	sld [smem:$0x3FB6]  }
0x3d: {  	_ =	shalt  }
0x3e: {  	_ =	shalt  }
0x3f: {  	_ =	shalt  }
0x40: {  	_ =	shalt  }
0x41: {  	_ =	shalt  }
0x42: {  	_ =	shalt  }
0x43: {  	_ =	shalt  }
0x44: {  	_ =	shalt  }
0x45: {  	_ =	shalt  }
0x46: {  	_ =	shalt  }
0x47: {  	_ =	shalt  }
0x48: {  	_ =	shalt  }
0x49: {  	_ =	shalt  }
0x4a: {  	_ =	shalt  }
0x4b: {  	_ =	shalt  }
0x4c: {  	_ =	shalt  }
0x4d: {  	_ =	shalt  }
0x4e: {  	_ =	shalt  }
0x4f: {  	_ =	shalt  }
0x50: {  	_ =	shalt  }
0x51: {  	_ =	shalt  }
0x52: {  	_ =	shalt  }
0x53: {  	_ =	shalt  }
0x54: {  	_ =	shalt  }
0x55: {  	_ =	shalt  }
0x56: {  	_ =	shalt  }
0x57: {  	_ =	shalt  }
0x58: {  	_ =	shalt  }
0x59: {  	_ =	shalt  }
0x5a: {  	_ =	shalt  }
0x5b: {  	_ =	shalt  }
0x5c: {  	_ =	shalt  }
0x5d: {  	_ =	shalt  }
0x5e: {  	_ =	shalt  }
0x5f: {  	_ =	shalt  }
0x60: {  	_ =	shalt  }
0x61: {  	_ =	shalt  }
0x62: {  	_ =	shalt  }
0x63: {  	_ =	shalt  }
0x64: {  	_ =	shalt  }
0x65: {  	_ =	shalt  }
0x66: {  	_ =	shalt  }
0x67: {  	_ =	shalt  }
0x68: {  	_ =	shalt  }
0x69: {  	_ =	shalt  }
0x6a: {  	_ =	shalt  }
0x6b: {  	_ =	shalt  }
0x6c: {  	_ =	shalt  }
0x6d: {  	_ =	shalt  }
0x6e: {  	_ =	shalt  }
0x6f: {  	_ =	shalt  }
0x70: {  	_ =	shalt  }
0x71: {  	_ =	shalt  }
0x72: {  	_ =	shalt  }
0x73: {  	_ =	shalt  }
0x74: {  	_ =	shalt  }
0x75: {  	_ =	shalt  }
0x76: {  	_ =	shalt  }
0x77: {  	_ =	shalt  }
0x78: {  	_ =	shalt  }
0x79: {  	_ =	shalt  }
0x7a: {  	_ =	shalt  }
0x7b: {  	_ =	shalt  }
0x7c: {  	_ =	shalt  }
0x7d: {  	_ =	shalt  }
0x7e: {  	_ =	shalt  }
0x7f: {  	_ =	shalt  }
0x80: {  	_ =	shalt  }
0x81: {  	_ =	shalt  }
0x82: {  	_ =	shalt  }
0x83: {  	_ =	shalt  }
0x84: {  	_ =	shalt  }
0x85: {  	_ =	shalt  }
0x86: {  	_ =	shalt  }
0x87: {  	_ =	shalt  }
.Lfunc_end0:
.L_simem_size_0:
called_computation.1_lowered:
.L_overlay_start_0:
0x88: {  	s2 =	sld [smem:$0x3FD9]  }
0x89: {  	s3 =	sld [smem:$0x3FFE];
	_ =	sdelay $0x1  }
0x8a: {  	s1 =	srdreg.scid  }
0x8b: {  	s0 =	sand.u32 $0x1, s1  }
0x8c: {  	s17 =	sshll.u32 s0, $0xA;
	s2 =	sadd.s32 s3, s2  }
0x8d: {  	s2 =	sadd.s32 s2, s17  }
0x8e: {  	[smem:$0x3FC2] =	sst s2  }
0x8f: {  	_ = 	snop  }
0x90: {  	s2 =	sld [smem:$0x3FC9];
	(tm) =	ssettm $0x1  }
0x91: {  	s18 =	sld [smem:$0x3FFB];
	_ =	sdelay $0x3  }
0x92: {  	_ =	strace s18  }
0x93: {  	s3 =	sld [smem:$0x3FFC];
	_ =	sdelay $0x3  }
0x94: {  	_ =	strace s3  }
0x95: {  	s3 =	sld [smem:$0x3FFD];
	_ =	sdelay $0x3  }
0x96: {  	_ =	strace s3  }
0x97: {  	_ =	strace $0x8FFFFFFF  }
0x98: {  	s19 =	sld [smem:$0x3FDB];
	_ =	sdelay $0x1  }
0x99: {  	s4 =	simm.s32 $_scs_section_size  }
0x9a: {  	s5 =	simm.s32 $_size__tile_overlayer_lowered;
	s6 =	simm.s32 $_tile_overlayer_lowered  }
0x9b: {  	s22 =	simm.s32 $0x1BFF;
	s21 =	sshll.u32 s6, $0x1;
	s3 =	sadd.s32 s4, s19  }
0x9c: {  	s7 =	simm.s32 $0x0;
	s20 =	sshll.u32 s5, $0x1;
	s5 =	sadd.s32 s21, s3  }
0x9d: {  	[timem:s7], [sflag:s22] =	dma.local [hbm:s5], s20  }
0x9e: {  	_ =	swait.ge [sflag:s22], s20  }
0x9f: {  	s4 =	ssub.s32 $0x0, s20;
	[sflag:s22] =	ssyncset.done $0x0  }
0xa0: {  	[sflag:s22] =	ssyncadd.s32 s4;
	_ =	sdelay $0x1  }
0xa1: {  	s23 =	simm.s32 $0x1B8B  }
0xa2: {  	_ =	swait.ge [sflag:s23], $0x1  }
0xa3: {  	[sflag:s23] =	ssyncset.done $0x0  }
0xa4: {  	s25 =	simm.s32 $0x1B8E;
	s24 =	sld [smem:$0x3FFE];
	[sflag:s23] =	ssyncadd.s32 $0xFFFFFFFF  }
0xa5: {  	s26 =	simm.s32 $execute0_lowered;
	[smem:$0x3FD2] =	sst s25  }
0xa6: {  	s5 =	sshll.u32 s26, $0x1;
	_ =	strace $0x80000049;
	[dreg:$0x1] =	wrdreg $0xFFFFFFFF  }
0xa7: {  	s28 =	simm.s32 $_size_execute0_lowered;
	s3 =	sadd.s32 s3, s5;
	[dreg:$0x0] =	wrdreg $0x0  }
0xa8: {  	s5 =	sshll.u32 s28, $0x1;
	[dreg:$0x2] =	wrdreg s3  }
0xa9: {  	[dreg:$0x3] =	wrdreg s5  }
0xaa: {  	[dreg:$0x4] =	wrdreg $0xC0  }
0xab: {  	_ =	task [dreg:s7], $0x5FFFF  }
0xac: {  	[dreg:$0x1] =	wrdreg $0xFFFFFFFF  }
0xad: {  	[dreg:$0x0] =	wrdreg $0x60  }
0xae: {  	[dreg:$0x2] =	wrdreg s2  }
0xaf: {  	[dreg:$0x3] =	wrdreg s24  }
0xb0: {  	[dreg:$0x4] =	wrdreg $0x9  }
0xb1: {  	_ =	task.clear_ibuf [dreg:s7], $0x5FFFF;
	_ =	strace $0x90000049  }
0xb2: {  	s29 =	simm.s32 $0x9;
	_ =	strace $0x8000004B  }
0xb3: {  	_ =	swait.ge [sflag:s29], $0x1  }
0xb4: {  	[sflag:s29] =	ssyncadd.s32 $0xFFFFFFFF  }
0xb5: {  	_ =	strace $0x9000004B  }
0xb6: {  	_ =	sfence  }
0xb7: {  	s30 =	sld [smem:$0x0];
	_ =	sdelay $0x2  }
0xb8: {  	s31 =	sshll.u32 s1, $0xD;
	s1 =	sshrl.u32 s1, $0x2  }
0xb9: {  	s3 =	sand.u32 $0x4000, s31;
	s1 =	sadd.s32 s1, s30  }
0xba: {  	s0 =	sor.u32 s3, s0;
	s1 =	sshll.u32 s1, $0x11  }
0xbb: {  	s0 =	sor.u32 s1, s0  }
0xbc: {  	s0 =	sadd.s32 $0x8F2B, s0  }
0xbd: {  	[sflag:s0] =	ssyncadd.remote.s32 $0x1  }
0xbe: {  	_ =	sfence.sel $0xFFFF  }
0xbf: {  	[dreg:$0x0] =	wrdreg $0xFFFFFFFF;
	(pc) =	sbr.abs _section_cstart, $3  }
0xc0: {  	[dreg:$0x1] =	wrdreg $0xFFFFFFFF  }
0xc1: {  	_ =	task.clear_ibuf [dreg:s7], $0x2FFFF;
	_ =	strace $0x9FFFFFFF  }
0xc2: {  	(tm) =	ssettm $0x7FFFFFFF  }
0xc3: {  	_ =	shalt  }
tec
execute0_lowered:
.L_overlay_start_1:
0x0: {  	(tag) =	ssettag $0x1  }
0x1: {  	s5 =	rddreg [dreg:$0x0]  }
0x2: {  	s6 =	rddreg [dreg:$0x1]  }
0x3: {  	s0 =	rddreg [dreg:$0x2];
	s2 =	simm.s32 $0x0;
	s3 =	srdreg.scid  }
0x4: {  	s1 =	stileid.u32;
	s11 =	simm.s32 $0x80;
	s12 =	simm.s32 $0x100  }
0x5: {  	s13 =	simm.s32 $0x1;
	s14 =	simm.s32 $0x1500;
	s15 =	simm.s32 $0x1100  }
0x6: {  	s16 =	simm.s32 $0x2500;
	s17 =	simm.s32 $0x1180;
	s18 =	simm.s32 $0x6500  }
0x7: {  	s19 =	simm.s32 $0x2;
	s20 =	simm.s32 $0x3;
	s21 =	simm.s32 $0xA500  }
0x8: {  	s22 =	simm.s32 $0x0;
	[smem:$0x7FF] =	sst s2;
	s4 =	sand.u32 $0x1, s3  }
0x9: {  	s7 =	sshll.u32 s1, $0x1;
	s3 =	sadd.s32 $0x34600, s6;
	_ =	strace $0x8000004A  }
.Ltmp0:
0xa: {  	s7 =	sor.u32 s4, s7;
	s8 =	ssub.s32 $0x2, s4;
	(pc) =	sbr.rel .LBB2_1-.Ltmp0, $4  }
0xb: {  	s4 =	sadd.s32 $0x2600, s6;
	s9 =	sshll.u32 s7, $0x9;
	s10 =	sshrl.u32 s8, $0x1  }
0xc: {  	s31 =	sshll.u32 s7, $0x2;
	s9 =	sadd.s32 s9, s6;
	s8 =	ssub.s32 s8, s10  }
0xd: {  	s5 =	sadd.s32 s5, s31;
	s10 =	simm.s32 $0x20;
	s6 =	sadd.s32 $0x29800, s9  }
0xe: {  	s7 =	sadd.s32 $0x2D800, s9;
	s8 =	smax.u32 s8, $0x1;
	s9 =	simm.s32 $0x4  }
.LBB2_8:
0xf: {  	_ =	swait.ge [sflag:s20], $0x1000  }
0x10: {  	[sflag:s20] =	ssyncset.done $0x0  }
0x11: {  	[sflag:s20] =	ssyncadd.s32 $0xFFFFF000  }
0x12: {  	[hbm4b:s6+s2] =	stream.linear.scatter [tilespmem:s14], [sflag:$0x4], $0x1000, $0x38;
	[tilespmem:$0xB500] =	vst v63  }
0x13: {  	s22 =	sadd.s32 $0x1, s22;
	_ =	swait.ge [sflag:s9], $0x1000  }
0x14: {  	p0 =	sne.s32 s22, s8;
	[sflag:s9] =	ssyncset.done $0x0  }
.Ltmp1:
0x15: {  	[sflag:s9] =	ssyncadd.s32 $0xFFFFF000;
	(pc) =	sbr.rel @!p0 .LBB2_9-.Ltmp1, $4  }
0x16: {  	[hbm4b:s7+s2] =	stream.linear.scatter [tilespmem:s21], [sflag:$0x4], $0x1000, $0x38;
	[tilespmem:$0xB500] =	vst v63  }
0x17: {  	_ =	swait.ge [sflag:s9], $0x1000  }
0x18: {  	[sflag:s9] =	ssyncset.done $0x0  }
0x19: {  	[sflag:s9] =	ssyncadd.s32 $0xFFFFF000  }
.LBB2_1:
0x1a: {  	[tilespmem:s2], [sflag:$0x4] =	stream.linear.gather [hbm4b:s5+s2], $0x20, $0x38;
	[tilespmem:$0xB500] =	vst v63  }
0x1b: {  	_ =	swait.ge [sflag:s9], $0x20  }
0x1c: {  	[sflag:s9] =	ssyncset.done $0x0  }
0x1d: {  	[sflag:s9] =	ssyncadd.s32 $0xFFFFFFE0  }
0x1e: {  	v0 =	vld [tilespmem:$0x0]  }
0x1f: {  	v1 =	vld [tilespmem:$0x10];
	_ =	sdelay $0x3  }
0x20: {  	v0 =	vshra.s32 v0, $0x2  }
0x21: {  	v59 =	vshra.s32 v1, $0x2;
	[tilespmem:$0x80] =	vst v0  }
0x22: {  	[tilespmem:$0x90] =	vst v59  }
0x23: {  	[tilespmem:s12], [sflag:$0x1] =	stream.indirect.gather [hbm4b:s3+s10], $0x80, s11, s10, $0xb8;
	[tilespmem:$0xB500] =	vst v63  }
0x24: {  	_ =	swait.ge [sflag:s13], $0x1000  }
0x25: {  	[sflag:s13] =	ssyncset.done $0x0  }
0x26: {  	[sflag:s13] =	ssyncadd.s32 $0xFFFFF000  }
0x27: {  	[tilespmem:s14], [sflag:$0x3] =	stream.indirect.gather [hbm4b:s4+s10], $0x80, s2, s10, $0xb8;
	[tilespmem:$0xB500] =	vst v63  }
0x28: {  	v60 =	vld [tilespmem:$0x0];
	_ =	sdelay $0x4  }
0x29: {  	v0 =	vshll.u32 v60, $0x5  }
0x2a: {  	v0 =	vand.u32 $0x60, v0  }
0x2b: {  	(v2sf) =	vpush v0, $0x0;
	_ =	sdelay $0xb  }
0x2c: {  	(v2sf) =	vpush v0, $0x1;
	_ =	sdelay $0x2  }
0x2d: {  	s23 =	spop (v2sf)  }
0x2e: {  	v61 =	vld [tilespmem:s23+$0x100];
	_ =	sdelay $0x4  }
0x2f: {  	[tilespmem:$0x1100] =	vst v61  }
0x30: {  	v1 =	vld [tilespmem:s23+$0x110];
	_ =	sdelay $0x1  }
0x31: {  	(v2sf) =	vpush v0, $0x2;
	_ =	sdelay $0x2  }
0x32: {  	s29 =	spop (v2sf);
	[tilespmem:$0x1110] =	vst v1  }
0x33: {  	v1 =	vld [tilespmem:s29+$0x180];
	_ =	sdelay $0x4  }
0x34: {  	[tilespmem:$0x1120] =	vst v1  }
0x35: {  	v1 =	vld [tilespmem:s29+$0x190];
	_ =	sdelay $0x1  }
0x36: {  	(v2sf) =	vpush v0, $0x3;
	_ =	sdelay $0x2  }
0x37: {  	s30 =	spop (v2sf);
	[tilespmem:$0x1130] =	vst v1  }
0x38: {  	v1 =	vld [tilespmem:s30+$0x200];
	_ =	sdelay $0x4  }
0x39: {  	[tilespmem:$0x1140] =	vst v1  }
0x3a: {  	v1 =	vld [tilespmem:s30+$0x210];
	_ =	sdelay $0x1  }
0x3b: {  	(v2sf) =	vpush v0, $0x4;
	_ =	sdelay $0x2  }
0x3c: {  	s31 =	spop (v2sf);
	[tilespmem:$0x1150] =	vst v1  }
0x3d: {  	v1 =	vld [tilespmem:s31+$0x280];
	_ =	sdelay $0x4  }
0x3e: {  	[tilespmem:$0x1160] =	vst v1  }
0x3f: {  	v1 =	vld [tilespmem:s31+$0x290];
	_ =	sdelay $0x1  }
0x40: {  	(v2sf) =	vpush v0, $0x5;
	_ =	sdelay $0x2  }
0x41: {  	s24 =	spop (v2sf);
	[tilespmem:$0x1170] =	vst v1  }
0x42: {  	v1 =	vld [tilespmem:s24+$0x300];
	_ =	sdelay $0x4  }
0x43: {  	[tilespmem:$0x1180] =	vst v1  }
0x44: {  	v1 =	vld [tilespmem:s24+$0x310];
	_ =	sdelay $0x1  }
0x45: {  	(v2sf) =	vpush v0, $0x6;
	_ =	sdelay $0x2  }
0x46: {  	s25 =	spop (v2sf);
	[tilespmem:$0x1190] =	vst v1  }
0x47: {  	v1 =	vld [tilespmem:s25+$0x380];
	_ =	sdelay $0x4  }
0x48: {  	[tilespmem:$0x11A0] =	vst v1  }
0x49: {  	v1 =	vld [tilespmem:s25+$0x390];
	_ =	sdelay $0x1  }
0x4a: {  	(v2sf) =	vpush v0, $0x7;
	_ =	sdelay $0x2  }
0x4b: {  	s26 =	spop (v2sf);
	[tilespmem:$0x11B0] =	vst v1  }
0x4c: {  	v1 =	vld [tilespmem:s26+$0x400];
	_ =	sdelay $0x4  }
0x4d: {  	[tilespmem:$0x11C0] =	vst v1  }
0x4e: {  	v1 =	vld [tilespmem:s26+$0x410];
	_ =	sdelay $0x1  }
0x4f: {  	(v2sf) =	vpush v0, $0x8;
	_ =	sdelay $0x2  }
0x50: {  	s28 =	spop (v2sf);
	[tilespmem:$0x11D0] =	vst v1  }
0x51: {  	v1 =	vld [tilespmem:s28+$0x480];
	_ =	sdelay $0x4  }
0x52: {  	[tilespmem:$0x11E0] =	vst v1  }
0x53: {  	v1 =	vld [tilespmem:s28+$0x490];
	_ =	sdelay $0x1  }
0x54: {  	(v2sf) =	vpush v0, $0x9;
	_ =	sdelay $0x2  }
0x55: {  	s29 =	spop (v2sf);
	[tilespmem:$0x11F0] =	vst v1  }
0x56: {  	v1 =	vld [tilespmem:s29+$0x500];
	_ =	sdelay $0x4  }
0x57: {  	[tilespmem:$0x1200] =	vst v1  }
0x58: {  	v1 =	vld [tilespmem:s29+$0x510];
	_ =	sdelay $0x1  }
0x59: {  	(v2sf) =	vpush v0, $0xA;
	_ =	sdelay $0x2  }
0x5a: {  	s30 =	spop (v2sf);
	[tilespmem:$0x1210] =	vst v1  }
0x5b: {  	v1 =	vld [tilespmem:s30+$0x580];
	_ =	sdelay $0x4  }
0x5c: {  	[tilespmem:$0x1220] =	vst v1  }
0x5d: {  	v1 =	vld [tilespmem:s30+$0x590];
	_ =	sdelay $0x1  }
0x5e: {  	(v2sf) =	vpush v0, $0xB;
	_ =	sdelay $0x2  }
0x5f: {  	s31 =	spop (v2sf);
	[tilespmem:$0x1230] =	vst v1  }
0x60: {  	v1 =	vld [tilespmem:s31+$0x600];
	_ =	sdelay $0x4  }
0x61: {  	[tilespmem:$0x1240] =	vst v1  }
0x62: {  	v1 =	vld [tilespmem:s31+$0x610];
	_ =	sdelay $0x1  }
0x63: {  	(v2sf) =	vpush v0, $0xC;
	_ =	sdelay $0x2  }
0x64: {  	s24 =	spop (v2sf);
	[tilespmem:$0x1250] =	vst v1  }
0x65: {  	v1 =	vld [tilespmem:s24+$0x680];
	_ =	sdelay $0x4  }
0x66: {  	[tilespmem:$0x1260] =	vst v1  }
0x67: {  	v1 =	vld [tilespmem:s24+$0x690];
	_ =	sdelay $0x1  }
0x68: {  	(v2sf) =	vpush v0, $0xD;
	_ =	sdelay $0x2  }
0x69: {  	s25 =	spop (v2sf);
	[tilespmem:$0x1270] =	vst v1  }
0x6a: {  	v1 =	vld [tilespmem:s25+$0x700];
	_ =	sdelay $0x4  }
0x6b: {  	[tilespmem:$0x1280] =	vst v1  }
0x6c: {  	v1 =	vld [tilespmem:s25+$0x710];
	_ =	sdelay $0x1  }
0x6d: {  	(v2sf) =	vpush v0, $0xE;
	_ =	sdelay $0x2  }
0x6e: {  	s26 =	spop (v2sf);
	[tilespmem:$0x1290] =	vst v1  }
0x6f: {  	v1 =	vld [tilespmem:s26+$0x780];
	_ =	sdelay $0x4  }
0x70: {  	[tilespmem:$0x12A0] =	vst v1  }
0x71: {  	v1 =	vld [tilespmem:s26+$0x790];
	_ =	sdelay $0x1  }
0x72: {  	(v2sf) =	vpush v0, $0xF;
	_ =	sdelay $0x2  }
0x73: {  	s28 =	spop (v2sf);
	[tilespmem:$0x12B0] =	vst v1  }
0x74: {  	v62 =	vld [tilespmem:s28+$0x800]  }
0x75: {  	v63 =	vld [tilespmem:$0x10];
	_ =	sdelay $0x3  }
0x76: {  	[tilespmem:$0x12C0] =	vst v62  }
0x77: {  	v1 =	vshll.u32 v63, $0x5;
	v0 =	vld [tilespmem:s28+$0x810]  }
0x78: {  	v1 =	vand.u32 $0x60, v1  }
0x79: {  	(v2sf) =	vpush v1, $0x0;
	_ =	sdelay $0x2  }
0x7a: {  	s29 =	spop (v2sf);
	[tilespmem:$0x12D0] =	vst v0  }
0x7b: {  	v0 =	vld [tilespmem:s29+$0x880];
	_ =	sdelay $0x4  }
0x7c: {  	[tilespmem:$0x12E0] =	vst v0  }
0x7d: {  	v0 =	vld [tilespmem:s29+$0x890];
	_ =	sdelay $0x1  }
0x7e: {  	(v2sf) =	vpush v1, $0x1;
	_ =	sdelay $0x2  }
0x7f: {  	s30 =	spop (v2sf);
	[tilespmem:$0x12F0] =	vst v0  }
0x80: {  	v0 =	vld [tilespmem:s30+$0x900];
	_ =	sdelay $0x4  }
0x81: {  	[tilespmem:$0x1300] =	vst v0  }
0x82: {  	v0 =	vld [tilespmem:s30+$0x910];
	_ =	sdelay $0x1  }
0x83: {  	(v2sf) =	vpush v1, $0x2;
	_ =	sdelay $0x2  }
0x84: {  	s31 =	spop (v2sf);
	[tilespmem:$0x1310] =	vst v0  }
0x85: {  	v0 =	vld [tilespmem:s31+$0x980];
	_ =	sdelay $0x4  }
0x86: {  	[tilespmem:$0x1320] =	vst v0  }
0x87: {  	v0 =	vld [tilespmem:s31+$0x990];
	_ =	sdelay $0x1  }
0x88: {  	(v2sf) =	vpush v1, $0x3;
	_ =	sdelay $0x2  }
0x89: {  	s24 =	spop (v2sf);
	[tilespmem:$0x1330] =	vst v0  }
0x8a: {  	v0 =	vld [tilespmem:s24+$0xA00];
	_ =	sdelay $0x4  }
0x8b: {  	[tilespmem:$0x1340] =	vst v0  }
0x8c: {  	v0 =	vld [tilespmem:s24+$0xA10];
	_ =	sdelay $0x1  }
0x8d: {  	(v2sf) =	vpush v1, $0x4;
	_ =	sdelay $0x2  }
0x8e: {  	s25 =	spop (v2sf);
	[tilespmem:$0x1350] =	vst v0  }
0x8f: {  	v0 =	vld [tilespmem:s25+$0xA80];
	_ =	sdelay $0x4  }
0x90: {  	[tilespmem:$0x1360] =	vst v0  }
0x91: {  	v0 =	vld [tilespmem:s25+$0xA90];
	_ =	sdelay $0x1  }
0x92: {  	(v2sf) =	vpush v1, $0x5;
	_ =	sdelay $0x2  }
0x93: {  	s26 =	spop (v2sf);
	[tilespmem:$0x1370] =	vst v0  }
0x94: {  	v0 =	vld [tilespmem:s26+$0xB00];
	_ =	sdelay $0x4  }
0x95: {  	[tilespmem:$0x1380] =	vst v0  }
0x96: {  	v0 =	vld [tilespmem:s26+$0xB10];
	_ =	sdelay $0x1  }
0x97: {  	(v2sf) =	vpush v1, $0x6;
	_ =	sdelay $0x2  }
0x98: {  	s28 =	spop (v2sf);
	[tilespmem:$0x1390] =	vst v0  }
0x99: {  	v0 =	vld [tilespmem:s28+$0xB80];
	_ =	sdelay $0x4  }
0x9a: {  	[tilespmem:$0x13A0] =	vst v0  }
0x9b: {  	v0 =	vld [tilespmem:s28+$0xB90];
	_ =	sdelay $0x1  }
0x9c: {  	(v2sf) =	vpush v1, $0x7;
	_ =	sdelay $0x2  }
0x9d: {  	s29 =	spop (v2sf);
	[tilespmem:$0x13B0] =	vst v0  }
0x9e: {  	v0 =	vld [tilespmem:s29+$0xC00];
	_ =	sdelay $0x4  }
0x9f: {  	[tilespmem:$0x13C0] =	vst v0  }
0xa0: {  	v0 =	vld [tilespmem:s29+$0xC10];
	_ =	sdelay $0x1  }
0xa1: {  	(v2sf) =	vpush v1, $0x8;
	_ =	sdelay $0x2  }
0xa2: {  	s30 =	spop (v2sf);
	[tilespmem:$0x13D0] =	vst v0  }
0xa3: {  	v0 =	vld [tilespmem:s30+$0xC80];
	_ =	sdelay $0x4  }
0xa4: {  	[tilespmem:$0x13E0] =	vst v0  }
0xa5: {  	v0 =	vld [tilespmem:s30+$0xC90];
	_ =	sdelay $0x1  }
0xa6: {  	(v2sf) =	vpush v1, $0x9;
	_ =	sdelay $0x2  }
0xa7: {  	s31 =	spop (v2sf);
	[tilespmem:$0x13F0] =	vst v0  }
0xa8: {  	v0 =	vld [tilespmem:s31+$0xD00];
	_ =	sdelay $0x4  }
0xa9: {  	[tilespmem:$0x1400] =	vst v0  }
0xaa: {  	v0 =	vld [tilespmem:s31+$0xD10];
	_ =	sdelay $0x1  }
0xab: {  	(v2sf) =	vpush v1, $0xA;
	_ =	sdelay $0x2  }
0xac: {  	s24 =	spop (v2sf);
	[tilespmem:$0x1410] =	vst v0  }
0xad: {  	v0 =	vld [tilespmem:s24+$0xD80];
	_ =	sdelay $0x4  }
0xae: {  	[tilespmem:$0x1420] =	vst v0  }
0xaf: {  	v0 =	vld [tilespmem:s24+$0xD90];
	_ =	sdelay $0x1  }
0xb0: {  	(v2sf) =	vpush v1, $0xB;
	_ =	sdelay $0x2  }
0xb1: {  	s25 =	spop (v2sf);
	[tilespmem:$0x1430] =	vst v0  }
0xb2: {  	v0 =	vld [tilespmem:s25+$0xE00];
	_ =	sdelay $0x4  }
0xb3: {  	[tilespmem:$0x1440] =	vst v0  }
0xb4: {  	v0 =	vld [tilespmem:s25+$0xE10];
	_ =	sdelay $0x1  }
0xb5: {  	(v2sf) =	vpush v1, $0xC;
	_ =	sdelay $0x2  }
0xb6: {  	s26 =	spop (v2sf);
	[tilespmem:$0x1450] =	vst v0  }
0xb7: {  	v0 =	vld [tilespmem:s26+$0xE80];
	_ =	sdelay $0x4  }
0xb8: {  	[tilespmem:$0x1460] =	vst v0  }
0xb9: {  	v0 =	vld [tilespmem:s26+$0xE90];
	_ =	sdelay $0x1  }
0xba: {  	(v2sf) =	vpush v1, $0xD;
	_ =	sdelay $0x2  }
0xbb: {  	s28 =	spop (v2sf);
	[tilespmem:$0x1470] =	vst v0  }
0xbc: {  	v0 =	vld [tilespmem:s28+$0xF00];
	_ =	sdelay $0x4  }
0xbd: {  	[tilespmem:$0x1480] =	vst v0  }
0xbe: {  	v0 =	vld [tilespmem:s28+$0xF10];
	_ =	sdelay $0x1  }
0xbf: {  	(v2sf) =	vpush v1, $0xE;
	_ =	sdelay $0x2  }
0xc0: {  	s29 =	spop (v2sf);
	[tilespmem:$0x1490] =	vst v0  }
0xc1: {  	v0 =	vld [tilespmem:s29+$0xF80];
	_ =	sdelay $0x4  }
0xc2: {  	[tilespmem:$0x14A0] =	vst v0  }
0xc3: {  	v0 =	vld [tilespmem:s29+$0xF90];
	_ =	sdelay $0x1  }
0xc4: {  	(v2sf) =	vpush v1, $0xF;
	_ =	sdelay $0x2  }
0xc5: {  	s30 =	spop (v2sf);
	[tilespmem:$0x14B0] =	vst v0  }
0xc6: {  	v0 =	vld [tilespmem:s30+$0x1000];
	_ =	sdelay $0x4  }
0xc7: {  	[tilespmem:$0x14C0] =	vst v0  }
0xc8: {  	v0 =	vld [tilespmem:s30+$0x1010];
	_ =	sdelay $0x4  }
0xc9: {  	s31 =	spop (v2sf);
	[tilespmem:$0x14D0] =	vst v0  }
0xca: {  	v0 =	vld [tilespmem:s31+$0x1080];
	_ =	sdelay $0x4  }
0xcb: {  	[tilespmem:$0x14E0] =	vst v0  }
0xcc: {  	v0 =	vld [tilespmem:s31+$0x1090];
	_ =	sdelay $0x4  }
0xcd: {  	[tilespmem:$0x14F0] =	vst v0  }
0xce: {  	[tilespmem:s16], [sflag:$0x1] =	stream.indirect.gather [hbm4b:s4+s11], $0x80, s15, s11, $0xb8;
	[tilespmem:$0xB500] =	vst v63  }
0xcf: {  	s23 =	simm.s32 $0x0  }
0xd0: {  	[tilespmem:s18], [sflag:$0x2] =	stream.indirect.gather [hbm4b:s4+s11], $0x80, s17, s11, $0xb8;
	[tilespmem:$0xB500] =	vst v63  }
.LBB2_2:
0xd1: {  	_ =	swait.ge [sflag:s13], $0x4000  }
0xd2: {  	[sflag:s13] =	ssyncset.done $0x0  }
0xd3: {  	s26 =	simm.s32 $0xFFFFF000;
	[sflag:s13] =	ssyncadd.s32 $0xFFFFC000  }
0xd4: {  	v0 =	vld [tilespmem:s26+$0x6570]  }
0xd5: {  	v2 =	vld [tilespmem:s26+$0x3500]  }
0xd6: {  	v3 =	vld [tilespmem:s26+$0x3510]  }
0xd7: {  	v4 =	vld [tilespmem:s26+$0x3520]  }
0xd8: {  	v5 =	vld [tilespmem:s26+$0x3530]  }
0xd9: {  	v6 =	vld [tilespmem:s26+$0x3540]  }
0xda: {  	v7 =	vld [tilespmem:s26+$0x3550]  }
0xdb: {  	v8 =	vld [tilespmem:s26+$0x3560]  }
0xdc: {  	v9 =	vld [tilespmem:s26+$0x3570]  }
0xdd: {  	v10 =	vld [tilespmem:s26+$0x4500]  }
0xde: {  	v11 =	vld [tilespmem:s26+$0x4510]  }
0xdf: {  	v12 =	vld [tilespmem:s26+$0x4520]  }
0xe0: {  	v13 =	vld [tilespmem:s26+$0x4530]  }
0xe1: {  	v14 =	vld [tilespmem:s26+$0x4540]  }
0xe2: {  	v15 =	vld [tilespmem:s26+$0x4550]  }
0xe3: {  	v16 =	vld [tilespmem:s26+$0x4560]  }
0xe4: {  	v32 =	vld [tilespmem:s26+$0x4570]  }
0xe5: {  	v1 =	vimm.f32 $0.0e+00;
	v33 =	vld [tilespmem:s26+$0x5500]  }
0xe6: {  	v34 =	vld [tilespmem:s26+$0x5510];
	v0 =	vadd.f32 v0, v1  }
0xe7: {  	v36 =	vld [tilespmem:s26+$0x6510];
	v31 =	vadd.f32 v2, v1;
	v30 =	vadd.f32 v3, v1  }
0xe8: {  	v2 =	vld [tilespmem:s26+$0x5520];
	v29 =	vadd.f32 v4, v1;
	v27 =	vadd.f32 v5, v1  }
0xe9: {  	v3 =	vld [tilespmem:s26+$0x5530];
	v28 =	vadd.f32 v6, v1;
	v25 =	vadd.f32 v7, v1  }
0xea: {  	v4 =	vld [tilespmem:s26+$0x5540];
	v26 =	vadd.f32 v8, v1;
	v23 =	vadd.f32 v9, v1  }
0xeb: {  	v5 =	vld [tilespmem:s26+$0x5550];
	v24 =	vadd.f32 v10, v1;
	v21 =	vadd.f32 v11, v1  }
0xec: {  	v6 =	vld [tilespmem:s26+$0x5560];
	v22 =	vadd.f32 v12, v1;
	v19 =	vadd.f32 v13, v1  }
0xed: {  	v7 =	vld [tilespmem:s26+$0x5570];
	v20 =	vadd.f32 v14, v1;
	v17 =	vadd.f32 v15, v1  }
0xee: {  	v8 =	vld [tilespmem:s26+$0x6500];
	v18 =	vadd.f32 v16, v1;
	v15 =	vadd.f32 v32, v1  }
0xef: {  	v16 =	vadd.f32 v33, v1;
	v14 =	vadd.f32 v34, v1  }
0xf0: {  	v33 =	vld [tilespmem:s26+$0x6520];
	v13 =	vadd.f32 v2, v1;
	v11 =	vadd.f32 v3, v1  }
0xf1: {  	v34 =	vld [tilespmem:s26+$0x6530];
	v12 =	vadd.f32 v4, v1;
	v9 =	vadd.f32 v5, v1  }
0xf2: {  	v35 =	vld [tilespmem:s26+$0x6540];
	v10 =	vadd.f32 v6, v1;
	v7 =	vadd.f32 v7, v1  }
0xf3: {  	v32 =	vld [tilespmem:s26+$0x6550];
	v5 =	vadd.f32 v8, v1;
	v3 =	vadd.f32 v36, v1;
	v6 =	vimm.f32 $0.0e+00  }
0xf4: {  	s25 =	simm.s32 $0xFFFFF080;
	s24 =	simm.s32 $0xFFFFC400;
	v36 =	vld [tilespmem:s26+$0x6560];
	v8 =	vimm.f32 $0.0e+00;
	v4 =	vimm.f32 $0.0e+00;
	v2 =	vimm.f32 $0.0e+00  }
.LBB2_3:
0xf5: {  	p0 =	sne.s32 s24, $0xFFFFFE00;
	v37 =	vld [tilespmem:s25+$0x6570];
	v1 =	vadd.f32 v33, v1  }
0xf6: {  	v33 =	vld [tilespmem:s25+$0x3500];
	v6 =	vadd.f32 v34, v6  }
0xf7: {  	v34 =	vld [tilespmem:s25+$0x3510];
	v8 =	vadd.f32 v35, v8  }
0xf8: {  	v35 =	vld [tilespmem:s25+$0x3520];
	v4 =	vadd.f32 v32, v4  }
0xf9: {  	v32 =	vld [tilespmem:s25+$0x3530];
	v2 =	vadd.f32 v36, v2  }
0xfa: {  	v36 =	vld [tilespmem:s25+$0x3540];
	v0 =	vadd.f32 v37, v0  }
0xfb: {  	v31 =	vadd.f32 v33, v31;
	v33 =	vld [tilespmem:s25+$0x3550]  }
0xfc: {  	v30 =	vadd.f32 v34, v30;
	v34 =	vld [tilespmem:s25+$0x3560]  }
0xfd: {  	v29 =	vadd.f32 v35, v29;
	v35 =	vld [tilespmem:s25+$0x3570]  }
0xfe: {  	v27 =	vadd.f32 v32, v27;
	v32 =	vld [tilespmem:s25+$0x4500]  }
0xff: {  	v28 =	vadd.f32 v36, v28;
	v36 =	vld [tilespmem:s25+$0x4510]  }
0x100: {  	v25 =	vadd.f32 v33, v25;
	v33 =	vld [tilespmem:s25+$0x4520]  }
0x101: {  	v26 =	vadd.f32 v34, v26;
	v34 =	vld [tilespmem:s25+$0x4530]  }
0x102: {  	v23 =	vadd.f32 v35, v23;
	v35 =	vld [tilespmem:s25+$0x4540]  }
0x103: {  	v24 =	vadd.f32 v32, v24;
	v32 =	vld [tilespmem:s25+$0x4550]  }
0x104: {  	v21 =	vadd.f32 v36, v21;
	v36 =	vld [tilespmem:s25+$0x4560]  }
0x105: {  	v22 =	vadd.f32 v33, v22;
	v33 =	vld [tilespmem:s25+$0x4570]  }
0x106: {  	v19 =	vadd.f32 v34, v19;
	v34 =	vld [tilespmem:s25+$0x5500]  }
0x107: {  	v20 =	vadd.f32 v35, v20;
	v35 =	vld [tilespmem:s25+$0x5510]  }
0x108: {  	v17 =	vadd.f32 v32, v17;
	v32 =	vld [tilespmem:s25+$0x5520]  }
0x109: {  	v18 =	vadd.f32 v36, v18;
	v36 =	vld [tilespmem:s25+$0x5530]  }
0x10a: {  	v15 =	vadd.f32 v33, v15;
	v33 =	vld [tilespmem:s25+$0x5540]  }
0x10b: {  	v16 =	vadd.f32 v34, v16;
	v34 =	vld [tilespmem:s25+$0x5550]  }
0x10c: {  	v14 =	vadd.f32 v35, v14;
	v35 =	vld [tilespmem:s25+$0x5560]  }
0x10d: {  	v13 =	vadd.f32 v32, v13;
	v32 =	vld [tilespmem:s25+$0x5570]  }
0x10e: {  	v11 =	vadd.f32 v36, v11;
	v36 =	vld [tilespmem:s25+$0x6500]  }
0x10f: {  	v12 =	vadd.f32 v33, v12;
	v37 =	vld [tilespmem:s25+$0x6510]  }
.Ltmp2:
0x110: {  	v9 =	vadd.f32 v34, v9;
	v33 =	vld [tilespmem:s25+$0x6520];
	(pc) =	sbr.rel @p0 .LBB2_3-.Ltmp2, $4  }
0x111: {  	v10 =	vadd.f32 v35, v10;
	v34 =	vld [tilespmem:s25+$0x6530]  }
0x112: {  	v7 =	vadd.f32 v32, v7;
	v35 =	vld [tilespmem:s25+$0x6540]  }
0x113: {  	v5 =	vadd.f32 v36, v5;
	v32 =	vld [tilespmem:s25+$0x6550]  }
0x114: {  	v3 =	vadd.f32 v37, v3;
	v36 =	vld [tilespmem:s25+$0x6560];
	s25 =	sshra.s32 s24, $0x2;
	s24 =	sadd.s32 $0x200, s24  }
0x115: {  	v37 =	vld [tilespmem:s25+$0x6570]  }
0x116: {  	v38 =	vld [tilespmem:s25+$0x3500]  }
0x117: {  	v39 =	vld [tilespmem:s25+$0x3510]  }
0x118: {  	v40 =	vld [tilespmem:s25+$0x3520]  }
0x119: {  	v41 =	vld [tilespmem:s25+$0x3530]  }
0x11a: {  	v42 =	vld [tilespmem:s25+$0x3540]  }
0x11b: {  	v43 =	vld [tilespmem:s25+$0x3550]  }
0x11c: {  	v44 =	vld [tilespmem:s25+$0x3560]  }
0x11d: {  	v45 =	vld [tilespmem:s25+$0x3570]  }
0x11e: {  	v46 =	vld [tilespmem:s25+$0x4500]  }
0x11f: {  	v47 =	vld [tilespmem:s25+$0x4510]  }
0x120: {  	v48 =	vld [tilespmem:s25+$0x4520]  }
0x121: {  	v49 =	vld [tilespmem:s25+$0x4530]  }
0x122: {  	v50 =	vld [tilespmem:s25+$0x4540]  }
0x123: {  	v51 =	vld [tilespmem:s25+$0x4550]  }
0x124: {  	v52 =	vld [tilespmem:s25+$0x4560]  }
0x125: {  	v53 =	vld [tilespmem:s25+$0x4570]  }
0x126: {  	v54 =	vld [tilespmem:s25+$0x5500]  }
0x127: {  	v55 =	vld [tilespmem:s25+$0x5510]  }
0x128: {  	v56 =	vld [tilespmem:s25+$0x5520]  }
0x129: {  	[tilespmem:$0x1FFF0] =	vst v37;
	v37 =	vld [tilespmem:s25+$0x6520]  }
0x12a: {  	v57 =	vld [tilespmem:s25+$0x5530]  }
0x12b: {  	v58 =	vld [tilespmem:s25+$0x5540]  }
0x12c: {  	v59 =	vld [tilespmem:s25+$0x5550]  }
0x12d: {  	v60 =	vld [tilespmem:s25+$0x5560]  }
0x12e: {  	[tilespmem:$0x1FFC0] =	vst v37;
	v37 =	vld [tilespmem:s25+$0x6530]  }
0x12f: {  	v61 =	vld [tilespmem:s25+$0x5570]  }
0x130: {  	v62 =	vld [tilespmem:s25+$0x6500]  }
0x131: {  	v63 =	vld [tilespmem:s25+$0x6510]  }
0x132: {  	v31 =	vadd.f32 v38, v31;
	v38 =	vld [tilespmem:s25+$0x6550]  }
0x133: {  	s24 =	sshll.u32 s23, $0xA;
	v30 =	vadd.f32 v39, v30;
	v39 =	vld [tilespmem:s25+$0x6560];
	[tilespmem:$0x1FFD0] =	vst v37  }
0x134: {  	v29 =	vadd.f32 v40, v29;
	v37 =	vld [tilespmem:s25+$0x6540];
	[tilespmem:s24+$0xA500] =	vst v31  }
0x135: {  	v27 =	vadd.f32 v41, v27;
	[tilespmem:s24+$0xA510] =	vst v30  }
0x136: {  	v28 =	vadd.f32 v42, v28;
	[tilespmem:s24+$0xA520] =	vst v29  }
0x137: {  	v25 =	vadd.f32 v43, v25;
	[tilespmem:s24+$0xA530] =	vst v27  }
0x138: {  	v26 =	vadd.f32 v44, v26;
	[tilespmem:s24+$0xA540] =	vst v28  }
0x139: {  	v23 =	vadd.f32 v45, v23;
	[tilespmem:s24+$0xA550] =	vst v25  }
0x13a: {  	v24 =	vadd.f32 v46, v24;
	[tilespmem:s24+$0xA560] =	vst v26  }
0x13b: {  	v21 =	vadd.f32 v47, v21;
	[tilespmem:s24+$0xA570] =	vst v23  }
0x13c: {  	v22 =	vadd.f32 v48, v22;
	[tilespmem:s24+$0xA580] =	vst v24  }
0x13d: {  	v19 =	vadd.f32 v49, v19;
	[tilespmem:s24+$0xA590] =	vst v21  }
0x13e: {  	v20 =	vadd.f32 v50, v20;
	[tilespmem:s24+$0xA5A0] =	vst v22  }
0x13f: {  	v17 =	vadd.f32 v51, v17;
	[tilespmem:s24+$0xA5B0] =	vst v19  }
0x140: {  	v18 =	vadd.f32 v52, v18;
	[tilespmem:s24+$0xA5C0] =	vst v20  }
0x141: {  	v15 =	vadd.f32 v53, v15;
	[tilespmem:s24+$0xA5D0] =	vst v17  }
0x142: {  	v16 =	vadd.f32 v54, v16;
	[tilespmem:s24+$0xA5E0] =	vst v18  }
0x143: {  	[tilespmem:s24+$0xA5F0] =	vst v15  }
0x144: {  	v3 =	vadd.f32 v63, v3;
	[tilespmem:s24+$0xA600] =	vst v16  }
0x145: {  	v14 =	vadd.f32 v55, v14;
	[tilespmem:$0x1FFE0] =	vst v37  }
0x146: {  	v13 =	vadd.f32 v56, v13;
	[tilespmem:s24+$0xA690] =	vst v3;
	v3 =	vld [tilespmem:$0x1FFE0]  }
0x147: {  	v7 =	vadd.f32 v61, v7;
	[tilespmem:s24+$0xA610] =	vst v14  }
0x148: {  	v11 =	vadd.f32 v57, v11;
	[tilespmem:s24+$0xA620] =	vst v13  }
0x149: {  	v5 =	vadd.f32 v62, v5;
	[tilespmem:s24+$0xA670] =	vst v7;
	v7 =	vadd.f32 v35, v8  }
0x14a: {  	v12 =	vadd.f32 v58, v12;
	[tilespmem:s24+$0xA630] =	vst v11;
	v8 =	vld [tilespmem:$0x1FFC0]  }
0x14b: {  	[tilespmem:s24+$0xA680] =	vst v5;
	v5 =	vld [tilespmem:$0x1FFD0];
	v3 =	vadd.f32 v3, v7  }
0x14c: {  	v2 =	vadd.f32 v36, v2;
	v9 =	vadd.f32 v59, v9;
	[tilespmem:s24+$0xA640] =	vst v12  }
0x14d: {  	v1 =	vadd.f32 v33, v1;
	v10 =	vadd.f32 v60, v10;
	[tilespmem:s24+$0xA6C0] =	vst v3;
	v3 =	vld [tilespmem:$0x1FFF0]  }
0x14e: {  	v6 =	vadd.f32 v34, v6;
	v2 =	vadd.f32 v39, v2;
	[tilespmem:s24+$0xA650] =	vst v9  }
0x14f: {  	v4 =	vadd.f32 v32, v4;
	[tilespmem:s24+$0xA660] =	vst v10;
	v1 =	vadd.f32 v8, v1  }
0x150: {  	[tilespmem:s24+$0xA6E0] =	vst v2;
	v5 =	vadd.f32 v5, v6  }
0x151: {  	[tilespmem:s24+$0xA6A0] =	vst v1;
	v1 =	vadd.f32 v38, v4  }
0x152: {  	p0 =	seq.s32 s23, $0x3;
	[tilespmem:s24+$0xA6B0] =	vst v5;
	v0 =	vadd.f32 v3, v0  }
0x153: {  	s25 =	sshrl.u32 @!p0 s24, $0x2;
	[tilespmem:s24+$0xA6D0] =	vst v1  }
0x154: {  	s26 =	simm.s32 @!p0 $0x80;
	s28 =	simm.s32 @!p0 $0x2500;
	s25 =	sadd.s32 @!p0 $0x1200, s25;
	[tilespmem:s24+$0xA6F0] =	vst v0  }
0x155: {  	[tilespmem:s28], [sflag:$0x1] =	stream.indirect.gather @!p0 [hbm4b:s4+s26], $0x80, s25, s26, $0xb8;
	[tilespmem:$0xB500] =	vst v63  }
0x156: {  	_ =	swait.ge [sflag:s19], $0x4000  }
0x157: {  	[sflag:s19] =	ssyncset.done $0x0  }
0x158: {  	s31 =	simm.s32 $0xFFFFF000;
	[sflag:s19] =	ssyncadd.s32 $0xFFFFC000  }
0x159: {  	v0 =	vld [tilespmem:s31+$0xA570]  }
0x15a: {  	v2 =	vld [tilespmem:s31+$0x7500]  }
0x15b: {  	v3 =	vld [tilespmem:s31+$0x7510]  }
0x15c: {  	v4 =	vld [tilespmem:s31+$0x7520]  }
0x15d: {  	v5 =	vld [tilespmem:s31+$0x7530]  }
0x15e: {  	v6 =	vld [tilespmem:s31+$0x7540]  }
0x15f: {  	v7 =	vld [tilespmem:s31+$0x7550]  }
0x160: {  	v8 =	vld [tilespmem:s31+$0x7560]  }
0x161: {  	v9 =	vld [tilespmem:s31+$0x7570]  }
0x162: {  	v10 =	vld [tilespmem:s31+$0x8500]  }
0x163: {  	v11 =	vld [tilespmem:s31+$0x8510]  }
0x164: {  	v12 =	vld [tilespmem:s31+$0x8520]  }
0x165: {  	v13 =	vld [tilespmem:s31+$0x8530]  }
0x166: {  	v14 =	vld [tilespmem:s31+$0x8540]  }
0x167: {  	v15 =	vld [tilespmem:s31+$0x8550]  }
0x168: {  	v16 =	vld [tilespmem:s31+$0x8560]  }
0x169: {  	v60 =	vld [tilespmem:s31+$0x8570]  }
0x16a: {  	v1 =	vimm.f32 $0.0e+00;
	v61 =	vld [tilespmem:s31+$0x9500]  }
0x16b: {  	v62 =	vld [tilespmem:s31+$0x9510];
	v0 =	vadd.f32 v0, v1  }
0x16c: {  	v63 =	vld [tilespmem:s31+$0xA510];
	v31 =	vadd.f32 v2, v1;
	v29 =	vadd.f32 v3, v1  }
0x16d: {  	v2 =	vld [tilespmem:s31+$0x9520];
	v30 =	vadd.f32 v4, v1;
	v27 =	vadd.f32 v5, v1  }
0x16e: {  	v3 =	vld [tilespmem:s31+$0x9530];
	v28 =	vadd.f32 v6, v1;
	v25 =	vadd.f32 v7, v1  }
0x16f: {  	v4 =	vld [tilespmem:s31+$0x9540];
	v26 =	vadd.f32 v8, v1;
	v23 =	vadd.f32 v9, v1  }
0x170: {  	v5 =	vld [tilespmem:s31+$0x9550];
	v24 =	vadd.f32 v10, v1;
	v21 =	vadd.f32 v11, v1  }
0x171: {  	v6 =	vld [tilespmem:s31+$0x9560];
	v22 =	vadd.f32 v12, v1;
	v19 =	vadd.f32 v13, v1  }
0x172: {  	v7 =	vld [tilespmem:s31+$0x9570];
	v20 =	vadd.f32 v14, v1;
	v17 =	vadd.f32 v15, v1  }
0x173: {  	v8 =	vld [tilespmem:s31+$0xA500];
	v18 =	vadd.f32 v16, v1;
	v15 =	vadd.f32 v60, v1  }
0x174: {  	v16 =	vadd.f32 v61, v1;
	v14 =	vadd.f32 v62, v1  }
0x175: {  	v33 =	vld [tilespmem:s31+$0xA520];
	v13 =	vadd.f32 v2, v1;
	v11 =	vadd.f32 v3, v1  }
0x176: {  	v34 =	vld [tilespmem:s31+$0xA530];
	v12 =	vadd.f32 v4, v1;
	v9 =	vadd.f32 v5, v1  }
0x177: {  	v35 =	vld [tilespmem:s31+$0xA540];
	v10 =	vadd.f32 v6, v1;
	v7 =	vadd.f32 v7, v1  }
0x178: {  	v32 =	vld [tilespmem:s31+$0xA550];
	v5 =	vadd.f32 v8, v1;
	v3 =	vadd.f32 v63, v1;
	v6 =	vimm.f32 $0.0e+00  }
0x179: {  	s25 =	simm.s32 $0xFFFFF080;
	s26 =	simm.s32 $0xFFFFC400;
	v36 =	vld [tilespmem:s31+$0xA560];
	v8 =	vimm.f32 $0.0e+00;
	v4 =	vimm.f32 $0.0e+00;
	v2 =	vimm.f32 $0.0e+00  }
.LBB2_5:
0x17a: {  	p1 =	sne.s32 s26, $0xFFFFFE00;
	v37 =	vld [tilespmem:s25+$0xA570];
	v1 =	vadd.f32 v33, v1  }
0x17b: {  	v33 =	vld [tilespmem:s25+$0x7500];
	v6 =	vadd.f32 v34, v6  }
0x17c: {  	v34 =	vld [tilespmem:s25+$0x7510];
	v8 =	vadd.f32 v35, v8  }
0x17d: {  	v35 =	vld [tilespmem:s25+$0x7520];
	v4 =	vadd.f32 v32, v4  }
0x17e: {  	v32 =	vld [tilespmem:s25+$0x7530];
	v2 =	vadd.f32 v36, v2  }
0x17f: {  	v36 =	vld [tilespmem:s25+$0x7540];
	v0 =	vadd.f32 v37, v0  }
0x180: {  	v31 =	vadd.f32 v33, v31;
	v33 =	vld [tilespmem:s25+$0x7550]  }
0x181: {  	v29 =	vadd.f32 v34, v29;
	v34 =	vld [tilespmem:s25+$0x7560]  }
0x182: {  	v30 =	vadd.f32 v35, v30;
	v35 =	vld [tilespmem:s25+$0x7570]  }
0x183: {  	v27 =	vadd.f32 v32, v27;
	v32 =	vld [tilespmem:s25+$0x8500]  }
0x184: {  	v28 =	vadd.f32 v36, v28;
	v36 =	vld [tilespmem:s25+$0x8510]  }
0x185: {  	v25 =	vadd.f32 v33, v25;
	v33 =	vld [tilespmem:s25+$0x8520]  }
0x186: {  	v26 =	vadd.f32 v34, v26;
	v34 =	vld [tilespmem:s25+$0x8530]  }
0x187: {  	v23 =	vadd.f32 v35, v23;
	v35 =	vld [tilespmem:s25+$0x8540]  }
0x188: {  	v24 =	vadd.f32 v32, v24;
	v32 =	vld [tilespmem:s25+$0x8550]  }
0x189: {  	v21 =	vadd.f32 v36, v21;
	v36 =	vld [tilespmem:s25+$0x8560]  }
0x18a: {  	v22 =	vadd.f32 v33, v22;
	v33 =	vld [tilespmem:s25+$0x8570]  }
0x18b: {  	v19 =	vadd.f32 v34, v19;
	v34 =	vld [tilespmem:s25+$0x9500]  }
0x18c: {  	v20 =	vadd.f32 v35, v20;
	v35 =	vld [tilespmem:s25+$0x9510]  }
0x18d: {  	v17 =	vadd.f32 v32, v17;
	v32 =	vld [tilespmem:s25+$0x9520]  }
0x18e: {  	v18 =	vadd.f32 v36, v18;
	v36 =	vld [tilespmem:s25+$0x9530]  }
0x18f: {  	v15 =	vadd.f32 v33, v15;
	v33 =	vld [tilespmem:s25+$0x9540]  }
0x190: {  	v16 =	vadd.f32 v34, v16;
	v34 =	vld [tilespmem:s25+$0x9550]  }
0x191: {  	v14 =	vadd.f32 v35, v14;
	v35 =	vld [tilespmem:s25+$0x9560]  }
0x192: {  	v13 =	vadd.f32 v32, v13;
	v32 =	vld [tilespmem:s25+$0x9570]  }
0x193: {  	v11 =	vadd.f32 v36, v11;
	v36 =	vld [tilespmem:s25+$0xA500]  }
0x194: {  	v12 =	vadd.f32 v33, v12;
	v37 =	vld [tilespmem:s25+$0xA510]  }
.Ltmp3:
0x195: {  	v9 =	vadd.f32 v34, v9;
	v33 =	vld [tilespmem:s25+$0xA520];
	(pc) =	sbr.rel @p1 .LBB2_5-.Ltmp3, $4  }
0x196: {  	v10 =	vadd.f32 v35, v10;
	v34 =	vld [tilespmem:s25+$0xA530]  }
0x197: {  	v7 =	vadd.f32 v32, v7;
	v35 =	vld [tilespmem:s25+$0xA540]  }
0x198: {  	v5 =	vadd.f32 v36, v5;
	v32 =	vld [tilespmem:s25+$0xA550]  }
0x199: {  	v3 =	vadd.f32 v37, v3;
	v36 =	vld [tilespmem:s25+$0xA560];
	s25 =	sshra.s32 s26, $0x2;
	s26 =	sadd.s32 $0x200, s26  }
0x19a: {  	v37 =	vld [tilespmem:s25+$0xA570]  }
0x19b: {  	v38 =	vld [tilespmem:s25+$0x7500]  }
0x19c: {  	v39 =	vld [tilespmem:s25+$0x7510]  }
0x19d: {  	v40 =	vld [tilespmem:s25+$0x7520]  }
0x19e: {  	v41 =	vld [tilespmem:s25+$0x7530]  }
0x19f: {  	v42 =	vld [tilespmem:s25+$0x7540]  }
0x1a0: {  	v43 =	vld [tilespmem:s25+$0x7550]  }
0x1a1: {  	v44 =	vld [tilespmem:s25+$0x7560]  }
0x1a2: {  	v45 =	vld [tilespmem:s25+$0x7570]  }
0x1a3: {  	v46 =	vld [tilespmem:s25+$0x8500]  }
0x1a4: {  	v47 =	vld [tilespmem:s25+$0x8510]  }
0x1a5: {  	v48 =	vld [tilespmem:s25+$0x8520]  }
0x1a6: {  	v49 =	vld [tilespmem:s25+$0x8530]  }
0x1a7: {  	v50 =	vld [tilespmem:s25+$0x8540]  }
0x1a8: {  	v51 =	vld [tilespmem:s25+$0x8550]  }
0x1a9: {  	v52 =	vld [tilespmem:s25+$0x8560]  }
0x1aa: {  	v53 =	vld [tilespmem:s25+$0x8570]  }
0x1ab: {  	v54 =	vld [tilespmem:s25+$0x9500]  }
0x1ac: {  	v55 =	vld [tilespmem:s25+$0x9510]  }
0x1ad: {  	v56 =	vld [tilespmem:s25+$0x9520]  }
0x1ae: {  	[tilespmem:$0x1FFB0] =	vst v37;
	v37 =	vld [tilespmem:s25+$0xA520]  }
0x1af: {  	v57 =	vld [tilespmem:s25+$0x9530]  }
0x1b0: {  	v58 =	vld [tilespmem:s25+$0x9540]  }
0x1b1: {  	v59 =	vld [tilespmem:s25+$0x9550]  }
0x1b2: {  	v60 =	vld [tilespmem:s25+$0x9560]  }
0x1b3: {  	[tilespmem:$0x1FF80] =	vst v37;
	v37 =	vld [tilespmem:s25+$0xA530]  }
0x1b4: {  	v61 =	vld [tilespmem:s25+$0x9570]  }
0x1b5: {  	v62 =	vld [tilespmem:s25+$0xA500]  }
0x1b6: {  	v63 =	vld [tilespmem:s25+$0xA510]  }
0x1b7: {  	v31 =	vadd.f32 v38, v31;
	v38 =	vld [tilespmem:s25+$0xA550]  }
0x1b8: {  	v29 =	vadd.f32 v39, v29;
	v39 =	vld [tilespmem:s25+$0xA560];
	[tilespmem:$0x1FF90] =	vst v37  }
0x1b9: {  	v30 =	vadd.f32 v40, v30;
	v37 =	vld [tilespmem:s25+$0xA540];
	[tilespmem:s24+$0xA700] =	vst v31  }
0x1ba: {  	v27 =	vadd.f32 v41, v27;
	[tilespmem:s24+$0xA710] =	vst v29  }
0x1bb: {  	v28 =	vadd.f32 v42, v28;
	[tilespmem:s24+$0xA720] =	vst v30  }
0x1bc: {  	v25 =	vadd.f32 v43, v25;
	[tilespmem:s24+$0xA730] =	vst v27  }
0x1bd: {  	v26 =	vadd.f32 v44, v26;
	[tilespmem:s24+$0xA740] =	vst v28  }
0x1be: {  	v23 =	vadd.f32 v45, v23;
	[tilespmem:s24+$0xA750] =	vst v25  }
0x1bf: {  	v24 =	vadd.f32 v46, v24;
	[tilespmem:s24+$0xA760] =	vst v26  }
0x1c0: {  	v21 =	vadd.f32 v47, v21;
	[tilespmem:s24+$0xA770] =	vst v23  }
0x1c1: {  	v22 =	vadd.f32 v48, v22;
	[tilespmem:s24+$0xA780] =	vst v24  }
0x1c2: {  	v19 =	vadd.f32 v49, v19;
	[tilespmem:s24+$0xA790] =	vst v21  }
0x1c3: {  	v20 =	vadd.f32 v50, v20;
	[tilespmem:s24+$0xA7A0] =	vst v22  }
0x1c4: {  	v17 =	vadd.f32 v51, v17;
	[tilespmem:s24+$0xA7B0] =	vst v19  }
0x1c5: {  	v18 =	vadd.f32 v52, v18;
	[tilespmem:s24+$0xA7C0] =	vst v20  }
0x1c6: {  	v15 =	vadd.f32 v53, v15;
	[tilespmem:s24+$0xA7D0] =	vst v17  }
0x1c7: {  	v16 =	vadd.f32 v54, v16;
	[tilespmem:s24+$0xA7E0] =	vst v18  }
0x1c8: {  	v14 =	vadd.f32 v55, v14;
	[tilespmem:s24+$0xA7F0] =	vst v15  }
0x1c9: {  	v13 =	vadd.f32 v56, v13;
	[tilespmem:s24+$0xA800] =	vst v16  }
0x1ca: {  	v11 =	vadd.f32 v57, v11;
	[tilespmem:s24+$0xA810] =	vst v14  }
0x1cb: {  	v12 =	vadd.f32 v58, v12;
	[tilespmem:s24+$0xA820] =	vst v13  }
0x1cc: {  	v9 =	vadd.f32 v59, v9;
	[tilespmem:s24+$0xA830] =	vst v11  }
0x1cd: {  	v10 =	vadd.f32 v60, v10;
	[tilespmem:s24+$0xA840] =	vst v12  }
0x1ce: {  	v7 =	vadd.f32 v61, v7;
	[tilespmem:s24+$0xA850] =	vst v9  }
0x1cf: {  	v3 =	vadd.f32 v63, v3;
	v63 =	vld [tilespmem:$0x1FFB0];
	[tilespmem:s24+$0xA860] =	vst v10  }
0x1d0: {  	v4 =	vadd.f32 v32, v4;
	v5 =	vadd.f32 v62, v5;
	v59 =	vld [tilespmem:$0x1FF80];
	[tilespmem:s24+$0xA870] =	vst v7  }
0x1d1: {  	v2 =	vadd.f32 v36, v2;
	v60 =	vld [tilespmem:$0x1FF90];
	[tilespmem:$0x1FFA0] =	vst v37  }
0x1d2: {  	v62 =	vadd.f32 v38, v4;
	[tilespmem:s24+$0xA880] =	vst v5;
	v61 =	vld [tilespmem:$0x1FFA0]  }
0x1d3: {  	v1 =	vadd.f32 v33, v1;
	v2 =	vadd.f32 v39, v2;
	[tilespmem:s24+$0xA890] =	vst v3  }
0x1d4: {  	v6 =	vadd.f32 v34, v6;
	v0 =	vadd.f32 v63, v0;
	[tilespmem:s24+$0xA8D0] =	vst v62  }
.Ltmp4:
0x1d5: {  	v58 =	vadd.f32 v35, v8;
	[tilespmem:s24+$0xA8E0] =	vst v2;
	v1 =	vadd.f32 v59, v1;
	(pc) =	sbr.rel @p0 .LBB2_8-.Ltmp4, $4  }
0x1d6: {  	[tilespmem:s24+$0xA8F0] =	vst v0;
	v5 =	vadd.f32 v60, v6  }
0x1d7: {  	[tilespmem:s24+$0xA8A0] =	vst v1;
	v3 =	vadd.f32 v61, v58  }
0x1d8: {  	[tilespmem:s24+$0xA8B0] =	vst v5  }
0x1d9: {  	[tilespmem:s24+$0xA8C0] =	vst v3  }
.Ltmp5:
0x1da: {  	(pc) =	sbr.rel .LBB2_2-.Ltmp5, $4  }
0x1db: {  	_ = 	snop  }
0x1dc: {  	s24 =	sshrl.u32 s24, $0x2  }
0x1dd: {  	s23 =	sadd.s32 $0x1, s23;
	s24 =	sadd.s32 $0x1280, s24  }
0x1de: {  	[tilespmem:s18], [sflag:$0x2] =	stream.indirect.gather [hbm4b:s4+s11], $0x80, s24, s11, $0xb8;
	[tilespmem:$0xB500] =	vst v63  }
.LBB2_9:
0x1df: {  	_ =	sfence.sel $0x180000  }
0x1e0: {  	[bflag:$0x0] =	sbarrier.arrive $0xFFFF  }
0x1e1: {  	p0 =	sne.s32 s1, $0x0;
	_ =	strace $0x9000004A  }
0x1e2: {  	s0 =	sadd.s32 @!p0 $0x100000, s0;
	[bflag:$0x2] =	sbarrier.arrive $0xFFFF  }
0x1e3: {  	[sflag:s0] =	ssyncadd.tile.s32 @!p0 $0x1;
	_ =	shalt  }
.Lfunc_end2:
_tile_overlayer_lowered:
.L_overlay_start_2:
0x1e4: {  	(tag) =	ssettag $0x2  }
0x1e5: {  	s0 =	rddreg [dreg:$0x0];
	s2 =	stileid.u32  }
0x1e6: {  	s1 =	rddreg [dreg:$0x1];
	p0 =	sne.s32 s2, $0x0  }
0x1e7: {  	s3 =	rddreg [dreg:$0x2];
	[bflag:$0x3] =	sbarrier.arrive $0xFFFF;
	s2 =	simm.s32 @!p0 $0x1C04  }
0x1e8: {  	[timem:s3], [sflag:s2] =	dma.local @!p0 [hbm:s0], s1  }
0x1e9: {  	s0 =	simm.s32 @!p0 $0x4  }
0x1ea: {  	_ =	swait.ge @!p0 [sflag:s0], s1  }
0x1eb: {  	s1 =	ssub.s32 @!p0 $0x0, s1;
	[sflag:s0] =	ssyncset.done @!p0 $0x0  }
0x1ec: {  	[sflag:s0] =	ssyncadd.s32 @!p0 s1  }
0x1ed: {  	[bflag:$0x3] =	sbarrier.arrive $0xFFFF  }
0x1ee: {  	_ =	shalt  }

</sc_bundles>
